<compile_context>
chip_gen: v7x
topology: tpu7x:2x2x1
jax: 0.10.2.dev20260603
libtpu: 0.0.44.dev20260713+nightly
codegen_flags: <defaults>
</compile_context>

<pallas_src>
import functools

import jax
import jax.numpy as jnp
from jax import lax
from jax.experimental import pallas as pl
from jax.experimental.pallas import tpu as pltpu
from jax.experimental.pallas import tpu_sc as plsc

N = 10000
D = 768
E = 100000

NP = 10240
EP = 102400
EDGE_PAD_DST = 10000
EDGE_PAD_SRC = 10200

SEG = 6400
ROWS_PER_TILE = NP // 32
NPASS = 4
PROWS = ROWS_PER_TILE // NPASS
KE = 32
ZROW = NP - PROWS

_MESH = plsc.VectorSubcoreMesh(
    core_axis_name="c", subcore_axis_name="s", num_cores=2, num_subcores=16
)


def _deg_body(dst_hbm, cnt_hbm, dbuf, counts):
    core = lax.axis_index("c")
    sub = lax.axis_index("s")
    wid = core * 16 + sub
    per = EP // 32
    pltpu.sync_copy(dst_hbm.at[pl.ds(wid * per, per)], dbuf)

    def zero(i, _):
        counts[pl.ds(i * 16, 16)] = jnp.zeros((16,), jnp.int32)
        return 0

    lax.fori_loop(0, NP // 16, zero, 0)

    def count(i, _):
        d16 = dbuf[pl.ds(i * 16, 16)]
        plsc.addupdate_scatter(counts, [d16], jnp.ones((16,), jnp.int32))
        return 0

    lax.fori_loop(0, per // 16, count, 0)
    pltpu.sync_copy(counts, cnt_hbm.at[wid])


def _deg_counts(dstp):
    k = pl.kernel(
        _deg_body,
        out_type=jax.ShapeDtypeStruct((32, NP), jnp.int32),
        mesh=_MESH,
        scratch_types=[
            pltpu.VMEM((EP // 32,), jnp.int32),
            pltpu.VMEM((NP,), jnp.int32),
        ],
        compiler_params=pltpu.CompilerParams(needs_layout_passes=False),
    )
    return k(dstp)


def _mm_body(x_ref, w_ref, cnt_ref, g_ref, dinv_ref):
    deg = (jnp.sum(cnt_ref[...], axis=0) + 1).astype(jnp.float32)
    dinv = lax.rsqrt(deg)
    h = jnp.dot(x_ref[...], w_ref[...], preferred_element_type=jnp.float32)
    g_ref[...] = h * dinv[:, None]
    dinv_ref[...] = jnp.broadcast_to(dinv[None, :], (8, 512))


def _matmul_scale(x_p, W, counts):
    grid = NP // 512
    return pl.pallas_call(
        _mm_body,
        grid=(grid,),
        in_specs=[
            pl.BlockSpec((512, D), lambda i: (i, 0)),
            pl.BlockSpec((D, D), lambda i: (0, 0)),
            pl.BlockSpec((32, 512), lambda i: (0, i)),
        ],
        out_specs=[
            pl.BlockSpec((512, D), lambda i: (i, 0)),
            pl.BlockSpec((8, 512), lambda i: (0, i)),
        ],
        out_shape=[
            jax.ShapeDtypeStruct((NP, D), jnp.float32),
            jax.ShapeDtypeStruct((8, NP), jnp.float32),
        ],
    )(x_p, W, counts)


def _scatter_body(g_hbm, src_hbm, dst_hbm, s_hbm,
                  srcbuf, dstbuf, hitsrc, hitdst, rows, acc, sem):
    core = lax.axis_index("c")
    sub = lax.axis_index("s")
    wid = core * 16 + sub

    for p in range(NPASS):
        lo = wid * ROWS_PER_TILE + p * PROWS
        hi = lo + PROWS
        pltpu.sync_copy(g_hbm.at[pl.ds(ZROW, PROWS)], acc)

        def seg_body(s, _):
            base = s * SEG
            pltpu.sync_copy(src_hbm.at[pl.ds(base, SEG)], srcbuf)
            pltpu.sync_copy(dst_hbm.at[pl.ds(base, SEG)], dstbuf)

            def scan(i, cnt):
                d16 = dstbuf[pl.ds(i * 16, 16)]
                m = (d16 >= lo) & (d16 < hi)
                plsc.store_compressed(hitdst.at[pl.ds(cnt, 16)], d16 - lo,
                                      mask=m)
                s16 = srcbuf[pl.ds(i * 16, 16)]
                plsc.store_compressed(hitsrc.at[pl.ds(cnt, 16)], s16, mask=m)
                return cnt + jnp.sum(m.astype(jnp.int32))

            cnt = lax.fori_loop(0, SEG // 16, scan, jnp.int32(0))

            for j in range(KE // 16):
                hitdst[pl.ds(cnt + j * 16, 16)] = jnp.zeros((16,), jnp.int32)
                hitsrc[pl.ds(cnt + j * 16, 16)] = jnp.full(
                    (16,), EDGE_PAD_SRC, jnp.int32)

            def drain_hits(t, _):
                idx = hitsrc.at[pl.ds(t * KE, KE)]
                pltpu.async_copy(g_hbm.at[idx], rows, sem).wait()

                def acc_row(j, _):
                    d = hitdst[pl.ds(t * KE + j, 16)][0]
                    for c in range(D // 16):
                        plsc.addupdate(acc.at[d, pl.ds(c * 16, 16)],
                                       rows[j, pl.ds(c * 16, 16)])
                    return 0

                lax.fori_loop(0, KE, acc_row, 0)
                return 0

            lax.fori_loop(0, (cnt + KE - 1) // KE, drain_hits, 0)
            return 0

        lax.fori_loop(0, EP // SEG, seg_body, 0)
        pltpu.sync_copy(acc, s_hbm.at[pl.ds(lo, PROWS)])


def _scatter(g, srcp, dstp):
    k = pl.kernel(
        _scatter_body,
        out_type=jax.ShapeDtypeStruct((NP, D), jnp.float32),
        mesh=_MESH,
        scratch_types=[
            pltpu.VMEM((SEG,), jnp.int32),
            pltpu.VMEM((SEG,), jnp.int32),
            pltpu.VMEM((SEG + KE + 16,), jnp.int32),
            pltpu.VMEM((SEG + KE + 16,), jnp.int32),
            pltpu.VMEM((KE, D), jnp.float32),
            pltpu.VMEM((PROWS, D), jnp.float32),
            pltpu.SemaphoreType.DMA,
        ],
        compiler_params=pltpu.CompilerParams(needs_layout_passes=False),
    )
    return k(g, srcp, dstp)


def _comb_body(s_ref, g_ref, dinv_ref, b_ref, o_ref):
    dv = dinv_ref[0, :]
    o_ref[...] = (s_ref[...] + g_ref[...]) * dv[:, None] + b_ref[...]


def _combine(S, g, dinv, b2):
    grid = NP // 512
    return pl.pallas_call(
        _comb_body,
        grid=(grid,),
        in_specs=[
            pl.BlockSpec((512, D), lambda i: (i, 0)),
            pl.BlockSpec((512, D), lambda i: (i, 0)),
            pl.BlockSpec((8, 512), lambda i: (0, i)),
            pl.BlockSpec((1, D), lambda i: (0, 0)),
        ],
        out_specs=pl.BlockSpec((512, D), lambda i: (i, 0)),
        out_shape=jax.ShapeDtypeStruct((NP, D), jnp.float32),
    )(S, g, dinv, b2)


def kernel(x, edge_index, W, b):
    src = edge_index[0].astype(jnp.int32)
    dst = edge_index[1].astype(jnp.int32)
    srcp = jnp.concatenate([src, jnp.full((EP - E,), EDGE_PAD_SRC, jnp.int32)])
    dstp = jnp.concatenate([dst, jnp.full((EP - E,), EDGE_PAD_DST, jnp.int32)])
    x_p = jnp.pad(x, ((0, NP - N), (0, 0)))

    counts = _deg_counts(dstp)
    g, dinv = _matmul_scale(x_p, W, counts)
    S = _scatter(g, srcp, dstp)
    out = _combine(S, g, dinv, jnp.reshape(b, (1, D)))
    return out[:N]

# --- scband reference (transcript-rebuilt; emitter-appended) ---
"""Pipeline reference for scband-gcn-46471546142842 (READ-ONLY COPY).

The authoritative reference and input builder live on the scoring server;
editing this copy changes nothing except your own understanding.
"""

import jax, jax.numpy as jnp
import numpy as np

N_NODES = 10000
D = 768
N_EDGES = 100000

def setup_inputs(seed: int = 0) -> dict:
    key = jax.random.key(seed)
    k_x, k_ei, k_w, k_b = jax.random.split(key, 4)
    x = jax.random.normal(k_x, (N_NODES, D), dtype=jnp.float32)
    edge_index = jax.random.randint(k_ei, (2, N_EDGES), 0, N_NODES, dtype=jnp.int64)
    # GCNConv(768, 768) parameters: weight [in, out] (glorot-ish) and bias [out]
    W = jax.random.normal(k_w, (D, D), dtype=jnp.float32) * (1.0 / np.sqrt(D))
    b = jnp.zeros((D,), dtype=jnp.float32)
    return {"x": x, "edge_index": edge_index, "W": W, "b": b}

def reference(x, edge_index, W, b):
    # Faithful PyG GCNConv: x' = D^{-1/2} (A + I) D^{-1/2} (X W) + b
    N = x.shape[0]
    loop = jnp.arange(N, dtype=edge_index.dtype)
    ei = jnp.concatenate([edge_index, jnp.stack([loop, loop], axis=0)], axis=1)
    src, dst = ei[0], ei[1]
    # linear transform first (in_channels == out_channels)
    h = x @ W
    # symmetric normalization with self-loops; deg counted on dst side
    deg = jnp.zeros((N,), dtype=x.dtype).at[dst].add(1.0)
    dinv = jax.lax.rsqrt(deg)  # deg >= 1 due to self-loops
    norm = dinv[src] * dinv[dst]
    # gather source features, scale, scatter-add to destination
    msgs = jnp.take(h, src, axis=0) * norm[:, None]
    out = jnp.zeros_like(h).at[dst].add(msgs)
    out = out + b
    return out

if __name__ == "__main__":
    import jax
    _d = setup_inputs()
    print(jax.jit(kernel)(*tuple(_d.values())))

</pallas_src>

<mosaic_0001>
#map = affine_map<(d0, d1) -> (0, 0)>
#map1 = affine_map<(d0, d1) -> (0)>
module attributes {stable_mosaic.version = 14 : i64} {
  func.func @_scatter_body(%arg0: i32, %arg1: i32, %arg2: memref<10240x768xf32, #tpu.memory_space<hbm>>, %arg3: memref<102400xi32, #tpu.memory_space<hbm>>, %arg4: memref<102400xi32, #tpu.memory_space<hbm>>, %arg5: memref<10240x768xf32, #tpu.memory_space<hbm>>, %arg6: memref<6400xi32, #tpu.memory_space<vmem>>, %arg7: memref<6400xi32, #tpu.memory_space<vmem>>, %arg8: memref<6448xi32, #tpu.memory_space<vmem>>, %arg9: memref<6448xi32, #tpu.memory_space<vmem>>, %arg10: memref<32x768xf32, #tpu.memory_space<vmem>>, %arg11: memref<80x768xf32, #tpu.memory_space<vmem>>, %arg12: memref<!tpu.dma_semaphore, #tpu.memory_space<semaphore_mem>>) attributes {dimension_semantics = [#tpu.dimension_semantics<core_parallel>, #tpu.dimension_semantics<subcore_parallel>], iteration_bounds = array<i64: 2, 16>, scalar_prefetch = 0 : i64, scratch_operands = 7 : i64, tpu.core_type = #tpu.core_type<sc_vector_subcore>, window_params = [{transform_indices = #map}, {transform_indices = #map1}, {transform_indices = #map1}, {transform_indices = #map}]} {
    %mul3A = arith.constant 16 : i32
    %mul3A_0 = arith.muli %arg0, %mul3A : i32
    %add3A = arith.addi %mul3A_0, %arg1 : i32
    %mul3A_1 = arith.constant 320 : i32
    %mul3A_2 = arith.muli %add3A, %mul3A_1 : i32
    %add3A_3 = arith.constant 0 : i32
    %add3A_4 = arith.addi %mul3A_2, %add3A_3 : i32
    %add3A_5 = arith.constant 80 : i32
    %add3A_6 = arith.addi %add3A_4, %add3A_5 : i32
    "tpu.region"() ({
      %run_scoped3A = tpu.sem_alloc : memref<!tpu.dma_semaphore, #tpu.memory_space<semaphore_mem>>
      %dma_start3A = arith.constant 10160 : i32
      %dma_start3A_52 = arith.constant 0 : i32
      %dma_start3A_53 = tpu.memref_slice %arg2[%dma_start3A, %dma_start3A_52] : memref<10240x768xf32, #tpu.memory_space<hbm>> -> memref<80x768xf32, #tpu.memory_space<hbm>>
      %dma_start3A_54 = arith.constant 10160 : i32
      %dma_start3A_55 = arith.constant 0 : i32
      %dma_start3A_56 = tpu.memref_slice %arg2[%dma_start3A_54, %dma_start3A_55] : memref<10240x768xf32, #tpu.memory_space<hbm>> -> memref<80x768xf32, #tpu.memory_space<hbm>>
      tpu.enqueue_dma source(%dma_start3A_56 : memref<80x768xf32, #tpu.memory_space<hbm>>) target(%arg11 : memref<80x768xf32, #tpu.memory_space<vmem>>) target_semaphore(%run_scoped3A : memref<!tpu.dma_semaphore, #tpu.memory_space<semaphore_mem>>)
      %dma_wait3A = arith.constant 10160 : i32
      %dma_wait3A_57 = arith.constant 0 : i32
      %dma_wait3A_58 = tpu.memref_slice %arg2[%dma_wait3A, %dma_wait3A_57] : memref<10240x768xf32, #tpu.memory_space<hbm>> -> memref<80x768xf32, #tpu.memory_space<hbm>>
      %dma_wait3A_59 = arith.constant 10160 : i32
      %dma_wait3A_60 = arith.constant 0 : i32
      %dma_wait3A_61 = tpu.memref_slice %arg2[%dma_wait3A_59, %dma_wait3A_60] : memref<10240x768xf32, #tpu.memory_space<hbm>> -> memref<80x768xf32, #tpu.memory_space<hbm>>
      tpu.wait_dma2 semaphore(%run_scoped3A : memref<!tpu.dma_semaphore, #tpu.memory_space<semaphore_mem>>) src(%dma_wait3A_61 : memref<80x768xf32, #tpu.memory_space<hbm>>) dst(%arg11 : memref<80x768xf32, #tpu.memory_space<vmem>>)
      tpu.yield
    }) : () -> ()
    %scan3A = arith.constant 0 : i32
    %scan3A_7 = arith.constant 0 : i32
    %scan3A_8 = arith.constant 16 : i32
    %scan3A_9 = arith.addi %scan3A_7, %scan3A_8 : i32
    %scan3A_10 = arith.constant 1 : i32
    %scan3A_11 = scf.for %scan3A_52 = %scan3A_7 to %scan3A_9 step %scan3A_10 iter_args(%scan3A_53 = %scan3A) -> (i32)  : i32 {
      %mul3A_54 = arith.constant 6400 : i32
      %mul3A_55 = arith.muli %scan3A_52, %mul3A_54 : i32
      "tpu.region"() ({
        %run_scoped3A = tpu.sem_alloc : memref<!tpu.dma_semaphore, #tpu.memory_space<semaphore_mem>>
        %dma_start3A = tpu.memref_slice %arg3[%mul3A_55] : memref<102400xi32, #tpu.memory_space<hbm>> -> memref<6400xi32, #tpu.memory_space<hbm>>
        %dma_start3A_117 = tpu.memref_slice %arg3[%mul3A_55] : memref<102400xi32, #tpu.memory_space<hbm>> -> memref<6400xi32, #tpu.memory_space<hbm>>
        tpu.enqueue_dma source(%dma_start3A_117 : memref<6400xi32, #tpu.memory_space<hbm>>) target(%arg6 : memref<6400xi32, #tpu.memory_space<vmem>>) target_semaphore(%run_scoped3A : memref<!tpu.dma_semaphore, #tpu.memory_space<semaphore_mem>>)
        %dma_wait3A = tpu.memref_slice %arg3[%mul3A_55] : memref<102400xi32, #tpu.memory_space<hbm>> -> memref<6400xi32, #tpu.memory_space<hbm>>
        %dma_wait3A_118 = tpu.memref_slice %arg3[%mul3A_55] : memref<102400xi32, #tpu.memory_space<hbm>> -> memref<6400xi32, #tpu.memory_space<hbm>>
        tpu.wait_dma2 semaphore(%run_scoped3A : memref<!tpu.dma_semaphore, #tpu.memory_space<semaphore_mem>>) src(%dma_wait3A_118 : memref<6400xi32, #tpu.memory_space<hbm>>) dst(%arg6 : memref<6400xi32, #tpu.memory_space<vmem>>)
        tpu.yield
      }) : () -> ()
      "tpu.region"() ({
        %run_scoped3A = tpu.sem_alloc : memref<!tpu.dma_semaphore, #tpu.memory_space<semaphore_mem>>
        %dma_start3A = tpu.memref_slice %arg4[%mul3A_55] : memref<102400xi32, #tpu.memory_space<hbm>> -> memref<6400xi32, #tpu.memory_space<hbm>>
        %dma_start3A_117 = tpu.memref_slice %arg4[%mul3A_55] : memref<102400xi32, #tpu.memory_space<hbm>> -> memref<6400xi32, #tpu.memory_space<hbm>>
        tpu.enqueue_dma source(%dma_start3A_117 : memref<6400xi32, #tpu.memory_space<hbm>>) target(%arg7 : memref<6400xi32, #tpu.memory_space<vmem>>) target_semaphore(%run_scoped3A : memref<!tpu.dma_semaphore, #tpu.memory_space<semaphore_mem>>)
        %dma_wait3A = tpu.memref_slice %arg4[%mul3A_55] : memref<102400xi32, #tpu.memory_space<hbm>> -> memref<6400xi32, #tpu.memory_space<hbm>>
        %dma_wait3A_118 = tpu.memref_slice %arg4[%mul3A_55] : memref<102400xi32, #tpu.memory_space<hbm>> -> memref<6400xi32, #tpu.memory_space<hbm>>
        tpu.wait_dma2 semaphore(%run_scoped3A : memref<!tpu.dma_semaphore, #tpu.memory_space<semaphore_mem>>) src(%dma_wait3A_118 : memref<6400xi32, #tpu.memory_space<hbm>>) dst(%arg7 : memref<6400xi32, #tpu.memory_space<vmem>>)
        tpu.yield
      }) : () -> ()
      %scan3A_56 = arith.constant 0 : i32
      %scan3A_57 = arith.constant 0 : i32
      %scan3A_58 = arith.constant 400 : i32
      %scan3A_59 = arith.addi %scan3A_57, %scan3A_58 : i32
      %scan3A_60 = arith.constant 1 : i32
      %scan3A_61 = scf.for %scan3A_117 = %scan3A_57 to %scan3A_59 step %scan3A_60 iter_args(%scan3A_118 = %scan3A_56) -> (i32)  : i32 {
        %mul3A_119 = arith.constant 16 : i32
        %mul3A_120 = arith.muli %scan3A_117, %mul3A_119 : i32
        %get3A = arith.index_cast %mul3A_120 : i32 to index
        %get3A_121 = tpu.vector_load %arg7[%get3A] {strides = array<i32>} : memref<6400xi32, #tpu.memory_space<vmem>>, vector<16xi32>,
        %ge3A = vector.broadcast %add3A_4 : i32 to vector<16xi32>
        %ge3A_122 = arith.cmpi sge, %get3A_121, %ge3A : vector<16xi32>
        %lt3A = vector.broadcast %add3A_6 : i32 to vector<16xi32>
        %lt3A_123 = arith.cmpi slt, %get3A_121, %lt3A : vector<16xi32>
        %and3A_124 = arith.andi %ge3A_122, %lt3A_123 : vector<16xi1>
        %sub3A_125 = vector.broadcast %add3A_4 : i32 to vector<16xi32>
        %sub3A_126 = arith.subi %get3A_121, %sub3A_125 : vector<16xi32>
        %swap3A_127 = arith.index_cast %scan3A_118 : i32 to index
        %swap3A_128 = tpu.vector_load %arg9[%swap3A_127] masked %and3A_124 {strides = array<i32>} : memref<6448xi32, #tpu.memory_space<vmem>>, vector<16xi32>, vector<16xi1>
        tpu.vector_store %arg9[%swap3A_127], %sub3A_126 masked %and3A_124 {strides = array<i32>} : memref<6448xi32, #tpu.memory_space<vmem>>, vector<16xi32>, vector<16xi1>
        %mul3A_129 = arith.constant 16 : i32
        %mul3A_130 = arith.muli %scan3A_117, %mul3A_129 : i32
        %get3A_131 = arith.index_cast %mul3A_130 : i32 to index
        %get3A_132 = tpu.vector_load %arg6[%get3A_131] {strides = array<i32>} : memref<6400xi32, #tpu.memory_space<vmem>>, vector<16xi32>,
        %swap3A_133 = arith.index_cast %scan3A_118 : i32 to index
        %swap3A_134 = tpu.vector_load %arg8[%swap3A_133] masked %and3A_124 {strides = array<i32>} : memref<6448xi32, #tpu.memory_space<vmem>>, vector<16xi32>, vector<16xi1>
        tpu.vector_store %arg8[%swap3A_133], %get3A_132 masked %and3A_124 {strides = array<i32>} : memref<6448xi32, #tpu.memory_space<vmem>>, vector<16xi32>, vector<16xi1>
        %convert_element_type3A = arith.extui %and3A_124 : vector<16xi1> to vector<16xi32>
        %reduce_sum3A = arith.constant true
        %reduce_sum3A_135 = vector.broadcast %reduce_sum3A : i1 to vector<16xi1>
        %reduce_sum3A_136 = tpu.scan <sum>, %convert_element_type3A masked %reduce_sum3A_135 : vector<16xi32>, vector<16xi1> -> vector<16xi32>
        %reduce_sum3A_137 = vector.extract %reduce_sum3A_136[15] : i32 from vector<16xi32>
        %add3A_138 = arith.addi %scan3A_118, %reduce_sum3A_137 : i32
        scf.yield %add3A_138 : i32
      }
      %scan3A_62 = arith.constant 400 : i32
      %broadcast_in_dim3A = arith.constant 0 : i32
      %broadcast_in_dim3A_63 = vector.broadcast %broadcast_in_dim3A : i32 to vector<16xi32>
      %add3A_64 = arith.constant 0 : i32
      %add3A_65 = arith.addi %scan3A_61, %add3A_64 : i32
      %swap3A = arith.index_cast %add3A_65 : i32 to index
      %swap3A_66 = tpu.vector_load %arg9[%swap3A] {strides = array<i32>} : memref<6448xi32, #tpu.memory_space<vmem>>, vector<16xi32>,
      tpu.vector_store %arg9[%swap3A], %broadcast_in_dim3A_63 {strides = array<i32>} : memref<6448xi32, #tpu.memory_space<vmem>>, vector<16xi32>,
      %broadcast_in_dim3A_67 = arith.constant 10200 : i32
      %broadcast_in_dim3A_68 = vector.broadcast %broadcast_in_dim3A_67 : i32 to vector<16xi32>
      %add3A_69 = arith.constant 0 : i32
      %add3A_70 = arith.addi %scan3A_61, %add3A_69 : i32
      %swap3A_71 = arith.index_cast %add3A_70 : i32 to index
      %swap3A_72 = tpu.vector_load %arg8[%swap3A_71] {strides = array<i32>} : memref<6448xi32, #tpu.memory_space<vmem>>, vector<16xi32>,
      tpu.vector_store %arg8[%swap3A_71], %broadcast_in_dim3A_68 {strides = array<i32>} : memref<6448xi32, #tpu.memory_space<vmem>>, vector<16xi32>,
      %broadcast_in_dim3A_73 = arith.constant 0 : i32
      %broadcast_in_dim3A_74 = vector.broadcast %broadcast_in_dim3A_73 : i32 to vector<16xi32>
      %add3A_75 = arith.constant 16 : i32
      %add3A_76 = arith.addi %scan3A_61, %add3A_75 : i32
      %swap3A_77 = arith.index_cast %add3A_76 : i32 to index
      %swap3A_78 = tpu.vector_load %arg9[%swap3A_77] {strides = array<i32>} : memref<6448xi32, #tpu.memory_space<vmem>>, vector<16xi32>,
      tpu.vector_store %arg9[%swap3A_77], %broadcast_in_dim3A_74 {strides = array<i32>} : memref<6448xi32, #tpu.memory_space<vmem>>, vector<16xi32>,
      %broadcast_in_dim3A_79 = arith.constant 10200 : i32
      %broadcast_in_dim3A_80 = vector.broadcast %broadcast_in_dim3A_79 : i32 to vector<16xi32>
      %add3A_81 = arith.constant 16 : i32
      %add3A_82 = arith.addi %scan3A_61, %add3A_81 : i32
      %swap3A_83 = arith.index_cast %add3A_82 : i32 to index
      %swap3A_84 = tpu.vector_load %arg8[%swap3A_83] {strides = array<i32>} : memref<6448xi32, #tpu.memory_space<vmem>>, vector<16xi32>,
      tpu.vector_store %arg8[%swap3A_83], %broadcast_in_dim3A_80 {strides = array<i32>} : memref<6448xi32, #tpu.memory_space<vmem>>, vector<16xi32>,
      %add3A_85 = arith.constant 32 : i32
      %add3A_86 = arith.addi %scan3A_61, %add3A_85 : i32
      %sub3A = arith.constant 1 : i32
      %sub3A_87 = arith.subi %add3A_86, %sub3A : i32
      %jit3A = arith.constant 32 : i32
      %div3A = arith.divsi %sub3A_87, %jit3A : i32
      %sign3A = arith.constant 0 : i32
      %sign3A_88 = arith.cmpi sgt, %sub3A_87, %sign3A : i32
      %sign3A_89 = arith.extui %sign3A_88 : i1 to i32
      %sign3A_90 = arith.constant 0 : i32
      %sign3A_91 = arith.cmpi slt, %sub3A_87, %sign3A_90 : i32
      %sign3A_92 = arith.extui %sign3A_91 : i1 to i32
      %sign3A_93 = arith.subi %sign3A_89, %sign3A_92 : i32
      %sign3A_94 = arith.constant 0 : i32
      %sign3A_95 = arith.cmpi sgt, %jit3A, %sign3A_94 : i32
      %sign3A_96 = arith.extui %sign3A_95 : i1 to i32
      %sign3A_97 = arith.constant 0 : i32
      %sign3A_98 = arith.cmpi slt, %jit3A, %sign3A_97 : i32
      %sign3A_99 = arith.extui %sign3A_98 : i1 to i32
      %sign3A_100 = arith.subi %sign3A_96, %sign3A_99 : i32
      %ne3A = arith.cmpi ne, %sign3A_93, %sign3A_100 : i32
      %rem3A = arith.remsi %sub3A_87, %jit3A : i32
      %ne3A_101 = arith.constant 0 : i32
      %ne3A_102 = arith.cmpi ne, %rem3A, %ne3A_101 : i32
      %and3A = arith.andi %ne3A, %ne3A_102 : i1
      %sub3A_103 = arith.constant 1 : i32
      %sub3A_104 = arith.subi %div3A, %sub3A_103 : i32
      %select_n3A = arith.select %and3A, %sub3A_104, %div3A : i32
      %while3A = arith.constant 0 : i32
      %while3A_105 = arith.constant 0 : i32
      %while3A_106 = arith.subi %select_n3A, %while3A : i32
      %while3A_107 = arith.addi %while3A, %while3A_106 : i32
      %while3A_108 = arith.constant 1 : i32
      %while3A_109 = arith.divsi %while3A_106, %while3A_108 : i32
      %while3A_110 = arith.muli %while3A_109, %while3A_108 : i32
      %while3A_111 = arith.addi %while3A, %while3A_110 : i32
      %while3A_112 = arith.constant 1 : i32
      %while3A_113 = scf.for %while3A_117 = %while3A to %while3A_111 step %while3A_112 iter_args(%while3A_118 = %while3A_105) -> (i32)  : i32 {
        %mul3A_119 = arith.constant 32 : i32
        %mul3A_120 = arith.muli %while3A_117, %mul3A_119 : i32
        %dma_start3A = tpu.memref_slice %arg8[%mul3A_120] : memref<6448xi32, #tpu.memory_space<vmem>> -> memref<32xi32, #tpu.memory_space<vmem>>
        %dma_start3A_121 = arith.constant 0 : i32
        %dma_start3A_122 = arith.constant 0 : i32
        %dma_start3A_123 = tpu.memref_slice %arg2[%dma_start3A_121, %dma_start3A_122] : memref<10240x768xf32, #tpu.memory_space<hbm>> -> memref<10240x768xf32, #tpu.memory_space<hbm>>
        tpu.enqueue_indirect_dma source(%dma_start3A_123 : memref<10240x768xf32, #tpu.memory_space<hbm>>) target(%arg10 : memref<32x768xf32, #tpu.memory_space<vmem>>) offsets(%dma_start3A : memref<32xi32, #tpu.memory_space<vmem>>) semaphore(%arg12 : memref<!tpu.dma_semaphore, #tpu.memory_space<semaphore_mem>>)
        %dma_wait3A = tpu.memref_slice %arg8[%mul3A_120] : memref<6448xi32, #tpu.memory_space<vmem>> -> memref<32xi32, #tpu.memory_space<vmem>>
        %dma_wait3A_124 = arith.constant 0 : i32
        %dma_wait3A_125 = arith.constant 0 : i32
        %dma_wait3A_126 = tpu.memref_slice %arg2[%dma_wait3A_124, %dma_wait3A_125] : memref<10240x768xf32, #tpu.memory_space<hbm>> -> memref<10240x768xf32, #tpu.memory_space<hbm>>
        tpu.wait_indirect_dma semaphore(%arg12 : memref<!tpu.dma_semaphore, #tpu.memory_space<semaphore_mem>>) src(%dma_wait3A_126 : memref<10240x768xf32, #tpu.memory_space<hbm>>) dst(%arg10 : memref<32x768xf32, #tpu.memory_space<vmem>>)
        %scan3A_127 = arith.constant 0 : i32
        %scan3A_128 = arith.constant 0 : i32
        %scan3A_129 = arith.constant 32 : i32
        %scan3A_130 = arith.addi %scan3A_128, %scan3A_129 : i32
        %scan3A_131 = arith.constant 1 : i32
        %scan3A_132 = scf.for %scan3A_135 = %scan3A_128 to %scan3A_130 step %scan3A_131 iter_args(%scan3A_136 = %scan3A_127) -> (i32)  : i32 {
          %mul3A_137 = arith.constant 32 : i32
          %mul3A_138 = arith.muli %while3A_117, %mul3A_137 : i32
          %add3A_139 = arith.addi %mul3A_138, %scan3A_135 : i32
          %get3A = arith.index_cast %add3A_139 : i32 to index
          %get3A_140 = tpu.vector_load %arg9[%get3A] {strides = array<i32>} : memref<6448xi32, #tpu.memory_space<vmem>>, vector<16xi32>,
          %slice3A = vector.extract_strided_slice %get3A_140 {offsets = [0], sizes = [1], strides = [1]} : vector<16xi32> to vector<1xi32>
          %squeeze3A = vector.extract %slice3A[0] : i32 from vector<1xi32>
          %get3A_141 = arith.index_cast %scan3A_135 : i32 to index
          %get3A_142 = arith.constant 0 : index
          %get3A_143 = tpu.vector_load %arg10[%get3A_141, %get3A_142] {strides = array<i32>} : memref<32x768xf32, #tpu.memory_space<vmem>>, vector<16xf32>,
          %swap3A_144 = arith.index_cast %squeeze3A : i32 to index
          %swap3A_145 = arith.constant 0 : index
          %swap3A_146 = tpu.vector_load %arg11[%swap3A_144, %swap3A_145] {strides = array<i32>} : memref<80x768xf32, #tpu.memory_space<vmem>>, vector<16xf32>,
          tpu.vector_store %arg11[%swap3A_144, %swap3A_145], %get3A_143 {add = true, strides = array<i32>} : memref<80x768xf32, #tpu.memory_space<vmem>>, vector<16xf32>,
          %get3A_147 = arith.index_cast %scan3A_135 : i32 to index
          %get3A_148 = arith.constant 16 : index
          %get3A_149 = tpu.vector_load %arg10[%get3A_147, %get3A_148] {strides = array<i32>} : memref<32x768xf32, #tpu.memory_space<vmem>>, vector<16xf32>,
          %swap3A_150 = arith.index_cast %squeeze3A : i32 to index
          %swap3A_151 = arith.constant 16 : index
          %swap3A_152 = tpu.vector_load %arg11[%swap3A_150, %swap3A_151] {strides = array<i32>} : memref<80x768xf32, #tpu.memory_space<vmem>>, vector<16xf32>,
          tpu.vector_store %arg11[%swap3A_150, %swap3A_151], %get3A_149 {add = true, strides = array<i32>} : memref<80x768xf32, #tpu.memory_space<vmem>>, vector<16xf32>,
          %get3A_153 = arith.index_cast %scan3A_135 : i32 to index
          %get3A_154 = arith.constant 32 : index
          %get3A_155 = tpu.vector_load %arg10[%get3A_153, %get3A_154] {strides = array<i32>} : memref<32x768xf32, #tpu.memory_space<vmem>>, vector<16xf32>,
          %swap3A_156 = arith.index_cast %squeeze3A : i32 to index
          %swap3A_157 = arith.constant 32 : index
          %swap3A_158 = tpu.vector_load %arg11[%swap3A_156, %swap3A_157] {strides = array<i32>} : memref<80x768xf32, #tpu.memory_space<vmem>>, vector<16xf32>,
          tpu.vector_store %arg11[%swap3A_156, %swap3A_157], %get3A_155 {add = true, strides = array<i32>} : memref<80x768xf32, #tpu.memory_space<vmem>>, vector<16xf32>,
          %get3A_159 = arith.index_cast %scan3A_135 : i32 to index
          %get3A_160 = arith.constant 48 : index
          %get3A_161 = tpu.vector_load %arg10[%get3A_159, %get3A_160] {strides = array<i32>} : memref<32x768xf32, #tpu.memory_space<vmem>>, vector<16xf32>,
          %swap3A_162 = arith.index_cast %squeeze3A : i32 to index
          %swap3A_163 = arith.constant 48 : index
          %swap3A_164 = tpu.vector_load %arg11[%swap3A_162, %swap3A_163] {strides = array<i32>} : memref<80x768xf32, #tpu.memory_space<vmem>>, vector<16xf32>,
          tpu.vector_store %arg11[%swap3A_162, %swap3A_163], %get3A_161 {add = true, strides = array<i32>} : memref<80x768xf32, #tpu.memory_space<vmem>>, vector<16xf32>,
          %get3A_165 = arith.index_cast %scan3A_135 : i32 to index
          %get3A_166 = arith.constant 64 : index
          %get3A_167 = tpu.vector_load %arg10[%get3A_165, %get3A_166] {strides = array<i32>} : memref<32x768xf32, #tpu.memory_space<vmem>>, vector<16xf32>,
          %swap3A_168 = arith.index_cast %squeeze3A : i32 to index
          %swap3A_169 = arith.constant 64 : index
          %swap3A_170 = tpu.vector_load %arg11[%swap3A_168, %swap3A_169] {strides = array<i32>} : memref<80x768xf32, #tpu.memory_space<vmem>>, vector<16xf32>,
          tpu.vector_store %arg11[%swap3A_168, %swap3A_169], %get3A_167 {add = true, strides = array<i32>} : memref<80x768xf32, #tpu.memory_space<vmem>>, vector<16xf32>,
          %get3A_171 = arith.index_cast %scan3A_135 : i32 to index
          %get3A_172 = arith.constant 80 : index
          %get3A_173 = tpu.vector_load %arg10[%get3A_171, %get3A_172] {strides = array<i32>} : memref<32x768xf32, #tpu.memory_space<vmem>>, vector<16xf32>,
          %swap3A_174 = arith.index_cast %squeeze3A : i32 to index
          %swap3A_175 = arith.constant 80 : index
          %swap3A_176 = tpu.vector_load %arg11[%swap3A_174, %swap3A_175] {strides = array<i32>} : memref<80x768xf32, #tpu.memory_space<vmem>>, vector<16xf32>,
          tpu.vector_store %arg11[%swap3A_174, %swap3A_175], %get3A_173 {add = true, strides = array<i32>} : memref<80x768xf32, #tpu.memory_space<vmem>>, vector<16xf32>,
          %get3A_177 = arith.index_cast %scan3A_135 : i32 to index
          %get3A_178 = arith.constant 96 : index
          %get3A_179 = tpu.vector_load %arg10[%get3A_177, %get3A_178] {strides = array<i32>} : memref<32x768xf32, #tpu.memory_space<vmem>>, vector<16xf32>,
          %swap3A_180 = arith.index_cast %squeeze3A : i32 to index
          %swap3A_181 = arith.constant 96 : index
          %swap3A_182 = tpu.vector_load %arg11[%swap3A_180, %swap3A_181] {strides = array<i32>} : memref<80x768xf32, #tpu.memory_space<vmem>>, vector<16xf32>,
          tpu.vector_store %arg11[%swap3A_180, %swap3A_181], %get3A_179 {add = true, strides = array<i32>} : memref<80x768xf32, #tpu.memory_space<vmem>>, vector<16xf32>,
          %get3A_183 = arith.index_cast %scan3A_135 : i32 to index
          %get3A_184 = arith.constant 112 : index
          %get3A_185 = tpu.vector_load %arg10[%get3A_183, %get3A_184] {strides = array<i32>} : memref<32x768xf32, #tpu.memory_space<vmem>>, vector<16xf32>,
          %swap3A_186 = arith.index_cast %squeeze3A : i32 to index
          %swap3A_187 = arith.constant 112 : index
          %swap3A_188 = tpu.vector_load %arg11[%swap3A_186, %swap3A_187] {strides = array<i32>} : memref<80x768xf32, #tpu.memory_space<vmem>>, vector<16xf32>,
          tpu.vector_store %arg11[%swap3A_186, %swap3A_187], %get3A_185 {add = true, strides = array<i32>} : memref<80x768xf32, #tpu.memory_space<vmem>>, vector<16xf32>,
          %get3A_189 = arith.index_cast %scan3A_135 : i32 to index
          %get3A_190 = arith.constant 128 : index
          %get3A_191 = tpu.vector_load %arg10[%get3A_189, %get3A_190] {strides = array<i32>} : memref<32x768xf32, #tpu.memory_space<vmem>>, vector<16xf32>,
          %swap3A_192 = arith.index_cast %squeeze3A : i32 to index
          %swap3A_193 = arith.constant 128 : index
          %swap3A_194 = tpu.vector_load %arg11[%swap3A_192, %swap3A_193] {strides = array<i32>} : memref<80x768xf32, #tpu.memory_space<vmem>>, vector<16xf32>,
          tpu.vector_store %arg11[%swap3A_192, %swap3A_193], %get3A_191 {add = true, strides = array<i32>} : memref<80x768xf32, #tpu.memory_space<vmem>>, vector<16xf32>,
          %get3A_195 = arith.index_cast %scan3A_135 : i32 to index
          %get3A_196 = arith.constant 144 : index
          %get3A_197 = tpu.vector_load %arg10[%get3A_195, %get3A_196] {strides = array<i32>} : memref<32x768xf32, #tpu.memory_space<vmem>>, vector<16xf32>,
          %swap3A_198 = arith.index_cast %squeeze3A : i32 to index
          %swap3A_199 = arith.constant 144 : index
          %swap3A_200 = tpu.vector_load %arg11[%swap3A_198, %swap3A_199] {strides = array<i32>} : memref<80x768xf32, #tpu.memory_space<vmem>>, vector<16xf32>,
          tpu.vector_store %arg11[%swap3A_198, %swap3A_199], %get3A_197 {add = true, strides = array<i32>} : memref<80x768xf32, #tpu.memory_space<vmem>>, vector<16xf32>,
          %get3A_201 = arith.index_cast %scan3A_135 : i32 to index
          %get3A_202 = arith.constant 160 : index
          %get3A_203 = tpu.vector_load %arg10[%get3A_201, %get3A_202] {strides = array<i32>} : memref<32x768xf32, #tpu.memory_space<vmem>>, vector<16xf32>,
          %swap3A_204 = arith.index_cast %squeeze3A : i32 to index
          %swap3A_205 = arith.constant 160 : index
          %swap3A_206 = tpu.vector_load %arg11[%swap3A_204, %swap3A_205] {strides = array<i32>} : memref<80x768xf32, #tpu.memory_space<vmem>>, vector<16xf32>,
          tpu.vector_store %arg11[%swap3A_204, %swap3A_205], %get3A_203 {add = true, strides = array<i32>} : memref<80x768xf32, #tpu.memory_space<vmem>>, vector<16xf32>,
          %get3A_207 = arith.index_cast %scan3A_135 : i32 to index
          %get3A_208 = arith.constant 176 : index
          %get3A_209 = tpu.vector_load %arg10[%get3A_207, %get3A_208] {strides = array<i32>} : memref<32x768xf32, #tpu.memory_space<vmem>>, vector<16xf32>,
          %swap3A_210 = arith.index_cast %squeeze3A : i32 to index
          %swap3A_211 = arith.constant 176 : index
          %swap3A_212 = tpu.vector_load %arg11[%swap3A_210, %swap3A_211] {strides = array<i32>} : memref<80x768xf32, #tpu.memory_space<vmem>>, vector<16xf32>,
          tpu.vector_store %arg11[%swap3A_210, %swap3A_211], %get3A_209 {add = true, strides = array<i32>} : memref<80x768xf32, #tpu.memory_space<vmem>>, vector<16xf32>,
          %get3A_213 = arith.index_cast %scan3A_135 : i32 to index
          %get3A_214 = arith.constant 192 : index
          %get3A_215 = tpu.vector_load %arg10[%get3A_213, %get3A_214] {strides = array<i32>} : memref<32x768xf32, #tpu.memory_space<vmem>>, vector<16xf32>,
          %swap3A_216 = arith.index_cast %squeeze3A : i32 to index
          %swap3A_217 = arith.constant 192 : index
          %swap3A_218 = tpu.vector_load %arg11[%swap3A_216, %swap3A_217] {strides = array<i32>} : memref<80x768xf32, #tpu.memory_space<vmem>>, vector<16xf32>,
          tpu.vector_store %arg11[%swap3A_216, %swap3A_217], %get3A_215 {add = true, strides = array<i32>} : memref<80x768xf32, #tpu.memory_space<vmem>>, vector<16xf32>,
          %get3A_219 = arith.index_cast %scan3A_135 : i32 to index
          %get3A_220 = arith.constant 208 : index
          %get3A_221 = tpu.vector_load %arg10[%get3A_219, %get3A_220] {strides = array<i32>} : memref<32x768xf32, #tpu.memory_space<vmem>>, vector<16xf32>,
          %swap3A_222 = arith.index_cast %squeeze3A : i32 to index
          %swap3A_223 = arith.constant 208 : index
          %swap3A_224 = tpu.vector_load %arg11[%swap3A_222, %swap3A_223] {strides = array<i32>} : memref<80x768xf32, #tpu.memory_space<vmem>>, vector<16xf32>,
          tpu.vector_store %arg11[%swap3A_222, %swap3A_223], %get3A_221 {add = true, strides = array<i32>} : memref<80x768xf32, #tpu.memory_space<vmem>>, vector<16xf32>,
          %get3A_225 = arith.index_cast %scan3A_135 : i32 to index
          %get3A_226 = arith.constant 224 : index
          %get3A_227 = tpu.vector_load %arg10[%get3A_225, %get3A_226] {strides = array<i32>} : memref<32x768xf32, #tpu.memory_space<vmem>>, vector<16xf32>,
          %swap3A_228 = arith.index_cast %squeeze3A : i32 to index
          %swap3A_229 = arith.constant 224 : index
          %swap3A_230 = tpu.vector_load %arg11[%swap3A_228, %swap3A_229] {strides = array<i32>} : memref<80x768xf32, #tpu.memory_space<vmem>>, vector<16xf32>,
          tpu.vector_store %arg11[%swap3A_228, %swap3A_229], %get3A_227 {add = true, strides = array<i32>} : memref<80x768xf32, #tpu.memory_space<vmem>>, vector<16xf32>,
          %get3A_231 = arith.index_cast %scan3A_135 : i32 to index
          %get3A_232 = arith.constant 240 : index
          %get3A_233 = tpu.vector_load %arg10[%get3A_231, %get3A_232] {strides = array<i32>} : memref<32x768xf32, #tpu.memory_space<vmem>>, vector<16xf32>,
          %swap3A_234 = arith.index_cast %squeeze3A : i32 to index
          %swap3A_235 = arith.constant 240 : index
          %swap3A_236 = tpu.vector_load %arg11[%swap3A_234, %swap3A_235] {strides = array<i32>} : memref<80x768xf32, #tpu.memory_space<vmem>>, vector<16xf32>,
          tpu.vector_store %arg11[%swap3A_234, %swap3A_235], %get3A_233 {add = true, strides = array<i32>} : memref<80x768xf32, #tpu.memory_space<vmem>>, vector<16xf32>,
          %get3A_237 = arith.index_cast %scan3A_135 : i32 to index
          %get3A_238 = arith.constant 256 : index
          %get3A_239 = tpu.vector_load %arg10[%get3A_237, %get3A_238] {strides = array<i32>} : memref<32x768xf32, #tpu.memory_space<vmem>>, vector<16xf32>,
          %swap3A_240 = arith.index_cast %squeeze3A : i32 to index
          %swap3A_241 = arith.constant 256 : index
          %swap3A_242 = tpu.vector_load %arg11[%swap3A_240, %swap3A_241] {strides = array<i32>} : memref<80x768xf32, #tpu.memory_space<vmem>>, vector<16xf32>,
          tpu.vector_store %arg11[%swap3A_240, %swap3A_241], %get3A_239 {add = true, strides = array<i32>} : memref<80x768xf32, #tpu.memory_space<vmem>>, vector<16xf32>,
          %get3A_243 = arith.index_cast %scan3A_135 : i32 to index
          %get3A_244 = arith.constant 272 : index
          %get3A_245 = tpu.vector_load %arg10[%get3A_243, %get3A_244] {strides = array<i32>} : memref<32x768xf32, #tpu.memory_space<vmem>>, vector<16xf32>,
          %swap3A_246 = arith.index_cast %squeeze3A : i32 to index
          %swap3A_247 = arith.constant 272 : index
          %swap3A_248 = tpu.vector_load %arg11[%swap3A_246, %swap3A_247] {strides = array<i32>} : memref<80x768xf32, #tpu.memory_space<vmem>>, vector<16xf32>,
          tpu.vector_store %arg11[%swap3A_246, %swap3A_247], %get3A_245 {add = true, strides = array<i32>} : memref<80x768xf32, #tpu.memory_space<vmem>>, vector<16xf32>,
          %get3A_249 = arith.index_cast %scan3A_135 : i32 to index
          %get3A_250 = arith.constant 288 : index
          %get3A_251 = tpu.vector_load %arg10[%get3A_249, %get3A_250] {strides = array<i32>} : memref<32x768xf32, #tpu.memory_space<vmem>>, vector<16xf32>,
          %swap3A_252 = arith.index_cast %squeeze3A : i32 to index
          %swap3A_253 = arith.constant 288 : index
          %swap3A_254 = tpu.vector_load %arg11[%swap3A_252, %swap3A_253] {strides = array<i32>} : memref<80x768xf32, #tpu.memory_space<vmem>>, vector<16xf32>,
          tpu.vector_store %arg11[%swap3A_252, %swap3A_253], %get3A_251 {add = true, strides = array<i32>} : memref<80x768xf32, #tpu.memory_space<vmem>>, vector<16xf32>,
          %get3A_255 = arith.index_cast %scan3A_135 : i32 to index
          %get3A_256 = arith.constant 304 : index
          %get3A_257 = tpu.vector_load %arg10[%get3A_255, %get3A_256] {strides = array<i32>} : memref<32x768xf32, #tpu.memory_space<vmem>>, vector<16xf32>,
          %swap3A_258 = arith.index_cast %squeeze3A : i32 to index
          %swap3A_259 = arith.constant 304 : index
          %swap3A_260 = tpu.vector_load %arg11[%swap3A_258, %swap3A_259] {strides = array<i32>} : memref<80x768xf32, #tpu.memory_space<vmem>>, vector<16xf32>,
          tpu.vector_store %arg11[%swap3A_258, %swap3A_259], %get3A_257 {add = true, strides = array<i32>} : memref<80x768xf32, #tpu.memory_space<vmem>>, vector<16xf32>,
          %get3A_261 = arith.index_cast %scan3A_135 : i32 to index
          %get3A_262 = arith.constant 320 : index
          %get3A_263 = tpu.vector_load %arg10[%get3A_261, %get3A_262] {strides = array<i32>} : memref<32x768xf32, #tpu.memory_space<vmem>>, vector<16xf32>,
          %swap3A_264 = arith.index_cast %squeeze3A : i32 to index
          %swap3A_265 = arith.constant 320 : index
          %swap3A_266 = tpu.vector_load %arg11[%swap3A_264, %swap3A_265] {strides = array<i32>} : memref<80x768xf32, #tpu.memory_space<vmem>>, vector<16xf32>,
          tpu.vector_store %arg11[%swap3A_264, %swap3A_265], %get3A_263 {add = true, strides = array<i32>} : memref<80x768xf32, #tpu.memory_space<vmem>>, vector<16xf32>,
          %get3A_267 = arith.index_cast %scan3A_135 : i32 to index
          %get3A_268 = arith.constant 336 : index
          %get3A_269 = tpu.vector_load %arg10[%get3A_267, %get3A_268] {strides = array<i32>} : memref<32x768xf32, #tpu.memory_space<vmem>>, vector<16xf32>,
          %swap3A_270 = arith.index_cast %squeeze3A : i32 to index
          %swap3A_271 = arith.constant 336 : index
          %swap3A_272 = tpu.vector_load %arg11[%swap3A_270, %swap3A_271] {strides = array<i32>} : memref<80x768xf32, #tpu.memory_space<vmem>>, vector<16xf32>,
          tpu.vector_store %arg11[%swap3A_270, %swap3A_271], %get3A_269 {add = true, strides = array<i32>} : memref<80x768xf32, #tpu.memory_space<vmem>>, vector<16xf32>,
          %get3A_273 = arith.index_cast %scan3A_135 : i32 to index
          %get3A_274 = arith.constant 352 : index
          %get3A_275 = tpu.vector_load %arg10[%get3A_273, %get3A_274] {strides = array<i32>} : memref<32x768xf32, #tpu.memory_space<vmem>>, vector<16xf32>,
          %swap3A_276 = arith.index_cast %squeeze3A : i32 to index
          %swap3A_277 = arith.constant 352 : index
          %swap3A_278 = tpu.vector_load %arg11[%swap3A_276, %swap3A_277] {strides = array<i32>} : memref<80x768xf32, #tpu.memory_space<vmem>>, vector<16xf32>,
          tpu.vector_store %arg11[%swap3A_276, %swap3A_277], %get3A_275 {add = true, strides = array<i32>} : memref<80x768xf32, #tpu.memory_space<vmem>>, vector<16xf32>,
          %get3A_279 = arith.index_cast %scan3A_135 : i32 to index
          %get3A_280 = arith.constant 368 : index
          %get3A_281 = tpu.vector_load %arg10[%get3A_279, %get3A_280] {strides = array<i32>} : memref<32x768xf32, #tpu.memory_space<vmem>>, vector<16xf32>,
          %swap3A_282 = arith.index_cast %squeeze3A : i32 to index
          %swap3A_283 = arith.constant 368 : index
          %swap3A_284 = tpu.vector_load %arg11[%swap3A_282, %swap3A_283] {strides = array<i32>} : memref<80x768xf32, #tpu.memory_space<vmem>>, vector<16xf32>,
          tpu.vector_store %arg11[%swap3A_282, %swap3A_283], %get3A_281 {add = true, strides = array<i32>} : memref<80x768xf32, #tpu.memory_space<vmem>>, vector<16xf32>,
          %get3A_285 = arith.index_cast %scan3A_135 : i32 to index
          %get3A_286 = arith.constant 384 : index
          %get3A_287 = tpu.vector_load %arg10[%get3A_285, %get3A_286] {strides = array<i32>} : memref<32x768xf32, #tpu.memory_space<vmem>>, vector<16xf32>,
          %swap3A_288 = arith.index_cast %squeeze3A : i32 to index
          %swap3A_289 = arith.constant 384 : index
          %swap3A_290 = tpu.vector_load %arg11[%swap3A_288, %swap3A_289] {strides = array<i32>} : memref<80x768xf32, #tpu.memory_space<vmem>>, vector<16xf32>,
          tpu.vector_store %arg11[%swap3A_288, %swap3A_289], %get3A_287 {add = true, strides = array<i32>} : memref<80x768xf32, #tpu.memory_space<vmem>>, vector<16xf32>,
          %get3A_291 = arith.index_cast %scan3A_135 : i32 to index
          %get3A_292 = arith.constant 400 : index
          %get3A_293 = tpu.vector_load %arg10[%get3A_291, %get3A_292] {strides = array<i32>} : memref<32x768xf32, #tpu.memory_space<vmem>>, vector<16xf32>,
          %swap3A_294 = arith.index_cast %squeeze3A : i32 to index
          %swap3A_295 = arith.constant 400 : index
          %swap3A_296 = tpu.vector_load %arg11[%swap3A_294, %swap3A_295] {strides = array<i32>} : memref<80x768xf32, #tpu.memory_space<vmem>>, vector<16xf32>,
          tpu.vector_store %arg11[%swap3A_294, %swap3A_295], %get3A_293 {add = true, strides = array<i32>} : memref<80x768xf32, #tpu.memory_space<vmem>>, vector<16xf32>,
          %get3A_297 = arith.index_cast %scan3A_135 : i32 to index
          %get3A_298 = arith.constant 416 : index
          %get3A_299 = tpu.vector_load %arg10[%get3A_297, %get3A_298] {strides = array<i32>} : memref<32x768xf32, #tpu.memory_space<vmem>>, vector<16xf32>,
          %swap3A_300 = arith.index_cast %squeeze3A : i32 to index
          %swap3A_301 = arith.constant 416 : index
          %swap3A_302 = tpu.vector_load %arg11[%swap3A_300, %swap3A_301] {strides = array<i32>} : memref<80x768xf32, #tpu.memory_space<vmem>>, vector<16xf32>,
          tpu.vector_store %arg11[%swap3A_300, %swap3A_301], %get3A_299 {add = true, strides = array<i32>} : memref<80x768xf32, #tpu.memory_space<vmem>>, vector<16xf32>,
          %get3A_303 = arith.index_cast %scan3A_135 : i32 to index
          %get3A_304 = arith.constant 432 : index
          %get3A_305 = tpu.vector_load %arg10[%get3A_303, %get3A_304] {strides = array<i32>} : memref<32x768xf32, #tpu.memory_space<vmem>>, vector<16xf32>,
          %swap3A_306 = arith.index_cast %squeeze3A : i32 to index
          %swap3A_307 = arith.constant 432 : index
          %swap3A_308 = tpu.vector_load %arg11[%swap3A_306, %swap3A_307] {strides = array<i32>} : memref<80x768xf32, #tpu.memory_space<vmem>>, vector<16xf32>,
          tpu.vector_store %arg11[%swap3A_306, %swap3A_307], %get3A_305 {add = true, strides = array<i32>} : memref<80x768xf32, #tpu.memory_space<vmem>>, vector<16xf32>,
          %get3A_309 = arith.index_cast %scan3A_135 : i32 to index
          %get3A_310 = arith.constant 448 : index
          %get3A_311 = tpu.vector_load %arg10[%get3A_309, %get3A_310] {strides = array<i32>} : memref<32x768xf32, #tpu.memory_space<vmem>>, vector<16xf32>,
          %swap3A_312 = arith.index_cast %squeeze3A : i32 to index
          %swap3A_313 = arith.constant 448 : index
          %swap3A_314 = tpu.vector_load %arg11[%swap3A_312, %swap3A_313] {strides = array<i32>} : memref<80x768xf32, #tpu.memory_space<vmem>>, vector<16xf32>,
          tpu.vector_store %arg11[%swap3A_312, %swap3A_313], %get3A_311 {add = true, strides = array<i32>} : memref<80x768xf32, #tpu.memory_space<vmem>>, vector<16xf32>,
          %get3A_315 = arith.index_cast %scan3A_135 : i32 to index
          %get3A_316 = arith.constant 464 : index
          %get3A_317 = tpu.vector_load %arg10[%get3A_315, %get3A_316] {strides = array<i32>} : memref<32x768xf32, #tpu.memory_space<vmem>>, vector<16xf32>,
          %swap3A_318 = arith.index_cast %squeeze3A : i32 to index
          %swap3A_319 = arith.constant 464 : index
          %swap3A_320 = tpu.vector_load %arg11[%swap3A_318, %swap3A_319] {strides = array<i32>} : memref<80x768xf32, #tpu.memory_space<vmem>>, vector<16xf32>,
          tpu.vector_store %arg11[%swap3A_318, %swap3A_319], %get3A_317 {add = true, strides = array<i32>} : memref<80x768xf32, #tpu.memory_space<vmem>>, vector<16xf32>,
          %get3A_321 = arith.index_cast %scan3A_135 : i32 to index
          %get3A_322 = arith.constant 480 : index
          %get3A_323 = tpu.vector_load %arg10[%get3A_321, %get3A_322] {strides = array<i32>} : memref<32x768xf32, #tpu.memory_space<vmem>>, vector<16xf32>,
          %swap3A_324 = arith.index_cast %squeeze3A : i32 to index
          %swap3A_325 = arith.constant 480 : index
          %swap3A_326 = tpu.vector_load %arg11[%swap3A_324, %swap3A_325] {strides = array<i32>} : memref<80x768xf32, #tpu.memory_space<vmem>>, vector<16xf32>,
          tpu.vector_store %arg11[%swap3A_324, %swap3A_325], %get3A_323 {add = true, strides = array<i32>} : memref<80x768xf32, #tpu.memory_space<vmem>>, vector<16xf32>,
          %get3A_327 = arith.index_cast %scan3A_135 : i32 to index
          %get3A_328 = arith.constant 496 : index
          %get3A_329 = tpu.vector_load %arg10[%get3A_327, %get3A_328] {strides = array<i32>} : memref<32x768xf32, #tpu.memory_space<vmem>>, vector<16xf32>,
          %swap3A_330 = arith.index_cast %squeeze3A : i32 to index
          %swap3A_331 = arith.constant 496 : index
          %swap3A_332 = tpu.vector_load %arg11[%swap3A_330, %swap3A_331] {strides = array<i32>} : memref<80x768xf32, #tpu.memory_space<vmem>>, vector<16xf32>,
          tpu.vector_store %arg11[%swap3A_330, %swap3A_331], %get3A_329 {add = true, strides = array<i32>} : memref<80x768xf32, #tpu.memory_space<vmem>>, vector<16xf32>,
          %get3A_333 = arith.index_cast %scan3A_135 : i32 to index
          %get3A_334 = arith.constant 512 : index
          %get3A_335 = tpu.vector_load %arg10[%get3A_333, %get3A_334] {strides = array<i32>} : memref<32x768xf32, #tpu.memory_space<vmem>>, vector<16xf32>,
          %swap3A_336 = arith.index_cast %squeeze3A : i32 to index
          %swap3A_337 = arith.constant 512 : index
          %swap3A_338 = tpu.vector_load %arg11[%swap3A_336, %swap3A_337] {strides = array<i32>} : memref<80x768xf32, #tpu.memory_space<vmem>>, vector<16xf32>,
          tpu.vector_store %arg11[%swap3A_336, %swap3A_337], %get3A_335 {add = true, strides = array<i32>} : memref<80x768xf32, #tpu.memory_space<vmem>>, vector<16xf32>,
          %get3A_339 = arith.index_cast %scan3A_135 : i32 to index
          %get3A_340 = arith.constant 528 : index
          %get3A_341 = tpu.vector_load %arg10[%get3A_339, %get3A_340] {strides = array<i32>} : memref<32x768xf32, #tpu.memory_space<vmem>>, vector<16xf32>,
          %swap3A_342 = arith.index_cast %squeeze3A : i32 to index
          %swap3A_343 = arith.constant 528 : index
          %swap3A_344 = tpu.vector_load %arg11[%swap3A_342, %swap3A_343] {strides = array<i32>} : memref<80x768xf32, #tpu.memory_space<vmem>>, vector<16xf32>,
          tpu.vector_store %arg11[%swap3A_342, %swap3A_343], %get3A_341 {add = true, strides = array<i32>} : memref<80x768xf32, #tpu.memory_space<vmem>>, vector<16xf32>,
          %get3A_345 = arith.index_cast %scan3A_135 : i32 to index
          %get3A_346 = arith.constant 544 : index
          %get3A_347 = tpu.vector_load %arg10[%get3A_345, %get3A_346] {strides = array<i32>} : memref<32x768xf32, #tpu.memory_space<vmem>>, vector<16xf32>,
          %swap3A_348 = arith.index_cast %squeeze3A : i32 to index
          %swap3A_349 = arith.constant 544 : index
          %swap3A_350 = tpu.vector_load %arg11[%swap3A_348, %swap3A_349] {strides = array<i32>} : memref<80x768xf32, #tpu.memory_space<vmem>>, vector<16xf32>,
          tpu.vector_store %arg11[%swap3A_348, %swap3A_349], %get3A_347 {add = true, strides = array<i32>} : memref<80x768xf32, #tpu.memory_space<vmem>>, vector<16xf32>,
          %get3A_351 = arith.index_cast %scan3A_135 : i32 to index
          %get3A_352 = arith.constant 560 : index
          %get3A_353 = tpu.vector_load %arg10[%get3A_351, %get3A_352] {strides = array<i32>} : memref<32x768xf32, #tpu.memory_space<vmem>>, vector<16xf32>,
          %swap3A_354 = arith.index_cast %squeeze3A : i32 to index
          %swap3A_355 = arith.constant 560 : index
          %swap3A_356 = tpu.vector_load %arg11[%swap3A_354, %swap3A_355] {strides = array<i32>} : memref<80x768xf32, #tpu.memory_space<vmem>>, vector<16xf32>,
          tpu.vector_store %arg11[%swap3A_354, %swap3A_355], %get3A_353 {add = true, strides = array<i32>} : memref<80x768xf32, #tpu.memory_space<vmem>>, vector<16xf32>,
          %get3A_357 = arith.index_cast %scan3A_135 : i32 to index
          %get3A_358 = arith.constant 576 : index
          %get3A_359 = tpu.vector_load %arg10[%get3A_357, %get3A_358] {strides = array<i32>} : memref<32x768xf32, #tpu.memory_space<vmem>>, vector<16xf32>,
          %swap3A_360 = arith.index_cast %squeeze3A : i32 to index
          %swap3A_361 = arith.constant 576 : index
          %swap3A_362 = tpu.vector_load %arg11[%swap3A_360, %swap3A_361] {strides = array<i32>} : memref<80x768xf32, #tpu.memory_space<vmem>>, vector<16xf32>,
          tpu.vector_store %arg11[%swap3A_360, %swap3A_361], %get3A_359 {add = true, strides = array<i32>} : memref<80x768xf32, #tpu.memory_space<vmem>>, vector<16xf32>,
          %get3A_363 = arith.index_cast %scan3A_135 : i32 to index
          %get3A_364 = arith.constant 592 : index
          %get3A_365 = tpu.vector_load %arg10[%get3A_363, %get3A_364] {strides = array<i32>} : memref<32x768xf32, #tpu.memory_space<vmem>>, vector<16xf32>,
          %swap3A_366 = arith.index_cast %squeeze3A : i32 to index
          %swap3A_367 = arith.constant 592 : index
          %swap3A_368 = tpu.vector_load %arg11[%swap3A_366, %swap3A_367] {strides = array<i32>} : memref<80x768xf32, #tpu.memory_space<vmem>>, vector<16xf32>,
          tpu.vector_store %arg11[%swap3A_366, %swap3A_367], %get3A_365 {add = true, strides = array<i32>} : memref<80x768xf32, #tpu.memory_space<vmem>>, vector<16xf32>,
          %get3A_369 = arith.index_cast %scan3A_135 : i32 to index
          %get3A_370 = arith.constant 608 : index
          %get3A_371 = tpu.vector_load %arg10[%get3A_369, %get3A_370] {strides = array<i32>} : memref<32x768xf32, #tpu.memory_space<vmem>>, vector<16xf32>,
          %swap3A_372 = arith.index_cast %squeeze3A : i32 to index
          %swap3A_373 = arith.constant 608 : index
          %swap3A_374 = tpu.vector_load %arg11[%swap3A_372, %swap3A_373] {strides = array<i32>} : memref<80x768xf32, #tpu.memory_space<vmem>>, vector<16xf32>,
          tpu.vector_store %arg11[%swap3A_372, %swap3A_373], %get3A_371 {add = true, strides = array<i32>} : memref<80x768xf32, #tpu.memory_space<vmem>>, vector<16xf32>,
          %get3A_375 = arith.index_cast %scan3A_135 : i32 to index
          %get3A_376 = arith.constant 624 : index
          %get3A_377 = tpu.vector_load %arg10[%get3A_375, %get3A_376] {strides = array<i32>} : memref<32x768xf32, #tpu.memory_space<vmem>>, vector<16xf32>,
          %swap3A_378 = arith.index_cast %squeeze3A : i32 to index
          %swap3A_379 = arith.constant 624 : index
          %swap3A_380 = tpu.vector_load %arg11[%swap3A_378, %swap3A_379] {strides = array<i32>} : memref<80x768xf32, #tpu.memory_space<vmem>>, vector<16xf32>,
          tpu.vector_store %arg11[%swap3A_378, %swap3A_379], %get3A_377 {add = true, strides = array<i32>} : memref<80x768xf32, #tpu.memory_space<vmem>>, vector<16xf32>,
          %get3A_381 = arith.index_cast %scan3A_135 : i32 to index
          %get3A_382 = arith.constant 640 : index
          %get3A_383 = tpu.vector_load %arg10[%get3A_381, %get3A_382] {strides = array<i32>} : memref<32x768xf32, #tpu.memory_space<vmem>>, vector<16xf32>,
          %swap3A_384 = arith.index_cast %squeeze3A : i32 to index
          %swap3A_385 = arith.constant 640 : index
          %swap3A_386 = tpu.vector_load %arg11[%swap3A_384, %swap3A_385] {strides = array<i32>} : memref<80x768xf32, #tpu.memory_space<vmem>>, vector<16xf32>,
          tpu.vector_store %arg11[%swap3A_384, %swap3A_385], %get3A_383 {add = true, strides = array<i32>} : memref<80x768xf32, #tpu.memory_space<vmem>>, vector<16xf32>,
          %get3A_387 = arith.index_cast %scan3A_135 : i32 to index
          %get3A_388 = arith.constant 656 : index
          %get3A_389 = tpu.vector_load %arg10[%get3A_387, %get3A_388] {strides = array<i32>} : memref<32x768xf32, #tpu.memory_space<vmem>>, vector<16xf32>,
          %swap3A_390 = arith.index_cast %squeeze3A : i32 to index
          %swap3A_391 = arith.constant 656 : index
          %swap3A_392 = tpu.vector_load %arg11[%swap3A_390, %swap3A_391] {strides = array<i32>} : memref<80x768xf32, #tpu.memory_space<vmem>>, vector<16xf32>,
          tpu.vector_store %arg11[%swap3A_390, %swap3A_391], %get3A_389 {add = true, strides = array<i32>} : memref<80x768xf32, #tpu.memory_space<vmem>>, vector<16xf32>,
          %get3A_393 = arith.index_cast %scan3A_135 : i32 to index
          %get3A_394 = arith.constant 672 : index
          %get3A_395 = tpu.vector_load %arg10[%get3A_393, %get3A_394] {strides = array<i32>} : memref<32x768xf32, #tpu.memory_space<vmem>>, vector<16xf32>,
          %swap3A_396 = arith.index_cast %squeeze3A : i32 to index
          %swap3A_397 = arith.constant 672 : index
          %swap3A_398 = tpu.vector_load %arg11[%swap3A_396, %swap3A_397] {strides = array<i32>} : memref<80x768xf32, #tpu.memory_space<vmem>>, vector<16xf32>,
          tpu.vector_store %arg11[%swap3A_396, %swap3A_397], %get3A_395 {add = true, strides = array<i32>} : memref<80x768xf32, #tpu.memory_space<vmem>>, vector<16xf32>,
          %get3A_399 = arith.index_cast %scan3A_135 : i32 to index
          %get3A_400 = arith.constant 688 : index
          %get3A_401 = tpu.vector_load %arg10[%get3A_399, %get3A_400] {strides = array<i32>} : memref<32x768xf32, #tpu.memory_space<vmem>>, vector<16xf32>,
          %swap3A_402 = arith.index_cast %squeeze3A : i32 to index
          %swap3A_403 = arith.constant 688 : index
          %swap3A_404 = tpu.vector_load %arg11[%swap3A_402, %swap3A_403] {strides = array<i32>} : memref<80x768xf32, #tpu.memory_space<vmem>>, vector<16xf32>,
          tpu.vector_store %arg11[%swap3A_402, %swap3A_403], %get3A_401 {add = true, strides = array<i32>} : memref<80x768xf32, #tpu.memory_space<vmem>>, vector<16xf32>,
          %get3A_405 = arith.index_cast %scan3A_135 : i32 to index
          %get3A_406 = arith.constant 704 : index
          %get3A_407 = tpu.vector_load %arg10[%get3A_405, %get3A_406] {strides = array<i32>} : memref<32x768xf32, #tpu.memory_space<vmem>>, vector<16xf32>,
          %swap3A_408 = arith.index_cast %squeeze3A : i32 to index
          %swap3A_409 = arith.constant 704 : index
          %swap3A_410 = tpu.vector_load %arg11[%swap3A_408, %swap3A_409] {strides = array<i32>} : memref<80x768xf32, #tpu.memory_space<vmem>>, vector<16xf32>,
          tpu.vector_store %arg11[%swap3A_408, %swap3A_409], %get3A_407 {add = true, strides = array<i32>} : memref<80x768xf32, #tpu.memory_space<vmem>>, vector<16xf32>,
          %get3A_411 = arith.index_cast %scan3A_135 : i32 to index
          %get3A_412 = arith.constant 720 : index
          %get3A_413 = tpu.vector_load %arg10[%get3A_411, %get3A_412] {strides = array<i32>} : memref<32x768xf32, #tpu.memory_space<vmem>>, vector<16xf32>,
          %swap3A_414 = arith.index_cast %squeeze3A : i32 to index
          %swap3A_415 = arith.constant 720 : index
          %swap3A_416 = tpu.vector_load %arg11[%swap3A_414, %swap3A_415] {strides = array<i32>} : memref<80x768xf32, #tpu.memory_space<vmem>>, vector<16xf32>,
          tpu.vector_store %arg11[%swap3A_414, %swap3A_415], %get3A_413 {add = true, strides = array<i32>} : memref<80x768xf32, #tpu.memory_space<vmem>>, vector<16xf32>,
          %get3A_417 = arith.index_cast %scan3A_135 : i32 to index
          %get3A_418 = arith.constant 736 : index
          %get3A_419 = tpu.vector_load %arg10[%get3A_417, %get3A_418] {strides = array<i32>} : memref<32x768xf32, #tpu.memory_space<vmem>>, vector<16xf32>,
          %swap3A_420 = arith.index_cast %squeeze3A : i32 to index
          %swap3A_421 = arith.constant 736 : index
          %swap3A_422 = tpu.vector_load %arg11[%swap3A_420, %swap3A_421] {strides = array<i32>} : memref<80x768xf32, #tpu.memory_space<vmem>>, vector<16xf32>,
          tpu.vector_store %arg11[%swap3A_420, %swap3A_421], %get3A_419 {add = true, strides = array<i32>} : memref<80x768xf32, #tpu.memory_space<vmem>>, vector<16xf32>,
          %get3A_423 = arith.index_cast %scan3A_135 : i32 to index
          %get3A_424 = arith.constant 752 : index
          %get3A_425 = tpu.vector_load %arg10[%get3A_423, %get3A_424] {strides = array<i32>} : memref<32x768xf32, #tpu.memory_space<vmem>>, vector<16xf32>,
          %swap3A_426 = arith.index_cast %squeeze3A : i32 to index
          %swap3A_427 = arith.constant 752 : index
          %swap3A_428 = tpu.vector_load %arg11[%swap3A_426, %swap3A_427] {strides = array<i32>} : memref<80x768xf32, #tpu.memory_space<vmem>>, vector<16xf32>,
          tpu.vector_store %arg11[%swap3A_426, %swap3A_427], %get3A_425 {add = true, strides = array<i32>} : memref<80x768xf32, #tpu.memory_space<vmem>>, vector<16xf32>,
          %scan3A_429 = arith.constant 0 : i32
          scf.yield %scan3A_429 : i32
        }
        %scan3A_133 = arith.constant 32 : i32
        %while3A_134 = arith.constant 0 : i32
        scf.yield %while3A_134 : i32
      }
      %while3A_114 = arith.constant 1 : i32
      %while3A_115 = scf.for %while3A_117 = %while3A_111 to %while3A_107 step %while3A_114 iter_args(%while3A_118 = %while3A_113) -> (i32)  : i32 {
        %mul3A_119 = arith.constant 32 : i32
        %mul3A_120 = arith.muli %while3A_117, %mul3A_119 : i32
        %dma_start3A = tpu.memref_slice %arg8[%mul3A_120] : memref<6448xi32, #tpu.memory_space<vmem>> -> memref<32xi32, #tpu.memory_space<vmem>>
        %dma_start3A_121 = arith.constant 0 : i32
        %dma_start3A_122 = arith.constant 0 : i32
        %dma_start3A_123 = tpu.memref_slice %arg2[%dma_start3A_121, %dma_start3A_122] : memref<10240x768xf32, #tpu.memory_space<hbm>> -> memref<10240x768xf32, #tpu.memory_space<hbm>>
        tpu.enqueue_indirect_dma source(%dma_start3A_123 : memref<10240x768xf32, #tpu.memory_space<hbm>>) target(%arg10 : memref<32x768xf32, #tpu.memory_space<vmem>>) offsets(%dma_start3A : memref<32xi32, #tpu.memory_space<vmem>>) semaphore(%arg12 : memref<!tpu.dma_semaphore, #tpu.memory_space<semaphore_mem>>)
        %dma_wait3A = tpu.memref_slice %arg8[%mul3A_120] : memref<6448xi32, #tpu.memory_space<vmem>> -> memref<32xi32, #tpu.memory_space<vmem>>
        %dma_wait3A_124 = arith.constant 0 : i32
        %dma_wait3A_125 = arith.constant 0 : i32
        %dma_wait3A_126 = tpu.memref_slice %arg2[%dma_wait3A_124, %dma_wait3A_125] : memref<10240x768xf32, #tpu.memory_space<hbm>> -> memref<10240x768xf32, #tpu.memory_space<hbm>>
        tpu.wait_indirect_dma semaphore(%arg12 : memref<!tpu.dma_semaphore, #tpu.memory_space<semaphore_mem>>) src(%dma_wait3A_126 : memref<10240x768xf32, #tpu.memory_space<hbm>>) dst(%arg10 : memref<32x768xf32, #tpu.memory_space<vmem>>)
        %scan3A_127 = arith.constant 0 : i32
        %scan3A_128 = arith.constant 0 : i32
        %scan3A_129 = arith.constant 32 : i32
        %scan3A_130 = arith.addi %scan3A_128, %scan3A_129 : i32
        %scan3A_131 = arith.constant 1 : i32
        %scan3A_132 = scf.for %scan3A_135 = %scan3A_128 to %scan3A_130 step %scan3A_131 iter_args(%scan3A_136 = %scan3A_127) -> (i32)  : i32 {
          %mul3A_137 = arith.constant 32 : i32
          %mul3A_138 = arith.muli %while3A_117, %mul3A_137 : i32
          %add3A_139 = arith.addi %mul3A_138, %scan3A_135 : i32
          %get3A = arith.index_cast %add3A_139 : i32 to index
          %get3A_140 = tpu.vector_load %arg9[%get3A] {strides = array<i32>} : memref<6448xi32, #tpu.memory_space<vmem>>, vector<16xi32>,
          %slice3A = vector.extract_strided_slice %get3A_140 {offsets = [0], sizes = [1], strides = [1]} : vector<16xi32> to vector<1xi32>
          %squeeze3A = vector.extract %slice3A[0] : i32 from vector<1xi32>
          %get3A_141 = arith.index_cast %scan3A_135 : i32 to index
          %get3A_142 = arith.constant 0 : index
          %get3A_143 = tpu.vector_load %arg10[%get3A_141, %get3A_142] {strides = array<i32>} : memref<32x768xf32, #tpu.memory_space<vmem>>, vector<16xf32>,
          %swap3A_144 = arith.index_cast %squeeze3A : i32 to index
          %swap3A_145 = arith.constant 0 : index
          %swap3A_146 = tpu.vector_load %arg11[%swap3A_144, %swap3A_145] {strides = array<i32>} : memref<80x768xf32, #tpu.memory_space<vmem>>, vector<16xf32>,
          tpu.vector_store %arg11[%swap3A_144, %swap3A_145], %get3A_143 {add = true, strides = array<i32>} : memref<80x768xf32, #tpu.memory_space<vmem>>, vector<16xf32>,
          %get3A_147 = arith.index_cast %scan3A_135 : i32 to index
          %get3A_148 = arith.constant 16 : index
          %get3A_149 = tpu.vector_load %arg10[%get3A_147, %get3A_148] {strides = array<i32>} : memref<32x768xf32, #tpu.memory_space<vmem>>, vector<16xf32>,
          %swap3A_150 = arith.index_cast %squeeze3A : i32 to index
          %swap3A_151 = arith.constant 16 : index
          %swap3A_152 = tpu.vector_load %arg11[%swap3A_150, %swap3A_151] {strides = array<i32>} : memref<80x768xf32, #tpu.memory_space<vmem>>, vector<16xf32>,
          tpu.vector_store %arg11[%swap3A_150, %swap3A_151], %get3A_149 {add = true, strides = array<i32>} : memref<80x768xf32, #tpu.memory_space<vmem>>, vector<16xf32>,
          %get3A_153 = arith.index_cast %scan3A_135 : i32 to index
          %get3A_154 = arith.constant 32 : index
          %get3A_155 = tpu.vector_load %arg10[%get3A_153, %get3A_154] {strides = array<i32>} : memref<32x768xf32, #tpu.memory_space<vmem>>, vector<16xf32>,
          %swap3A_156 = arith.index_cast %squeeze3A : i32 to index
          %swap3A_157 = arith.constant 32 : index
          %swap3A_158 = tpu.vector_load %arg11[%swap3A_156, %swap3A_157] {strides = array<i32>} : memref<80x768xf32, #tpu.memory_space<vmem>>, vector<16xf32>,
          tpu.vector_store %arg11[%swap3A_156, %swap3A_157], %get3A_155 {add = true, strides = array<i32>} : memref<80x768xf32, #tpu.memory_space<vmem>>, vector<16xf32>,
          %get3A_159 = arith.index_cast %scan3A_135 : i32 to index
          %get3A_160 = arith.constant 48 : index
          %get3A_161 = tpu.vector_load %arg10[%get3A_159, %get3A_160] {strides = array<i32>} : memref<32x768xf32, #tpu.memory_space<vmem>>, vector<16xf32>,
          %swap3A_162 = arith.index_cast %squeeze3A : i32 to index
          %swap3A_163 = arith.constant 48 : index
          %swap3A_164 = tpu.vector_load %arg11[%swap3A_162, %swap3A_163] {strides = array<i32>} : memref<80x768xf32, #tpu.memory_space<vmem>>, vector<16xf32>,
          tpu.vector_store %arg11[%swap3A_162, %swap3A_163], %get3A_161 {add = true, strides = array<i32>} : memref<80x768xf32, #tpu.memory_space<vmem>>, vector<16xf32>,
          %get3A_165 = arith.index_cast %scan3A_135 : i32 to index
          %get3A_166 = arith.constant 64 : index
          %get3A_167 = tpu.vector_load %arg10[%get3A_165, %get3A_166] {strides = array<i32>} : memref<32x768xf32, #tpu.memory_space<vmem>>, vector<16xf32>,
          %swap3A_168 = arith.index_cast %squeeze3A : i32 to index
          %swap3A_169 = arith.constant 64 : index
          %swap3A_170 = tpu.vector_load %arg11[%swap3A_168, %swap3A_169] {strides = array<i32>} : memref<80x768xf32, #tpu.memory_space<vmem>>, vector<16xf32>,
          tpu.vector_store %arg11[%swap3A_168, %swap3A_169], %get3A_167 {add = true, strides = array<i32>} : memref<80x768xf32, #tpu.memory_space<vmem>>, vector<16xf32>,
          %get3A_171 = arith.index_cast %scan3A_135 : i32 to index
          %get3A_172 = arith.constant 80 : index
          %get3A_173 = tpu.vector_load %arg10[%get3A_171, %get3A_172] {strides = array<i32>} : memref<32x768xf32, #tpu.memory_space<vmem>>, vector<16xf32>,
          %swap3A_174 = arith.index_cast %squeeze3A : i32 to index
          %swap3A_175 = arith.constant 80 : index
          %swap3A_176 = tpu.vector_load %arg11[%swap3A_174, %swap3A_175] {strides = array<i32>} : memref<80x768xf32, #tpu.memory_space<vmem>>, vector<16xf32>,
          tpu.vector_store %arg11[%swap3A_174, %swap3A_175], %get3A_173 {add = true, strides = array<i32>} : memref<80x768xf32, #tpu.memory_space<vmem>>, vector<16xf32>,
          %get3A_177 = arith.index_cast %scan3A_135 : i32 to index
          %get3A_178 = arith.constant 96 : index
          %get3A_179 = tpu.vector_load %arg10[%get3A_177, %get3A_178] {strides = array<i32>} : memref<32x768xf32, #tpu.memory_space<vmem>>, vector<16xf32>,
          %swap3A_180 = arith.index_cast %squeeze3A : i32 to index
          %swap3A_181 = arith.constant 96 : index
          %swap3A_182 = tpu.vector_load %arg11[%swap3A_180, %swap3A_181] {strides = array<i32>} : memref<80x768xf32, #tpu.memory_space<vmem>>, vector<16xf32>,
          tpu.vector_store %arg11[%swap3A_180, %swap3A_181], %get3A_179 {add = true, strides = array<i32>} : memref<80x768xf32, #tpu.memory_space<vmem>>, vector<16xf32>,
          %get3A_183 = arith.index_cast %scan3A_135 : i32 to index
          %get3A_184 = arith.constant 112 : index
          %get3A_185 = tpu.vector_load %arg10[%get3A_183, %get3A_184] {strides = array<i32>} : memref<32x768xf32, #tpu.memory_space<vmem>>, vector<16xf32>,
          %swap3A_186 = arith.index_cast %squeeze3A : i32 to index
          %swap3A_187 = arith.constant 112 : index
          %swap3A_188 = tpu.vector_load %arg11[%swap3A_186, %swap3A_187] {strides = array<i32>} : memref<80x768xf32, #tpu.memory_space<vmem>>, vector<16xf32>,
          tpu.vector_store %arg11[%swap3A_186, %swap3A_187], %get3A_185 {add = true, strides = array<i32>} : memref<80x768xf32, #tpu.memory_space<vmem>>, vector<16xf32>,
          %get3A_189 = arith.index_cast %scan3A_135 : i32 to index
          %get3A_190 = arith.constant 128 : index
          %get3A_191 = tpu.vector_load %arg10[%get3A_189, %get3A_190] {strides = array<i32>} : memref<32x768xf32, #tpu.memory_space<vmem>>, vector<16xf32>,
          %swap3A_192 = arith.index_cast %squeeze3A : i32 to index
          %swap3A_193 = arith.constant 128 : index
          %swap3A_194 = tpu.vector_load %arg11[%swap3A_192, %swap3A_193] {strides = array<i32>} : memref<80x768xf32, #tpu.memory_space<vmem>>, vector<16xf32>,
          tpu.vector_store %arg11[%swap3A_192, %swap3A_193], %get3A_191 {add = true, strides = array<i32>} : memref<80x768xf32, #tpu.memory_space<vmem>>, vector<16xf32>,
          %get3A_195 = arith.index_cast %scan3A_135 : i32 to index
          %get3A_196 = arith.constant 144 : index
          %get3A_197 = tpu.vector_load %arg10[%get3A_195, %get3A_196] {strides = array<i32>} : memref<32x768xf32, #tpu.memory_space<vmem>>, vector<16xf32>,
          %swap3A_198 = arith.index_cast %squeeze3A : i32 to index
          %swap3A_199 = arith.constant 144 : index
          %swap3A_200 = tpu.vector_load %arg11[%swap3A_198, %swap3A_199] {strides = array<i32>} : memref<80x768xf32, #tpu.memory_space<vmem>>, vector<16xf32>,
          tpu.vector_store %arg11[%swap3A_198, %swap3A_199], %get3A_197 {add = true, strides = array<i32>} : memref<80x768xf32, #tpu.memory_space<vmem>>, vector<16xf32>,
          %get3A_201 = arith.index_cast %scan3A_135 : i32 to index
          %get3A_202 = arith.constant 160 : index
          %get3A_203 = tpu.vector_load %arg10[%get3A_201, %get3A_202] {strides = array<i32>} : memref<32x768xf32, #tpu.memory_space<vmem>>, vector<16xf32>,
          %swap3A_204 = arith.index_cast %squeeze3A : i32 to index
          %swap3A_205 = arith.constant 160 : index
          %swap3A_206 = tpu.vector_load %arg11[%swap3A_204, %swap3A_205] {strides = array<i32>} : memref<80x768xf32, #tpu.memory_space<vmem>>, vector<16xf32>,
          tpu.vector_store %arg11[%swap3A_204, %swap3A_205], %get3A_203 {add = true, strides = array<i32>} : memref<80x768xf32, #tpu.memory_space<vmem>>, vector<16xf32>,
          %get3A_207 = arith.index_cast %scan3A_135 : i32 to index
          %get3A_208 = arith.constant 176 : index
          %get3A_209 = tpu.vector_load %arg10[%get3A_207, %get3A_208] {strides = array<i32>} : memref<32x768xf32, #tpu.memory_space<vmem>>, vector<16xf32>,
          %swap3A_210 = arith.index_cast %squeeze3A : i32 to index
          %swap3A_211 = arith.constant 176 : index
          %swap3A_212 = tpu.vector_load %arg11[%swap3A_210, %swap3A_211] {strides = array<i32>} : memref<80x768xf32, #tpu.memory_space<vmem>>, vector<16xf32>,
          tpu.vector_store %arg11[%swap3A_210, %swap3A_211], %get3A_209 {add = true, strides = array<i32>} : memref<80x768xf32, #tpu.memory_space<vmem>>, vector<16xf32>,
          %get3A_213 = arith.index_cast %scan3A_135 : i32 to index
          %get3A_214 = arith.constant 192 : index
          %get3A_215 = tpu.vector_load %arg10[%get3A_213, %get3A_214] {strides = array<i32>} : memref<32x768xf32, #tpu.memory_space<vmem>>, vector<16xf32>,
          %swap3A_216 = arith.index_cast %squeeze3A : i32 to index
          %swap3A_217 = arith.constant 192 : index
          %swap3A_218 = tpu.vector_load %arg11[%swap3A_216, %swap3A_217] {strides = array<i32>} : memref<80x768xf32, #tpu.memory_space<vmem>>, vector<16xf32>,
          tpu.vector_store %arg11[%swap3A_216, %swap3A_217], %get3A_215 {add = true, strides = array<i32>} : memref<80x768xf32, #tpu.memory_space<vmem>>, vector<16xf32>,
          %get3A_219 = arith.index_cast %scan3A_135 : i32 to index
          %get3A_220 = arith.constant 208 : index
          %get3A_221 = tpu.vector_load %arg10[%get3A_219, %get3A_220] {strides = array<i32>} : memref<32x768xf32, #tpu.memory_space<vmem>>, vector<16xf32>,
          %swap3A_222 = arith.index_cast %squeeze3A : i32 to index
          %swap3A_223 = arith.constant 208 : index
          %swap3A_224 = tpu.vector_load %arg11[%swap3A_222, %swap3A_223] {strides = array<i32>} : memref<80x768xf32, #tpu.memory_space<vmem>>, vector<16xf32>,
          tpu.vector_store %arg11[%swap3A_222, %swap3A_223], %get3A_221 {add = true, strides = array<i32>} : memref<80x768xf32, #tpu.memory_space<vmem>>, vector<16xf32>,
          %get3A_225 = arith.index_cast %scan3A_135 : i32 to index
          %get3A_226 = arith.constant 224 : index
          %get3A_227 = tpu.vector_load %arg10[%get3A_225, %get3A_226] {strides = array<i32>} : memref<32x768xf32, #tpu.memory_space<vmem>>, vector<16xf32>,
          %swap3A_228 = arith.index_cast %squeeze3A : i32 to index
          %swap3A_229 = arith.constant 224 : index
          %swap3A_230 = tpu.vector_load %arg11[%swap3A_228, %swap3A_229] {strides = array<i32>} : memref<80x768xf32, #tpu.memory_space<vmem>>, vector<16xf32>,
          tpu.vector_store %arg11[%swap3A_228, %swap3A_229], %get3A_227 {add = true, strides = array<i32>} : memref<80x768xf32, #tpu.memory_space<vmem>>, vector<16xf32>,
          %get3A_231 = arith.index_cast %scan3A_135 : i32 to index
          %get3A_232 = arith.constant 240 : index
          %get3A_233 = tpu.vector_load %arg10[%get3A_231, %get3A_232] {strides = array<i32>} : memref<32x768xf32, #tpu.memory_space<vmem>>, vector<16xf32>,
          %swap3A_234 = arith.index_cast %squeeze3A : i32 to index
          %swap3A_235 = arith.constant 240 : index
          %swap3A_236 = tpu.vector_load %arg11[%swap3A_234, %swap3A_235] {strides = array<i32>} : memref<80x768xf32, #tpu.memory_space<vmem>>, vector<16xf32>,
          tpu.vector_store %arg11[%swap3A_234, %swap3A_235], %get3A_233 {add = true, strides = array<i32>} : memref<80x768xf32, #tpu.memory_space<vmem>>, vector<16xf32>,
          %get3A_237 = arith.index_cast %scan3A_135 : i32 to index
          %get3A_238 = arith.constant 256 : index
          %get3A_239 = tpu.vector_load %arg10[%get3A_237, %get3A_238] {strides = array<i32>} : memref<32x768xf32, #tpu.memory_space<vmem>>, vector<16xf32>,
          %swap3A_240 = arith.index_cast %squeeze3A : i32 to index
          %swap3A_241 = arith.constant 256 : index
          %swap3A_242 = tpu.vector_load %arg11[%swap3A_240, %swap3A_241] {strides = array<i32>} : memref<80x768xf32, #tpu.memory_space<vmem>>, vector<16xf32>,
          tpu.vector_store %arg11[%swap3A_240, %swap3A_241], %get3A_239 {add = true, strides = array<i32>} : memref<80x768xf32, #tpu.memory_space<vmem>>, vector<16xf32>,
          %get3A_243 = arith.index_cast %scan3A_135 : i32 to index
          %get3A_244 = arith.constant 272 : index
          %get3A_245 = tpu.vector_load %arg10[%get3A_243, %get3A_244] {strides = array<i32>} : memref<32x768xf32, #tpu.memory_space<vmem>>, vector<16xf32>,
          %swap3A_246 = arith.index_cast %squeeze3A : i32 to index
          %swap3A_247 = arith.constant 272 : index
          %swap3A_248 = tpu.vector_load %arg11[%swap3A_246, %swap3A_247] {strides = array<i32>} : memref<80x768xf32, #tpu.memory_space<vmem>>, vector<16xf32>,
          tpu.vector_store %arg11[%swap3A_246, %swap3A_247], %get3A_245 {add = true, strides = array<i32>} : memref<80x768xf32, #tpu.memory_space<vmem>>, vector<16xf32>,
          %get3A_249 = arith.index_cast %scan3A_135 : i32 to index
          %get3A_250 = arith.constant 288 : index
          %get3A_251 = tpu.vector_load %arg10[%get3A_249, %get3A_250] {strides = array<i32>} : memref<32x768xf32, #tpu.memory_space<vmem>>, vector<16xf32>,
          %swap3A_252 = arith.index_cast %squeeze3A : i32 to index
          %swap3A_253 = arith.constant 288 : index
          %swap3A_254 = tpu.vector_load %arg11[%swap3A_252, %swap3A_253] {strides = array<i32>} : memref<80x768xf32, #tpu.memory_space<vmem>>, vector<16xf32>,
          tpu.vector_store %arg11[%swap3A_252, %swap3A_253], %get3A_251 {add = true, strides = array<i32>} : memref<80x768xf32, #tpu.memory_space<vmem>>, vector<16xf32>,
          %get3A_255 = arith.index_cast %scan3A_135 : i32 to index
          %get3A_256 = arith.constant 304 : index
          %get3A_257 = tpu.vector_load %arg10[%get3A_255, %get3A_256] {strides = array<i32>} : memref<32x768xf32, #tpu.memory_space<vmem>>, vector<16xf32>,
          %swap3A_258 = arith.index_cast %squeeze3A : i32 to index
          %swap3A_259 = arith.constant 304 : index
          %swap3A_260 = tpu.vector_load %arg11[%swap3A_258, %swap3A_259] {strides = array<i32>} : memref<80x768xf32, #tpu.memory_space<vmem>>, vector<16xf32>,
          tpu.vector_store %arg11[%swap3A_258, %swap3A_259], %get3A_257 {add = true, strides = array<i32>} : memref<80x768xf32, #tpu.memory_space<vmem>>, vector<16xf32>,
          %get3A_261 = arith.index_cast %scan3A_135 : i32 to index
          %get3A_262 = arith.constant 320 : index
          %get3A_263 = tpu.vector_load %arg10[%get3A_261, %get3A_262] {strides = array<i32>} : memref<32x768xf32, #tpu.memory_space<vmem>>, vector<16xf32>,
          %swap3A_264 = arith.index_cast %squeeze3A : i32 to index
          %swap3A_265 = arith.constant 320 : index
          %swap3A_266 = tpu.vector_load %arg11[%swap3A_264, %swap3A_265] {strides = array<i32>} : memref<80x768xf32, #tpu.memory_space<vmem>>, vector<16xf32>,
          tpu.vector_store %arg11[%swap3A_264, %swap3A_265], %get3A_263 {add = true, strides = array<i32>} : memref<80x768xf32, #tpu.memory_space<vmem>>, vector<16xf32>,
          %get3A_267 = arith.index_cast %scan3A_135 : i32 to index
          %get3A_268 = arith.constant 336 : index
          %get3A_269 = tpu.vector_load %arg10[%get3A_267, %get3A_268] {strides = array<i32>} : memref<32x768xf32, #tpu.memory_space<vmem>>, vector<16xf32>,
          %swap3A_270 = arith.index_cast %squeeze3A : i32 to index
          %swap3A_271 = arith.constant 336 : index
          %swap3A_272 = tpu.vector_load %arg11[%swap3A_270, %swap3A_271] {strides = array<i32>} : memref<80x768xf32, #tpu.memory_space<vmem>>, vector<16xf32>,
          tpu.vector_store %arg11[%swap3A_270, %swap3A_271], %get3A_269 {add = true, strides = array<i32>} : memref<80x768xf32, #tpu.memory_space<vmem>>, vector<16xf32>,
          %get3A_273 = arith.index_cast %scan3A_135 : i32 to index
          %get3A_274 = arith.constant 352 : index
          %get3A_275 = tpu.vector_load %arg10[%get3A_273, %get3A_274] {strides = array<i32>} : memref<32x768xf32, #tpu.memory_space<vmem>>, vector<16xf32>,
          %swap3A_276 = arith.index_cast %squeeze3A : i32 to index
          %swap3A_277 = arith.constant 352 : index
          %swap3A_278 = tpu.vector_load %arg11[%swap3A_276, %swap3A_277] {strides = array<i32>} : memref<80x768xf32, #tpu.memory_space<vmem>>, vector<16xf32>,
          tpu.vector_store %arg11[%swap3A_276, %swap3A_277], %get3A_275 {add = true, strides = array<i32>} : memref<80x768xf32, #tpu.memory_space<vmem>>, vector<16xf32>,
          %get3A_279 = arith.index_cast %scan3A_135 : i32 to index
          %get3A_280 = arith.constant 368 : index
          %get3A_281 = tpu.vector_load %arg10[%get3A_279, %get3A_280] {strides = array<i32>} : memref<32x768xf32, #tpu.memory_space<vmem>>, vector<16xf32>,
          %swap3A_282 = arith.index_cast %squeeze3A : i32 to index
          %swap3A_283 = arith.constant 368 : index
          %swap3A_284 = tpu.vector_load %arg11[%swap3A_282, %swap3A_283] {strides = array<i32>} : memref<80x768xf32, #tpu.memory_space<vmem>>, vector<16xf32>,
          tpu.vector_store %arg11[%swap3A_282, %swap3A_283], %get3A_281 {add = true, strides = array<i32>} : memref<80x768xf32, #tpu.memory_space<vmem>>, vector<16xf32>,
          %get3A_285 = arith.index_cast %scan3A_135 : i32 to index
          %get3A_286 = arith.constant 384 : index
          %get3A_287 = tpu.vector_load %arg10[%get3A_285, %get3A_286] {strides = array<i32>} : memref<32x768xf32, #tpu.memory_space<vmem>>, vector<16xf32>,
          %swap3A_288 = arith.index_cast %squeeze3A : i32 to index
          %swap3A_289 = arith.constant 384 : index
          %swap3A_290 = tpu.vector_load %arg11[%swap3A_288, %swap3A_289] {strides = array<i32>} : memref<80x768xf32, #tpu.memory_space<vmem>>, vector<16xf32>,
          tpu.vector_store %arg11[%swap3A_288, %swap3A_289], %get3A_287 {add = true, strides = array<i32>} : memref<80x768xf32, #tpu.memory_space<vmem>>, vector<16xf32>,
          %get3A_291 = arith.index_cast %scan3A_135 : i32 to index
          %get3A_292 = arith.constant 400 : index
          %get3A_293 = tpu.vector_load %arg10[%get3A_291, %get3A_292] {strides = array<i32>} : memref<32x768xf32, #tpu.memory_space<vmem>>, vector<16xf32>,
          %swap3A_294 = arith.index_cast %squeeze3A : i32 to index
          %swap3A_295 = arith.constant 400 : index
          %swap3A_296 = tpu.vector_load %arg11[%swap3A_294, %swap3A_295] {strides = array<i32>} : memref<80x768xf32, #tpu.memory_space<vmem>>, vector<16xf32>,
          tpu.vector_store %arg11[%swap3A_294, %swap3A_295], %get3A_293 {add = true, strides = array<i32>} : memref<80x768xf32, #tpu.memory_space<vmem>>, vector<16xf32>,
          %get3A_297 = arith.index_cast %scan3A_135 : i32 to index
          %get3A_298 = arith.constant 416 : index
          %get3A_299 = tpu.vector_load %arg10[%get3A_297, %get3A_298] {strides = array<i32>} : memref<32x768xf32, #tpu.memory_space<vmem>>, vector<16xf32>,
          %swap3A_300 = arith.index_cast %squeeze3A : i32 to index
          %swap3A_301 = arith.constant 416 : index
          %swap3A_302 = tpu.vector_load %arg11[%swap3A_300, %swap3A_301] {strides = array<i32>} : memref<80x768xf32, #tpu.memory_space<vmem>>, vector<16xf32>,
          tpu.vector_store %arg11[%swap3A_300, %swap3A_301], %get3A_299 {add = true, strides = array<i32>} : memref<80x768xf32, #tpu.memory_space<vmem>>, vector<16xf32>,
          %get3A_303 = arith.index_cast %scan3A_135 : i32 to index
          %get3A_304 = arith.constant 432 : index
          %get3A_305 = tpu.vector_load %arg10[%get3A_303, %get3A_304] {strides = array<i32>} : memref<32x768xf32, #tpu.memory_space<vmem>>, vector<16xf32>,
          %swap3A_306 = arith.index_cast %squeeze3A : i32 to index
          %swap3A_307 = arith.constant 432 : index
          %swap3A_308 = tpu.vector_load %arg11[%swap3A_306, %swap3A_307] {strides = array<i32>} : memref<80x768xf32, #tpu.memory_space<vmem>>, vector<16xf32>,
          tpu.vector_store %arg11[%swap3A_306, %swap3A_307], %get3A_305 {add = true, strides = array<i32>} : memref<80x768xf32, #tpu.memory_space<vmem>>, vector<16xf32>,
          %get3A_309 = arith.index_cast %scan3A_135 : i32 to index
          %get3A_310 = arith.constant 448 : index
          %get3A_311 = tpu.vector_load %arg10[%get3A_309, %get3A_310] {strides = array<i32>} : memref<32x768xf32, #tpu.memory_space<vmem>>, vector<16xf32>,
          %swap3A_312 = arith.index_cast %squeeze3A : i32 to index
          %swap3A_313 = arith.constant 448 : index
          %swap3A_314 = tpu.vector_load %arg11[%swap3A_312, %swap3A_313] {strides = array<i32>} : memref<80x768xf32, #tpu.memory_space<vmem>>, vector<16xf32>,
          tpu.vector_store %arg11[%swap3A_312, %swap3A_313], %get3A_311 {add = true, strides = array<i32>} : memref<80x768xf32, #tpu.memory_space<vmem>>, vector<16xf32>,
          %get3A_315 = arith.index_cast %scan3A_135 : i32 to index
          %get3A_316 = arith.constant 464 : index
          %get3A_317 = tpu.vector_load %arg10[%get3A_315, %get3A_316] {strides = array<i32>} : memref<32x768xf32, #tpu.memory_space<vmem>>, vector<16xf32>,
          %swap3A_318 = arith.index_cast %squeeze3A : i32 to index
          %swap3A_319 = arith.constant 464 : index
          %swap3A_320 = tpu.vector_load %arg11[%swap3A_318, %swap3A_319] {strides = array<i32>} : memref<80x768xf32, #tpu.memory_space<vmem>>, vector<16xf32>,
          tpu.vector_store %arg11[%swap3A_318, %swap3A_319], %get3A_317 {add = true, strides = array<i32>} : memref<80x768xf32, #tpu.memory_space<vmem>>, vector<16xf32>,
          %get3A_321 = arith.index_cast %scan3A_135 : i32 to index
          %get3A_322 = arith.constant 480 : index
          %get3A_323 = tpu.vector_load %arg10[%get3A_321, %get3A_322] {strides = array<i32>} : memref<32x768xf32, #tpu.memory_space<vmem>>, vector<16xf32>,
          %swap3A_324 = arith.index_cast %squeeze3A : i32 to index
          %swap3A_325 = arith.constant 480 : index
          %swap3A_326 = tpu.vector_load %arg11[%swap3A_324, %swap3A_325] {strides = array<i32>} : memref<80x768xf32, #tpu.memory_space<vmem>>, vector<16xf32>,
          tpu.vector_store %arg11[%swap3A_324, %swap3A_325], %get3A_323 {add = true, strides = array<i32>} : memref<80x768xf32, #tpu.memory_space<vmem>>, vector<16xf32>,
          %get3A_327 = arith.index_cast %scan3A_135 : i32 to index
          %get3A_328 = arith.constant 496 : index
          %get3A_329 = tpu.vector_load %arg10[%get3A_327, %get3A_328] {strides = array<i32>} : memref<32x768xf32, #tpu.memory_space<vmem>>, vector<16xf32>,
          %swap3A_330 = arith.index_cast %squeeze3A : i32 to index
          %swap3A_331 = arith.constant 496 : index
          %swap3A_332 = tpu.vector_load %arg11[%swap3A_330, %swap3A_331] {strides = array<i32>} : memref<80x768xf32, #tpu.memory_space<vmem>>, vector<16xf32>,
          tpu.vector_store %arg11[%swap3A_330, %swap3A_331], %get3A_329 {add = true, strides = array<i32>} : memref<80x768xf32, #tpu.memory_space<vmem>>, vector<16xf32>,
          %get3A_333 = arith.index_cast %scan3A_135 : i32 to index
          %get3A_334 = arith.constant 512 : index
          %get3A_335 = tpu.vector_load %arg10[%get3A_333, %get3A_334] {strides = array<i32>} : memref<32x768xf32, #tpu.memory_space<vmem>>, vector<16xf32>,
          %swap3A_336 = arith.index_cast %squeeze3A : i32 to index
          %swap3A_337 = arith.constant 512 : index
          %swap3A_338 = tpu.vector_load %arg11[%swap3A_336, %swap3A_337] {strides = array<i32>} : memref<80x768xf32, #tpu.memory_space<vmem>>, vector<16xf32>,
          tpu.vector_store %arg11[%swap3A_336, %swap3A_337], %get3A_335 {add = true, strides = array<i32>} : memref<80x768xf32, #tpu.memory_space<vmem>>, vector<16xf32>,
          %get3A_339 = arith.index_cast %scan3A_135 : i32 to index
          %get3A_340 = arith.constant 528 : index
          %get3A_341 = tpu.vector_load %arg10[%get3A_339, %get3A_340] {strides = array<i32>} : memref<32x768xf32, #tpu.memory_space<vmem>>, vector<16xf32>,
          %swap3A_342 = arith.index_cast %squeeze3A : i32 to index
          %swap3A_343 = arith.constant 528 : index
          %swap3A_344 = tpu.vector_load %arg11[%swap3A_342, %swap3A_343] {strides = array<i32>} : memref<80x768xf32, #tpu.memory_space<vmem>>, vector<16xf32>,
          tpu.vector_store %arg11[%swap3A_342, %swap3A_343], %get3A_341 {add = true, strides = array<i32>} : memref<80x768xf32, #tpu.memory_space<vmem>>, vector<16xf32>,
          %get3A_345 = arith.index_cast %scan3A_135 : i32 to index
          %get3A_346 = arith.constant 544 : index
          %get3A_347 = tpu.vector_load %arg10[%get3A_345, %get3A_346] {strides = array<i32>} : memref<32x768xf32, #tpu.memory_space<vmem>>, vector<16xf32>,
          %swap3A_348 = arith.index_cast %squeeze3A : i32 to index
          %swap3A_349 = arith.constant 544 : index
          %swap3A_350 = tpu.vector_load %arg11[%swap3A_348, %swap3A_349] {strides = array<i32>} : memref<80x768xf32, #tpu.memory_space<vmem>>, vector<16xf32>,
          tpu.vector_store %arg11[%swap3A_348, %swap3A_349], %get3A_347 {add = true, strides = array<i32>} : memref<80x768xf32, #tpu.memory_space<vmem>>, vector<16xf32>,
          %get3A_351 = arith.index_cast %scan3A_135 : i32 to index
          %get3A_352 = arith.constant 560 : index
          %get3A_353 = tpu.vector_load %arg10[%get3A_351, %get3A_352] {strides = array<i32>} : memref<32x768xf32, #tpu.memory_space<vmem>>, vector<16xf32>,
          %swap3A_354 = arith.index_cast %squeeze3A : i32 to index
          %swap3A_355 = arith.constant 560 : index
          %swap3A_356 = tpu.vector_load %arg11[%swap3A_354, %swap3A_355] {strides = array<i32>} : memref<80x768xf32, #tpu.memory_space<vmem>>, vector<16xf32>,
          tpu.vector_store %arg11[%swap3A_354, %swap3A_355], %get3A_353 {add = true, strides = array<i32>} : memref<80x768xf32, #tpu.memory_space<vmem>>, vector<16xf32>,
          %get3A_357 = arith.index_cast %scan3A_135 : i32 to index
          %get3A_358 = arith.constant 576 : index
          %get3A_359 = tpu.vector_load %arg10[%get3A_357, %get3A_358] {strides = array<i32>} : memref<32x768xf32, #tpu.memory_space<vmem>>, vector<16xf32>,
          %swap3A_360 = arith.index_cast %squeeze3A : i32 to index
          %swap3A_361 = arith.constant 576 : index
          %swap3A_362 = tpu.vector_load %arg11[%swap3A_360, %swap3A_361] {strides = array<i32>} : memref<80x768xf32, #tpu.memory_space<vmem>>, vector<16xf32>,
          tpu.vector_store %arg11[%swap3A_360, %swap3A_361], %get3A_359 {add = true, strides = array<i32>} : memref<80x768xf32, #tpu.memory_space<vmem>>, vector<16xf32>,
          %get3A_363 = arith.index_cast %scan3A_135 : i32 to index
          %get3A_364 = arith.constant 592 : index
          %get3A_365 = tpu.vector_load %arg10[%get3A_363, %get3A_364] {strides = array<i32>} : memref<32x768xf32, #tpu.memory_space<vmem>>, vector<16xf32>,
          %swap3A_366 = arith.index_cast %squeeze3A : i32 to index
          %swap3A_367 = arith.constant 592 : index
          %swap3A_368 = tpu.vector_load %arg11[%swap3A_366, %swap3A_367] {strides = array<i32>} : memref<80x768xf32, #tpu.memory_space<vmem>>, vector<16xf32>,
          tpu.vector_store %arg11[%swap3A_366, %swap3A_367], %get3A_365 {add = true, strides = array<i32>} : memref<80x768xf32, #tpu.memory_space<vmem>>, vector<16xf32>,
          %get3A_369 = arith.index_cast %scan3A_135 : i32 to index
          %get3A_370 = arith.constant 608 : index
          %get3A_371 = tpu.vector_load %arg10[%get3A_369, %get3A_370] {strides = array<i32>} : memref<32x768xf32, #tpu.memory_space<vmem>>, vector<16xf32>,
          %swap3A_372 = arith.index_cast %squeeze3A : i32 to index
          %swap3A_373 = arith.constant 608 : index
          %swap3A_374 = tpu.vector_load %arg11[%swap3A_372, %swap3A_373] {strides = array<i32>} : memref<80x768xf32, #tpu.memory_space<vmem>>, vector<16xf32>,
          tpu.vector_store %arg11[%swap3A_372, %swap3A_373], %get3A_371 {add = true, strides = array<i32>} : memref<80x768xf32, #tpu.memory_space<vmem>>, vector<16xf32>,
          %get3A_375 = arith.index_cast %scan3A_135 : i32 to index
          %get3A_376 = arith.constant 624 : index
          %get3A_377 = tpu.vector_load %arg10[%get3A_375, %get3A_376] {strides = array<i32>} : memref<32x768xf32, #tpu.memory_space<vmem>>, vector<16xf32>,
          %swap3A_378 = arith.index_cast %squeeze3A : i32 to index
          %swap3A_379 = arith.constant 624 : index
          %swap3A_380 = tpu.vector_load %arg11[%swap3A_378, %swap3A_379] {strides = array<i32>} : memref<80x768xf32, #tpu.memory_space<vmem>>, vector<16xf32>,
          tpu.vector_store %arg11[%swap3A_378, %swap3A_379], %get3A_377 {add = true, strides = array<i32>} : memref<80x768xf32, #tpu.memory_space<vmem>>, vector<16xf32>,
          %get3A_381 = arith.index_cast %scan3A_135 : i32 to index
          %get3A_382 = arith.constant 640 : index
          %get3A_383 = tpu.vector_load %arg10[%get3A_381, %get3A_382] {strides = array<i32>} : memref<32x768xf32, #tpu.memory_space<vmem>>, vector<16xf32>,
          %swap3A_384 = arith.index_cast %squeeze3A : i32 to index
          %swap3A_385 = arith.constant 640 : index
          %swap3A_386 = tpu.vector_load %arg11[%swap3A_384, %swap3A_385] {strides = array<i32>} : memref<80x768xf32, #tpu.memory_space<vmem>>, vector<16xf32>,
          tpu.vector_store %arg11[%swap3A_384, %swap3A_385], %get3A_383 {add = true, strides = array<i32>} : memref<80x768xf32, #tpu.memory_space<vmem>>, vector<16xf32>,
          %get3A_387 = arith.index_cast %scan3A_135 : i32 to index
          %get3A_388 = arith.constant 656 : index
          %get3A_389 = tpu.vector_load %arg10[%get3A_387, %get3A_388] {strides = array<i32>} : memref<32x768xf32, #tpu.memory_space<vmem>>, vector<16xf32>,
          %swap3A_390 = arith.index_cast %squeeze3A : i32 to index
          %swap3A_391 = arith.constant 656 : index
          %swap3A_392 = tpu.vector_load %arg11[%swap3A_390, %swap3A_391] {strides = array<i32>} : memref<80x768xf32, #tpu.memory_space<vmem>>, vector<16xf32>,
          tpu.vector_store %arg11[%swap3A_390, %swap3A_391], %get3A_389 {add = true, strides = array<i32>} : memref<80x768xf32, #tpu.memory_space<vmem>>, vector<16xf32>,
          %get3A_393 = arith.index_cast %scan3A_135 : i32 to index
          %get3A_394 = arith.constant 672 : index
          %get3A_395 = tpu.vector_load %arg10[%get3A_393, %get3A_394] {strides = array<i32>} : memref<32x768xf32, #tpu.memory_space<vmem>>, vector<16xf32>,
          %swap3A_396 = arith.index_cast %squeeze3A : i32 to index
          %swap3A_397 = arith.constant 672 : index
          %swap3A_398 = tpu.vector_load %arg11[%swap3A_396, %swap3A_397] {strides = array<i32>} : memref<80x768xf32, #tpu.memory_space<vmem>>, vector<16xf32>,
          tpu.vector_store %arg11[%swap3A_396, %swap3A_397], %get3A_395 {add = true, strides = array<i32>} : memref<80x768xf32, #tpu.memory_space<vmem>>, vector<16xf32>,
          %get3A_399 = arith.index_cast %scan3A_135 : i32 to index
          %get3A_400 = arith.constant 688 : index
          %get3A_401 = tpu.vector_load %arg10[%get3A_399, %get3A_400] {strides = array<i32>} : memref<32x768xf32, #tpu.memory_space<vmem>>, vector<16xf32>,
          %swap3A_402 = arith.index_cast %squeeze3A : i32 to index
          %swap3A_403 = arith.constant 688 : index
          %swap3A_404 = tpu.vector_load %arg11[%swap3A_402, %swap3A_403] {strides = array<i32>} : memref<80x768xf32, #tpu.memory_space<vmem>>, vector<16xf32>,
          tpu.vector_store %arg11[%swap3A_402, %swap3A_403], %get3A_401 {add = true, strides = array<i32>} : memref<80x768xf32, #tpu.memory_space<vmem>>, vector<16xf32>,
          %get3A_405 = arith.index_cast %scan3A_135 : i32 to index
          %get3A_406 = arith.constant 704 : index
          %get3A_407 = tpu.vector_load %arg10[%get3A_405, %get3A_406] {strides = array<i32>} : memref<32x768xf32, #tpu.memory_space<vmem>>, vector<16xf32>,
          %swap3A_408 = arith.index_cast %squeeze3A : i32 to index
          %swap3A_409 = arith.constant 704 : index
          %swap3A_410 = tpu.vector_load %arg11[%swap3A_408, %swap3A_409] {strides = array<i32>} : memref<80x768xf32, #tpu.memory_space<vmem>>, vector<16xf32>,
          tpu.vector_store %arg11[%swap3A_408, %swap3A_409], %get3A_407 {add = true, strides = array<i32>} : memref<80x768xf32, #tpu.memory_space<vmem>>, vector<16xf32>,
          %get3A_411 = arith.index_cast %scan3A_135 : i32 to index
          %get3A_412 = arith.constant 720 : index
          %get3A_413 = tpu.vector_load %arg10[%get3A_411, %get3A_412] {strides = array<i32>} : memref<32x768xf32, #tpu.memory_space<vmem>>, vector<16xf32>,
          %swap3A_414 = arith.index_cast %squeeze3A : i32 to index
          %swap3A_415 = arith.constant 720 : index
          %swap3A_416 = tpu.vector_load %arg11[%swap3A_414, %swap3A_415] {strides = array<i32>} : memref<80x768xf32, #tpu.memory_space<vmem>>, vector<16xf32>,
          tpu.vector_store %arg11[%swap3A_414, %swap3A_415], %get3A_413 {add = true, strides = array<i32>} : memref<80x768xf32, #tpu.memory_space<vmem>>, vector<16xf32>,
          %get3A_417 = arith.index_cast %scan3A_135 : i32 to index
          %get3A_418 = arith.constant 736 : index
          %get3A_419 = tpu.vector_load %arg10[%get3A_417, %get3A_418] {strides = array<i32>} : memref<32x768xf32, #tpu.memory_space<vmem>>, vector<16xf32>,
          %swap3A_420 = arith.index_cast %squeeze3A : i32 to index
          %swap3A_421 = arith.constant 736 : index
          %swap3A_422 = tpu.vector_load %arg11[%swap3A_420, %swap3A_421] {strides = array<i32>} : memref<80x768xf32, #tpu.memory_space<vmem>>, vector<16xf32>,
          tpu.vector_store %arg11[%swap3A_420, %swap3A_421], %get3A_419 {add = true, strides = array<i32>} : memref<80x768xf32, #tpu.memory_space<vmem>>, vector<16xf32>,
          %get3A_423 = arith.index_cast %scan3A_135 : i32 to index
          %get3A_424 = arith.constant 752 : index
          %get3A_425 = tpu.vector_load %arg10[%get3A_423, %get3A_424] {strides = array<i32>} : memref<32x768xf32, #tpu.memory_space<vmem>>, vector<16xf32>,
          %swap3A_426 = arith.index_cast %squeeze3A : i32 to index
          %swap3A_427 = arith.constant 752 : index
          %swap3A_428 = tpu.vector_load %arg11[%swap3A_426, %swap3A_427] {strides = array<i32>} : memref<80x768xf32, #tpu.memory_space<vmem>>, vector<16xf32>,
          tpu.vector_store %arg11[%swap3A_426, %swap3A_427], %get3A_425 {add = true, strides = array<i32>} : memref<80x768xf32, #tpu.memory_space<vmem>>, vector<16xf32>,
          %scan3A_429 = arith.constant 0 : i32
          scf.yield %scan3A_429 : i32
        }
        %scan3A_133 = arith.constant 32 : i32
        %while3A_134 = arith.constant 0 : i32
        scf.yield %while3A_134 : i32
      }
      %scan3A_116 = arith.constant 0 : i32
      scf.yield %scan3A_116 : i32
    }
    %scan3A_12 = arith.constant 16 : i32
    "tpu.region"() ({
      %run_scoped3A = tpu.sem_alloc : memref<!tpu.dma_semaphore, #tpu.memory_space<semaphore_mem>>
      %dma_start3A = arith.constant 0 : i32
      %dma_start3A_52 = tpu.memref_slice %arg5[%add3A_4, %dma_start3A] : memref<10240x768xf32, #tpu.memory_space<hbm>> -> memref<80x768xf32, #tpu.memory_space<hbm>>
      %dma_start3A_53 = arith.constant 0 : i32
      %dma_start3A_54 = tpu.memref_slice %arg5[%add3A_4, %dma_start3A_53] : memref<10240x768xf32, #tpu.memory_space<hbm>> -> memref<80x768xf32, #tpu.memory_space<hbm>>
      tpu.enqueue_dma source(%arg11 : memref<80x768xf32, #tpu.memory_space<vmem>>) target(%dma_start3A_54 : memref<80x768xf32, #tpu.memory_space<hbm>>) target_semaphore(%run_scoped3A : memref<!tpu.dma_semaphore, #tpu.memory_space<semaphore_mem>>)
      %dma_wait3A = arith.constant 0 : i32
      %dma_wait3A_55 = tpu.memref_slice %arg5[%add3A_4, %dma_wait3A] : memref<10240x768xf32, #tpu.memory_space<hbm>> -> memref<80x768xf32, #tpu.memory_space<hbm>>
      %dma_wait3A_56 = arith.constant 0 : i32
      %dma_wait3A_57 = tpu.memref_slice %arg5[%add3A_4, %dma_wait3A_56] : memref<10240x768xf32, #tpu.memory_space<hbm>> -> memref<80x768xf32, #tpu.memory_space<hbm>>
      tpu.wait_dma2 semaphore(%run_scoped3A : memref<!tpu.dma_semaphore, #tpu.memory_space<semaphore_mem>>) src(%arg11 : memref<80x768xf32, #tpu.memory_space<vmem>>) dst(%dma_wait3A_57 : memref<80x768xf32, #tpu.memory_space<hbm>>)
      tpu.yield
    }) : () -> ()
    %mul3A_13 = arith.constant 320 : i32
    %mul3A_14 = arith.muli %add3A, %mul3A_13 : i32
    %add3A_15 = arith.constant 80 : i32
    %add3A_16 = arith.addi %mul3A_14, %add3A_15 : i32
    %add3A_17 = arith.constant 80 : i32
    %add3A_18 = arith.addi %add3A_16, %add3A_17 : i32
    "tpu.region"() ({
      %run_scoped3A = tpu.sem_alloc : memref<!tpu.dma_semaphore, #tpu.memory_space<semaphore_mem>>
      %dma_start3A = arith.constant 10160 : i32
      %dma_start3A_52 = arith.constant 0 : i32
      %dma_start3A_53 = tpu.memref_slice %arg2[%dma_start3A, %dma_start3A_52] : memref<10240x768xf32, #tpu.memory_space<hbm>> -> memref<80x768xf32, #tpu.memory_space<hbm>>
      %dma_start3A_54 = arith.constant 10160 : i32
      %dma_start3A_55 = arith.constant 0 : i32
      %dma_start3A_56 = tpu.memref_slice %arg2[%dma_start3A_54, %dma_start3A_55] : memref<10240x768xf32, #tpu.memory_space<hbm>> -> memref<80x768xf32, #tpu.memory_space<hbm>>
      tpu.enqueue_dma source(%dma_start3A_56 : memref<80x768xf32, #tpu.memory_space<hbm>>) target(%arg11 : memref<80x768xf32, #tpu.memory_space<vmem>>) target_semaphore(%run_scoped3A : memref<!tpu.dma_semaphore, #tpu.memory_space<semaphore_mem>>)
      %dma_wait3A = arith.constant 10160 : i32
      %dma_wait3A_57 = arith.constant 0 : i32
      %dma_wait3A_58 = tpu.memref_slice %arg2[%dma_wait3A, %dma_wait3A_57] : memref<10240x768xf32, #tpu.memory_space<hbm>> -> memref<80x768xf32, #tpu.memory_space<hbm>>
      %dma_wait3A_59 = arith.constant 10160 : i32
      %dma_wait3A_60 = arith.constant 0 : i32
      %dma_wait3A_61 = tpu.memref_slice %arg2[%dma_wait3A_59, %dma_wait3A_60] : memref<10240x768xf32, #tpu.memory_space<hbm>> -> memref<80x768xf32, #tpu.memory_space<hbm>>
      tpu.wait_dma2 semaphore(%run_scoped3A : memref<!tpu.dma_semaphore, #tpu.memory_space<semaphore_mem>>) src(%dma_wait3A_61 : memref<80x768xf32, #tpu.memory_space<hbm>>) dst(%arg11 : memref<80x768xf32, #tpu.memory_space<vmem>>)
      tpu.yield
    }) : () -> ()
    %scan3A_19 = arith.constant 0 : i32
    %scan3A_20 = arith.constant 0 : i32
    %scan3A_21 = arith.constant 16 : i32
    %scan3A_22 = arith.addi %scan3A_20, %scan3A_21 : i32
    %scan3A_23 = arith.constant 1 : i32
    %scan3A_24 = scf.for %scan3A_52 = %scan3A_20 to %scan3A_22 step %scan3A_23 iter_args(%scan3A_53 = %scan3A_19) -> (i32)  : i32 {
      %mul3A_54 = arith.constant 6400 : i32
      %mul3A_55 = arith.muli %scan3A_52, %mul3A_54 : i32
      "tpu.region"() ({
        %run_scoped3A = tpu.sem_alloc : memref<!tpu.dma_semaphore, #tpu.memory_space<semaphore_mem>>
        %dma_start3A = tpu.memref_slice %arg3[%mul3A_55] : memref<102400xi32, #tpu.memory_space<hbm>> -> memref<6400xi32, #tpu.memory_space<hbm>>
        %dma_start3A_117 = tpu.memref_slice %arg3[%mul3A_55] : memref<102400xi32, #tpu.memory_space<hbm>> -> memref<6400xi32, #tpu.memory_space<hbm>>
        tpu.enqueue_dma source(%dma_start3A_117 : memref<6400xi32, #tpu.memory_space<hbm>>) target(%arg6 : memref<6400xi32, #tpu.memory_space<vmem>>) target_semaphore(%run_scoped3A : memref<!tpu.dma_semaphore, #tpu.memory_space<semaphore_mem>>)
        %dma_wait3A = tpu.memref_slice %arg3[%mul3A_55] : memref<102400xi32, #tpu.memory_space<hbm>> -> memref<6400xi32, #tpu.memory_space<hbm>>
        %dma_wait3A_118 = tpu.memref_slice %arg3[%mul3A_55] : memref<102400xi32, #tpu.memory_space<hbm>> -> memref<6400xi32, #tpu.memory_space<hbm>>
        tpu.wait_dma2 semaphore(%run_scoped3A : memref<!tpu.dma_semaphore, #tpu.memory_space<semaphore_mem>>) src(%dma_wait3A_118 : memref<6400xi32, #tpu.memory_space<hbm>>) dst(%arg6 : memref<6400xi32, #tpu.memory_space<vmem>>)
        tpu.yield
      }) : () -> ()
      "tpu.region"() ({
        %run_scoped3A = tpu.sem_alloc : memref<!tpu.dma_semaphore, #tpu.memory_space<semaphore_mem>>
        %dma_start3A = tpu.memref_slice %arg4[%mul3A_55] : memref<102400xi32, #tpu.memory_space<hbm>> -> memref<6400xi32, #tpu.memory_space<hbm>>
        %dma_start3A_117 = tpu.memref_slice %arg4[%mul3A_55] : memref<102400xi32, #tpu.memory_space<hbm>> -> memref<6400xi32, #tpu.memory_space<hbm>>
        tpu.enqueue_dma source(%dma_start3A_117 : memref<6400xi32, #tpu.memory_space<hbm>>) target(%arg7 : memref<6400xi32, #tpu.memory_space<vmem>>) target_semaphore(%run_scoped3A : memref<!tpu.dma_semaphore, #tpu.memory_space<semaphore_mem>>)
        %dma_wait3A = tpu.memref_slice %arg4[%mul3A_55] : memref<102400xi32, #tpu.memory_space<hbm>> -> memref<6400xi32, #tpu.memory_space<hbm>>
        %dma_wait3A_118 = tpu.memref_slice %arg4[%mul3A_55] : memref<102400xi32, #tpu.memory_space<hbm>> -> memref<6400xi32, #tpu.memory_space<hbm>>
        tpu.wait_dma2 semaphore(%run_scoped3A : memref<!tpu.dma_semaphore, #tpu.memory_space<semaphore_mem>>) src(%dma_wait3A_118 : memref<6400xi32, #tpu.memory_space<hbm>>) dst(%arg7 : memref<6400xi32, #tpu.memory_space<vmem>>)
        tpu.yield
      }) : () -> ()
      %scan3A_56 = arith.constant 0 : i32
      %scan3A_57 = arith.constant 0 : i32
      %scan3A_58 = arith.constant 400 : i32
      %scan3A_59 = arith.addi %scan3A_57, %scan3A_58 : i32
      %scan3A_60 = arith.constant 1 : i32
      %scan3A_61 = scf.for %scan3A_117 = %scan3A_57 to %scan3A_59 step %scan3A_60 iter_args(%scan3A_118 = %scan3A_56) -> (i32)  : i32 {
        %mul3A_119 = arith.constant 16 : i32
        %mul3A_120 = arith.muli %scan3A_117, %mul3A_119 : i32
        %get3A = arith.index_cast %mul3A_120 : i32 to index
        %get3A_121 = tpu.vector_load %arg7[%get3A] {strides = array<i32>} : memref<6400xi32, #tpu.memory_space<vmem>>, vector<16xi32>,
        %ge3A = vector.broadcast %add3A_16 : i32 to vector<16xi32>
        %ge3A_122 = arith.cmpi sge, %get3A_121, %ge3A : vector<16xi32>
        %lt3A = vector.broadcast %add3A_18 : i32 to vector<16xi32>
        %lt3A_123 = arith.cmpi slt, %get3A_121, %lt3A : vector<16xi32>
        %and3A_124 = arith.andi %ge3A_122, %lt3A_123 : vector<16xi1>
        %sub3A_125 = vector.broadcast %add3A_16 : i32 to vector<16xi32>
        %sub3A_126 = arith.subi %get3A_121, %sub3A_125 : vector<16xi32>
        %swap3A_127 = arith.index_cast %scan3A_118 : i32 to index
        %swap3A_128 = tpu.vector_load %arg9[%swap3A_127] masked %and3A_124 {strides = array<i32>} : memref<6448xi32, #tpu.memory_space<vmem>>, vector<16xi32>, vector<16xi1>
        tpu.vector_store %arg9[%swap3A_127], %sub3A_126 masked %and3A_124 {strides = array<i32>} : memref<6448xi32, #tpu.memory_space<vmem>>, vector<16xi32>, vector<16xi1>
        %mul3A_129 = arith.constant 16 : i32
        %mul3A_130 = arith.muli %scan3A_117, %mul3A_129 : i32
        %get3A_131 = arith.index_cast %mul3A_130 : i32 to index
        %get3A_132 = tpu.vector_load %arg6[%get3A_131] {strides = array<i32>} : memref<6400xi32, #tpu.memory_space<vmem>>, vector<16xi32>,
        %swap3A_133 = arith.index_cast %scan3A_118 : i32 to index
        %swap3A_134 = tpu.vector_load %arg8[%swap3A_133] masked %and3A_124 {strides = array<i32>} : memref<6448xi32, #tpu.memory_space<vmem>>, vector<16xi32>, vector<16xi1>
        tpu.vector_store %arg8[%swap3A_133], %get3A_132 masked %and3A_124 {strides = array<i32>} : memref<6448xi32, #tpu.memory_space<vmem>>, vector<16xi32>, vector<16xi1>
        %convert_element_type3A = arith.extui %and3A_124 : vector<16xi1> to vector<16xi32>
        %reduce_sum3A = arith.constant true
        %reduce_sum3A_135 = vector.broadcast %reduce_sum3A : i1 to vector<16xi1>
        %reduce_sum3A_136 = tpu.scan <sum>, %convert_element_type3A masked %reduce_sum3A_135 : vector<16xi32>, vector<16xi1> -> vector<16xi32>
        %reduce_sum3A_137 = vector.extract %reduce_sum3A_136[15] : i32 from vector<16xi32>
        %add3A_138 = arith.addi %scan3A_118, %reduce_sum3A_137 : i32
        scf.yield %add3A_138 : i32
      }
      %scan3A_62 = arith.constant 400 : i32
      %broadcast_in_dim3A = arith.constant 0 : i32
      %broadcast_in_dim3A_63 = vector.broadcast %broadcast_in_dim3A : i32 to vector<16xi32>
      %add3A_64 = arith.constant 0 : i32
      %add3A_65 = arith.addi %scan3A_61, %add3A_64 : i32
      %swap3A = arith.index_cast %add3A_65 : i32 to index
      %swap3A_66 = tpu.vector_load %arg9[%swap3A] {strides = array<i32>} : memref<6448xi32, #tpu.memory_space<vmem>>, vector<16xi32>,
      tpu.vector_store %arg9[%swap3A], %broadcast_in_dim3A_63 {strides = array<i32>} : memref<6448xi32, #tpu.memory_space<vmem>>, vector<16xi32>,
      %broadcast_in_dim3A_67 = arith.constant 10200 : i32
      %broadcast_in_dim3A_68 = vector.broadcast %broadcast_in_dim3A_67 : i32 to vector<16xi32>
      %add3A_69 = arith.constant 0 : i32
      %add3A_70 = arith.addi %scan3A_61, %add3A_69 : i32
      %swap3A_71 = arith.index_cast %add3A_70 : i32 to index
      %swap3A_72 = tpu.vector_load %arg8[%swap3A_71] {strides = array<i32>} : memref<6448xi32, #tpu.memory_space<vmem>>, vector<16xi32>,
      tpu.vector_store %arg8[%swap3A_71], %broadcast_in_dim3A_68 {strides = array<i32>} : memref<6448xi32, #tpu.memory_space<vmem>>, vector<16xi32>,
      %broadcast_in_dim3A_73 = arith.constant 0 : i32
      %broadcast_in_dim3A_74 = vector.broadcast %broadcast_in_dim3A_73 : i32 to vector<16xi32>
      %add3A_75 = arith.constant 16 : i32
      %add3A_76 = arith.addi %scan3A_61, %add3A_75 : i32
      %swap3A_77 = arith.index_cast %add3A_76 : i32 to index
      %swap3A_78 = tpu.vector_load %arg9[%swap3A_77] {strides = array<i32>} : memref<6448xi32, #tpu.memory_space<vmem>>, vector<16xi32>,
      tpu.vector_store %arg9[%swap3A_77], %broadcast_in_dim3A_74 {strides = array<i32>} : memref<6448xi32, #tpu.memory_space<vmem>>, vector<16xi32>,
      %broadcast_in_dim3A_79 = arith.constant 10200 : i32
      %broadcast_in_dim3A_80 = vector.broadcast %broadcast_in_dim3A_79 : i32 to vector<16xi32>
      %add3A_81 = arith.constant 16 : i32
      %add3A_82 = arith.addi %scan3A_61, %add3A_81 : i32
      %swap3A_83 = arith.index_cast %add3A_82 : i32 to index
      %swap3A_84 = tpu.vector_load %arg8[%swap3A_83] {strides = array<i32>} : memref<6448xi32, #tpu.memory_space<vmem>>, vector<16xi32>,
      tpu.vector_store %arg8[%swap3A_83], %broadcast_in_dim3A_80 {strides = array<i32>} : memref<6448xi32, #tpu.memory_space<vmem>>, vector<16xi32>,
      %add3A_85 = arith.constant 32 : i32
      %add3A_86 = arith.addi %scan3A_61, %add3A_85 : i32
      %sub3A = arith.constant 1 : i32
      %sub3A_87 = arith.subi %add3A_86, %sub3A : i32
      %jit3A = arith.constant 32 : i32
      %div3A = arith.divsi %sub3A_87, %jit3A : i32
      %sign3A = arith.constant 0 : i32
      %sign3A_88 = arith.cmpi sgt, %sub3A_87, %sign3A : i32
      %sign3A_89 = arith.extui %sign3A_88 : i1 to i32
      %sign3A_90 = arith.constant 0 : i32
      %sign3A_91 = arith.cmpi slt, %sub3A_87, %sign3A_90 : i32
      %sign3A_92 = arith.extui %sign3A_91 : i1 to i32
      %sign3A_93 = arith.subi %sign3A_89, %sign3A_92 : i32
      %sign3A_94 = arith.constant 0 : i32
      %sign3A_95 = arith.cmpi sgt, %jit3A, %sign3A_94 : i32
      %sign3A_96 = arith.extui %sign3A_95 : i1 to i32
      %sign3A_97 = arith.constant 0 : i32
      %sign3A_98 = arith.cmpi slt, %jit3A, %sign3A_97 : i32
      %sign3A_99 = arith.extui %sign3A_98 : i1 to i32
      %sign3A_100 = arith.subi %sign3A_96, %sign3A_99 : i32
      %ne3A = arith.cmpi ne, %sign3A_93, %sign3A_100 : i32
      %rem3A = arith.remsi %sub3A_87, %jit3A : i32
      %ne3A_101 = arith.constant 0 : i32
      %ne3A_102 = arith.cmpi ne, %rem3A, %ne3A_101 : i32
      %and3A = arith.andi %ne3A, %ne3A_102 : i1
      %sub3A_103 = arith.constant 1 : i32
      %sub3A_104 = arith.subi %div3A, %sub3A_103 : i32
      %select_n3A = arith.select %and3A, %sub3A_104, %div3A : i32
      %while3A = arith.constant 0 : i32
      %while3A_105 = arith.constant 0 : i32
      %while3A_106 = arith.subi %select_n3A, %while3A : i32
      %while3A_107 = arith.addi %while3A, %while3A_106 : i32
      %while3A_108 = arith.constant 1 : i32
      %while3A_109 = arith.divsi %while3A_106, %while3A_108 : i32
      %while3A_110 = arith.muli %while3A_109, %while3A_108 : i32
      %while3A_111 = arith.addi %while3A, %while3A_110 : i32
      %while3A_112 = arith.constant 1 : i32
      %while3A_113 = scf.for %while3A_117 = %while3A to %while3A_111 step %while3A_112 iter_args(%while3A_118 = %while3A_105) -> (i32)  : i32 {
        %mul3A_119 = arith.constant 32 : i32
        %mul3A_120 = arith.muli %while3A_117, %mul3A_119 : i32
        %dma_start3A = tpu.memref_slice %arg8[%mul3A_120] : memref<6448xi32, #tpu.memory_space<vmem>> -> memref<32xi32, #tpu.memory_space<vmem>>
        %dma_start3A_121 = arith.constant 0 : i32
        %dma_start3A_122 = arith.constant 0 : i32
        %dma_start3A_123 = tpu.memref_slice %arg2[%dma_start3A_121, %dma_start3A_122] : memref<10240x768xf32, #tpu.memory_space<hbm>> -> memref<10240x768xf32, #tpu.memory_space<hbm>>
        tpu.enqueue_indirect_dma source(%dma_start3A_123 : memref<10240x768xf32, #tpu.memory_space<hbm>>) target(%arg10 : memref<32x768xf32, #tpu.memory_space<vmem>>) offsets(%dma_start3A : memref<32xi32, #tpu.memory_space<vmem>>) semaphore(%arg12 : memref<!tpu.dma_semaphore, #tpu.memory_space<semaphore_mem>>)
        %dma_wait3A = tpu.memref_slice %arg8[%mul3A_120] : memref<6448xi32, #tpu.memory_space<vmem>> -> memref<32xi32, #tpu.memory_space<vmem>>
        %dma_wait3A_124 = arith.constant 0 : i32
        %dma_wait3A_125 = arith.constant 0 : i32
        %dma_wait3A_126 = tpu.memref_slice %arg2[%dma_wait3A_124, %dma_wait3A_125] : memref<10240x768xf32, #tpu.memory_space<hbm>> -> memref<10240x768xf32, #tpu.memory_space<hbm>>
        tpu.wait_indirect_dma semaphore(%arg12 : memref<!tpu.dma_semaphore, #tpu.memory_space<semaphore_mem>>) src(%dma_wait3A_126 : memref<10240x768xf32, #tpu.memory_space<hbm>>) dst(%arg10 : memref<32x768xf32, #tpu.memory_space<vmem>>)
        %scan3A_127 = arith.constant 0 : i32
        %scan3A_128 = arith.constant 0 : i32
        %scan3A_129 = arith.constant 32 : i32
        %scan3A_130 = arith.addi %scan3A_128, %scan3A_129 : i32
        %scan3A_131 = arith.constant 1 : i32
        %scan3A_132 = scf.for %scan3A_135 = %scan3A_128 to %scan3A_130 step %scan3A_131 iter_args(%scan3A_136 = %scan3A_127) -> (i32)  : i32 {
          %mul3A_137 = arith.constant 32 : i32
          %mul3A_138 = arith.muli %while3A_117, %mul3A_137 : i32
          %add3A_139 = arith.addi %mul3A_138, %scan3A_135 : i32
          %get3A = arith.index_cast %add3A_139 : i32 to index
          %get3A_140 = tpu.vector_load %arg9[%get3A] {strides = array<i32>} : memref<6448xi32, #tpu.memory_space<vmem>>, vector<16xi32>,
          %slice3A = vector.extract_strided_slice %get3A_140 {offsets = [0], sizes = [1], strides = [1]} : vector<16xi32> to vector<1xi32>
          %squeeze3A = vector.extract %slice3A[0] : i32 from vector<1xi32>
          %get3A_141 = arith.index_cast %scan3A_135 : i32 to index
          %get3A_142 = arith.constant 0 : index
          %get3A_143 = tpu.vector_load %arg10[%get3A_141, %get3A_142] {strides = array<i32>} : memref<32x768xf32, #tpu.memory_space<vmem>>, vector<16xf32>,
          %swap3A_144 = arith.index_cast %squeeze3A : i32 to index
          %swap3A_145 = arith.constant 0 : index
          %swap3A_146 = tpu.vector_load %arg11[%swap3A_144, %swap3A_145] {strides = array<i32>} : memref<80x768xf32, #tpu.memory_space<vmem>>, vector<16xf32>,
          tpu.vector_store %arg11[%swap3A_144, %swap3A_145], %get3A_143 {add = true, strides = array<i32>} : memref<80x768xf32, #tpu.memory_space<vmem>>, vector<16xf32>,
          %get3A_147 = arith.index_cast %scan3A_135 : i32 to index
          %get3A_148 = arith.constant 16 : index
          %get3A_149 = tpu.vector_load %arg10[%get3A_147, %get3A_148] {strides = array<i32>} : memref<32x768xf32, #tpu.memory_space<vmem>>, vector<16xf32>,
          %swap3A_150 = arith.index_cast %squeeze3A : i32 to index
          %swap3A_151 = arith.constant 16 : index
          %swap3A_152 = tpu.vector_load %arg11[%swap3A_150, %swap3A_151] {strides = array<i32>} : memref<80x768xf32, #tpu.memory_space<vmem>>, vector<16xf32>,
          tpu.vector_store %arg11[%swap3A_150, %swap3A_151], %get3A_149 {add = true, strides = array<i32>} : memref<80x768xf32, #tpu.memory_space<vmem>>, vector<16xf32>,
          %get3A_153 = arith.index_cast %scan3A_135 : i32 to index
          %get3A_154 = arith.constant 32 : index
          %get3A_155 = tpu.vector_load %arg10[%get3A_153, %get3A_154] {strides = array<i32>} : memref<32x768xf32, #tpu.memory_space<vmem>>, vector<16xf32>,
          %swap3A_156 = arith.index_cast %squeeze3A : i32 to index
          %swap3A_157 = arith.constant 32 : index
          %swap3A_158 = tpu.vector_load %arg11[%swap3A_156, %swap3A_157] {strides = array<i32>} : memref<80x768xf32, #tpu.memory_space<vmem>>, vector<16xf32>,
          tpu.vector_store %arg11[%swap3A_156, %swap3A_157], %get3A_155 {add = true, strides = array<i32>} : memref<80x768xf32, #tpu.memory_space<vmem>>, vector<16xf32>,
          %get3A_159 = arith.index_cast %scan3A_135 : i32 to index
          %get3A_160 = arith.constant 48 : index
          %get3A_161 = tpu.vector_load %arg10[%get3A_159, %get3A_160] {strides = array<i32>} : memref<32x768xf32, #tpu.memory_space<vmem>>, vector<16xf32>,
          %swap3A_162 = arith.index_cast %squeeze3A : i32 to index
          %swap3A_163 = arith.constant 48 : index
          %swap3A_164 = tpu.vector_load %arg11[%swap3A_162, %swap3A_163] {strides = array<i32>} : memref<80x768xf32, #tpu.memory_space<vmem>>, vector<16xf32>,
          tpu.vector_store %arg11[%swap3A_162, %swap3A_163], %get3A_161 {add = true, strides = array<i32>} : memref<80x768xf32, #tpu.memory_space<vmem>>, vector<16xf32>,
          %get3A_165 = arith.index_cast %scan3A_135 : i32 to index
          %get3A_166 = arith.constant 64 : index
          %get3A_167 = tpu.vector_load %arg10[%get3A_165, %get3A_166] {strides = array<i32>} : memref<32x768xf32, #tpu.memory_space<vmem>>, vector<16xf32>,
          %swap3A_168 = arith.index_cast %squeeze3A : i32 to index
          %swap3A_169 = arith.constant 64 : index
          %swap3A_170 = tpu.vector_load %arg11[%swap3A_168, %swap3A_169] {strides = array<i32>} : memref<80x768xf32, #tpu.memory_space<vmem>>, vector<16xf32>,
          tpu.vector_store %arg11[%swap3A_168, %swap3A_169], %get3A_167 {add = true, strides = array<i32>} : memref<80x768xf32, #tpu.memory_space<vmem>>, vector<16xf32>,
          %get3A_171 = arith.index_cast %scan3A_135 : i32 to index
          %get3A_172 = arith.constant 80 : index
          %get3A_173 = tpu.vector_load %arg10[%get3A_171, %get3A_172] {strides = array<i32>} : memref<32x768xf32, #tpu.memory_space<vmem>>, vector<16xf32>,
          %swap3A_174 = arith.index_cast %squeeze3A : i32 to index
          %swap3A_175 = arith.constant 80 : index
          %swap3A_176 = tpu.vector_load %arg11[%swap3A_174, %swap3A_175] {strides = array<i32>} : memref<80x768xf32, #tpu.memory_space<vmem>>, vector<16xf32>,
          tpu.vector_store %arg11[%swap3A_174, %swap3A_175], %get3A_173 {add = true, strides = array<i32>} : memref<80x768xf32, #tpu.memory_space<vmem>>, vector<16xf32>,
          %get3A_177 = arith.index_cast %scan3A_135 : i32 to index
          %get3A_178 = arith.constant 96 : index
          %get3A_179 = tpu.vector_load %arg10[%get3A_177, %get3A_178] {strides = array<i32>} : memref<32x768xf32, #tpu.memory_space<vmem>>, vector<16xf32>,
          %swap3A_180 = arith.index_cast %squeeze3A : i32 to index
          %swap3A_181 = arith.constant 96 : index
          %swap3A_182 = tpu.vector_load %arg11[%swap3A_180, %swap3A_181] {strides = array<i32>} : memref<80x768xf32, #tpu.memory_space<vmem>>, vector<16xf32>,
          tpu.vector_store %arg11[%swap3A_180, %swap3A_181], %get3A_179 {add = true, strides = array<i32>} : memref<80x768xf32, #tpu.memory_space<vmem>>, vector<16xf32>,
          %get3A_183 = arith.index_cast %scan3A_135 : i32 to index
          %get3A_184 = arith.constant 112 : index
          %get3A_185 = tpu.vector_load %arg10[%get3A_183, %get3A_184] {strides = array<i32>} : memref<32x768xf32, #tpu.memory_space<vmem>>, vector<16xf32>,
          %swap3A_186 = arith.index_cast %squeeze3A : i32 to index
          %swap3A_187 = arith.constant 112 : index
          %swap3A_188 = tpu.vector_load %arg11[%swap3A_186, %swap3A_187] {strides = array<i32>} : memref<80x768xf32, #tpu.memory_space<vmem>>, vector<16xf32>,
          tpu.vector_store %arg11[%swap3A_186, %swap3A_187], %get3A_185 {add = true, strides = array<i32>} : memref<80x768xf32, #tpu.memory_space<vmem>>, vector<16xf32>,
          %get3A_189 = arith.index_cast %scan3A_135 : i32 to index
          %get3A_190 = arith.constant 128 : index
          %get3A_191 = tpu.vector_load %arg10[%get3A_189, %get3A_190] {strides = array<i32>} : memref<32x768xf32, #tpu.memory_space<vmem>>, vector<16xf32>,
          %swap3A_192 = arith.index_cast %squeeze3A : i32 to index
          %swap3A_193 = arith.constant 128 : index
          %swap3A_194 = tpu.vector_load %arg11[%swap3A_192, %swap3A_193] {strides = array<i32>} : memref<80x768xf32, #tpu.memory_space<vmem>>, vector<16xf32>,
          tpu.vector_store %arg11[%swap3A_192, %swap3A_193], %get3A_191 {add = true, strides = array<i32>} : memref<80x768xf32, #tpu.memory_space<vmem>>, vector<16xf32>,
          %get3A_195 = arith.index_cast %scan3A_135 : i32 to index
          %get3A_196 = arith.constant 144 : index
          %get3A_197 = tpu.vector_load %arg10[%get3A_195, %get3A_196] {strides = array<i32>} : memref<32x768xf32, #tpu.memory_space<vmem>>, vector<16xf32>,
          %swap3A_198 = arith.index_cast %squeeze3A : i32 to index
          %swap3A_199 = arith.constant 144 : index
          %swap3A_200 = tpu.vector_load %arg11[%swap3A_198, %swap3A_199] {strides = array<i32>} : memref<80x768xf32, #tpu.memory_space<vmem>>, vector<16xf32>,
          tpu.vector_store %arg11[%swap3A_198, %swap3A_199], %get3A_197 {add = true, strides = array<i32>} : memref<80x768xf32, #tpu.memory_space<vmem>>, vector<16xf32>,
          %get3A_201 = arith.index_cast %scan3A_135 : i32 to index
          %get3A_202 = arith.constant 160 : index
          %get3A_203 = tpu.vector_load %arg10[%get3A_201, %get3A_202] {strides = array<i32>} : memref<32x768xf32, #tpu.memory_space<vmem>>, vector<16xf32>,
          %swap3A_204 = arith.index_cast %squeeze3A : i32 to index
          %swap3A_205 = arith.constant 160 : index
          %swap3A_206 = tpu.vector_load %arg11[%swap3A_204, %swap3A_205] {strides = array<i32>} : memref<80x768xf32, #tpu.memory_space<vmem>>, vector<16xf32>,
          tpu.vector_store %arg11[%swap3A_204, %swap3A_205], %get3A_203 {add = true, strides = array<i32>} : memref<80x768xf32, #tpu.memory_space<vmem>>, vector<16xf32>,
          %get3A_207 = arith.index_cast %scan3A_135 : i32 to index
          %get3A_208 = arith.constant 176 : index
          %get3A_209 = tpu.vector_load %arg10[%get3A_207, %get3A_208] {strides = array<i32>} : memref<32x768xf32, #tpu.memory_space<vmem>>, vector<16xf32>,
          %swap3A_210 = arith.index_cast %squeeze3A : i32 to index
          %swap3A_211 = arith.constant 176 : index
          %swap3A_212 = tpu.vector_load %arg11[%swap3A_210, %swap3A_211] {strides = array<i32>} : memref<80x768xf32, #tpu.memory_space<vmem>>, vector<16xf32>,
          tpu.vector_store %arg11[%swap3A_210, %swap3A_211], %get3A_209 {add = true, strides = array<i32>} : memref<80x768xf32, #tpu.memory_space<vmem>>, vector<16xf32>,
          %get3A_213 = arith.index_cast %scan3A_135 : i32 to index
          %get3A_214 = arith.constant 192 : index
          %get3A_215 = tpu.vector_load %arg10[%get3A_213, %get3A_214] {strides = array<i32>} : memref<32x768xf32, #tpu.memory_space<vmem>>, vector<16xf32>,
          %swap3A_216 = arith.index_cast %squeeze3A : i32 to index
          %swap3A_217 = arith.constant 192 : index
          %swap3A_218 = tpu.vector_load %arg11[%swap3A_216, %swap3A_217] {strides = array<i32>} : memref<80x768xf32, #tpu.memory_space<vmem>>, vector<16xf32>,
          tpu.vector_store %arg11[%swap3A_216, %swap3A_217], %get3A_215 {add = true, strides = array<i32>} : memref<80x768xf32, #tpu.memory_space<vmem>>, vector<16xf32>,
          %get3A_219 = arith.index_cast %scan3A_135 : i32 to index
          %get3A_220 = arith.constant 208 : index
          %get3A_221 = tpu.vector_load %arg10[%get3A_219, %get3A_220] {strides = array<i32>} : memref<32x768xf32, #tpu.memory_space<vmem>>, vector<16xf32>,
          %swap3A_222 = arith.index_cast %squeeze3A : i32 to index
          %swap3A_223 = arith.constant 208 : index
          %swap3A_224 = tpu.vector_load %arg11[%swap3A_222, %swap3A_223] {strides = array<i32>} : memref<80x768xf32, #tpu.memory_space<vmem>>, vector<16xf32>,
          tpu.vector_store %arg11[%swap3A_222, %swap3A_223], %get3A_221 {add = true, strides = array<i32>} : memref<80x768xf32, #tpu.memory_space<vmem>>, vector<16xf32>,
          %get3A_225 = arith.index_cast %scan3A_135 : i32 to index
          %get3A_226 = arith.constant 224 : index
          %get3A_227 = tpu.vector_load %arg10[%get3A_225, %get3A_226] {strides = array<i32>} : memref<32x768xf32, #tpu.memory_space<vmem>>, vector<16xf32>,
          %swap3A_228 = arith.index_cast %squeeze3A : i32 to index
          %swap3A_229 = arith.constant 224 : index
          %swap3A_230 = tpu.vector_load %arg11[%swap3A_228, %swap3A_229] {strides = array<i32>} : memref<80x768xf32, #tpu.memory_space<vmem>>, vector<16xf32>,
          tpu.vector_store %arg11[%swap3A_228, %swap3A_229], %get3A_227 {add = true, strides = array<i32>} : memref<80x768xf32, #tpu.memory_space<vmem>>, vector<16xf32>,
          %get3A_231 = arith.index_cast %scan3A_135 : i32 to index
          %get3A_232 = arith.constant 240 : index
          %get3A_233 = tpu.vector_load %arg10[%get3A_231, %get3A_232] {strides = array<i32>} : memref<32x768xf32, #tpu.memory_space<vmem>>, vector<16xf32>,
          %swap3A_234 = arith.index_cast %squeeze3A : i32 to index
          %swap3A_235 = arith.constant 240 : index
          %swap3A_236 = tpu.vector_load %arg11[%swap3A_234, %swap3A_235] {strides = array<i32>} : memref<80x768xf32, #tpu.memory_space<vmem>>, vector<16xf32>,
          tpu.vector_store %arg11[%swap3A_234, %swap3A_235], %get3A_233 {add = true, strides = array<i32>} : memref<80x768xf32, #tpu.memory_space<vmem>>, vector<16xf32>,
          %get3A_237 = arith.index_cast %scan3A_135 : i32 to index
          %get3A_238 = arith.constant 256 : index
          %get3A_239 = tpu.vector_load %arg10[%get3A_237, %get3A_238] {strides = array<i32>} : memref<32x768xf32, #tpu.memory_space<vmem>>, vector<16xf32>,
          %swap3A_240 = arith.index_cast %squeeze3A : i32 to index
          %swap3A_241 = arith.constant 256 : index
          %swap3A_242 = tpu.vector_load %arg11[%swap3A_240, %swap3A_241] {strides = array<i32>} : memref<80x768xf32, #tpu.memory_space<vmem>>, vector<16xf32>,
          tpu.vector_store %arg11[%swap3A_240, %swap3A_241], %get3A_239 {add = true, strides = array<i32>} : memref<80x768xf32, #tpu.memory_space<vmem>>, vector<16xf32>,
          %get3A_243 = arith.index_cast %scan3A_135 : i32 to index
          %get3A_244 = arith.constant 272 : index
          %get3A_245 = tpu.vector_load %arg10[%get3A_243, %get3A_244] {strides = array<i32>} : memref<32x768xf32, #tpu.memory_space<vmem>>, vector<16xf32>,
          %swap3A_246 = arith.index_cast %squeeze3A : i32 to index
          %swap3A_247 = arith.constant 272 : index
          %swap3A_248 = tpu.vector_load %arg11[%swap3A_246, %swap3A_247] {strides = array<i32>} : memref<80x768xf32, #tpu.memory_space<vmem>>, vector<16xf32>,
          tpu.vector_store %arg11[%swap3A_246, %swap3A_247], %get3A_245 {add = true, strides = array<i32>} : memref<80x768xf32, #tpu.memory_space<vmem>>, vector<16xf32>,
          %get3A_249 = arith.index_cast %scan3A_135 : i32 to index
          %get3A_250 = arith.constant 288 : index
          %get3A_251 = tpu.vector_load %arg10[%get3A_249, %get3A_250] {strides = array<i32>} : memref<32x768xf32, #tpu.memory_space<vmem>>, vector<16xf32>,
          %swap3A_252 = arith.index_cast %squeeze3A : i32 to index
          %swap3A_253 = arith.constant 288 : index
          %swap3A_254 = tpu.vector_load %arg11[%swap3A_252, %swap3A_253] {strides = array<i32>} : memref<80x768xf32, #tpu.memory_space<vmem>>, vector<16xf32>,
          tpu.vector_store %arg11[%swap3A_252, %swap3A_253], %get3A_251 {add = true, strides = array<i32>} : memref<80x768xf32, #tpu.memory_space<vmem>>, vector<16xf32>,
          %get3A_255 = arith.index_cast %scan3A_135 : i32 to index
          %get3A_256 = arith.constant 304 : index
          %get3A_257 = tpu.vector_load %arg10[%get3A_255, %get3A_256] {strides = array<i32>} : memref<32x768xf32, #tpu.memory_space<vmem>>, vector<16xf32>,
          %swap3A_258 = arith.index_cast %squeeze3A : i32 to index
          %swap3A_259 = arith.constant 304 : index
          %swap3A_260 = tpu.vector_load %arg11[%swap3A_258, %swap3A_259] {strides = array<i32>} : memref<80x768xf32, #tpu.memory_space<vmem>>, vector<16xf32>,
          tpu.vector_store %arg11[%swap3A_258, %swap3A_259], %get3A_257 {add = true, strides = array<i32>} : memref<80x768xf32, #tpu.memory_space<vmem>>, vector<16xf32>,
          %get3A_261 = arith.index_cast %scan3A_135 : i32 to index
          %get3A_262 = arith.constant 320 : index
          %get3A_263 = tpu.vector_load %arg10[%get3A_261, %get3A_262] {strides = array<i32>} : memref<32x768xf32, #tpu.memory_space<vmem>>, vector<16xf32>,
          %swap3A_264 = arith.index_cast %squeeze3A : i32 to index
          %swap3A_265 = arith.constant 320 : index
          %swap3A_266 = tpu.vector_load %arg11[%swap3A_264, %swap3A_265] {strides = array<i32>} : memref<80x768xf32, #tpu.memory_space<vmem>>, vector<16xf32>,
          tpu.vector_store %arg11[%swap3A_264, %swap3A_265], %get3A_263 {add = true, strides = array<i32>} : memref<80x768xf32, #tpu.memory_space<vmem>>, vector<16xf32>,
          %get3A_267 = arith.index_cast %scan3A_135 : i32 to index
          %get3A_268 = arith.constant 336 : index
          %get3A_269 = tpu.vector_load %arg10[%get3A_267, %get3A_268] {strides = array<i32>} : memref<32x768xf32, #tpu.memory_space<vmem>>, vector<16xf32>,
          %swap3A_270 = arith.index_cast %squeeze3A : i32 to index
          %swap3A_271 = arith.constant 336 : index
          %swap3A_272 = tpu.vector_load %arg11[%swap3A_270, %swap3A_271] {strides = array<i32>} : memref<80x768xf32, #tpu.memory_space<vmem>>, vector<16xf32>,
          tpu.vector_store %arg11[%swap3A_270, %swap3A_271], %get3A_269 {add = true, strides = array<i32>} : memref<80x768xf32, #tpu.memory_space<vmem>>, vector<16xf32>,
          %get3A_273 = arith.index_cast %scan3A_135 : i32 to index
          %get3A_274 = arith.constant 352 : index
          %get3A_275 = tpu.vector_load %arg10[%get3A_273, %get3A_274] {strides = array<i32>} : memref<32x768xf32, #tpu.memory_space<vmem>>, vector<16xf32>,
          %swap3A_276 = arith.index_cast %squeeze3A : i32 to index
          %swap3A_277 = arith.constant 352 : index
          %swap3A_278 = tpu.vector_load %arg11[%swap3A_276, %swap3A_277] {strides = array<i32>} : memref<80x768xf32, #tpu.memory_space<vmem>>, vector<16xf32>,
          tpu.vector_store %arg11[%swap3A_276, %swap3A_277], %get3A_275 {add = true, strides = array<i32>} : memref<80x768xf32, #tpu.memory_space<vmem>>, vector<16xf32>,
          %get3A_279 = arith.index_cast %scan3A_135 : i32 to index
          %get3A_280 = arith.constant 368 : index
          %get3A_281 = tpu.vector_load %arg10[%get3A_279, %get3A_280] {strides = array<i32>} : memref<32x768xf32, #tpu.memory_space<vmem>>, vector<16xf32>,
          %swap3A_282 = arith.index_cast %squeeze3A : i32 to index
          %swap3A_283 = arith.constant 368 : index
          %swap3A_284 = tpu.vector_load %arg11[%swap3A_282, %swap3A_283] {strides = array<i32>} : memref<80x768xf32, #tpu.memory_space<vmem>>, vector<16xf32>,
          tpu.vector_store %arg11[%swap3A_282, %swap3A_283], %get3A_281 {add = true, strides = array<i32>} : memref<80x768xf32, #tpu.memory_space<vmem>>, vector<16xf32>,
          %get3A_285 = arith.index_cast %scan3A_135 : i32 to index
          %get3A_286 = arith.constant 384 : index
          %get3A_287 = tpu.vector_load %arg10[%get3A_285, %get3A_286] {strides = array<i32>} : memref<32x768xf32, #tpu.memory_space<vmem>>, vector<16xf32>,
          %swap3A_288 = arith.index_cast %squeeze3A : i32 to index
          %swap3A_289 = arith.constant 384 : index
          %swap3A_290 = tpu.vector_load %arg11[%swap3A_288, %swap3A_289] {strides = array<i32>} : memref<80x768xf32, #tpu.memory_space<vmem>>, vector<16xf32>,
          tpu.vector_store %arg11[%swap3A_288, %swap3A_289], %get3A_287 {add = true, strides = array<i32>} : memref<80x768xf32, #tpu.memory_space<vmem>>, vector<16xf32>,
          %get3A_291 = arith.index_cast %scan3A_135 : i32 to index
          %get3A_292 = arith.constant 400 : index
          %get3A_293 = tpu.vector_load %arg10[%get3A_291, %get3A_292] {strides = array<i32>} : memref<32x768xf32, #tpu.memory_space<vmem>>, vector<16xf32>,
          %swap3A_294 = arith.index_cast %squeeze3A : i32 to index
          %swap3A_295 = arith.constant 400 : index
          %swap3A_296 = tpu.vector_load %arg11[%swap3A_294, %swap3A_295] {strides = array<i32>} : memref<80x768xf32, #tpu.memory_space<vmem>>, vector<16xf32>,
          tpu.vector_store %arg11[%swap3A_294, %swap3A_295], %get3A_293 {add = true, strides = array<i32>} : memref<80x768xf32, #tpu.memory_space<vmem>>, vector<16xf32>,
          %get3A_297 = arith.index_cast %scan3A_135 : i32 to index
          %get3A_298 = arith.constant 416 : index
          %get3A_299 = tpu.vector_load %arg10[%get3A_297, %get3A_298] {strides = array<i32>} : memref<32x768xf32, #tpu.memory_space<vmem>>, vector<16xf32>,
          %swap3A_300 = arith.index_cast %squeeze3A : i32 to index
          %swap3A_301 = arith.constant 416 : index
          %swap3A_302 = tpu.vector_load %arg11[%swap3A_300, %swap3A_301] {strides = array<i32>} : memref<80x768xf32, #tpu.memory_space<vmem>>, vector<16xf32>,
          tpu.vector_store %arg11[%swap3A_300, %swap3A_301], %get3A_299 {add = true, strides = array<i32>} : memref<80x768xf32, #tpu.memory_space<vmem>>, vector<16xf32>,
          %get3A_303 = arith.index_cast %scan3A_135 : i32 to index
          %get3A_304 = arith.constant 432 : index
          %get3A_305 = tpu.vector_load %arg10[%get3A_303, %get3A_304] {strides = array<i32>} : memref<32x768xf32, #tpu.memory_space<vmem>>, vector<16xf32>,
          %swap3A_306 = arith.index_cast %squeeze3A : i32 to index
          %swap3A_307 = arith.constant 432 : index
          %swap3A_308 = tpu.vector_load %arg11[%swap3A_306, %swap3A_307] {strides = array<i32>} : memref<80x768xf32, #tpu.memory_space<vmem>>, vector<16xf32>,
          tpu.vector_store %arg11[%swap3A_306, %swap3A_307], %get3A_305 {add = true, strides = array<i32>} : memref<80x768xf32, #tpu.memory_space<vmem>>, vector<16xf32>,
          %get3A_309 = arith.index_cast %scan3A_135 : i32 to index
          %get3A_310 = arith.constant 448 : index
          %get3A_311 = tpu.vector_load %arg10[%get3A_309, %get3A_310] {strides = array<i32>} : memref<32x768xf32, #tpu.memory_space<vmem>>, vector<16xf32>,
          %swap3A_312 = arith.index_cast %squeeze3A : i32 to index
          %swap3A_313 = arith.constant 448 : index
          %swap3A_314 = tpu.vector_load %arg11[%swap3A_312, %swap3A_313] {strides = array<i32>} : memref<80x768xf32, #tpu.memory_space<vmem>>, vector<16xf32>,
          tpu.vector_store %arg11[%swap3A_312, %swap3A_313], %get3A_311 {add = true, strides = array<i32>} : memref<80x768xf32, #tpu.memory_space<vmem>>, vector<16xf32>,
          %get3A_315 = arith.index_cast %scan3A_135 : i32 to index
          %get3A_316 = arith.constant 464 : index
          %get3A_317 = tpu.vector_load %arg10[%get3A_315, %get3A_316] {strides = array<i32>} : memref<32x768xf32, #tpu.memory_space<vmem>>, vector<16xf32>,
          %swap3A_318 = arith.index_cast %squeeze3A : i32 to index
          %swap3A_319 = arith.constant 464 : index
          %swap3A_320 = tpu.vector_load %arg11[%swap3A_318, %swap3A_319] {strides = array<i32>} : memref<80x768xf32, #tpu.memory_space<vmem>>, vector<16xf32>,
          tpu.vector_store %arg11[%swap3A_318, %swap3A_319], %get3A_317 {add = true, strides = array<i32>} : memref<80x768xf32, #tpu.memory_space<vmem>>, vector<16xf32>,
          %get3A_321 = arith.index_cast %scan3A_135 : i32 to index
          %get3A_322 = arith.constant 480 : index
          %get3A_323 = tpu.vector_load %arg10[%get3A_321, %get3A_322] {strides = array<i32>} : memref<32x768xf32, #tpu.memory_space<vmem>>, vector<16xf32>,
          %swap3A_324 = arith.index_cast %squeeze3A : i32 to index
          %swap3A_325 = arith.constant 480 : index
          %swap3A_326 = tpu.vector_load %arg11[%swap3A_324, %swap3A_325] {strides = array<i32>} : memref<80x768xf32, #tpu.memory_space<vmem>>, vector<16xf32>,
          tpu.vector_store %arg11[%swap3A_324, %swap3A_325], %get3A_323 {add = true, strides = array<i32>} : memref<80x768xf32, #tpu.memory_space<vmem>>, vector<16xf32>,
          %get3A_327 = arith.index_cast %scan3A_135 : i32 to index
          %get3A_328 = arith.constant 496 : index
          %get3A_329 = tpu.vector_load %arg10[%get3A_327, %get3A_328] {strides = array<i32>} : memref<32x768xf32, #tpu.memory_space<vmem>>, vector<16xf32>,
          %swap3A_330 = arith.index_cast %squeeze3A : i32 to index
          %swap3A_331 = arith.constant 496 : index
          %swap3A_332 = tpu.vector_load %arg11[%swap3A_330, %swap3A_331] {strides = array<i32>} : memref<80x768xf32, #tpu.memory_space<vmem>>, vector<16xf32>,
          tpu.vector_store %arg11[%swap3A_330, %swap3A_331], %get3A_329 {add = true, strides = array<i32>} : memref<80x768xf32, #tpu.memory_space<vmem>>, vector<16xf32>,
          %get3A_333 = arith.index_cast %scan3A_135 : i32 to index
          %get3A_334 = arith.constant 512 : index
          %get3A_335 = tpu.vector_load %arg10[%get3A_333, %get3A_334] {strides = array<i32>} : memref<32x768xf32, #tpu.memory_space<vmem>>, vector<16xf32>,
          %swap3A_336 = arith.index_cast %squeeze3A : i32 to index
          %swap3A_337 = arith.constant 512 : index
          %swap3A_338 = tpu.vector_load %arg11[%swap3A_336, %swap3A_337] {strides = array<i32>} : memref<80x768xf32, #tpu.memory_space<vmem>>, vector<16xf32>,
          tpu.vector_store %arg11[%swap3A_336, %swap3A_337], %get3A_335 {add = true, strides = array<i32>} : memref<80x768xf32, #tpu.memory_space<vmem>>, vector<16xf32>,
          %get3A_339 = arith.index_cast %scan3A_135 : i32 to index
          %get3A_340 = arith.constant 528 : index
          %get3A_341 = tpu.vector_load %arg10[%get3A_339, %get3A_340] {strides = array<i32>} : memref<32x768xf32, #tpu.memory_space<vmem>>, vector<16xf32>,
          %swap3A_342 = arith.index_cast %squeeze3A : i32 to index
          %swap3A_343 = arith.constant 528 : index
          %swap3A_344 = tpu.vector_load %arg11[%swap3A_342, %swap3A_343] {strides = array<i32>} : memref<80x768xf32, #tpu.memory_space<vmem>>, vector<16xf32>,
          tpu.vector_store %arg11[%swap3A_342, %swap3A_343], %get3A_341 {add = true, strides = array<i32>} : memref<80x768xf32, #tpu.memory_space<vmem>>, vector<16xf32>,
          %get3A_345 = arith.index_cast %scan3A_135 : i32 to index
          %get3A_346 = arith.constant 544 : index
          %get3A_347 = tpu.vector_load %arg10[%get3A_345, %get3A_346] {strides = array<i32>} : memref<32x768xf32, #tpu.memory_space<vmem>>, vector<16xf32>,
          %swap3A_348 = arith.index_cast %squeeze3A : i32 to index
          %swap3A_349 = arith.constant 544 : index
          %swap3A_350 = tpu.vector_load %arg11[%swap3A_348, %swap3A_349] {strides = array<i32>} : memref<80x768xf32, #tpu.memory_space<vmem>>, vector<16xf32>,
          tpu.vector_store %arg11[%swap3A_348, %swap3A_349], %get3A_347 {add = true, strides = array<i32>} : memref<80x768xf32, #tpu.memory_space<vmem>>, vector<16xf32>,
          %get3A_351 = arith.index_cast %scan3A_135 : i32 to index
          %get3A_352 = arith.constant 560 : index
          %get3A_353 = tpu.vector_load %arg10[%get3A_351, %get3A_352] {strides = array<i32>} : memref<32x768xf32, #tpu.memory_space<vmem>>, vector<16xf32>,
          %swap3A_354 = arith.index_cast %squeeze3A : i32 to index
          %swap3A_355 = arith.constant 560 : index
          %swap3A_356 = tpu.vector_load %arg11[%swap3A_354, %swap3A_355] {strides = array<i32>} : memref<80x768xf32, #tpu.memory_space<vmem>>, vector<16xf32>,
          tpu.vector_store %arg11[%swap3A_354, %swap3A_355], %get3A_353 {add = true, strides = array<i32>} : memref<80x768xf32, #tpu.memory_space<vmem>>, vector<16xf32>,
          %get3A_357 = arith.index_cast %scan3A_135 : i32 to index
          %get3A_358 = arith.constant 576 : index
          %get3A_359 = tpu.vector_load %arg10[%get3A_357, %get3A_358] {strides = array<i32>} : memref<32x768xf32, #tpu.memory_space<vmem>>, vector<16xf32>,
          %swap3A_360 = arith.index_cast %squeeze3A : i32 to index
          %swap3A_361 = arith.constant 576 : index
          %swap3A_362 = tpu.vector_load %arg11[%swap3A_360, %swap3A_361] {strides = array<i32>} : memref<80x768xf32, #tpu.memory_space<vmem>>, vector<16xf32>,
          tpu.vector_store %arg11[%swap3A_360, %swap3A_361], %get3A_359 {add = true, strides = array<i32>} : memref<80x768xf32, #tpu.memory_space<vmem>>, vector<16xf32>,
          %get3A_363 = arith.index_cast %scan3A_135 : i32 to index
          %get3A_364 = arith.constant 592 : index
          %get3A_365 = tpu.vector_load %arg10[%get3A_363, %get3A_364] {strides = array<i32>} : memref<32x768xf32, #tpu.memory_space<vmem>>, vector<16xf32>,
          %swap3A_366 = arith.index_cast %squeeze3A : i32 to index
          %swap3A_367 = arith.constant 592 : index
          %swap3A_368 = tpu.vector_load %arg11[%swap3A_366, %swap3A_367] {strides = array<i32>} : memref<80x768xf32, #tpu.memory_space<vmem>>, vector<16xf32>,
          tpu.vector_store %arg11[%swap3A_366, %swap3A_367], %get3A_365 {add = true, strides = array<i32>} : memref<80x768xf32, #tpu.memory_space<vmem>>, vector<16xf32>,
          %get3A_369 = arith.index_cast %scan3A_135 : i32 to index
          %get3A_370 = arith.constant 608 : index
          %get3A_371 = tpu.vector_load %arg10[%get3A_369, %get3A_370] {strides = array<i32>} : memref<32x768xf32, #tpu.memory_space<vmem>>, vector<16xf32>,
          %swap3A_372 = arith.index_cast %squeeze3A : i32 to index
          %swap3A_373 = arith.constant 608 : index
          %swap3A_374 = tpu.vector_load %arg11[%swap3A_372, %swap3A_373] {strides = array<i32>} : memref<80x768xf32, #tpu.memory_space<vmem>>, vector<16xf32>,
          tpu.vector_store %arg11[%swap3A_372, %swap3A_373], %get3A_371 {add = true, strides = array<i32>} : memref<80x768xf32, #tpu.memory_space<vmem>>, vector<16xf32>,
          %get3A_375 = arith.index_cast %scan3A_135 : i32 to index
          %get3A_376 = arith.constant 624 : index
          %get3A_377 = tpu.vector_load %arg10[%get3A_375, %get3A_376] {strides = array<i32>} : memref<32x768xf32, #tpu.memory_space<vmem>>, vector<16xf32>,
          %swap3A_378 = arith.index_cast %squeeze3A : i32 to index
          %swap3A_379 = arith.constant 624 : index
          %swap3A_380 = tpu.vector_load %arg11[%swap3A_378, %swap3A_379] {strides = array<i32>} : memref<80x768xf32, #tpu.memory_space<vmem>>, vector<16xf32>,
          tpu.vector_store %arg11[%swap3A_378, %swap3A_379], %get3A_377 {add = true, strides = array<i32>} : memref<80x768xf32, #tpu.memory_space<vmem>>, vector<16xf32>,
          %get3A_381 = arith.index_cast %scan3A_135 : i32 to index
          %get3A_382 = arith.constant 640 : index
          %get3A_383 = tpu.vector_load %arg10[%get3A_381, %get3A_382] {strides = array<i32>} : memref<32x768xf32, #tpu.memory_space<vmem>>, vector<16xf32>,
          %swap3A_384 = arith.index_cast %squeeze3A : i32 to index
          %swap3A_385 = arith.constant 640 : index
          %swap3A_386 = tpu.vector_load %arg11[%swap3A_384, %swap3A_385] {strides = array<i32>} : memref<80x768xf32, #tpu.memory_space<vmem>>, vector<16xf32>,
          tpu.vector_store %arg11[%swap3A_384, %swap3A_385], %get3A_383 {add = true, strides = array<i32>} : memref<80x768xf32, #tpu.memory_space<vmem>>, vector<16xf32>,
          %get3A_387 = arith.index_cast %scan3A_135 : i32 to index
          %get3A_388 = arith.constant 656 : index
          %get3A_389 = tpu.vector_load %arg10[%get3A_387, %get3A_388] {strides = array<i32>} : memref<32x768xf32, #tpu.memory_space<vmem>>, vector<16xf32>,
          %swap3A_390 = arith.index_cast %squeeze3A : i32 to index
          %swap3A_391 = arith.constant 656 : index
          %swap3A_392 = tpu.vector_load %arg11[%swap3A_390, %swap3A_391] {strides = array<i32>} : memref<80x768xf32, #tpu.memory_space<vmem>>, vector<16xf32>,
          tpu.vector_store %arg11[%swap3A_390, %swap3A_391], %get3A_389 {add = true, strides = array<i32>} : memref<80x768xf32, #tpu.memory_space<vmem>>, vector<16xf32>,
          %get3A_393 = arith.index_cast %scan3A_135 : i32 to index
          %get3A_394 = arith.constant 672 : index
          %get3A_395 = tpu.vector_load %arg10[%get3A_393, %get3A_394] {strides = array<i32>} : memref<32x768xf32, #tpu.memory_space<vmem>>, vector<16xf32>,
          %swap3A_396 = arith.index_cast %squeeze3A : i32 to index
          %swap3A_397 = arith.constant 672 : index
          %swap3A_398 = tpu.vector_load %arg11[%swap3A_396, %swap3A_397] {strides = array<i32>} : memref<80x768xf32, #tpu.memory_space<vmem>>, vector<16xf32>,
          tpu.vector_store %arg11[%swap3A_396, %swap3A_397], %get3A_395 {add = true, strides = array<i32>} : memref<80x768xf32, #tpu.memory_space<vmem>>, vector<16xf32>,
          %get3A_399 = arith.index_cast %scan3A_135 : i32 to index
          %get3A_400 = arith.constant 688 : index
          %get3A_401 = tpu.vector_load %arg10[%get3A_399, %get3A_400] {strides = array<i32>} : memref<32x768xf32, #tpu.memory_space<vmem>>, vector<16xf32>,
          %swap3A_402 = arith.index_cast %squeeze3A : i32 to index
          %swap3A_403 = arith.constant 688 : index
          %swap3A_404 = tpu.vector_load %arg11[%swap3A_402, %swap3A_403] {strides = array<i32>} : memref<80x768xf32, #tpu.memory_space<vmem>>, vector<16xf32>,
          tpu.vector_store %arg11[%swap3A_402, %swap3A_403], %get3A_401 {add = true, strides = array<i32>} : memref<80x768xf32, #tpu.memory_space<vmem>>, vector<16xf32>,
          %get3A_405 = arith.index_cast %scan3A_135 : i32 to index
          %get3A_406 = arith.constant 704 : index
          %get3A_407 = tpu.vector_load %arg10[%get3A_405, %get3A_406] {strides = array<i32>} : memref<32x768xf32, #tpu.memory_space<vmem>>, vector<16xf32>,
          %swap3A_408 = arith.index_cast %squeeze3A : i32 to index
          %swap3A_409 = arith.constant 704 : index
          %swap3A_410 = tpu.vector_load %arg11[%swap3A_408, %swap3A_409] {strides = array<i32>} : memref<80x768xf32, #tpu.memory_space<vmem>>, vector<16xf32>,
          tpu.vector_store %arg11[%swap3A_408, %swap3A_409], %get3A_407 {add = true, strides = array<i32>} : memref<80x768xf32, #tpu.memory_space<vmem>>, vector<16xf32>,
          %get3A_411 = arith.index_cast %scan3A_135 : i32 to index
          %get3A_412 = arith.constant 720 : index
          %get3A_413 = tpu.vector_load %arg10[%get3A_411, %get3A_412] {strides = array<i32>} : memref<32x768xf32, #tpu.memory_space<vmem>>, vector<16xf32>,
          %swap3A_414 = arith.index_cast %squeeze3A : i32 to index
          %swap3A_415 = arith.constant 720 : index
          %swap3A_416 = tpu.vector_load %arg11[%swap3A_414, %swap3A_415] {strides = array<i32>} : memref<80x768xf32, #tpu.memory_space<vmem>>, vector<16xf32>,
          tpu.vector_store %arg11[%swap3A_414, %swap3A_415], %get3A_413 {add = true, strides = array<i32>} : memref<80x768xf32, #tpu.memory_space<vmem>>, vector<16xf32>,
          %get3A_417 = arith.index_cast %scan3A_135 : i32 to index
          %get3A_418 = arith.constant 736 : index
          %get3A_419 = tpu.vector_load %arg10[%get3A_417, %get3A_418] {strides = array<i32>} : memref<32x768xf32, #tpu.memory_space<vmem>>, vector<16xf32>,
          %swap3A_420 = arith.index_cast %squeeze3A : i32 to index
          %swap3A_421 = arith.constant 736 : index
          %swap3A_422 = tpu.vector_load %arg11[%swap3A_420, %swap3A_421] {strides = array<i32>} : memref<80x768xf32, #tpu.memory_space<vmem>>, vector<16xf32>,
          tpu.vector_store %arg11[%swap3A_420, %swap3A_421], %get3A_419 {add = true, strides = array<i32>} : memref<80x768xf32, #tpu.memory_space<vmem>>, vector<16xf32>,
          %get3A_423 = arith.index_cast %scan3A_135 : i32 to index
          %get3A_424 = arith.constant 752 : index
          %get3A_425 = tpu.vector_load %arg10[%get3A_423, %get3A_424] {strides = array<i32>} : memref<32x768xf32, #tpu.memory_space<vmem>>, vector<16xf32>,
          %swap3A_426 = arith.index_cast %squeeze3A : i32 to index
          %swap3A_427 = arith.constant 752 : index
          %swap3A_428 = tpu.vector_load %arg11[%swap3A_426, %swap3A_427] {strides = array<i32>} : memref<80x768xf32, #tpu.memory_space<vmem>>, vector<16xf32>,
          tpu.vector_store %arg11[%swap3A_426, %swap3A_427], %get3A_425 {add = true, strides = array<i32>} : memref<80x768xf32, #tpu.memory_space<vmem>>, vector<16xf32>,
          %scan3A_429 = arith.constant 0 : i32
          scf.yield %scan3A_429 : i32
        }
        %scan3A_133 = arith.constant 32 : i32
        %while3A_134 = arith.constant 0 : i32
        scf.yield %while3A_134 : i32
      }
      %while3A_114 = arith.constant 1 : i32
      %while3A_115 = scf.for %while3A_117 = %while3A_111 to %while3A_107 step %while3A_114 iter_args(%while3A_118 = %while3A_113) -> (i32)  : i32 {
        %mul3A_119 = arith.constant 32 : i32
        %mul3A_120 = arith.muli %while3A_117, %mul3A_119 : i32
        %dma_start3A = tpu.memref_slice %arg8[%mul3A_120] : memref<6448xi32, #tpu.memory_space<vmem>> -> memref<32xi32, #tpu.memory_space<vmem>>
        %dma_start3A_121 = arith.constant 0 : i32
        %dma_start3A_122 = arith.constant 0 : i32
        %dma_start3A_123 = tpu.memref_slice %arg2[%dma_start3A_121, %dma_start3A_122] : memref<10240x768xf32, #tpu.memory_space<hbm>> -> memref<10240x768xf32, #tpu.memory_space<hbm>>
        tpu.enqueue_indirect_dma source(%dma_start3A_123 : memref<10240x768xf32, #tpu.memory_space<hbm>>) target(%arg10 : memref<32x768xf32, #tpu.memory_space<vmem>>) offsets(%dma_start3A : memref<32xi32, #tpu.memory_space<vmem>>) semaphore(%arg12 : memref<!tpu.dma_semaphore, #tpu.memory_space<semaphore_mem>>)
        %dma_wait3A = tpu.memref_slice %arg8[%mul3A_120] : memref<6448xi32, #tpu.memory_space<vmem>> -> memref<32xi32, #tpu.memory_space<vmem>>
        %dma_wait3A_124 = arith.constant 0 : i32
        %dma_wait3A_125 = arith.constant 0 : i32
        %dma_wait3A_126 = tpu.memref_slice %arg2[%dma_wait3A_124, %dma_wait3A_125] : memref<10240x768xf32, #tpu.memory_space<hbm>> -> memref<10240x768xf32, #tpu.memory_space<hbm>>
        tpu.wait_indirect_dma semaphore(%arg12 : memref<!tpu.dma_semaphore, #tpu.memory_space<semaphore_mem>>) src(%dma_wait3A_126 : memref<10240x768xf32, #tpu.memory_space<hbm>>) dst(%arg10 : memref<32x768xf32, #tpu.memory_space<vmem>>)
        %scan3A_127 = arith.constant 0 : i32
        %scan3A_128 = arith.constant 0 : i32
        %scan3A_129 = arith.constant 32 : i32
        %scan3A_130 = arith.addi %scan3A_128, %scan3A_129 : i32
        %scan3A_131 = arith.constant 1 : i32
        %scan3A_132 = scf.for %scan3A_135 = %scan3A_128 to %scan3A_130 step %scan3A_131 iter_args(%scan3A_136 = %scan3A_127) -> (i32)  : i32 {
          %mul3A_137 = arith.constant 32 : i32
          %mul3A_138 = arith.muli %while3A_117, %mul3A_137 : i32
          %add3A_139 = arith.addi %mul3A_138, %scan3A_135 : i32
          %get3A = arith.index_cast %add3A_139 : i32 to index
          %get3A_140 = tpu.vector_load %arg9[%get3A] {strides = array<i32>} : memref<6448xi32, #tpu.memory_space<vmem>>, vector<16xi32>,
          %slice3A = vector.extract_strided_slice %get3A_140 {offsets = [0], sizes = [1], strides = [1]} : vector<16xi32> to vector<1xi32>
          %squeeze3A = vector.extract %slice3A[0] : i32 from vector<1xi32>
          %get3A_141 = arith.index_cast %scan3A_135 : i32 to index
          %get3A_142 = arith.constant 0 : index
          %get3A_143 = tpu.vector_load %arg10[%get3A_141, %get3A_142] {strides = array<i32>} : memref<32x768xf32, #tpu.memory_space<vmem>>, vector<16xf32>,
          %swap3A_144 = arith.index_cast %squeeze3A : i32 to index
          %swap3A_145 = arith.constant 0 : index
          %swap3A_146 = tpu.vector_load %arg11[%swap3A_144, %swap3A_145] {strides = array<i32>} : memref<80x768xf32, #tpu.memory_space<vmem>>, vector<16xf32>,
          tpu.vector_store %arg11[%swap3A_144, %swap3A_145], %get3A_143 {add = true, strides = array<i32>} : memref<80x768xf32, #tpu.memory_space<vmem>>, vector<16xf32>,
          %get3A_147 = arith.index_cast %scan3A_135 : i32 to index
          %get3A_148 = arith.constant 16 : index
          %get3A_149 = tpu.vector_load %arg10[%get3A_147, %get3A_148] {strides = array<i32>} : memref<32x768xf32, #tpu.memory_space<vmem>>, vector<16xf32>,
          %swap3A_150 = arith.index_cast %squeeze3A : i32 to index
          %swap3A_151 = arith.constant 16 : index
          %swap3A_152 = tpu.vector_load %arg11[%swap3A_150, %swap3A_151] {strides = array<i32>} : memref<80x768xf32, #tpu.memory_space<vmem>>, vector<16xf32>,
          tpu.vector_store %arg11[%swap3A_150, %swap3A_151], %get3A_149 {add = true, strides = array<i32>} : memref<80x768xf32, #tpu.memory_space<vmem>>, vector<16xf32>,
          %get3A_153 = arith.index_cast %scan3A_135 : i32 to index
          %get3A_154 = arith.constant 32 : index
          %get3A_155 = tpu.vector_load %arg10[%get3A_153, %get3A_154] {strides = array<i32>} : memref<32x768xf32, #tpu.memory_space<vmem>>, vector<16xf32>,
          %swap3A_156 = arith.index_cast %squeeze3A : i32 to index
          %swap3A_157 = arith.constant 32 : index
          %swap3A_158 = tpu.vector_load %arg11[%swap3A_156, %swap3A_157] {strides = array<i32>} : memref<80x768xf32, #tpu.memory_space<vmem>>, vector<16xf32>,
          tpu.vector_store %arg11[%swap3A_156, %swap3A_157], %get3A_155 {add = true, strides = array<i32>} : memref<80x768xf32, #tpu.memory_space<vmem>>, vector<16xf32>,
          %get3A_159 = arith.index_cast %scan3A_135 : i32 to index
          %get3A_160 = arith.constant 48 : index
          %get3A_161 = tpu.vector_load %arg10[%get3A_159, %get3A_160] {strides = array<i32>} : memref<32x768xf32, #tpu.memory_space<vmem>>, vector<16xf32>,
          %swap3A_162 = arith.index_cast %squeeze3A : i32 to index
          %swap3A_163 = arith.constant 48 : index
          %swap3A_164 = tpu.vector_load %arg11[%swap3A_162, %swap3A_163] {strides = array<i32>} : memref<80x768xf32, #tpu.memory_space<vmem>>, vector<16xf32>,
          tpu.vector_store %arg11[%swap3A_162, %swap3A_163], %get3A_161 {add = true, strides = array<i32>} : memref<80x768xf32, #tpu.memory_space<vmem>>, vector<16xf32>,
          %get3A_165 = arith.index_cast %scan3A_135 : i32 to index
          %get3A_166 = arith.constant 64 : index
          %get3A_167 = tpu.vector_load %arg10[%get3A_165, %get3A_166] {strides = array<i32>} : memref<32x768xf32, #tpu.memory_space<vmem>>, vector<16xf32>,
          %swap3A_168 = arith.index_cast %squeeze3A : i32 to index
          %swap3A_169 = arith.constant 64 : index
          %swap3A_170 = tpu.vector_load %arg11[%swap3A_168, %swap3A_169] {strides = array<i32>} : memref<80x768xf32, #tpu.memory_space<vmem>>, vector<16xf32>,
          tpu.vector_store %arg11[%swap3A_168, %swap3A_169], %get3A_167 {add = true, strides = array<i32>} : memref<80x768xf32, #tpu.memory_space<vmem>>, vector<16xf32>,
          %get3A_171 = arith.index_cast %scan3A_135 : i32 to index
          %get3A_172 = arith.constant 80 : index
          %get3A_173 = tpu.vector_load %arg10[%get3A_171, %get3A_172] {strides = array<i32>} : memref<32x768xf32, #tpu.memory_space<vmem>>, vector<16xf32>,
          %swap3A_174 = arith.index_cast %squeeze3A : i32 to index
          %swap3A_175 = arith.constant 80 : index
          %swap3A_176 = tpu.vector_load %arg11[%swap3A_174, %swap3A_175] {strides = array<i32>} : memref<80x768xf32, #tpu.memory_space<vmem>>, vector<16xf32>,
          tpu.vector_store %arg11[%swap3A_174, %swap3A_175], %get3A_173 {add = true, strides = array<i32>} : memref<80x768xf32, #tpu.memory_space<vmem>>, vector<16xf32>,
          %get3A_177 = arith.index_cast %scan3A_135 : i32 to index
          %get3A_178 = arith.constant 96 : index
          %get3A_179 = tpu.vector_load %arg10[%get3A_177, %get3A_178] {strides = array<i32>} : memref<32x768xf32, #tpu.memory_space<vmem>>, vector<16xf32>,
          %swap3A_180 = arith.index_cast %squeeze3A : i32 to index
          %swap3A_181 = arith.constant 96 : index
          %swap3A_182 = tpu.vector_load %arg11[%swap3A_180, %swap3A_181] {strides = array<i32>} : memref<80x768xf32, #tpu.memory_space<vmem>>, vector<16xf32>,
          tpu.vector_store %arg11[%swap3A_180, %swap3A_181], %get3A_179 {add = true, strides = array<i32>} : memref<80x768xf32, #tpu.memory_space<vmem>>, vector<16xf32>,
          %get3A_183 = arith.index_cast %scan3A_135 : i32 to index
          %get3A_184 = arith.constant 112 : index
          %get3A_185 = tpu.vector_load %arg10[%get3A_183, %get3A_184] {strides = array<i32>} : memref<32x768xf32, #tpu.memory_space<vmem>>, vector<16xf32>,
          %swap3A_186 = arith.index_cast %squeeze3A : i32 to index
          %swap3A_187 = arith.constant 112 : index
          %swap3A_188 = tpu.vector_load %arg11[%swap3A_186, %swap3A_187] {strides = array<i32>} : memref<80x768xf32, #tpu.memory_space<vmem>>, vector<16xf32>,
          tpu.vector_store %arg11[%swap3A_186, %swap3A_187], %get3A_185 {add = true, strides = array<i32>} : memref<80x768xf32, #tpu.memory_space<vmem>>, vector<16xf32>,
          %get3A_189 = arith.index_cast %scan3A_135 : i32 to index
          %get3A_190 = arith.constant 128 : index
          %get3A_191 = tpu.vector_load %arg10[%get3A_189, %get3A_190] {strides = array<i32>} : memref<32x768xf32, #tpu.memory_space<vmem>>, vector<16xf32>,
          %swap3A_192 = arith.index_cast %squeeze3A : i32 to index
          %swap3A_193 = arith.constant 128 : index
          %swap3A_194 = tpu.vector_load %arg11[%swap3A_192, %swap3A_193] {strides = array<i32>} : memref<80x768xf32, #tpu.memory_space<vmem>>, vector<16xf32>,
          tpu.vector_store %arg11[%swap3A_192, %swap3A_193], %get3A_191 {add = true, strides = array<i32>} : memref<80x768xf32, #tpu.memory_space<vmem>>, vector<16xf32>,
          %get3A_195 = arith.index_cast %scan3A_135 : i32 to index
          %get3A_196 = arith.constant 144 : index
          %get3A_197 = tpu.vector_load %arg10[%get3A_195, %get3A_196] {strides = array<i32>} : memref<32x768xf32, #tpu.memory_space<vmem>>, vector<16xf32>,
          %swap3A_198 = arith.index_cast %squeeze3A : i32 to index
          %swap3A_199 = arith.constant 144 : index
          %swap3A_200 = tpu.vector_load %arg11[%swap3A_198, %swap3A_199] {strides = array<i32>} : memref<80x768xf32, #tpu.memory_space<vmem>>, vector<16xf32>,
          tpu.vector_store %arg11[%swap3A_198, %swap3A_199], %get3A_197 {add = true, strides = array<i32>} : memref<80x768xf32, #tpu.memory_space<vmem>>, vector<16xf32>,
          %get3A_201 = arith.index_cast %scan3A_135 : i32 to index
          %get3A_202 = arith.constant 160 : index
          %get3A_203 = tpu.vector_load %arg10[%get3A_201, %get3A_202] {strides = array<i32>} : memref<32x768xf32, #tpu.memory_space<vmem>>, vector<16xf32>,
          %swap3A_204 = arith.index_cast %squeeze3A : i32 to index
          %swap3A_205 = arith.constant 160 : index
          %swap3A_206 = tpu.vector_load %arg11[%swap3A_204, %swap3A_205] {strides = array<i32>} : memref<80x768xf32, #tpu.memory_space<vmem>>, vector<16xf32>,
          tpu.vector_store %arg11[%swap3A_204, %swap3A_205], %get3A_203 {add = true, strides = array<i32>} : memref<80x768xf32, #tpu.memory_space<vmem>>, vector<16xf32>,
          %get3A_207 = arith.index_cast %scan3A_135 : i32 to index
          %get3A_208 = arith.constant 176 : index
          %get3A_209 = tpu.vector_load %arg10[%get3A_207, %get3A_208] {strides = array<i32>} : memref<32x768xf32, #tpu.memory_space<vmem>>, vector<16xf32>,
          %swap3A_210 = arith.index_cast %squeeze3A : i32 to index
          %swap3A_211 = arith.constant 176 : index
          %swap3A_212 = tpu.vector_load %arg11[%swap3A_210, %swap3A_211] {strides = array<i32>} : memref<80x768xf32, #tpu.memory_space<vmem>>, vector<16xf32>,
          tpu.vector_store %arg11[%swap3A_210, %swap3A_211], %get3A_209 {add = true, strides = array<i32>} : memref<80x768xf32, #tpu.memory_space<vmem>>, vector<16xf32>,
          %get3A_213 = arith.index_cast %scan3A_135 : i32 to index
          %get3A_214 = arith.constant 192 : index
          %get3A_215 = tpu.vector_load %arg10[%get3A_213, %get3A_214] {strides = array<i32>} : memref<32x768xf32, #tpu.memory_space<vmem>>, vector<16xf32>,
          %swap3A_216 = arith.index_cast %squeeze3A : i32 to index
          %swap3A_217 = arith.constant 192 : index
          %swap3A_218 = tpu.vector_load %arg11[%swap3A_216, %swap3A_217] {strides = array<i32>} : memref<80x768xf32, #tpu.memory_space<vmem>>, vector<16xf32>,
          tpu.vector_store %arg11[%swap3A_216, %swap3A_217], %get3A_215 {add = true, strides = array<i32>} : memref<80x768xf32, #tpu.memory_space<vmem>>, vector<16xf32>,
          %get3A_219 = arith.index_cast %scan3A_135 : i32 to index
          %get3A_220 = arith.constant 208 : index
          %get3A_221 = tpu.vector_load %arg10[%get3A_219, %get3A_220] {strides = array<i32>} : memref<32x768xf32, #tpu.memory_space<vmem>>, vector<16xf32>,
          %swap3A_222 = arith.index_cast %squeeze3A : i32 to index
          %swap3A_223 = arith.constant 208 : index
          %swap3A_224 = tpu.vector_load %arg11[%swap3A_222, %swap3A_223] {strides = array<i32>} : memref<80x768xf32, #tpu.memory_space<vmem>>, vector<16xf32>,
          tpu.vector_store %arg11[%swap3A_222, %swap3A_223], %get3A_221 {add = true, strides = array<i32>} : memref<80x768xf32, #tpu.memory_space<vmem>>, vector<16xf32>,
          %get3A_225 = arith.index_cast %scan3A_135 : i32 to index
          %get3A_226 = arith.constant 224 : index
          %get3A_227 = tpu.vector_load %arg10[%get3A_225, %get3A_226] {strides = array<i32>} : memref<32x768xf32, #tpu.memory_space<vmem>>, vector<16xf32>,
          %swap3A_228 = arith.index_cast %squeeze3A : i32 to index
          %swap3A_229 = arith.constant 224 : index
          %swap3A_230 = tpu.vector_load %arg11[%swap3A_228, %swap3A_229] {strides = array<i32>} : memref<80x768xf32, #tpu.memory_space<vmem>>, vector<16xf32>,
          tpu.vector_store %arg11[%swap3A_228, %swap3A_229], %get3A_227 {add = true, strides = array<i32>} : memref<80x768xf32, #tpu.memory_space<vmem>>, vector<16xf32>,
          %get3A_231 = arith.index_cast %scan3A_135 : i32 to index
          %get3A_232 = arith.constant 240 : index
          %get3A_233 = tpu.vector_load %arg10[%get3A_231, %get3A_232] {strides = array<i32>} : memref<32x768xf32, #tpu.memory_space<vmem>>, vector<16xf32>,
          %swap3A_234 = arith.index_cast %squeeze3A : i32 to index
          %swap3A_235 = arith.constant 240 : index
          %swap3A_236 = tpu.vector_load %arg11[%swap3A_234, %swap3A_235] {strides = array<i32>} : memref<80x768xf32, #tpu.memory_space<vmem>>, vector<16xf32>,
          tpu.vector_store %arg11[%swap3A_234, %swap3A_235], %get3A_233 {add = true, strides = array<i32>} : memref<80x768xf32, #tpu.memory_space<vmem>>, vector<16xf32>,
          %get3A_237 = arith.index_cast %scan3A_135 : i32 to index
          %get3A_238 = arith.constant 256 : index
          %get3A_239 = tpu.vector_load %arg10[%get3A_237, %get3A_238] {strides = array<i32>} : memref<32x768xf32, #tpu.memory_space<vmem>>, vector<16xf32>,
          %swap3A_240 = arith.index_cast %squeeze3A : i32 to index
          %swap3A_241 = arith.constant 256 : index
          %swap3A_242 = tpu.vector_load %arg11[%swap3A_240, %swap3A_241] {strides = array<i32>} : memref<80x768xf32, #tpu.memory_space<vmem>>, vector<16xf32>,
          tpu.vector_store %arg11[%swap3A_240, %swap3A_241], %get3A_239 {add = true, strides = array<i32>} : memref<80x768xf32, #tpu.memory_space<vmem>>, vector<16xf32>,
          %get3A_243 = arith.index_cast %scan3A_135 : i32 to index
          %get3A_244 = arith.constant 272 : index
          %get3A_245 = tpu.vector_load %arg10[%get3A_243, %get3A_244] {strides = array<i32>} : memref<32x768xf32, #tpu.memory_space<vmem>>, vector<16xf32>,
          %swap3A_246 = arith.index_cast %squeeze3A : i32 to index
          %swap3A_247 = arith.constant 272 : index
          %swap3A_248 = tpu.vector_load %arg11[%swap3A_246, %swap3A_247] {strides = array<i32>} : memref<80x768xf32, #tpu.memory_space<vmem>>, vector<16xf32>,
          tpu.vector_store %arg11[%swap3A_246, %swap3A_247], %get3A_245 {add = true, strides = array<i32>} : memref<80x768xf32, #tpu.memory_space<vmem>>, vector<16xf32>,
          %get3A_249 = arith.index_cast %scan3A_135 : i32 to index
          %get3A_250 = arith.constant 288 : index
          %get3A_251 = tpu.vector_load %arg10[%get3A_249, %get3A_250] {strides = array<i32>} : memref<32x768xf32, #tpu.memory_space<vmem>>, vector<16xf32>,
          %swap3A_252 = arith.index_cast %squeeze3A : i32 to index
          %swap3A_253 = arith.constant 288 : index
          %swap3A_254 = tpu.vector_load %arg11[%swap3A_252, %swap3A_253] {strides = array<i32>} : memref<80x768xf32, #tpu.memory_space<vmem>>, vector<16xf32>,
          tpu.vector_store %arg11[%swap3A_252, %swap3A_253], %get3A_251 {add = true, strides = array<i32>} : memref<80x768xf32, #tpu.memory_space<vmem>>, vector<16xf32>,
          %get3A_255 = arith.index_cast %scan3A_135 : i32 to index
          %get3A_256 = arith.constant 304 : index
          %get3A_257 = tpu.vector_load %arg10[%get3A_255, %get3A_256] {strides = array<i32>} : memref<32x768xf32, #tpu.memory_space<vmem>>, vector<16xf32>,
          %swap3A_258 = arith.index_cast %squeeze3A : i32 to index
          %swap3A_259 = arith.constant 304 : index
          %swap3A_260 = tpu.vector_load %arg11[%swap3A_258, %swap3A_259] {strides = array<i32>} : memref<80x768xf32, #tpu.memory_space<vmem>>, vector<16xf32>,
          tpu.vector_store %arg11[%swap3A_258, %swap3A_259], %get3A_257 {add = true, strides = array<i32>} : memref<80x768xf32, #tpu.memory_space<vmem>>, vector<16xf32>,
          %get3A_261 = arith.index_cast %scan3A_135 : i32 to index
          %get3A_262 = arith.constant 320 : index
          %get3A_263 = tpu.vector_load %arg10[%get3A_261, %get3A_262] {strides = array<i32>} : memref<32x768xf32, #tpu.memory_space<vmem>>, vector<16xf32>,
          %swap3A_264 = arith.index_cast %squeeze3A : i32 to index
          %swap3A_265 = arith.constant 320 : index
          %swap3A_266 = tpu.vector_load %arg11[%swap3A_264, %swap3A_265] {strides = array<i32>} : memref<80x768xf32, #tpu.memory_space<vmem>>, vector<16xf32>,
          tpu.vector_store %arg11[%swap3A_264, %swap3A_265], %get3A_263 {add = true, strides = array<i32>} : memref<80x768xf32, #tpu.memory_space<vmem>>, vector<16xf32>,
          %get3A_267 = arith.index_cast %scan3A_135 : i32 to index
          %get3A_268 = arith.constant 336 : index
          %get3A_269 = tpu.vector_load %arg10[%get3A_267, %get3A_268] {strides = array<i32>} : memref<32x768xf32, #tpu.memory_space<vmem>>, vector<16xf32>,
          %swap3A_270 = arith.index_cast %squeeze3A : i32 to index
          %swap3A_271 = arith.constant 336 : index
          %swap3A_272 = tpu.vector_load %arg11[%swap3A_270, %swap3A_271] {strides = array<i32>} : memref<80x768xf32, #tpu.memory_space<vmem>>, vector<16xf32>,
          tpu.vector_store %arg11[%swap3A_270, %swap3A_271], %get3A_269 {add = true, strides = array<i32>} : memref<80x768xf32, #tpu.memory_space<vmem>>, vector<16xf32>,
          %get3A_273 = arith.index_cast %scan3A_135 : i32 to index
          %get3A_274 = arith.constant 352 : index
          %get3A_275 = tpu.vector_load %arg10[%get3A_273, %get3A_274] {strides = array<i32>} : memref<32x768xf32, #tpu.memory_space<vmem>>, vector<16xf32>,
          %swap3A_276 = arith.index_cast %squeeze3A : i32 to index
          %swap3A_277 = arith.constant 352 : index
          %swap3A_278 = tpu.vector_load %arg11[%swap3A_276, %swap3A_277] {strides = array<i32>} : memref<80x768xf32, #tpu.memory_space<vmem>>, vector<16xf32>,
          tpu.vector_store %arg11[%swap3A_276, %swap3A_277], %get3A_275 {add = true, strides = array<i32>} : memref<80x768xf32, #tpu.memory_space<vmem>>, vector<16xf32>,
          %get3A_279 = arith.index_cast %scan3A_135 : i32 to index
          %get3A_280 = arith.constant 368 : index
          %get3A_281 = tpu.vector_load %arg10[%get3A_279, %get3A_280] {strides = array<i32>} : memref<32x768xf32, #tpu.memory_space<vmem>>, vector<16xf32>,
          %swap3A_282 = arith.index_cast %squeeze3A : i32 to index
          %swap3A_283 = arith.constant 368 : index
          %swap3A_284 = tpu.vector_load %arg11[%swap3A_282, %swap3A_283] {strides = array<i32>} : memref<80x768xf32, #tpu.memory_space<vmem>>, vector<16xf32>,
          tpu.vector_store %arg11[%swap3A_282, %swap3A_283], %get3A_281 {add = true, strides = array<i32>} : memref<80x768xf32, #tpu.memory_space<vmem>>, vector<16xf32>,
          %get3A_285 = arith.index_cast %scan3A_135 : i32 to index
          %get3A_286 = arith.constant 384 : index
          %get3A_287 = tpu.vector_load %arg10[%get3A_285, %get3A_286] {strides = array<i32>} : memref<32x768xf32, #tpu.memory_space<vmem>>, vector<16xf32>,
          %swap3A_288 = arith.index_cast %squeeze3A : i32 to index
          %swap3A_289 = arith.constant 384 : index
          %swap3A_290 = tpu.vector_load %arg11[%swap3A_288, %swap3A_289] {strides = array<i32>} : memref<80x768xf32, #tpu.memory_space<vmem>>, vector<16xf32>,
          tpu.vector_store %arg11[%swap3A_288, %swap3A_289], %get3A_287 {add = true, strides = array<i32>} : memref<80x768xf32, #tpu.memory_space<vmem>>, vector<16xf32>,
          %get3A_291 = arith.index_cast %scan3A_135 : i32 to index
          %get3A_292 = arith.constant 400 : index
          %get3A_293 = tpu.vector_load %arg10[%get3A_291, %get3A_292] {strides = array<i32>} : memref<32x768xf32, #tpu.memory_space<vmem>>, vector<16xf32>,
          %swap3A_294 = arith.index_cast %squeeze3A : i32 to index
          %swap3A_295 = arith.constant 400 : index
          %swap3A_296 = tpu.vector_load %arg11[%swap3A_294, %swap3A_295] {strides = array<i32>} : memref<80x768xf32, #tpu.memory_space<vmem>>, vector<16xf32>,
          tpu.vector_store %arg11[%swap3A_294, %swap3A_295], %get3A_293 {add = true, strides = array<i32>} : memref<80x768xf32, #tpu.memory_space<vmem>>, vector<16xf32>,
          %get3A_297 = arith.index_cast %scan3A_135 : i32 to index
          %get3A_298 = arith.constant 416 : index
          %get3A_299 = tpu.vector_load %arg10[%get3A_297, %get3A_298] {strides = array<i32>} : memref<32x768xf32, #tpu.memory_space<vmem>>, vector<16xf32>,
          %swap3A_300 = arith.index_cast %squeeze3A : i32 to index
          %swap3A_301 = arith.constant 416 : index
          %swap3A_302 = tpu.vector_load %arg11[%swap3A_300, %swap3A_301] {strides = array<i32>} : memref<80x768xf32, #tpu.memory_space<vmem>>, vector<16xf32>,
          tpu.vector_store %arg11[%swap3A_300, %swap3A_301], %get3A_299 {add = true, strides = array<i32>} : memref<80x768xf32, #tpu.memory_space<vmem>>, vector<16xf32>,
          %get3A_303 = arith.index_cast %scan3A_135 : i32 to index
          %get3A_304 = arith.constant 432 : index
          %get3A_305 = tpu.vector_load %arg10[%get3A_303, %get3A_304] {strides = array<i32>} : memref<32x768xf32, #tpu.memory_space<vmem>>, vector<16xf32>,
          %swap3A_306 = arith.index_cast %squeeze3A : i32 to index
          %swap3A_307 = arith.constant 432 : index
          %swap3A_308 = tpu.vector_load %arg11[%swap3A_306, %swap3A_307] {strides = array<i32>} : memref<80x768xf32, #tpu.memory_space<vmem>>, vector<16xf32>,
          tpu.vector_store %arg11[%swap3A_306, %swap3A_307], %get3A_305 {add = true, strides = array<i32>} : memref<80x768xf32, #tpu.memory_space<vmem>>, vector<16xf32>,
          %get3A_309 = arith.index_cast %scan3A_135 : i32 to index
          %get3A_310 = arith.constant 448 : index
          %get3A_311 = tpu.vector_load %arg10[%get3A_309, %get3A_310] {strides = array<i32>} : memref<32x768xf32, #tpu.memory_space<vmem>>, vector<16xf32>,
          %swap3A_312 = arith.index_cast %squeeze3A : i32 to index
          %swap3A_313 = arith.constant 448 : index
          %swap3A_314 = tpu.vector_load %arg11[%swap3A_312, %swap3A_313] {strides = array<i32>} : memref<80x768xf32, #tpu.memory_space<vmem>>, vector<16xf32>,
          tpu.vector_store %arg11[%swap3A_312, %swap3A_313], %get3A_311 {add = true, strides = array<i32>} : memref<80x768xf32, #tpu.memory_space<vmem>>, vector<16xf32>,
          %get3A_315 = arith.index_cast %scan3A_135 : i32 to index
          %get3A_316 = arith.constant 464 : index
          %get3A_317 = tpu.vector_load %arg10[%get3A_315, %get3A_316] {strides = array<i32>} : memref<32x768xf32, #tpu.memory_space<vmem>>, vector<16xf32>,
          %swap3A_318 = arith.index_cast %squeeze3A : i32 to index
          %swap3A_319 = arith.constant 464 : index
          %swap3A_320 = tpu.vector_load %arg11[%swap3A_318, %swap3A_319] {strides = array<i32>} : memref<80x768xf32, #tpu.memory_space<vmem>>, vector<16xf32>,
          tpu.vector_store %arg11[%swap3A_318, %swap3A_319], %get3A_317 {add = true, strides = array<i32>} : memref<80x768xf32, #tpu.memory_space<vmem>>, vector<16xf32>,
          %get3A_321 = arith.index_cast %scan3A_135 : i32 to index
          %get3A_322 = arith.constant 480 : index
          %get3A_323 = tpu.vector_load %arg10[%get3A_321, %get3A_322] {strides = array<i32>} : memref<32x768xf32, #tpu.memory_space<vmem>>, vector<16xf32>,
          %swap3A_324 = arith.index_cast %squeeze3A : i32 to index
          %swap3A_325 = arith.constant 480 : index
          %swap3A_326 = tpu.vector_load %arg11[%swap3A_324, %swap3A_325] {strides = array<i32>} : memref<80x768xf32, #tpu.memory_space<vmem>>, vector<16xf32>,
          tpu.vector_store %arg11[%swap3A_324, %swap3A_325], %get3A_323 {add = true, strides = array<i32>} : memref<80x768xf32, #tpu.memory_space<vmem>>, vector<16xf32>,
          %get3A_327 = arith.index_cast %scan3A_135 : i32 to index
          %get3A_328 = arith.constant 496 : index
          %get3A_329 = tpu.vector_load %arg10[%get3A_327, %get3A_328] {strides = array<i32>} : memref<32x768xf32, #tpu.memory_space<vmem>>, vector<16xf32>,
          %swap3A_330 = arith.index_cast %squeeze3A : i32 to index
          %swap3A_331 = arith.constant 496 : index
          %swap3A_332 = tpu.vector_load %arg11[%swap3A_330, %swap3A_331] {strides = array<i32>} : memref<80x768xf32, #tpu.memory_space<vmem>>, vector<16xf32>,
          tpu.vector_store %arg11[%swap3A_330, %swap3A_331], %get3A_329 {add = true, strides = array<i32>} : memref<80x768xf32, #tpu.memory_space<vmem>>, vector<16xf32>,
          %get3A_333 = arith.index_cast %scan3A_135 : i32 to index
          %get3A_334 = arith.constant 512 : index
          %get3A_335 = tpu.vector_load %arg10[%get3A_333, %get3A_334] {strides = array<i32>} : memref<32x768xf32, #tpu.memory_space<vmem>>, vector<16xf32>,
          %swap3A_336 = arith.index_cast %squeeze3A : i32 to index
          %swap3A_337 = arith.constant 512 : index
          %swap3A_338 = tpu.vector_load %arg11[%swap3A_336, %swap3A_337] {strides = array<i32>} : memref<80x768xf32, #tpu.memory_space<vmem>>, vector<16xf32>,
          tpu.vector_store %arg11[%swap3A_336, %swap3A_337], %get3A_335 {add = true, strides = array<i32>} : memref<80x768xf32, #tpu.memory_space<vmem>>, vector<16xf32>,
          %get3A_339 = arith.index_cast %scan3A_135 : i32 to index
          %get3A_340 = arith.constant 528 : index
          %get3A_341 = tpu.vector_load %arg10[%get3A_339, %get3A_340] {strides = array<i32>} : memref<32x768xf32, #tpu.memory_space<vmem>>, vector<16xf32>,
          %swap3A_342 = arith.index_cast %squeeze3A : i32 to index
          %swap3A_343 = arith.constant 528 : index
          %swap3A_344 = tpu.vector_load %arg11[%swap3A_342, %swap3A_343] {strides = array<i32>} : memref<80x768xf32, #tpu.memory_space<vmem>>, vector<16xf32>,
          tpu.vector_store %arg11[%swap3A_342, %swap3A_343], %get3A_341 {add = true, strides = array<i32>} : memref<80x768xf32, #tpu.memory_space<vmem>>, vector<16xf32>,
          %get3A_345 = arith.index_cast %scan3A_135 : i32 to index
          %get3A_346 = arith.constant 544 : index
          %get3A_347 = tpu.vector_load %arg10[%get3A_345, %get3A_346] {strides = array<i32>} : memref<32x768xf32, #tpu.memory_space<vmem>>, vector<16xf32>,
          %swap3A_348 = arith.index_cast %squeeze3A : i32 to index
          %swap3A_349 = arith.constant 544 : index
          %swap3A_350 = tpu.vector_load %arg11[%swap3A_348, %swap3A_349] {strides = array<i32>} : memref<80x768xf32, #tpu.memory_space<vmem>>, vector<16xf32>,
          tpu.vector_store %arg11[%swap3A_348, %swap3A_349], %get3A_347 {add = true, strides = array<i32>} : memref<80x768xf32, #tpu.memory_space<vmem>>, vector<16xf32>,
          %get3A_351 = arith.index_cast %scan3A_135 : i32 to index
          %get3A_352 = arith.constant 560 : index
          %get3A_353 = tpu.vector_load %arg10[%get3A_351, %get3A_352] {strides = array<i32>} : memref<32x768xf32, #tpu.memory_space<vmem>>, vector<16xf32>,
          %swap3A_354 = arith.index_cast %squeeze3A : i32 to index
          %swap3A_355 = arith.constant 560 : index
          %swap3A_356 = tpu.vector_load %arg11[%swap3A_354, %swap3A_355] {strides = array<i32>} : memref<80x768xf32, #tpu.memory_space<vmem>>, vector<16xf32>,
          tpu.vector_store %arg11[%swap3A_354, %swap3A_355], %get3A_353 {add = true, strides = array<i32>} : memref<80x768xf32, #tpu.memory_space<vmem>>, vector<16xf32>,
          %get3A_357 = arith.index_cast %scan3A_135 : i32 to index
          %get3A_358 = arith.constant 576 : index
          %get3A_359 = tpu.vector_load %arg10[%get3A_357, %get3A_358] {strides = array<i32>} : memref<32x768xf32, #tpu.memory_space<vmem>>, vector<16xf32>,
          %swap3A_360 = arith.index_cast %squeeze3A : i32 to index
          %swap3A_361 = arith.constant 576 : index
          %swap3A_362 = tpu.vector_load %arg11[%swap3A_360, %swap3A_361] {strides = array<i32>} : memref<80x768xf32, #tpu.memory_space<vmem>>, vector<16xf32>,
          tpu.vector_store %arg11[%swap3A_360, %swap3A_361], %get3A_359 {add = true, strides = array<i32>} : memref<80x768xf32, #tpu.memory_space<vmem>>, vector<16xf32>,
          %get3A_363 = arith.index_cast %scan3A_135 : i32 to index
          %get3A_364 = arith.constant 592 : index
          %get3A_365 = tpu.vector_load %arg10[%get3A_363, %get3A_364] {strides = array<i32>} : memref<32x768xf32, #tpu.memory_space<vmem>>, vector<16xf32>,
          %swap3A_366 = arith.index_cast %squeeze3A : i32 to index
          %swap3A_367 = arith.constant 592 : index
          %swap3A_368 = tpu.vector_load %arg11[%swap3A_366, %swap3A_367] {strides = array<i32>} : memref<80x768xf32, #tpu.memory_space<vmem>>, vector<16xf32>,
          tpu.vector_store %arg11[%swap3A_366, %swap3A_367], %get3A_365 {add = true, strides = array<i32>} : memref<80x768xf32, #tpu.memory_space<vmem>>, vector<16xf32>,
          %get3A_369 = arith.index_cast %scan3A_135 : i32 to index
          %get3A_370 = arith.constant 608 : index
          %get3A_371 = tpu.vector_load %arg10[%get3A_369, %get3A_370] {strides = array<i32>} : memref<32x768xf32, #tpu.memory_space<vmem>>, vector<16xf32>,
          %swap3A_372 = arith.index_cast %squeeze3A : i32 to index
          %swap3A_373 = arith.constant 608 : index
          %swap3A_374 = tpu.vector_load %arg11[%swap3A_372, %swap3A_373] {strides = array<i32>} : memref<80x768xf32, #tpu.memory_space<vmem>>, vector<16xf32>,
          tpu.vector_store %arg11[%swap3A_372, %swap3A_373], %get3A_371 {add = true, strides = array<i32>} : memref<80x768xf32, #tpu.memory_space<vmem>>, vector<16xf32>,
          %get3A_375 = arith.index_cast %scan3A_135 : i32 to index
          %get3A_376 = arith.constant 624 : index
          %get3A_377 = tpu.vector_load %arg10[%get3A_375, %get3A_376] {strides = array<i32>} : memref<32x768xf32, #tpu.memory_space<vmem>>, vector<16xf32>,
          %swap3A_378 = arith.index_cast %squeeze3A : i32 to index
          %swap3A_379 = arith.constant 624 : index
          %swap3A_380 = tpu.vector_load %arg11[%swap3A_378, %swap3A_379] {strides = array<i32>} : memref<80x768xf32, #tpu.memory_space<vmem>>, vector<16xf32>,
          tpu.vector_store %arg11[%swap3A_378, %swap3A_379], %get3A_377 {add = true, strides = array<i32>} : memref<80x768xf32, #tpu.memory_space<vmem>>, vector<16xf32>,
          %get3A_381 = arith.index_cast %scan3A_135 : i32 to index
          %get3A_382 = arith.constant 640 : index
          %get3A_383 = tpu.vector_load %arg10[%get3A_381, %get3A_382] {strides = array<i32>} : memref<32x768xf32, #tpu.memory_space<vmem>>, vector<16xf32>,
          %swap3A_384 = arith.index_cast %squeeze3A : i32 to index
          %swap3A_385 = arith.constant 640 : index
          %swap3A_386 = tpu.vector_load %arg11[%swap3A_384, %swap3A_385] {strides = array<i32>} : memref<80x768xf32, #tpu.memory_space<vmem>>, vector<16xf32>,
          tpu.vector_store %arg11[%swap3A_384, %swap3A_385], %get3A_383 {add = true, strides = array<i32>} : memref<80x768xf32, #tpu.memory_space<vmem>>, vector<16xf32>,
          %get3A_387 = arith.index_cast %scan3A_135 : i32 to index
          %get3A_388 = arith.constant 656 : index
          %get3A_389 = tpu.vector_load %arg10[%get3A_387, %get3A_388] {strides = array<i32>} : memref<32x768xf32, #tpu.memory_space<vmem>>, vector<16xf32>,
          %swap3A_390 = arith.index_cast %squeeze3A : i32 to index
          %swap3A_391 = arith.constant 656 : index
          %swap3A_392 = tpu.vector_load %arg11[%swap3A_390, %swap3A_391] {strides = array<i32>} : memref<80x768xf32, #tpu.memory_space<vmem>>, vector<16xf32>,
          tpu.vector_store %arg11[%swap3A_390, %swap3A_391], %get3A_389 {add = true, strides = array<i32>} : memref<80x768xf32, #tpu.memory_space<vmem>>, vector<16xf32>,
          %get3A_393 = arith.index_cast %scan3A_135 : i32 to index
          %get3A_394 = arith.constant 672 : index
          %get3A_395 = tpu.vector_load %arg10[%get3A_393, %get3A_394] {strides = array<i32>} : memref<32x768xf32, #tpu.memory_space<vmem>>, vector<16xf32>,
          %swap3A_396 = arith.index_cast %squeeze3A : i32 to index
          %swap3A_397 = arith.constant 672 : index
          %swap3A_398 = tpu.vector_load %arg11[%swap3A_396, %swap3A_397] {strides = array<i32>} : memref<80x768xf32, #tpu.memory_space<vmem>>, vector<16xf32>,
          tpu.vector_store %arg11[%swap3A_396, %swap3A_397], %get3A_395 {add = true, strides = array<i32>} : memref<80x768xf32, #tpu.memory_space<vmem>>, vector<16xf32>,
          %get3A_399 = arith.index_cast %scan3A_135 : i32 to index
          %get3A_400 = arith.constant 688 : index
          %get3A_401 = tpu.vector_load %arg10[%get3A_399, %get3A_400] {strides = array<i32>} : memref<32x768xf32, #tpu.memory_space<vmem>>, vector<16xf32>,
          %swap3A_402 = arith.index_cast %squeeze3A : i32 to index
          %swap3A_403 = arith.constant 688 : index
          %swap3A_404 = tpu.vector_load %arg11[%swap3A_402, %swap3A_403] {strides = array<i32>} : memref<80x768xf32, #tpu.memory_space<vmem>>, vector<16xf32>,
          tpu.vector_store %arg11[%swap3A_402, %swap3A_403], %get3A_401 {add = true, strides = array<i32>} : memref<80x768xf32, #tpu.memory_space<vmem>>, vector<16xf32>,
          %get3A_405 = arith.index_cast %scan3A_135 : i32 to index
          %get3A_406 = arith.constant 704 : index
          %get3A_407 = tpu.vector_load %arg10[%get3A_405, %get3A_406] {strides = array<i32>} : memref<32x768xf32, #tpu.memory_space<vmem>>, vector<16xf32>,
          %swap3A_408 = arith.index_cast %squeeze3A : i32 to index
          %swap3A_409 = arith.constant 704 : index
          %swap3A_410 = tpu.vector_load %arg11[%swap3A_408, %swap3A_409] {strides = array<i32>} : memref<80x768xf32, #tpu.memory_space<vmem>>, vector<16xf32>,
          tpu.vector_store %arg11[%swap3A_408, %swap3A_409], %get3A_407 {add = true, strides = array<i32>} : memref<80x768xf32, #tpu.memory_space<vmem>>, vector<16xf32>,
          %get3A_411 = arith.index_cast %scan3A_135 : i32 to index
          %get3A_412 = arith.constant 720 : index
          %get3A_413 = tpu.vector_load %arg10[%get3A_411, %get3A_412] {strides = array<i32>} : memref<32x768xf32, #tpu.memory_space<vmem>>, vector<16xf32>,
          %swap3A_414 = arith.index_cast %squeeze3A : i32 to index
          %swap3A_415 = arith.constant 720 : index
          %swap3A_416 = tpu.vector_load %arg11[%swap3A_414, %swap3A_415] {strides = array<i32>} : memref<80x768xf32, #tpu.memory_space<vmem>>, vector<16xf32>,
          tpu.vector_store %arg11[%swap3A_414, %swap3A_415], %get3A_413 {add = true, strides = array<i32>} : memref<80x768xf32, #tpu.memory_space<vmem>>, vector<16xf32>,
          %get3A_417 = arith.index_cast %scan3A_135 : i32 to index
          %get3A_418 = arith.constant 736 : index
          %get3A_419 = tpu.vector_load %arg10[%get3A_417, %get3A_418] {strides = array<i32>} : memref<32x768xf32, #tpu.memory_space<vmem>>, vector<16xf32>,
          %swap3A_420 = arith.index_cast %squeeze3A : i32 to index
          %swap3A_421 = arith.constant 736 : index
          %swap3A_422 = tpu.vector_load %arg11[%swap3A_420, %swap3A_421] {strides = array<i32>} : memref<80x768xf32, #tpu.memory_space<vmem>>, vector<16xf32>,
          tpu.vector_store %arg11[%swap3A_420, %swap3A_421], %get3A_419 {add = true, strides = array<i32>} : memref<80x768xf32, #tpu.memory_space<vmem>>, vector<16xf32>,
          %get3A_423 = arith.index_cast %scan3A_135 : i32 to index
          %get3A_424 = arith.constant 752 : index
          %get3A_425 = tpu.vector_load %arg10[%get3A_423, %get3A_424] {strides = array<i32>} : memref<32x768xf32, #tpu.memory_space<vmem>>, vector<16xf32>,
          %swap3A_426 = arith.index_cast %squeeze3A : i32 to index
          %swap3A_427 = arith.constant 752 : index
          %swap3A_428 = tpu.vector_load %arg11[%swap3A_426, %swap3A_427] {strides = array<i32>} : memref<80x768xf32, #tpu.memory_space<vmem>>, vector<16xf32>,
          tpu.vector_store %arg11[%swap3A_426, %swap3A_427], %get3A_425 {add = true, strides = array<i32>} : memref<80x768xf32, #tpu.memory_space<vmem>>, vector<16xf32>,
          %scan3A_429 = arith.constant 0 : i32
          scf.yield %scan3A_429 : i32
        }
        %scan3A_133 = arith.constant 32 : i32
        %while3A_134 = arith.constant 0 : i32
        scf.yield %while3A_134 : i32
      }
      %scan3A_116 = arith.constant 0 : i32
      scf.yield %scan3A_116 : i32
    }
    %scan3A_25 = arith.constant 16 : i32
    "tpu.region"() ({
      %run_scoped3A = tpu.sem_alloc : memref<!tpu.dma_semaphore, #tpu.memory_space<semaphore_mem>>
      %dma_start3A = arith.constant 0 : i32
      %dma_start3A_52 = tpu.memref_slice %arg5[%add3A_16, %dma_start3A] : memref<10240x768xf32, #tpu.memory_space<hbm>> -> memref<80x768xf32, #tpu.memory_space<hbm>>
      %dma_start3A_53 = arith.constant 0 : i32
      %dma_start3A_54 = tpu.memref_slice %arg5[%add3A_16, %dma_start3A_53] : memref<10240x768xf32, #tpu.memory_space<hbm>> -> memref<80x768xf32, #tpu.memory_space<hbm>>
      tpu.enqueue_dma source(%arg11 : memref<80x768xf32, #tpu.memory_space<vmem>>) target(%dma_start3A_54 : memref<80x768xf32, #tpu.memory_space<hbm>>) target_semaphore(%run_scoped3A : memref<!tpu.dma_semaphore, #tpu.memory_space<semaphore_mem>>)
      %dma_wait3A = arith.constant 0 : i32
      %dma_wait3A_55 = tpu.memref_slice %arg5[%add3A_16, %dma_wait3A] : memref<10240x768xf32, #tpu.memory_space<hbm>> -> memref<80x768xf32, #tpu.memory_space<hbm>>
      %dma_wait3A_56 = arith.constant 0 : i32
      %dma_wait3A_57 = tpu.memref_slice %arg5[%add3A_16, %dma_wait3A_56] : memref<10240x768xf32, #tpu.memory_space<hbm>> -> memref<80x768xf32, #tpu.memory_space<hbm>>
      tpu.wait_dma2 semaphore(%run_scoped3A : memref<!tpu.dma_semaphore, #tpu.memory_space<semaphore_mem>>) src(%arg11 : memref<80x768xf32, #tpu.memory_space<vmem>>) dst(%dma_wait3A_57 : memref<80x768xf32, #tpu.memory_space<hbm>>)
      tpu.yield
    }) : () -> ()
    %mul3A_26 = arith.constant 320 : i32
    %mul3A_27 = arith.muli %add3A, %mul3A_26 : i32
    %add3A_28 = arith.constant 160 : i32
    %add3A_29 = arith.addi %mul3A_27, %add3A_28 : i32
    %add3A_30 = arith.constant 80 : i32
    %add3A_31 = arith.addi %add3A_29, %add3A_30 : i32
    "tpu.region"() ({
      %run_scoped3A = tpu.sem_alloc : memref<!tpu.dma_semaphore, #tpu.memory_space<semaphore_mem>>
      %dma_start3A = arith.constant 10160 : i32
      %dma_start3A_52 = arith.constant 0 : i32
      %dma_start3A_53 = tpu.memref_slice %arg2[%dma_start3A, %dma_start3A_52] : memref<10240x768xf32, #tpu.memory_space<hbm>> -> memref<80x768xf32, #tpu.memory_space<hbm>>
      %dma_start3A_54 = arith.constant 10160 : i32
      %dma_start3A_55 = arith.constant 0 : i32
      %dma_start3A_56 = tpu.memref_slice %arg2[%dma_start3A_54, %dma_start3A_55] : memref<10240x768xf32, #tpu.memory_space<hbm>> -> memref<80x768xf32, #tpu.memory_space<hbm>>
      tpu.enqueue_dma source(%dma_start3A_56 : memref<80x768xf32, #tpu.memory_space<hbm>>) target(%arg11 : memref<80x768xf32, #tpu.memory_space<vmem>>) target_semaphore(%run_scoped3A : memref<!tpu.dma_semaphore, #tpu.memory_space<semaphore_mem>>)
      %dma_wait3A = arith.constant 10160 : i32
      %dma_wait3A_57 = arith.constant 0 : i32
      %dma_wait3A_58 = tpu.memref_slice %arg2[%dma_wait3A, %dma_wait3A_57] : memref<10240x768xf32, #tpu.memory_space<hbm>> -> memref<80x768xf32, #tpu.memory_space<hbm>>
      %dma_wait3A_59 = arith.constant 10160 : i32
      %dma_wait3A_60 = arith.constant 0 : i32
      %dma_wait3A_61 = tpu.memref_slice %arg2[%dma_wait3A_59, %dma_wait3A_60] : memref<10240x768xf32, #tpu.memory_space<hbm>> -> memref<80x768xf32, #tpu.memory_space<hbm>>
      tpu.wait_dma2 semaphore(%run_scoped3A : memref<!tpu.dma_semaphore, #tpu.memory_space<semaphore_mem>>) src(%dma_wait3A_61 : memref<80x768xf32, #tpu.memory_space<hbm>>) dst(%arg11 : memref<80x768xf32, #tpu.memory_space<vmem>>)
      tpu.yield
    }) : () -> ()
    %scan3A_32 = arith.constant 0 : i32
    %scan3A_33 = arith.constant 0 : i32
    %scan3A_34 = arith.constant 16 : i32
    %scan3A_35 = arith.addi %scan3A_33, %scan3A_34 : i32
    %scan3A_36 = arith.constant 1 : i32
    %scan3A_37 = scf.for %scan3A_52 = %scan3A_33 to %scan3A_35 step %scan3A_36 iter_args(%scan3A_53 = %scan3A_32) -> (i32)  : i32 {
      %mul3A_54 = arith.constant 6400 : i32
      %mul3A_55 = arith.muli %scan3A_52, %mul3A_54 : i32
      "tpu.region"() ({
        %run_scoped3A = tpu.sem_alloc : memref<!tpu.dma_semaphore, #tpu.memory_space<semaphore_mem>>
        %dma_start3A = tpu.memref_slice %arg3[%mul3A_55] : memref<102400xi32, #tpu.memory_space<hbm>> -> memref<6400xi32, #tpu.memory_space<hbm>>
        %dma_start3A_117 = tpu.memref_slice %arg3[%mul3A_55] : memref<102400xi32, #tpu.memory_space<hbm>> -> memref<6400xi32, #tpu.memory_space<hbm>>
        tpu.enqueue_dma source(%dma_start3A_117 : memref<6400xi32, #tpu.memory_space<hbm>>) target(%arg6 : memref<6400xi32, #tpu.memory_space<vmem>>) target_semaphore(%run_scoped3A : memref<!tpu.dma_semaphore, #tpu.memory_space<semaphore_mem>>)
        %dma_wait3A = tpu.memref_slice %arg3[%mul3A_55] : memref<102400xi32, #tpu.memory_space<hbm>> -> memref<6400xi32, #tpu.memory_space<hbm>>
        %dma_wait3A_118 = tpu.memref_slice %arg3[%mul3A_55] : memref<102400xi32, #tpu.memory_space<hbm>> -> memref<6400xi32, #tpu.memory_space<hbm>>
        tpu.wait_dma2 semaphore(%run_scoped3A : memref<!tpu.dma_semaphore, #tpu.memory_space<semaphore_mem>>) src(%dma_wait3A_118 : memref<6400xi32, #tpu.memory_space<hbm>>) dst(%arg6 : memref<6400xi32, #tpu.memory_space<vmem>>)
        tpu.yield
      }) : () -> ()
      "tpu.region"() ({
        %run_scoped3A = tpu.sem_alloc : memref<!tpu.dma_semaphore, #tpu.memory_space<semaphore_mem>>
        %dma_start3A = tpu.memref_slice %arg4[%mul3A_55] : memref<102400xi32, #tpu.memory_space<hbm>> -> memref<6400xi32, #tpu.memory_space<hbm>>
        %dma_start3A_117 = tpu.memref_slice %arg4[%mul3A_55] : memref<102400xi32, #tpu.memory_space<hbm>> -> memref<6400xi32, #tpu.memory_space<hbm>>
        tpu.enqueue_dma source(%dma_start3A_117 : memref<6400xi32, #tpu.memory_space<hbm>>) target(%arg7 : memref<6400xi32, #tpu.memory_space<vmem>>) target_semaphore(%run_scoped3A : memref<!tpu.dma_semaphore, #tpu.memory_space<semaphore_mem>>)
        %dma_wait3A = tpu.memref_slice %arg4[%mul3A_55] : memref<102400xi32, #tpu.memory_space<hbm>> -> memref<6400xi32, #tpu.memory_space<hbm>>
        %dma_wait3A_118 = tpu.memref_slice %arg4[%mul3A_55] : memref<102400xi32, #tpu.memory_space<hbm>> -> memref<6400xi32, #tpu.memory_space<hbm>>
        tpu.wait_dma2 semaphore(%run_scoped3A : memref<!tpu.dma_semaphore, #tpu.memory_space<semaphore_mem>>) src(%dma_wait3A_118 : memref<6400xi32, #tpu.memory_space<hbm>>) dst(%arg7 : memref<6400xi32, #tpu.memory_space<vmem>>)
        tpu.yield
      }) : () -> ()
      %scan3A_56 = arith.constant 0 : i32
      %scan3A_57 = arith.constant 0 : i32
      %scan3A_58 = arith.constant 400 : i32
      %scan3A_59 = arith.addi %scan3A_57, %scan3A_58 : i32
      %scan3A_60 = arith.constant 1 : i32
      %scan3A_61 = scf.for %scan3A_117 = %scan3A_57 to %scan3A_59 step %scan3A_60 iter_args(%scan3A_118 = %scan3A_56) -> (i32)  : i32 {
        %mul3A_119 = arith.constant 16 : i32
        %mul3A_120 = arith.muli %scan3A_117, %mul3A_119 : i32
        %get3A = arith.index_cast %mul3A_120 : i32 to index
        %get3A_121 = tpu.vector_load %arg7[%get3A] {strides = array<i32>} : memref<6400xi32, #tpu.memory_space<vmem>>, vector<16xi32>,
        %ge3A = vector.broadcast %add3A_29 : i32 to vector<16xi32>
        %ge3A_122 = arith.cmpi sge, %get3A_121, %ge3A : vector<16xi32>
        %lt3A = vector.broadcast %add3A_31 : i32 to vector<16xi32>
        %lt3A_123 = arith.cmpi slt, %get3A_121, %lt3A : vector<16xi32>
        %and3A_124 = arith.andi %ge3A_122, %lt3A_123 : vector<16xi1>
        %sub3A_125 = vector.broadcast %add3A_29 : i32 to vector<16xi32>
        %sub3A_126 = arith.subi %get3A_121, %sub3A_125 : vector<16xi32>
        %swap3A_127 = arith.index_cast %scan3A_118 : i32 to index
        %swap3A_128 = tpu.vector_load %arg9[%swap3A_127] masked %and3A_124 {strides = array<i32>} : memref<6448xi32, #tpu.memory_space<vmem>>, vector<16xi32>, vector<16xi1>
        tpu.vector_store %arg9[%swap3A_127], %sub3A_126 masked %and3A_124 {strides = array<i32>} : memref<6448xi32, #tpu.memory_space<vmem>>, vector<16xi32>, vector<16xi1>
        %mul3A_129 = arith.constant 16 : i32
        %mul3A_130 = arith.muli %scan3A_117, %mul3A_129 : i32
        %get3A_131 = arith.index_cast %mul3A_130 : i32 to index
        %get3A_132 = tpu.vector_load %arg6[%get3A_131] {strides = array<i32>} : memref<6400xi32, #tpu.memory_space<vmem>>, vector<16xi32>,
        %swap3A_133 = arith.index_cast %scan3A_118 : i32 to index
        %swap3A_134 = tpu.vector_load %arg8[%swap3A_133] masked %and3A_124 {strides = array<i32>} : memref<6448xi32, #tpu.memory_space<vmem>>, vector<16xi32>, vector<16xi1>
        tpu.vector_store %arg8[%swap3A_133], %get3A_132 masked %and3A_124 {strides = array<i32>} : memref<6448xi32, #tpu.memory_space<vmem>>, vector<16xi32>, vector<16xi1>
        %convert_element_type3A = arith.extui %and3A_124 : vector<16xi1> to vector<16xi32>
        %reduce_sum3A = arith.constant true
        %reduce_sum3A_135 = vector.broadcast %reduce_sum3A : i1 to vector<16xi1>
        %reduce_sum3A_136 = tpu.scan <sum>, %convert_element_type3A masked %reduce_sum3A_135 : vector<16xi32>, vector<16xi1> -> vector<16xi32>
        %reduce_sum3A_137 = vector.extract %reduce_sum3A_136[15] : i32 from vector<16xi32>
        %add3A_138 = arith.addi %scan3A_118, %reduce_sum3A_137 : i32
        scf.yield %add3A_138 : i32
      }
      %scan3A_62 = arith.constant 400 : i32
      %broadcast_in_dim3A = arith.constant 0 : i32
      %broadcast_in_dim3A_63 = vector.broadcast %broadcast_in_dim3A : i32 to vector<16xi32>
      %add3A_64 = arith.constant 0 : i32
      %add3A_65 = arith.addi %scan3A_61, %add3A_64 : i32
      %swap3A = arith.index_cast %add3A_65 : i32 to index
      %swap3A_66 = tpu.vector_load %arg9[%swap3A] {strides = array<i32>} : memref<6448xi32, #tpu.memory_space<vmem>>, vector<16xi32>,
      tpu.vector_store %arg9[%swap3A], %broadcast_in_dim3A_63 {strides = array<i32>} : memref<6448xi32, #tpu.memory_space<vmem>>, vector<16xi32>,
      %broadcast_in_dim3A_67 = arith.constant 10200 : i32
      %broadcast_in_dim3A_68 = vector.broadcast %broadcast_in_dim3A_67 : i32 to vector<16xi32>
      %add3A_69 = arith.constant 0 : i32
      %add3A_70 = arith.addi %scan3A_61, %add3A_69 : i32
      %swap3A_71 = arith.index_cast %add3A_70 : i32 to index
      %swap3A_72 = tpu.vector_load %arg8[%swap3A_71] {strides = array<i32>} : memref<6448xi32, #tpu.memory_space<vmem>>, vector<16xi32>,
      tpu.vector_store %arg8[%swap3A_71], %broadcast_in_dim3A_68 {strides = array<i32>} : memref<6448xi32, #tpu.memory_space<vmem>>, vector<16xi32>,
      %broadcast_in_dim3A_73 = arith.constant 0 : i32
      %broadcast_in_dim3A_74 = vector.broadcast %broadcast_in_dim3A_73 : i32 to vector<16xi32>
      %add3A_75 = arith.constant 16 : i32
      %add3A_76 = arith.addi %scan3A_61, %add3A_75 : i32
      %swap3A_77 = arith.index_cast %add3A_76 : i32 to index
      %swap3A_78 = tpu.vector_load %arg9[%swap3A_77] {strides = array<i32>} : memref<6448xi32, #tpu.memory_space<vmem>>, vector<16xi32>,
      tpu.vector_store %arg9[%swap3A_77], %broadcast_in_dim3A_74 {strides = array<i32>} : memref<6448xi32, #tpu.memory_space<vmem>>, vector<16xi32>,
      %broadcast_in_dim3A_79 = arith.constant 10200 : i32
      %broadcast_in_dim3A_80 = vector.broadcast %broadcast_in_dim3A_79 : i32 to vector<16xi32>
      %add3A_81 = arith.constant 16 : i32
      %add3A_82 = arith.addi %scan3A_61, %add3A_81 : i32
      %swap3A_83 = arith.index_cast %add3A_82 : i32 to index
      %swap3A_84 = tpu.vector_load %arg8[%swap3A_83] {strides = array<i32>} : memref<6448xi32, #tpu.memory_space<vmem>>, vector<16xi32>,
      tpu.vector_store %arg8[%swap3A_83], %broadcast_in_dim3A_80 {strides = array<i32>} : memref<6448xi32, #tpu.memory_space<vmem>>, vector<16xi32>,
      %add3A_85 = arith.constant 32 : i32
      %add3A_86 = arith.addi %scan3A_61, %add3A_85 : i32
      %sub3A = arith.constant 1 : i32
      %sub3A_87 = arith.subi %add3A_86, %sub3A : i32
      %jit3A = arith.constant 32 : i32
      %div3A = arith.divsi %sub3A_87, %jit3A : i32
      %sign3A = arith.constant 0 : i32
      %sign3A_88 = arith.cmpi sgt, %sub3A_87, %sign3A : i32
      %sign3A_89 = arith.extui %sign3A_88 : i1 to i32
      %sign3A_90 = arith.constant 0 : i32
      %sign3A_91 = arith.cmpi slt, %sub3A_87, %sign3A_90 : i32
      %sign3A_92 = arith.extui %sign3A_91 : i1 to i32
      %sign3A_93 = arith.subi %sign3A_89, %sign3A_92 : i32
      %sign3A_94 = arith.constant 0 : i32
      %sign3A_95 = arith.cmpi sgt, %jit3A, %sign3A_94 : i32
      %sign3A_96 = arith.extui %sign3A_95 : i1 to i32
      %sign3A_97 = arith.constant 0 : i32
      %sign3A_98 = arith.cmpi slt, %jit3A, %sign3A_97 : i32
      %sign3A_99 = arith.extui %sign3A_98 : i1 to i32
      %sign3A_100 = arith.subi %sign3A_96, %sign3A_99 : i32
      %ne3A = arith.cmpi ne, %sign3A_93, %sign3A_100 : i32
      %rem3A = arith.remsi %sub3A_87, %jit3A : i32
      %ne3A_101 = arith.constant 0 : i32
      %ne3A_102 = arith.cmpi ne, %rem3A, %ne3A_101 : i32
      %and3A = arith.andi %ne3A, %ne3A_102 : i1
      %sub3A_103 = arith.constant 1 : i32
      %sub3A_104 = arith.subi %div3A, %sub3A_103 : i32
      %select_n3A = arith.select %and3A, %sub3A_104, %div3A : i32
      %while3A = arith.constant 0 : i32
      %while3A_105 = arith.constant 0 : i32
      %while3A_106 = arith.subi %select_n3A, %while3A : i32
      %while3A_107 = arith.addi %while3A, %while3A_106 : i32
      %while3A_108 = arith.constant 1 : i32
      %while3A_109 = arith.divsi %while3A_106, %while3A_108 : i32
      %while3A_110 = arith.muli %while3A_109, %while3A_108 : i32
      %while3A_111 = arith.addi %while3A, %while3A_110 : i32
      %while3A_112 = arith.constant 1 : i32
      %while3A_113 = scf.for %while3A_117 = %while3A to %while3A_111 step %while3A_112 iter_args(%while3A_118 = %while3A_105) -> (i32)  : i32 {
        %mul3A_119 = arith.constant 32 : i32
        %mul3A_120 = arith.muli %while3A_117, %mul3A_119 : i32
        %dma_start3A = tpu.memref_slice %arg8[%mul3A_120] : memref<6448xi32, #tpu.memory_space<vmem>> -> memref<32xi32, #tpu.memory_space<vmem>>
        %dma_start3A_121 = arith.constant 0 : i32
        %dma_start3A_122 = arith.constant 0 : i32
        %dma_start3A_123 = tpu.memref_slice %arg2[%dma_start3A_121, %dma_start3A_122] : memref<10240x768xf32, #tpu.memory_space<hbm>> -> memref<10240x768xf32, #tpu.memory_space<hbm>>
        tpu.enqueue_indirect_dma source(%dma_start3A_123 : memref<10240x768xf32, #tpu.memory_space<hbm>>) target(%arg10 : memref<32x768xf32, #tpu.memory_space<vmem>>) offsets(%dma_start3A : memref<32xi32, #tpu.memory_space<vmem>>) semaphore(%arg12 : memref<!tpu.dma_semaphore, #tpu.memory_space<semaphore_mem>>)
        %dma_wait3A = tpu.memref_slice %arg8[%mul3A_120] : memref<6448xi32, #tpu.memory_space<vmem>> -> memref<32xi32, #tpu.memory_space<vmem>>
        %dma_wait3A_124 = arith.constant 0 : i32
        %dma_wait3A_125 = arith.constant 0 : i32
        %dma_wait3A_126 = tpu.memref_slice %arg2[%dma_wait3A_124, %dma_wait3A_125] : memref<10240x768xf32, #tpu.memory_space<hbm>> -> memref<10240x768xf32, #tpu.memory_space<hbm>>
        tpu.wait_indirect_dma semaphore(%arg12 : memref<!tpu.dma_semaphore, #tpu.memory_space<semaphore_mem>>) src(%dma_wait3A_126 : memref<10240x768xf32, #tpu.memory_space<hbm>>) dst(%arg10 : memref<32x768xf32, #tpu.memory_space<vmem>>)
        %scan3A_127 = arith.constant 0 : i32
        %scan3A_128 = arith.constant 0 : i32
        %scan3A_129 = arith.constant 32 : i32
        %scan3A_130 = arith.addi %scan3A_128, %scan3A_129 : i32
        %scan3A_131 = arith.constant 1 : i32
        %scan3A_132 = scf.for %scan3A_135 = %scan3A_128 to %scan3A_130 step %scan3A_131 iter_args(%scan3A_136 = %scan3A_127) -> (i32)  : i32 {
          %mul3A_137 = arith.constant 32 : i32
          %mul3A_138 = arith.muli %while3A_117, %mul3A_137 : i32
          %add3A_139 = arith.addi %mul3A_138, %scan3A_135 : i32
          %get3A = arith.index_cast %add3A_139 : i32 to index
          %get3A_140 = tpu.vector_load %arg9[%get3A] {strides = array<i32>} : memref<6448xi32, #tpu.memory_space<vmem>>, vector<16xi32>,
          %slice3A = vector.extract_strided_slice %get3A_140 {offsets = [0], sizes = [1], strides = [1]} : vector<16xi32> to vector<1xi32>
          %squeeze3A = vector.extract %slice3A[0] : i32 from vector<1xi32>
          %get3A_141 = arith.index_cast %scan3A_135 : i32 to index
          %get3A_142 = arith.constant 0 : index
          %get3A_143 = tpu.vector_load %arg10[%get3A_141, %get3A_142] {strides = array<i32>} : memref<32x768xf32, #tpu.memory_space<vmem>>, vector<16xf32>,
          %swap3A_144 = arith.index_cast %squeeze3A : i32 to index
          %swap3A_145 = arith.constant 0 : index
          %swap3A_146 = tpu.vector_load %arg11[%swap3A_144, %swap3A_145] {strides = array<i32>} : memref<80x768xf32, #tpu.memory_space<vmem>>, vector<16xf32>,
          tpu.vector_store %arg11[%swap3A_144, %swap3A_145], %get3A_143 {add = true, strides = array<i32>} : memref<80x768xf32, #tpu.memory_space<vmem>>, vector<16xf32>,
          %get3A_147 = arith.index_cast %scan3A_135 : i32 to index
          %get3A_148 = arith.constant 16 : index
          %get3A_149 = tpu.vector_load %arg10[%get3A_147, %get3A_148] {strides = array<i32>} : memref<32x768xf32, #tpu.memory_space<vmem>>, vector<16xf32>,
          %swap3A_150 = arith.index_cast %squeeze3A : i32 to index
          %swap3A_151 = arith.constant 16 : index
          %swap3A_152 = tpu.vector_load %arg11[%swap3A_150, %swap3A_151] {strides = array<i32>} : memref<80x768xf32, #tpu.memory_space<vmem>>, vector<16xf32>,
          tpu.vector_store %arg11[%swap3A_150, %swap3A_151], %get3A_149 {add = true, strides = array<i32>} : memref<80x768xf32, #tpu.memory_space<vmem>>, vector<16xf32>,
          %get3A_153 = arith.index_cast %scan3A_135 : i32 to index
          %get3A_154 = arith.constant 32 : index
          %get3A_155 = tpu.vector_load %arg10[%get3A_153, %get3A_154] {strides = array<i32>} : memref<32x768xf32, #tpu.memory_space<vmem>>, vector<16xf32>,
          %swap3A_156 = arith.index_cast %squeeze3A : i32 to index
          %swap3A_157 = arith.constant 32 : index
          %swap3A_158 = tpu.vector_load %arg11[%swap3A_156, %swap3A_157] {strides = array<i32>} : memref<80x768xf32, #tpu.memory_space<vmem>>, vector<16xf32>,
          tpu.vector_store %arg11[%swap3A_156, %swap3A_157], %get3A_155 {add = true, strides = array<i32>} : memref<80x768xf32, #tpu.memory_space<vmem>>, vector<16xf32>,
          %get3A_159 = arith.index_cast %scan3A_135 : i32 to index
          %get3A_160 = arith.constant 48 : index
          %get3A_161 = tpu.vector_load %arg10[%get3A_159, %get3A_160] {strides = array<i32>} : memref<32x768xf32, #tpu.memory_space<vmem>>, vector<16xf32>,
          %swap3A_162 = arith.index_cast %squeeze3A : i32 to index
          %swap3A_163 = arith.constant 48 : index
          %swap3A_164 = tpu.vector_load %arg11[%swap3A_162, %swap3A_163] {strides = array<i32>} : memref<80x768xf32, #tpu.memory_space<vmem>>, vector<16xf32>,
          tpu.vector_store %arg11[%swap3A_162, %swap3A_163], %get3A_161 {add = true, strides = array<i32>} : memref<80x768xf32, #tpu.memory_space<vmem>>, vector<16xf32>,
          %get3A_165 = arith.index_cast %scan3A_135 : i32 to index
          %get3A_166 = arith.constant 64 : index
          %get3A_167 = tpu.vector_load %arg10[%get3A_165, %get3A_166] {strides = array<i32>} : memref<32x768xf32, #tpu.memory_space<vmem>>, vector<16xf32>,
          %swap3A_168 = arith.index_cast %squeeze3A : i32 to index
          %swap3A_169 = arith.constant 64 : index
          %swap3A_170 = tpu.vector_load %arg11[%swap3A_168, %swap3A_169] {strides = array<i32>} : memref<80x768xf32, #tpu.memory_space<vmem>>, vector<16xf32>,
          tpu.vector_store %arg11[%swap3A_168, %swap3A_169], %get3A_167 {add = true, strides = array<i32>} : memref<80x768xf32, #tpu.memory_space<vmem>>, vector<16xf32>,
          %get3A_171 = arith.index_cast %scan3A_135 : i32 to index
          %get3A_172 = arith.constant 80 : index
          %get3A_173 = tpu.vector_load %arg10[%get3A_171, %get3A_172] {strides = array<i32>} : memref<32x768xf32, #tpu.memory_space<vmem>>, vector<16xf32>,
          %swap3A_174 = arith.index_cast %squeeze3A : i32 to index
          %swap3A_175 = arith.constant 80 : index
          %swap3A_176 = tpu.vector_load %arg11[%swap3A_174, %swap3A_175] {strides = array<i32>} : memref<80x768xf32, #tpu.memory_space<vmem>>, vector<16xf32>,
          tpu.vector_store %arg11[%swap3A_174, %swap3A_175], %get3A_173 {add = true, strides = array<i32>} : memref<80x768xf32, #tpu.memory_space<vmem>>, vector<16xf32>,
          %get3A_177 = arith.index_cast %scan3A_135 : i32 to index
          %get3A_178 = arith.constant 96 : index
          %get3A_179 = tpu.vector_load %arg10[%get3A_177, %get3A_178] {strides = array<i32>} : memref<32x768xf32, #tpu.memory_space<vmem>>, vector<16xf32>,
          %swap3A_180 = arith.index_cast %squeeze3A : i32 to index
          %swap3A_181 = arith.constant 96 : index
          %swap3A_182 = tpu.vector_load %arg11[%swap3A_180, %swap3A_181] {strides = array<i32>} : memref<80x768xf32, #tpu.memory_space<vmem>>, vector<16xf32>,
          tpu.vector_store %arg11[%swap3A_180, %swap3A_181], %get3A_179 {add = true, strides = array<i32>} : memref<80x768xf32, #tpu.memory_space<vmem>>, vector<16xf32>,
          %get3A_183 = arith.index_cast %scan3A_135 : i32 to index
          %get3A_184 = arith.constant 112 : index
          %get3A_185 = tpu.vector_load %arg10[%get3A_183, %get3A_184] {strides = array<i32>} : memref<32x768xf32, #tpu.memory_space<vmem>>, vector<16xf32>,
          %swap3A_186 = arith.index_cast %squeeze3A : i32 to index
          %swap3A_187 = arith.constant 112 : index
          %swap3A_188 = tpu.vector_load %arg11[%swap3A_186, %swap3A_187] {strides = array<i32>} : memref<80x768xf32, #tpu.memory_space<vmem>>, vector<16xf32>,
          tpu.vector_store %arg11[%swap3A_186, %swap3A_187], %get3A_185 {add = true, strides = array<i32>} : memref<80x768xf32, #tpu.memory_space<vmem>>, vector<16xf32>,
          %get3A_189 = arith.index_cast %scan3A_135 : i32 to index
          %get3A_190 = arith.constant 128 : index
          %get3A_191 = tpu.vector_load %arg10[%get3A_189, %get3A_190] {strides = array<i32>} : memref<32x768xf32, #tpu.memory_space<vmem>>, vector<16xf32>,
          %swap3A_192 = arith.index_cast %squeeze3A : i32 to index
          %swap3A_193 = arith.constant 128 : index
          %swap3A_194 = tpu.vector_load %arg11[%swap3A_192, %swap3A_193] {strides = array<i32>} : memref<80x768xf32, #tpu.memory_space<vmem>>, vector<16xf32>,
          tpu.vector_store %arg11[%swap3A_192, %swap3A_193], %get3A_191 {add = true, strides = array<i32>} : memref<80x768xf32, #tpu.memory_space<vmem>>, vector<16xf32>,
          %get3A_195 = arith.index_cast %scan3A_135 : i32 to index
          %get3A_196 = arith.constant 144 : index
          %get3A_197 = tpu.vector_load %arg10[%get3A_195, %get3A_196] {strides = array<i32>} : memref<32x768xf32, #tpu.memory_space<vmem>>, vector<16xf32>,
          %swap3A_198 = arith.index_cast %squeeze3A : i32 to index
          %swap3A_199 = arith.constant 144 : index
          %swap3A_200 = tpu.vector_load %arg11[%swap3A_198, %swap3A_199] {strides = array<i32>} : memref<80x768xf32, #tpu.memory_space<vmem>>, vector<16xf32>,
          tpu.vector_store %arg11[%swap3A_198, %swap3A_199], %get3A_197 {add = true, strides = array<i32>} : memref<80x768xf32, #tpu.memory_space<vmem>>, vector<16xf32>,
          %get3A_201 = arith.index_cast %scan3A_135 : i32 to index
          %get3A_202 = arith.constant 160 : index
          %get3A_203 = tpu.vector_load %arg10[%get3A_201, %get3A_202] {strides = array<i32>} : memref<32x768xf32, #tpu.memory_space<vmem>>, vector<16xf32>,
          %swap3A_204 = arith.index_cast %squeeze3A : i32 to index
          %swap3A_205 = arith.constant 160 : index
          %swap3A_206 = tpu.vector_load %arg11[%swap3A_204, %swap3A_205] {strides = array<i32>} : memref<80x768xf32, #tpu.memory_space<vmem>>, vector<16xf32>,
          tpu.vector_store %arg11[%swap3A_204, %swap3A_205], %get3A_203 {add = true, strides = array<i32>} : memref<80x768xf32, #tpu.memory_space<vmem>>, vector<16xf32>,
          %get3A_207 = arith.index_cast %scan3A_135 : i32 to index
          %get3A_208 = arith.constant 176 : index
          %get3A_209 = tpu.vector_load %arg10[%get3A_207, %get3A_208] {strides = array<i32>} : memref<32x768xf32, #tpu.memory_space<vmem>>, vector<16xf32>,
          %swap3A_210 = arith.index_cast %squeeze3A : i32 to index
          %swap3A_211 = arith.constant 176 : index
          %swap3A_212 = tpu.vector_load %arg11[%swap3A_210, %swap3A_211] {strides = array<i32>} : memref<80x768xf32, #tpu.memory_space<vmem>>, vector<16xf32>,
          tpu.vector_store %arg11[%swap3A_210, %swap3A_211], %get3A_209 {add = true, strides = array<i32>} : memref<80x768xf32, #tpu.memory_space<vmem>>, vector<16xf32>,
          %get3A_213 = arith.index_cast %scan3A_135 : i32 to index
          %get3A_214 = arith.constant 192 : index
          %get3A_215 = tpu.vector_load %arg10[%get3A_213, %get3A_214] {strides = array<i32>} : memref<32x768xf32, #tpu.memory_space<vmem>>, vector<16xf32>,
          %swap3A_216 = arith.index_cast %squeeze3A : i32 to index
          %swap3A_217 = arith.constant 192 : index
          %swap3A_218 = tpu.vector_load %arg11[%swap3A_216, %swap3A_217] {strides = array<i32>} : memref<80x768xf32, #tpu.memory_space<vmem>>, vector<16xf32>,
          tpu.vector_store %arg11[%swap3A_216, %swap3A_217], %get3A_215 {add = true, strides = array<i32>} : memref<80x768xf32, #tpu.memory_space<vmem>>, vector<16xf32>,
          %get3A_219 = arith.index_cast %scan3A_135 : i32 to index
          %get3A_220 = arith.constant 208 : index
          %get3A_221 = tpu.vector_load %arg10[%get3A_219, %get3A_220] {strides = array<i32>} : memref<32x768xf32, #tpu.memory_space<vmem>>, vector<16xf32>,
          %swap3A_222 = arith.index_cast %squeeze3A : i32 to index
          %swap3A_223 = arith.constant 208 : index
          %swap3A_224 = tpu.vector_load %arg11[%swap3A_222, %swap3A_223] {strides = array<i32>} : memref<80x768xf32, #tpu.memory_space<vmem>>, vector<16xf32>,
          tpu.vector_store %arg11[%swap3A_222, %swap3A_223], %get3A_221 {add = true, strides = array<i32>} : memref<80x768xf32, #tpu.memory_space<vmem>>, vector<16xf32>,
          %get3A_225 = arith.index_cast %scan3A_135 : i32 to index
          %get3A_226 = arith.constant 224 : index
          %get3A_227 = tpu.vector_load %arg10[%get3A_225, %get3A_226] {strides = array<i32>} : memref<32x768xf32, #tpu.memory_space<vmem>>, vector<16xf32>,
          %swap3A_228 = arith.index_cast %squeeze3A : i32 to index
          %swap3A_229 = arith.constant 224 : index
          %swap3A_230 = tpu.vector_load %arg11[%swap3A_228, %swap3A_229] {strides = array<i32>} : memref<80x768xf32, #tpu.memory_space<vmem>>, vector<16xf32>,
          tpu.vector_store %arg11[%swap3A_228, %swap3A_229], %get3A_227 {add = true, strides = array<i32>} : memref<80x768xf32, #tpu.memory_space<vmem>>, vector<16xf32>,
          %get3A_231 = arith.index_cast %scan3A_135 : i32 to index
          %get3A_232 = arith.constant 240 : index
          %get3A_233 = tpu.vector_load %arg10[%get3A_231, %get3A_232] {strides = array<i32>} : memref<32x768xf32, #tpu.memory_space<vmem>>, vector<16xf32>,
          %swap3A_234 = arith.index_cast %squeeze3A : i32 to index
          %swap3A_235 = arith.constant 240 : index
          %swap3A_236 = tpu.vector_load %arg11[%swap3A_234, %swap3A_235] {strides = array<i32>} : memref<80x768xf32, #tpu.memory_space<vmem>>, vector<16xf32>,
          tpu.vector_store %arg11[%swap3A_234, %swap3A_235], %get3A_233 {add = true, strides = array<i32>} : memref<80x768xf32, #tpu.memory_space<vmem>>, vector<16xf32>,
          %get3A_237 = arith.index_cast %scan3A_135 : i32 to index
          %get3A_238 = arith.constant 256 : index
          %get3A_239 = tpu.vector_load %arg10[%get3A_237, %get3A_238] {strides = array<i32>} : memref<32x768xf32, #tpu.memory_space<vmem>>, vector<16xf32>,
          %swap3A_240 = arith.index_cast %squeeze3A : i32 to index
          %swap3A_241 = arith.constant 256 : index
          %swap3A_242 = tpu.vector_load %arg11[%swap3A_240, %swap3A_241] {strides = array<i32>} : memref<80x768xf32, #tpu.memory_space<vmem>>, vector<16xf32>,
          tpu.vector_store %arg11[%swap3A_240, %swap3A_241], %get3A_239 {add = true, strides = array<i32>} : memref<80x768xf32, #tpu.memory_space<vmem>>, vector<16xf32>,
          %get3A_243 = arith.index_cast %scan3A_135 : i32 to index
          %get3A_244 = arith.constant 272 : index
          %get3A_245 = tpu.vector_load %arg10[%get3A_243, %get3A_244] {strides = array<i32>} : memref<32x768xf32, #tpu.memory_space<vmem>>, vector<16xf32>,
          %swap3A_246 = arith.index_cast %squeeze3A : i32 to index
          %swap3A_247 = arith.constant 272 : index
          %swap3A_248 = tpu.vector_load %arg11[%swap3A_246, %swap3A_247] {strides = array<i32>} : memref<80x768xf32, #tpu.memory_space<vmem>>, vector<16xf32>,
          tpu.vector_store %arg11[%swap3A_246, %swap3A_247], %get3A_245 {add = true, strides = array<i32>} : memref<80x768xf32, #tpu.memory_space<vmem>>, vector<16xf32>,
          %get3A_249 = arith.index_cast %scan3A_135 : i32 to index
          %get3A_250 = arith.constant 288 : index
          %get3A_251 = tpu.vector_load %arg10[%get3A_249, %get3A_250] {strides = array<i32>} : memref<32x768xf32, #tpu.memory_space<vmem>>, vector<16xf32>,
          %swap3A_252 = arith.index_cast %squeeze3A : i32 to index
          %swap3A_253 = arith.constant 288 : index
          %swap3A_254 = tpu.vector_load %arg11[%swap3A_252, %swap3A_253] {strides = array<i32>} : memref<80x768xf32, #tpu.memory_space<vmem>>, vector<16xf32>,
          tpu.vector_store %arg11[%swap3A_252, %swap3A_253], %get3A_251 {add = true, strides = array<i32>} : memref<80x768xf32, #tpu.memory_space<vmem>>, vector<16xf32>,
          %get3A_255 = arith.index_cast %scan3A_135 : i32 to index
          %get3A_256 = arith.constant 304 : index
          %get3A_257 = tpu.vector_load %arg10[%get3A_255, %get3A_256] {strides = array<i32>} : memref<32x768xf32, #tpu.memory_space<vmem>>, vector<16xf32>,
          %swap3A_258 = arith.index_cast %squeeze3A : i32 to index
          %swap3A_259 = arith.constant 304 : index
          %swap3A_260 = tpu.vector_load %arg11[%swap3A_258, %swap3A_259] {strides = array<i32>} : memref<80x768xf32, #tpu.memory_space<vmem>>, vector<16xf32>,
          tpu.vector_store %arg11[%swap3A_258, %swap3A_259], %get3A_257 {add = true, strides = array<i32>} : memref<80x768xf32, #tpu.memory_space<vmem>>, vector<16xf32>,
          %get3A_261 = arith.index_cast %scan3A_135 : i32 to index
          %get3A_262 = arith.constant 320 : index
          %get3A_263 = tpu.vector_load %arg10[%get3A_261, %get3A_262] {strides = array<i32>} : memref<32x768xf32, #tpu.memory_space<vmem>>, vector<16xf32>,
          %swap3A_264 = arith.index_cast %squeeze3A : i32 to index
          %swap3A_265 = arith.constant 320 : index
          %swap3A_266 = tpu.vector_load %arg11[%swap3A_264, %swap3A_265] {strides = array<i32>} : memref<80x768xf32, #tpu.memory_space<vmem>>, vector<16xf32>,
          tpu.vector_store %arg11[%swap3A_264, %swap3A_265], %get3A_263 {add = true, strides = array<i32>} : memref<80x768xf32, #tpu.memory_space<vmem>>, vector<16xf32>,
          %get3A_267 = arith.index_cast %scan3A_135 : i32 to index
          %get3A_268 = arith.constant 336 : index
          %get3A_269 = tpu.vector_load %arg10[%get3A_267, %get3A_268] {strides = array<i32>} : memref<32x768xf32, #tpu.memory_space<vmem>>, vector<16xf32>,
          %swap3A_270 = arith.index_cast %squeeze3A : i32 to index
          %swap3A_271 = arith.constant 336 : index
          %swap3A_272 = tpu.vector_load %arg11[%swap3A_270, %swap3A_271] {strides = array<i32>} : memref<80x768xf32, #tpu.memory_space<vmem>>, vector<16xf32>,
          tpu.vector_store %arg11[%swap3A_270, %swap3A_271], %get3A_269 {add = true, strides = array<i32>} : memref<80x768xf32, #tpu.memory_space<vmem>>, vector<16xf32>,
          %get3A_273 = arith.index_cast %scan3A_135 : i32 to index
          %get3A_274 = arith.constant 352 : index
          %get3A_275 = tpu.vector_load %arg10[%get3A_273, %get3A_274] {strides = array<i32>} : memref<32x768xf32, #tpu.memory_space<vmem>>, vector<16xf32>,
          %swap3A_276 = arith.index_cast %squeeze3A : i32 to index
          %swap3A_277 = arith.constant 352 : index
          %swap3A_278 = tpu.vector_load %arg11[%swap3A_276, %swap3A_277] {strides = array<i32>} : memref<80x768xf32, #tpu.memory_space<vmem>>, vector<16xf32>,
          tpu.vector_store %arg11[%swap3A_276, %swap3A_277], %get3A_275 {add = true, strides = array<i32>} : memref<80x768xf32, #tpu.memory_space<vmem>>, vector<16xf32>,
          %get3A_279 = arith.index_cast %scan3A_135 : i32 to index
          %get3A_280 = arith.constant 368 : index
          %get3A_281 = tpu.vector_load %arg10[%get3A_279, %get3A_280] {strides = array<i32>} : memref<32x768xf32, #tpu.memory_space<vmem>>, vector<16xf32>,
          %swap3A_282 = arith.index_cast %squeeze3A : i32 to index
          %swap3A_283 = arith.constant 368 : index
          %swap3A_284 = tpu.vector_load %arg11[%swap3A_282, %swap3A_283] {strides = array<i32>} : memref<80x768xf32, #tpu.memory_space<vmem>>, vector<16xf32>,
          tpu.vector_store %arg11[%swap3A_282, %swap3A_283], %get3A_281 {add = true, strides = array<i32>} : memref<80x768xf32, #tpu.memory_space<vmem>>, vector<16xf32>,
          %get3A_285 = arith.index_cast %scan3A_135 : i32 to index
          %get3A_286 = arith.constant 384 : index
          %get3A_287 = tpu.vector_load %arg10[%get3A_285, %get3A_286] {strides = array<i32>} : memref<32x768xf32, #tpu.memory_space<vmem>>, vector<16xf32>,
          %swap3A_288 = arith.index_cast %squeeze3A : i32 to index
          %swap3A_289 = arith.constant 384 : index
          %swap3A_290 = tpu.vector_load %arg11[%swap3A_288, %swap3A_289] {strides = array<i32>} : memref<80x768xf32, #tpu.memory_space<vmem>>, vector<16xf32>,
          tpu.vector_store %arg11[%swap3A_288, %swap3A_289], %get3A_287 {add = true, strides = array<i32>} : memref<80x768xf32, #tpu.memory_space<vmem>>, vector<16xf32>,
          %get3A_291 = arith.index_cast %scan3A_135 : i32 to index
          %get3A_292 = arith.constant 400 : index
          %get3A_293 = tpu.vector_load %arg10[%get3A_291, %get3A_292] {strides = array<i32>} : memref<32x768xf32, #tpu.memory_space<vmem>>, vector<16xf32>,
          %swap3A_294 = arith.index_cast %squeeze3A : i32 to index
          %swap3A_295 = arith.constant 400 : index
          %swap3A_296 = tpu.vector_load %arg11[%swap3A_294, %swap3A_295] {strides = array<i32>} : memref<80x768xf32, #tpu.memory_space<vmem>>, vector<16xf32>,
          tpu.vector_store %arg11[%swap3A_294, %swap3A_295], %get3A_293 {add = true, strides = array<i32>} : memref<80x768xf32, #tpu.memory_space<vmem>>, vector<16xf32>,
          %get3A_297 = arith.index_cast %scan3A_135 : i32 to index
          %get3A_298 = arith.constant 416 : index
          %get3A_299 = tpu.vector_load %arg10[%get3A_297, %get3A_298] {strides = array<i32>} : memref<32x768xf32, #tpu.memory_space<vmem>>, vector<16xf32>,
          %swap3A_300 = arith.index_cast %squeeze3A : i32 to index
          %swap3A_301 = arith.constant 416 : index
          %swap3A_302 = tpu.vector_load %arg11[%swap3A_300, %swap3A_301] {strides = array<i32>} : memref<80x768xf32, #tpu.memory_space<vmem>>, vector<16xf32>,
          tpu.vector_store %arg11[%swap3A_300, %swap3A_301], %get3A_299 {add = true, strides = array<i32>} : memref<80x768xf32, #tpu.memory_space<vmem>>, vector<16xf32>,
          %get3A_303 = arith.index_cast %scan3A_135 : i32 to index
          %get3A_304 = arith.constant 432 : index
          %get3A_305 = tpu.vector_load %arg10[%get3A_303, %get3A_304] {strides = array<i32>} : memref<32x768xf32, #tpu.memory_space<vmem>>, vector<16xf32>,
          %swap3A_306 = arith.index_cast %squeeze3A : i32 to index
          %swap3A_307 = arith.constant 432 : index
          %swap3A_308 = tpu.vector_load %arg11[%swap3A_306, %swap3A_307] {strides = array<i32>} : memref<80x768xf32, #tpu.memory_space<vmem>>, vector<16xf32>,
          tpu.vector_store %arg11[%swap3A_306, %swap3A_307], %get3A_305 {add = true, strides = array<i32>} : memref<80x768xf32, #tpu.memory_space<vmem>>, vector<16xf32>,
          %get3A_309 = arith.index_cast %scan3A_135 : i32 to index
          %get3A_310 = arith.constant 448 : index
          %get3A_311 = tpu.vector_load %arg10[%get3A_309, %get3A_310] {strides = array<i32>} : memref<32x768xf32, #tpu.memory_space<vmem>>, vector<16xf32>,
          %swap3A_312 = arith.index_cast %squeeze3A : i32 to index
          %swap3A_313 = arith.constant 448 : index
          %swap3A_314 = tpu.vector_load %arg11[%swap3A_312, %swap3A_313] {strides = array<i32>} : memref<80x768xf32, #tpu.memory_space<vmem>>, vector<16xf32>,
          tpu.vector_store %arg11[%swap3A_312, %swap3A_313], %get3A_311 {add = true, strides = array<i32>} : memref<80x768xf32, #tpu.memory_space<vmem>>, vector<16xf32>,
          %get3A_315 = arith.index_cast %scan3A_135 : i32 to index
          %get3A_316 = arith.constant 464 : index
          %get3A_317 = tpu.vector_load %arg10[%get3A_315, %get3A_316] {strides = array<i32>} : memref<32x768xf32, #tpu.memory_space<vmem>>, vector<16xf32>,
          %swap3A_318 = arith.index_cast %squeeze3A : i32 to index
          %swap3A_319 = arith.constant 464 : index
          %swap3A_320 = tpu.vector_load %arg11[%swap3A_318, %swap3A_319] {strides = array<i32>} : memref<80x768xf32, #tpu.memory_space<vmem>>, vector<16xf32>,
          tpu.vector_store %arg11[%swap3A_318, %swap3A_319], %get3A_317 {add = true, strides = array<i32>} : memref<80x768xf32, #tpu.memory_space<vmem>>, vector<16xf32>,
          %get3A_321 = arith.index_cast %scan3A_135 : i32 to index
          %get3A_322 = arith.constant 480 : index
          %get3A_323 = tpu.vector_load %arg10[%get3A_321, %get3A_322] {strides = array<i32>} : memref<32x768xf32, #tpu.memory_space<vmem>>, vector<16xf32>,
          %swap3A_324 = arith.index_cast %squeeze3A : i32 to index
          %swap3A_325 = arith.constant 480 : index
          %swap3A_326 = tpu.vector_load %arg11[%swap3A_324, %swap3A_325] {strides = array<i32>} : memref<80x768xf32, #tpu.memory_space<vmem>>, vector<16xf32>,
          tpu.vector_store %arg11[%swap3A_324, %swap3A_325], %get3A_323 {add = true, strides = array<i32>} : memref<80x768xf32, #tpu.memory_space<vmem>>, vector<16xf32>,
          %get3A_327 = arith.index_cast %scan3A_135 : i32 to index
          %get3A_328 = arith.constant 496 : index
          %get3A_329 = tpu.vector_load %arg10[%get3A_327, %get3A_328] {strides = array<i32>} : memref<32x768xf32, #tpu.memory_space<vmem>>, vector<16xf32>,
          %swap3A_330 = arith.index_cast %squeeze3A : i32 to index
          %swap3A_331 = arith.constant 496 : index
          %swap3A_332 = tpu.vector_load %arg11[%swap3A_330, %swap3A_331] {strides = array<i32>} : memref<80x768xf32, #tpu.memory_space<vmem>>, vector<16xf32>,
          tpu.vector_store %arg11[%swap3A_330, %swap3A_331], %get3A_329 {add = true, strides = array<i32>} : memref<80x768xf32, #tpu.memory_space<vmem>>, vector<16xf32>,
          %get3A_333 = arith.index_cast %scan3A_135 : i32 to index
          %get3A_334 = arith.constant 512 : index
          %get3A_335 = tpu.vector_load %arg10[%get3A_333, %get3A_334] {strides = array<i32>} : memref<32x768xf32, #tpu.memory_space<vmem>>, vector<16xf32>,
          %swap3A_336 = arith.index_cast %squeeze3A : i32 to index
          %swap3A_337 = arith.constant 512 : index
          %swap3A_338 = tpu.vector_load %arg11[%swap3A_336, %swap3A_337] {strides = array<i32>} : memref<80x768xf32, #tpu.memory_space<vmem>>, vector<16xf32>,
          tpu.vector_store %arg11[%swap3A_336, %swap3A_337], %get3A_335 {add = true, strides = array<i32>} : memref<80x768xf32, #tpu.memory_space<vmem>>, vector<16xf32>,
          %get3A_339 = arith.index_cast %scan3A_135 : i32 to index
          %get3A_340 = arith.constant 528 : index
          %get3A_341 = tpu.vector_load %arg10[%get3A_339, %get3A_340] {strides = array<i32>} : memref<32x768xf32, #tpu.memory_space<vmem>>, vector<16xf32>,
          %swap3A_342 = arith.index_cast %squeeze3A : i32 to index
          %swap3A_343 = arith.constant 528 : index
          %swap3A_344 = tpu.vector_load %arg11[%swap3A_342, %swap3A_343] {strides = array<i32>} : memref<80x768xf32, #tpu.memory_space<vmem>>, vector<16xf32>,
          tpu.vector_store %arg11[%swap3A_342, %swap3A_343], %get3A_341 {add = true, strides = array<i32>} : memref<80x768xf32, #tpu.memory_space<vmem>>, vector<16xf32>,
          %get3A_345 = arith.index_cast %scan3A_135 : i32 to index
          %get3A_346 = arith.constant 544 : index
          %get3A_347 = tpu.vector_load %arg10[%get3A_345, %get3A_346] {strides = array<i32>} : memref<32x768xf32, #tpu.memory_space<vmem>>, vector<16xf32>,
          %swap3A_348 = arith.index_cast %squeeze3A : i32 to index
          %swap3A_349 = arith.constant 544 : index
          %swap3A_350 = tpu.vector_load %arg11[%swap3A_348, %swap3A_349] {strides = array<i32>} : memref<80x768xf32, #tpu.memory_space<vmem>>, vector<16xf32>,
          tpu.vector_store %arg11[%swap3A_348, %swap3A_349], %get3A_347 {add = true, strides = array<i32>} : memref<80x768xf32, #tpu.memory_space<vmem>>, vector<16xf32>,
          %get3A_351 = arith.index_cast %scan3A_135 : i32 to index
          %get3A_352 = arith.constant 560 : index
          %get3A_353 = tpu.vector_load %arg10[%get3A_351, %get3A_352] {strides = array<i32>} : memref<32x768xf32, #tpu.memory_space<vmem>>, vector<16xf32>,
          %swap3A_354 = arith.index_cast %squeeze3A : i32 to index
          %swap3A_355 = arith.constant 560 : index
          %swap3A_356 = tpu.vector_load %arg11[%swap3A_354, %swap3A_355] {strides = array<i32>} : memref<80x768xf32, #tpu.memory_space<vmem>>, vector<16xf32>,
          tpu.vector_store %arg11[%swap3A_354, %swap3A_355], %get3A_353 {add = true, strides = array<i32>} : memref<80x768xf32, #tpu.memory_space<vmem>>, vector<16xf32>,
          %get3A_357 = arith.index_cast %scan3A_135 : i32 to index
          %get3A_358 = arith.constant 576 : index
          %get3A_359 = tpu.vector_load %arg10[%get3A_357, %get3A_358] {strides = array<i32>} : memref<32x768xf32, #tpu.memory_space<vmem>>, vector<16xf32>,
          %swap3A_360 = arith.index_cast %squeeze3A : i32 to index
          %swap3A_361 = arith.constant 576 : index
          %swap3A_362 = tpu.vector_load %arg11[%swap3A_360, %swap3A_361] {strides = array<i32>} : memref<80x768xf32, #tpu.memory_space<vmem>>, vector<16xf32>,
          tpu.vector_store %arg11[%swap3A_360, %swap3A_361], %get3A_359 {add = true, strides = array<i32>} : memref<80x768xf32, #tpu.memory_space<vmem>>, vector<16xf32>,
          %get3A_363 = arith.index_cast %scan3A_135 : i32 to index
          %get3A_364 = arith.constant 592 : index
          %get3A_365 = tpu.vector_load %arg10[%get3A_363, %get3A_364] {strides = array<i32>} : memref<32x768xf32, #tpu.memory_space<vmem>>, vector<16xf32>,
          %swap3A_366 = arith.index_cast %squeeze3A : i32 to index
          %swap3A_367 = arith.constant 592 : index
          %swap3A_368 = tpu.vector_load %arg11[%swap3A_366, %swap3A_367] {strides = array<i32>} : memref<80x768xf32, #tpu.memory_space<vmem>>, vector<16xf32>,
          tpu.vector_store %arg11[%swap3A_366, %swap3A_367], %get3A_365 {add = true, strides = array<i32>} : memref<80x768xf32, #tpu.memory_space<vmem>>, vector<16xf32>,
          %get3A_369 = arith.index_cast %scan3A_135 : i32 to index
          %get3A_370 = arith.constant 608 : index
          %get3A_371 = tpu.vector_load %arg10[%get3A_369, %get3A_370] {strides = array<i32>} : memref<32x768xf32, #tpu.memory_space<vmem>>, vector<16xf32>,
          %swap3A_372 = arith.index_cast %squeeze3A : i32 to index
          %swap3A_373 = arith.constant 608 : index
          %swap3A_374 = tpu.vector_load %arg11[%swap3A_372, %swap3A_373] {strides = array<i32>} : memref<80x768xf32, #tpu.memory_space<vmem>>, vector<16xf32>,
          tpu.vector_store %arg11[%swap3A_372, %swap3A_373], %get3A_371 {add = true, strides = array<i32>} : memref<80x768xf32, #tpu.memory_space<vmem>>, vector<16xf32>,
          %get3A_375 = arith.index_cast %scan3A_135 : i32 to index
          %get3A_376 = arith.constant 624 : index
          %get3A_377 = tpu.vector_load %arg10[%get3A_375, %get3A_376] {strides = array<i32>} : memref<32x768xf32, #tpu.memory_space<vmem>>, vector<16xf32>,
          %swap3A_378 = arith.index_cast %squeeze3A : i32 to index
          %swap3A_379 = arith.constant 624 : index
          %swap3A_380 = tpu.vector_load %arg11[%swap3A_378, %swap3A_379] {strides = array<i32>} : memref<80x768xf32, #tpu.memory_space<vmem>>, vector<16xf32>,
          tpu.vector_store %arg11[%swap3A_378, %swap3A_379], %get3A_377 {add = true, strides = array<i32>} : memref<80x768xf32, #tpu.memory_space<vmem>>, vector<16xf32>,
          %get3A_381 = arith.index_cast %scan3A_135 : i32 to index
          %get3A_382 = arith.constant 640 : index
          %get3A_383 = tpu.vector_load %arg10[%get3A_381, %get3A_382] {strides = array<i32>} : memref<32x768xf32, #tpu.memory_space<vmem>>, vector<16xf32>,
          %swap3A_384 = arith.index_cast %squeeze3A : i32 to index
          %swap3A_385 = arith.constant 640 : index
          %swap3A_386 = tpu.vector_load %arg11[%swap3A_384, %swap3A_385] {strides = array<i32>} : memref<80x768xf32, #tpu.memory_space<vmem>>, vector<16xf32>,
          tpu.vector_store %arg11[%swap3A_384, %swap3A_385], %get3A_383 {add = true, strides = array<i32>} : memref<80x768xf32, #tpu.memory_space<vmem>>, vector<16xf32>,
          %get3A_387 = arith.index_cast %scan3A_135 : i32 to index
          %get3A_388 = arith.constant 656 : index
          %get3A_389 = tpu.vector_load %arg10[%get3A_387, %get3A_388] {strides = array<i32>} : memref<32x768xf32, #tpu.memory_space<vmem>>, vector<16xf32>,
          %swap3A_390 = arith.index_cast %squeeze3A : i32 to index
          %swap3A_391 = arith.constant 656 : index
          %swap3A_392 = tpu.vector_load %arg11[%swap3A_390, %swap3A_391] {strides = array<i32>} : memref<80x768xf32, #tpu.memory_space<vmem>>, vector<16xf32>,
          tpu.vector_store %arg11[%swap3A_390, %swap3A_391], %get3A_389 {add = true, strides = array<i32>} : memref<80x768xf32, #tpu.memory_space<vmem>>, vector<16xf32>,
          %get3A_393 = arith.index_cast %scan3A_135 : i32 to index
          %get3A_394 = arith.constant 672 : index
          %get3A_395 = tpu.vector_load %arg10[%get3A_393, %get3A_394] {strides = array<i32>} : memref<32x768xf32, #tpu.memory_space<vmem>>, vector<16xf32>,
          %swap3A_396 = arith.index_cast %squeeze3A : i32 to index
          %swap3A_397 = arith.constant 672 : index
          %swap3A_398 = tpu.vector_load %arg11[%swap3A_396, %swap3A_397] {strides = array<i32>} : memref<80x768xf32, #tpu.memory_space<vmem>>, vector<16xf32>,
          tpu.vector_store %arg11[%swap3A_396, %swap3A_397], %get3A_395 {add = true, strides = array<i32>} : memref<80x768xf32, #tpu.memory_space<vmem>>, vector<16xf32>,
          %get3A_399 = arith.index_cast %scan3A_135 : i32 to index
          %get3A_400 = arith.constant 688 : index
          %get3A_401 = tpu.vector_load %arg10[%get3A_399, %get3A_400] {strides = array<i32>} : memref<32x768xf32, #tpu.memory_space<vmem>>, vector<16xf32>,
          %swap3A_402 = arith.index_cast %squeeze3A : i32 to index
          %swap3A_403 = arith.constant 688 : index
          %swap3A_404 = tpu.vector_load %arg11[%swap3A_402, %swap3A_403] {strides = array<i32>} : memref<80x768xf32, #tpu.memory_space<vmem>>, vector<16xf32>,
          tpu.vector_store %arg11[%swap3A_402, %swap3A_403], %get3A_401 {add = true, strides = array<i32>} : memref<80x768xf32, #tpu.memory_space<vmem>>, vector<16xf32>,
          %get3A_405 = arith.index_cast %scan3A_135 : i32 to index
          %get3A_406 = arith.constant 704 : index
          %get3A_407 = tpu.vector_load %arg10[%get3A_405, %get3A_406] {strides = array<i32>} : memref<32x768xf32, #tpu.memory_space<vmem>>, vector<16xf32>,
          %swap3A_408 = arith.index_cast %squeeze3A : i32 to index
          %swap3A_409 = arith.constant 704 : index
          %swap3A_410 = tpu.vector_load %arg11[%swap3A_408, %swap3A_409] {strides = array<i32>} : memref<80x768xf32, #tpu.memory_space<vmem>>, vector<16xf32>,
          tpu.vector_store %arg11[%swap3A_408, %swap3A_409], %get3A_407 {add = true, strides = array<i32>} : memref<80x768xf32, #tpu.memory_space<vmem>>, vector<16xf32>,
          %get3A_411 = arith.index_cast %scan3A_135 : i32 to index
          %get3A_412 = arith.constant 720 : index
          %get3A_413 = tpu.vector_load %arg10[%get3A_411, %get3A_412] {strides = array<i32>} : memref<32x768xf32, #tpu.memory_space<vmem>>, vector<16xf32>,
          %swap3A_414 = arith.index_cast %squeeze3A : i32 to index
          %swap3A_415 = arith.constant 720 : index
          %swap3A_416 = tpu.vector_load %arg11[%swap3A_414, %swap3A_415] {strides = array<i32>} : memref<80x768xf32, #tpu.memory_space<vmem>>, vector<16xf32>,
          tpu.vector_store %arg11[%swap3A_414, %swap3A_415], %get3A_413 {add = true, strides = array<i32>} : memref<80x768xf32, #tpu.memory_space<vmem>>, vector<16xf32>,
          %get3A_417 = arith.index_cast %scan3A_135 : i32 to index
          %get3A_418 = arith.constant 736 : index
          %get3A_419 = tpu.vector_load %arg10[%get3A_417, %get3A_418] {strides = array<i32>} : memref<32x768xf32, #tpu.memory_space<vmem>>, vector<16xf32>,
          %swap3A_420 = arith.index_cast %squeeze3A : i32 to index
          %swap3A_421 = arith.constant 736 : index
          %swap3A_422 = tpu.vector_load %arg11[%swap3A_420, %swap3A_421] {strides = array<i32>} : memref<80x768xf32, #tpu.memory_space<vmem>>, vector<16xf32>,
          tpu.vector_store %arg11[%swap3A_420, %swap3A_421], %get3A_419 {add = true, strides = array<i32>} : memref<80x768xf32, #tpu.memory_space<vmem>>, vector<16xf32>,
          %get3A_423 = arith.index_cast %scan3A_135 : i32 to index
          %get3A_424 = arith.constant 752 : index
          %get3A_425 = tpu.vector_load %arg10[%get3A_423, %get3A_424] {strides = array<i32>} : memref<32x768xf32, #tpu.memory_space<vmem>>, vector<16xf32>,
          %swap3A_426 = arith.index_cast %squeeze3A : i32 to index
          %swap3A_427 = arith.constant 752 : index
          %swap3A_428 = tpu.vector_load %arg11[%swap3A_426, %swap3A_427] {strides = array<i32>} : memref<80x768xf32, #tpu.memory_space<vmem>>, vector<16xf32>,
          tpu.vector_store %arg11[%swap3A_426, %swap3A_427], %get3A_425 {add = true, strides = array<i32>} : memref<80x768xf32, #tpu.memory_space<vmem>>, vector<16xf32>,
          %scan3A_429 = arith.constant 0 : i32
          scf.yield %scan3A_429 : i32
        }
        %scan3A_133 = arith.constant 32 : i32
        %while3A_134 = arith.constant 0 : i32
        scf.yield %while3A_134 : i32
      }
      %while3A_114 = arith.constant 1 : i32
      %while3A_115 = scf.for %while3A_117 = %while3A_111 to %while3A_107 step %while3A_114 iter_args(%while3A_118 = %while3A_113) -> (i32)  : i32 {
        %mul3A_119 = arith.constant 32 : i32
        %mul3A_120 = arith.muli %while3A_117, %mul3A_119 : i32
        %dma_start3A = tpu.memref_slice %arg8[%mul3A_120] : memref<6448xi32, #tpu.memory_space<vmem>> -> memref<32xi32, #tpu.memory_space<vmem>>
        %dma_start3A_121 = arith.constant 0 : i32
        %dma_start3A_122 = arith.constant 0 : i32
        %dma_start3A_123 = tpu.memref_slice %arg2[%dma_start3A_121, %dma_start3A_122] : memref<10240x768xf32, #tpu.memory_space<hbm>> -> memref<10240x768xf32, #tpu.memory_space<hbm>>
        tpu.enqueue_indirect_dma source(%dma_start3A_123 : memref<10240x768xf32, #tpu.memory_space<hbm>>) target(%arg10 : memref<32x768xf32, #tpu.memory_space<vmem>>) offsets(%dma_start3A : memref<32xi32, #tpu.memory_space<vmem>>) semaphore(%arg12 : memref<!tpu.dma_semaphore, #tpu.memory_space<semaphore_mem>>)
        %dma_wait3A = tpu.memref_slice %arg8[%mul3A_120] : memref<6448xi32, #tpu.memory_space<vmem>> -> memref<32xi32, #tpu.memory_space<vmem>>
        %dma_wait3A_124 = arith.constant 0 : i32
        %dma_wait3A_125 = arith.constant 0 : i32
        %dma_wait3A_126 = tpu.memref_slice %arg2[%dma_wait3A_124, %dma_wait3A_125] : memref<10240x768xf32, #tpu.memory_space<hbm>> -> memref<10240x768xf32, #tpu.memory_space<hbm>>
        tpu.wait_indirect_dma semaphore(%arg12 : memref<!tpu.dma_semaphore, #tpu.memory_space<semaphore_mem>>) src(%dma_wait3A_126 : memref<10240x768xf32, #tpu.memory_space<hbm>>) dst(%arg10 : memref<32x768xf32, #tpu.memory_space<vmem>>)
        %scan3A_127 = arith.constant 0 : i32
        %scan3A_128 = arith.constant 0 : i32
        %scan3A_129 = arith.constant 32 : i32
        %scan3A_130 = arith.addi %scan3A_128, %scan3A_129 : i32
        %scan3A_131 = arith.constant 1 : i32
        %scan3A_132 = scf.for %scan3A_135 = %scan3A_128 to %scan3A_130 step %scan3A_131 iter_args(%scan3A_136 = %scan3A_127) -> (i32)  : i32 {
          %mul3A_137 = arith.constant 32 : i32
          %mul3A_138 = arith.muli %while3A_117, %mul3A_137 : i32
          %add3A_139 = arith.addi %mul3A_138, %scan3A_135 : i32
          %get3A = arith.index_cast %add3A_139 : i32 to index
          %get3A_140 = tpu.vector_load %arg9[%get3A] {strides = array<i32>} : memref<6448xi32, #tpu.memory_space<vmem>>, vector<16xi32>,
          %slice3A = vector.extract_strided_slice %get3A_140 {offsets = [0], sizes = [1], strides = [1]} : vector<16xi32> to vector<1xi32>
          %squeeze3A = vector.extract %slice3A[0] : i32 from vector<1xi32>
          %get3A_141 = arith.index_cast %scan3A_135 : i32 to index
          %get3A_142 = arith.constant 0 : index
          %get3A_143 = tpu.vector_load %arg10[%get3A_141, %get3A_142] {strides = array<i32>} : memref<32x768xf32, #tpu.memory_space<vmem>>, vector<16xf32>,
          %swap3A_144 = arith.index_cast %squeeze3A : i32 to index
          %swap3A_145 = arith.constant 0 : index
          %swap3A_146 = tpu.vector_load %arg11[%swap3A_144, %swap3A_145] {strides = array<i32>} : memref<80x768xf32, #tpu.memory_space<vmem>>, vector<16xf32>,
          tpu.vector_store %arg11[%swap3A_144, %swap3A_145], %get3A_143 {add = true, strides = array<i32>} : memref<80x768xf32, #tpu.memory_space<vmem>>, vector<16xf32>,
          %get3A_147 = arith.index_cast %scan3A_135 : i32 to index
          %get3A_148 = arith.constant 16 : index
          %get3A_149 = tpu.vector_load %arg10[%get3A_147, %get3A_148] {strides = array<i32>} : memref<32x768xf32, #tpu.memory_space<vmem>>, vector<16xf32>,
          %swap3A_150 = arith.index_cast %squeeze3A : i32 to index
          %swap3A_151 = arith.constant 16 : index
          %swap3A_152 = tpu.vector_load %arg11[%swap3A_150, %swap3A_151] {strides = array<i32>} : memref<80x768xf32, #tpu.memory_space<vmem>>, vector<16xf32>,
          tpu.vector_store %arg11[%swap3A_150, %swap3A_151], %get3A_149 {add = true, strides = array<i32>} : memref<80x768xf32, #tpu.memory_space<vmem>>, vector<16xf32>,
          %get3A_153 = arith.index_cast %scan3A_135 : i32 to index
          %get3A_154 = arith.constant 32 : index
          %get3A_155 = tpu.vector_load %arg10[%get3A_153, %get3A_154] {strides = array<i32>} : memref<32x768xf32, #tpu.memory_space<vmem>>, vector<16xf32>,
          %swap3A_156 = arith.index_cast %squeeze3A : i32 to index
          %swap3A_157 = arith.constant 32 : index
          %swap3A_158 = tpu.vector_load %arg11[%swap3A_156, %swap3A_157] {strides = array<i32>} : memref<80x768xf32, #tpu.memory_space<vmem>>, vector<16xf32>,
          tpu.vector_store %arg11[%swap3A_156, %swap3A_157], %get3A_155 {add = true, strides = array<i32>} : memref<80x768xf32, #tpu.memory_space<vmem>>, vector<16xf32>,
          %get3A_159 = arith.index_cast %scan3A_135 : i32 to index
          %get3A_160 = arith.constant 48 : index
          %get3A_161 = tpu.vector_load %arg10[%get3A_159, %get3A_160] {strides = array<i32>} : memref<32x768xf32, #tpu.memory_space<vmem>>, vector<16xf32>,
          %swap3A_162 = arith.index_cast %squeeze3A : i32 to index
          %swap3A_163 = arith.constant 48 : index
          %swap3A_164 = tpu.vector_load %arg11[%swap3A_162, %swap3A_163] {strides = array<i32>} : memref<80x768xf32, #tpu.memory_space<vmem>>, vector<16xf32>,
          tpu.vector_store %arg11[%swap3A_162, %swap3A_163], %get3A_161 {add = true, strides = array<i32>} : memref<80x768xf32, #tpu.memory_space<vmem>>, vector<16xf32>,
          %get3A_165 = arith.index_cast %scan3A_135 : i32 to index
          %get3A_166 = arith.constant 64 : index
          %get3A_167 = tpu.vector_load %arg10[%get3A_165, %get3A_166] {strides = array<i32>} : memref<32x768xf32, #tpu.memory_space<vmem>>, vector<16xf32>,
          %swap3A_168 = arith.index_cast %squeeze3A : i32 to index
          %swap3A_169 = arith.constant 64 : index
          %swap3A_170 = tpu.vector_load %arg11[%swap3A_168, %swap3A_169] {strides = array<i32>} : memref<80x768xf32, #tpu.memory_space<vmem>>, vector<16xf32>,
          tpu.vector_store %arg11[%swap3A_168, %swap3A_169], %get3A_167 {add = true, strides = array<i32>} : memref<80x768xf32, #tpu.memory_space<vmem>>, vector<16xf32>,
          %get3A_171 = arith.index_cast %scan3A_135 : i32 to index
          %get3A_172 = arith.constant 80 : index
          %get3A_173 = tpu.vector_load %arg10[%get3A_171, %get3A_172] {strides = array<i32>} : memref<32x768xf32, #tpu.memory_space<vmem>>, vector<16xf32>,
          %swap3A_174 = arith.index_cast %squeeze3A : i32 to index
          %swap3A_175 = arith.constant 80 : index
          %swap3A_176 = tpu.vector_load %arg11[%swap3A_174, %swap3A_175] {strides = array<i32>} : memref<80x768xf32, #tpu.memory_space<vmem>>, vector<16xf32>,
          tpu.vector_store %arg11[%swap3A_174, %swap3A_175], %get3A_173 {add = true, strides = array<i32>} : memref<80x768xf32, #tpu.memory_space<vmem>>, vector<16xf32>,
          %get3A_177 = arith.index_cast %scan3A_135 : i32 to index
          %get3A_178 = arith.constant 96 : index
          %get3A_179 = tpu.vector_load %arg10[%get3A_177, %get3A_178] {strides = array<i32>} : memref<32x768xf32, #tpu.memory_space<vmem>>, vector<16xf32>,
          %swap3A_180 = arith.index_cast %squeeze3A : i32 to index
          %swap3A_181 = arith.constant 96 : index
          %swap3A_182 = tpu.vector_load %arg11[%swap3A_180, %swap3A_181] {strides = array<i32>} : memref<80x768xf32, #tpu.memory_space<vmem>>, vector<16xf32>,
          tpu.vector_store %arg11[%swap3A_180, %swap3A_181], %get3A_179 {add = true, strides = array<i32>} : memref<80x768xf32, #tpu.memory_space<vmem>>, vector<16xf32>,
          %get3A_183 = arith.index_cast %scan3A_135 : i32 to index
          %get3A_184 = arith.constant 112 : index
          %get3A_185 = tpu.vector_load %arg10[%get3A_183, %get3A_184] {strides = array<i32>} : memref<32x768xf32, #tpu.memory_space<vmem>>, vector<16xf32>,
          %swap3A_186 = arith.index_cast %squeeze3A : i32 to index
          %swap3A_187 = arith.constant 112 : index
          %swap3A_188 = tpu.vector_load %arg11[%swap3A_186, %swap3A_187] {strides = array<i32>} : memref<80x768xf32, #tpu.memory_space<vmem>>, vector<16xf32>,
          tpu.vector_store %arg11[%swap3A_186, %swap3A_187], %get3A_185 {add = true, strides = array<i32>} : memref<80x768xf32, #tpu.memory_space<vmem>>, vector<16xf32>,
          %get3A_189 = arith.index_cast %scan3A_135 : i32 to index
          %get3A_190 = arith.constant 128 : index
          %get3A_191 = tpu.vector_load %arg10[%get3A_189, %get3A_190] {strides = array<i32>} : memref<32x768xf32, #tpu.memory_space<vmem>>, vector<16xf32>,
          %swap3A_192 = arith.index_cast %squeeze3A : i32 to index
          %swap3A_193 = arith.constant 128 : index
          %swap3A_194 = tpu.vector_load %arg11[%swap3A_192, %swap3A_193] {strides = array<i32>} : memref<80x768xf32, #tpu.memory_space<vmem>>, vector<16xf32>,
          tpu.vector_store %arg11[%swap3A_192, %swap3A_193], %get3A_191 {add = true, strides = array<i32>} : memref<80x768xf32, #tpu.memory_space<vmem>>, vector<16xf32>,
          %get3A_195 = arith.index_cast %scan3A_135 : i32 to index
          %get3A_196 = arith.constant 144 : index
          %get3A_197 = tpu.vector_load %arg10[%get3A_195, %get3A_196] {strides = array<i32>} : memref<32x768xf32, #tpu.memory_space<vmem>>, vector<16xf32>,
          %swap3A_198 = arith.index_cast %squeeze3A : i32 to index
          %swap3A_199 = arith.constant 144 : index
          %swap3A_200 = tpu.vector_load %arg11[%swap3A_198, %swap3A_199] {strides = array<i32>} : memref<80x768xf32, #tpu.memory_space<vmem>>, vector<16xf32>,
          tpu.vector_store %arg11[%swap3A_198, %swap3A_199], %get3A_197 {add = true, strides = array<i32>} : memref<80x768xf32, #tpu.memory_space<vmem>>, vector<16xf32>,
          %get3A_201 = arith.index_cast %scan3A_135 : i32 to index
          %get3A_202 = arith.constant 160 : index
          %get3A_203 = tpu.vector_load %arg10[%get3A_201, %get3A_202] {strides = array<i32>} : memref<32x768xf32, #tpu.memory_space<vmem>>, vector<16xf32>,
          %swap3A_204 = arith.index_cast %squeeze3A : i32 to index
          %swap3A_205 = arith.constant 160 : index
          %swap3A_206 = tpu.vector_load %arg11[%swap3A_204, %swap3A_205] {strides = array<i32>} : memref<80x768xf32, #tpu.memory_space<vmem>>, vector<16xf32>,
          tpu.vector_store %arg11[%swap3A_204, %swap3A_205], %get3A_203 {add = true, strides = array<i32>} : memref<80x768xf32, #tpu.memory_space<vmem>>, vector<16xf32>,
          %get3A_207 = arith.index_cast %scan3A_135 : i32 to index
          %get3A_208 = arith.constant 176 : index
          %get3A_209 = tpu.vector_load %arg10[%get3A_207, %get3A_208] {strides = array<i32>} : memref<32x768xf32, #tpu.memory_space<vmem>>, vector<16xf32>,
          %swap3A_210 = arith.index_cast %squeeze3A : i32 to index
          %swap3A_211 = arith.constant 176 : index
          %swap3A_212 = tpu.vector_load %arg11[%swap3A_210, %swap3A_211] {strides = array<i32>} : memref<80x768xf32, #tpu.memory_space<vmem>>, vector<16xf32>,
          tpu.vector_store %arg11[%swap3A_210, %swap3A_211], %get3A_209 {add = true, strides = array<i32>} : memref<80x768xf32, #tpu.memory_space<vmem>>, vector<16xf32>,
          %get3A_213 = arith.index_cast %scan3A_135 : i32 to index
          %get3A_214 = arith.constant 192 : index
          %get3A_215 = tpu.vector_load %arg10[%get3A_213, %get3A_214] {strides = array<i32>} : memref<32x768xf32, #tpu.memory_space<vmem>>, vector<16xf32>,
          %swap3A_216 = arith.index_cast %squeeze3A : i32 to index
          %swap3A_217 = arith.constant 192 : index
          %swap3A_218 = tpu.vector_load %arg11[%swap3A_216, %swap3A_217] {strides = array<i32>} : memref<80x768xf32, #tpu.memory_space<vmem>>, vector<16xf32>,
          tpu.vector_store %arg11[%swap3A_216, %swap3A_217], %get3A_215 {add = true, strides = array<i32>} : memref<80x768xf32, #tpu.memory_space<vmem>>, vector<16xf32>,
          %get3A_219 = arith.index_cast %scan3A_135 : i32 to index
          %get3A_220 = arith.constant 208 : index
          %get3A_221 = tpu.vector_load %arg10[%get3A_219, %get3A_220] {strides = array<i32>} : memref<32x768xf32, #tpu.memory_space<vmem>>, vector<16xf32>,
          %swap3A_222 = arith.index_cast %squeeze3A : i32 to index
          %swap3A_223 = arith.constant 208 : index
          %swap3A_224 = tpu.vector_load %arg11[%swap3A_222, %swap3A_223] {strides = array<i32>} : memref<80x768xf32, #tpu.memory_space<vmem>>, vector<16xf32>,
          tpu.vector_store %arg11[%swap3A_222, %swap3A_223], %get3A_221 {add = true, strides = array<i32>} : memref<80x768xf32, #tpu.memory_space<vmem>>, vector<16xf32>,
          %get3A_225 = arith.index_cast %scan3A_135 : i32 to index
          %get3A_226 = arith.constant 224 : index
          %get3A_227 = tpu.vector_load %arg10[%get3A_225, %get3A_226] {strides = array<i32>} : memref<32x768xf32, #tpu.memory_space<vmem>>, vector<16xf32>,
          %swap3A_228 = arith.index_cast %squeeze3A : i32 to index
          %swap3A_229 = arith.constant 224 : index
          %swap3A_230 = tpu.vector_load %arg11[%swap3A_228, %swap3A_229] {strides = array<i32>} : memref<80x768xf32, #tpu.memory_space<vmem>>, vector<16xf32>,
          tpu.vector_store %arg11[%swap3A_228, %swap3A_229], %get3A_227 {add = true, strides = array<i32>} : memref<80x768xf32, #tpu.memory_space<vmem>>, vector<16xf32>,
          %get3A_231 = arith.index_cast %scan3A_135 : i32 to index
          %get3A_232 = arith.constant 240 : index
          %get3A_233 = tpu.vector_load %arg10[%get3A_231, %get3A_232] {strides = array<i32>} : memref<32x768xf32, #tpu.memory_space<vmem>>, vector<16xf32>,
          %swap3A_234 = arith.index_cast %squeeze3A : i32 to index
          %swap3A_235 = arith.constant 240 : index
          %swap3A_236 = tpu.vector_load %arg11[%swap3A_234, %swap3A_235] {strides = array<i32>} : memref<80x768xf32, #tpu.memory_space<vmem>>, vector<16xf32>,
          tpu.vector_store %arg11[%swap3A_234, %swap3A_235], %get3A_233 {add = true, strides = array<i32>} : memref<80x768xf32, #tpu.memory_space<vmem>>, vector<16xf32>,
          %get3A_237 = arith.index_cast %scan3A_135 : i32 to index
          %get3A_238 = arith.constant 256 : index
          %get3A_239 = tpu.vector_load %arg10[%get3A_237, %get3A_238] {strides = array<i32>} : memref<32x768xf32, #tpu.memory_space<vmem>>, vector<16xf32>,
          %swap3A_240 = arith.index_cast %squeeze3A : i32 to index
          %swap3A_241 = arith.constant 256 : index
          %swap3A_242 = tpu.vector_load %arg11[%swap3A_240, %swap3A_241] {strides = array<i32>} : memref<80x768xf32, #tpu.memory_space<vmem>>, vector<16xf32>,
          tpu.vector_store %arg11[%swap3A_240, %swap3A_241], %get3A_239 {add = true, strides = array<i32>} : memref<80x768xf32, #tpu.memory_space<vmem>>, vector<16xf32>,
          %get3A_243 = arith.index_cast %scan3A_135 : i32 to index
          %get3A_244 = arith.constant 272 : index
          %get3A_245 = tpu.vector_load %arg10[%get3A_243, %get3A_244] {strides = array<i32>} : memref<32x768xf32, #tpu.memory_space<vmem>>, vector<16xf32>,
          %swap3A_246 = arith.index_cast %squeeze3A : i32 to index
          %swap3A_247 = arith.constant 272 : index
          %swap3A_248 = tpu.vector_load %arg11[%swap3A_246, %swap3A_247] {strides = array<i32>} : memref<80x768xf32, #tpu.memory_space<vmem>>, vector<16xf32>,
          tpu.vector_store %arg11[%swap3A_246, %swap3A_247], %get3A_245 {add = true, strides = array<i32>} : memref<80x768xf32, #tpu.memory_space<vmem>>, vector<16xf32>,
          %get3A_249 = arith.index_cast %scan3A_135 : i32 to index
          %get3A_250 = arith.constant 288 : index
          %get3A_251 = tpu.vector_load %arg10[%get3A_249, %get3A_250] {strides = array<i32>} : memref<32x768xf32, #tpu.memory_space<vmem>>, vector<16xf32>,
          %swap3A_252 = arith.index_cast %squeeze3A : i32 to index
          %swap3A_253 = arith.constant 288 : index
          %swap3A_254 = tpu.vector_load %arg11[%swap3A_252, %swap3A_253] {strides = array<i32>} : memref<80x768xf32, #tpu.memory_space<vmem>>, vector<16xf32>,
          tpu.vector_store %arg11[%swap3A_252, %swap3A_253], %get3A_251 {add = true, strides = array<i32>} : memref<80x768xf32, #tpu.memory_space<vmem>>, vector<16xf32>,
          %get3A_255 = arith.index_cast %scan3A_135 : i32 to index
          %get3A_256 = arith.constant 304 : index
          %get3A_257 = tpu.vector_load %arg10[%get3A_255, %get3A_256] {strides = array<i32>} : memref<32x768xf32, #tpu.memory_space<vmem>>, vector<16xf32>,
          %swap3A_258 = arith.index_cast %squeeze3A : i32 to index
          %swap3A_259 = arith.constant 304 : index
          %swap3A_260 = tpu.vector_load %arg11[%swap3A_258, %swap3A_259] {strides = array<i32>} : memref<80x768xf32, #tpu.memory_space<vmem>>, vector<16xf32>,
          tpu.vector_store %arg11[%swap3A_258, %swap3A_259], %get3A_257 {add = true, strides = array<i32>} : memref<80x768xf32, #tpu.memory_space<vmem>>, vector<16xf32>,
          %get3A_261 = arith.index_cast %scan3A_135 : i32 to index
          %get3A_262 = arith.constant 320 : index
          %get3A_263 = tpu.vector_load %arg10[%get3A_261, %get3A_262] {strides = array<i32>} : memref<32x768xf32, #tpu.memory_space<vmem>>, vector<16xf32>,
          %swap3A_264 = arith.index_cast %squeeze3A : i32 to index
          %swap3A_265 = arith.constant 320 : index
          %swap3A_266 = tpu.vector_load %arg11[%swap3A_264, %swap3A_265] {strides = array<i32>} : memref<80x768xf32, #tpu.memory_space<vmem>>, vector<16xf32>,
          tpu.vector_store %arg11[%swap3A_264, %swap3A_265], %get3A_263 {add = true, strides = array<i32>} : memref<80x768xf32, #tpu.memory_space<vmem>>, vector<16xf32>,
          %get3A_267 = arith.index_cast %scan3A_135 : i32 to index
          %get3A_268 = arith.constant 336 : index
          %get3A_269 = tpu.vector_load %arg10[%get3A_267, %get3A_268] {strides = array<i32>} : memref<32x768xf32, #tpu.memory_space<vmem>>, vector<16xf32>,
          %swap3A_270 = arith.index_cast %squeeze3A : i32 to index
          %swap3A_271 = arith.constant 336 : index
          %swap3A_272 = tpu.vector_load %arg11[%swap3A_270, %swap3A_271] {strides = array<i32>} : memref<80x768xf32, #tpu.memory_space<vmem>>, vector<16xf32>,
          tpu.vector_store %arg11[%swap3A_270, %swap3A_271], %get3A_269 {add = true, strides = array<i32>} : memref<80x768xf32, #tpu.memory_space<vmem>>, vector<16xf32>,
          %get3A_273 = arith.index_cast %scan3A_135 : i32 to index
          %get3A_274 = arith.constant 352 : index
          %get3A_275 = tpu.vector_load %arg10[%get3A_273, %get3A_274] {strides = array<i32>} : memref<32x768xf32, #tpu.memory_space<vmem>>, vector<16xf32>,
          %swap3A_276 = arith.index_cast %squeeze3A : i32 to index
          %swap3A_277 = arith.constant 352 : index
          %swap3A_278 = tpu.vector_load %arg11[%swap3A_276, %swap3A_277] {strides = array<i32>} : memref<80x768xf32, #tpu.memory_space<vmem>>, vector<16xf32>,
          tpu.vector_store %arg11[%swap3A_276, %swap3A_277], %get3A_275 {add = true, strides = array<i32>} : memref<80x768xf32, #tpu.memory_space<vmem>>, vector<16xf32>,
          %get3A_279 = arith.index_cast %scan3A_135 : i32 to index
          %get3A_280 = arith.constant 368 : index
          %get3A_281 = tpu.vector_load %arg10[%get3A_279, %get3A_280] {strides = array<i32>} : memref<32x768xf32, #tpu.memory_space<vmem>>, vector<16xf32>,
          %swap3A_282 = arith.index_cast %squeeze3A : i32 to index
          %swap3A_283 = arith.constant 368 : index
          %swap3A_284 = tpu.vector_load %arg11[%swap3A_282, %swap3A_283] {strides = array<i32>} : memref<80x768xf32, #tpu.memory_space<vmem>>, vector<16xf32>,
          tpu.vector_store %arg11[%swap3A_282, %swap3A_283], %get3A_281 {add = true, strides = array<i32>} : memref<80x768xf32, #tpu.memory_space<vmem>>, vector<16xf32>,
          %get3A_285 = arith.index_cast %scan3A_135 : i32 to index
          %get3A_286 = arith.constant 384 : index
          %get3A_287 = tpu.vector_load %arg10[%get3A_285, %get3A_286] {strides = array<i32>} : memref<32x768xf32, #tpu.memory_space<vmem>>, vector<16xf32>,
          %swap3A_288 = arith.index_cast %squeeze3A : i32 to index
          %swap3A_289 = arith.constant 384 : index
          %swap3A_290 = tpu.vector_load %arg11[%swap3A_288, %swap3A_289] {strides = array<i32>} : memref<80x768xf32, #tpu.memory_space<vmem>>, vector<16xf32>,
          tpu.vector_store %arg11[%swap3A_288, %swap3A_289], %get3A_287 {add = true, strides = array<i32>} : memref<80x768xf32, #tpu.memory_space<vmem>>, vector<16xf32>,
          %get3A_291 = arith.index_cast %scan3A_135 : i32 to index
          %get3A_292 = arith.constant 400 : index
          %get3A_293 = tpu.vector_load %arg10[%get3A_291, %get3A_292] {strides = array<i32>} : memref<32x768xf32, #tpu.memory_space<vmem>>, vector<16xf32>,
          %swap3A_294 = arith.index_cast %squeeze3A : i32 to index
          %swap3A_295 = arith.constant 400 : index
          %swap3A_296 = tpu.vector_load %arg11[%swap3A_294, %swap3A_295] {strides = array<i32>} : memref<80x768xf32, #tpu.memory_space<vmem>>, vector<16xf32>,
          tpu.vector_store %arg11[%swap3A_294, %swap3A_295], %get3A_293 {add = true, strides = array<i32>} : memref<80x768xf32, #tpu.memory_space<vmem>>, vector<16xf32>,
          %get3A_297 = arith.index_cast %scan3A_135 : i32 to index
          %get3A_298 = arith.constant 416 : index
          %get3A_299 = tpu.vector_load %arg10[%get3A_297, %get3A_298] {strides = array<i32>} : memref<32x768xf32, #tpu.memory_space<vmem>>, vector<16xf32>,
          %swap3A_300 = arith.index_cast %squeeze3A : i32 to index
          %swap3A_301 = arith.constant 416 : index
          %swap3A_302 = tpu.vector_load %arg11[%swap3A_300, %swap3A_301] {strides = array<i32>} : memref<80x768xf32, #tpu.memory_space<vmem>>, vector<16xf32>,
          tpu.vector_store %arg11[%swap3A_300, %swap3A_301], %get3A_299 {add = true, strides = array<i32>} : memref<80x768xf32, #tpu.memory_space<vmem>>, vector<16xf32>,
          %get3A_303 = arith.index_cast %scan3A_135 : i32 to index
          %get3A_304 = arith.constant 432 : index
          %get3A_305 = tpu.vector_load %arg10[%get3A_303, %get3A_304] {strides = array<i32>} : memref<32x768xf32, #tpu.memory_space<vmem>>, vector<16xf32>,
          %swap3A_306 = arith.index_cast %squeeze3A : i32 to index
          %swap3A_307 = arith.constant 432 : index
          %swap3A_308 = tpu.vector_load %arg11[%swap3A_306, %swap3A_307] {strides = array<i32>} : memref<80x768xf32, #tpu.memory_space<vmem>>, vector<16xf32>,
          tpu.vector_store %arg11[%swap3A_306, %swap3A_307], %get3A_305 {add = true, strides = array<i32>} : memref<80x768xf32, #tpu.memory_space<vmem>>, vector<16xf32>,
          %get3A_309 = arith.index_cast %scan3A_135 : i32 to index
          %get3A_310 = arith.constant 448 : index
          %get3A_311 = tpu.vector_load %arg10[%get3A_309, %get3A_310] {strides = array<i32>} : memref<32x768xf32, #tpu.memory_space<vmem>>, vector<16xf32>,
          %swap3A_312 = arith.index_cast %squeeze3A : i32 to index
          %swap3A_313 = arith.constant 448 : index
          %swap3A_314 = tpu.vector_load %arg11[%swap3A_312, %swap3A_313] {strides = array<i32>} : memref<80x768xf32, #tpu.memory_space<vmem>>, vector<16xf32>,
          tpu.vector_store %arg11[%swap3A_312, %swap3A_313], %get3A_311 {add = true, strides = array<i32>} : memref<80x768xf32, #tpu.memory_space<vmem>>, vector<16xf32>,
          %get3A_315 = arith.index_cast %scan3A_135 : i32 to index
          %get3A_316 = arith.constant 464 : index
          %get3A_317 = tpu.vector_load %arg10[%get3A_315, %get3A_316] {strides = array<i32>} : memref<32x768xf32, #tpu.memory_space<vmem>>, vector<16xf32>,
          %swap3A_318 = arith.index_cast %squeeze3A : i32 to index
          %swap3A_319 = arith.constant 464 : index
          %swap3A_320 = tpu.vector_load %arg11[%swap3A_318, %swap3A_319] {strides = array<i32>} : memref<80x768xf32, #tpu.memory_space<vmem>>, vector<16xf32>,
          tpu.vector_store %arg11[%swap3A_318, %swap3A_319], %get3A_317 {add = true, strides = array<i32>} : memref<80x768xf32, #tpu.memory_space<vmem>>, vector<16xf32>,
          %get3A_321 = arith.index_cast %scan3A_135 : i32 to index
          %get3A_322 = arith.constant 480 : index
          %get3A_323 = tpu.vector_load %arg10[%get3A_321, %get3A_322] {strides = array<i32>} : memref<32x768xf32, #tpu.memory_space<vmem>>, vector<16xf32>,
          %swap3A_324 = arith.index_cast %squeeze3A : i32 to index
          %swap3A_325 = arith.constant 480 : index
          %swap3A_326 = tpu.vector_load %arg11[%swap3A_324, %swap3A_325] {strides = array<i32>} : memref<80x768xf32, #tpu.memory_space<vmem>>, vector<16xf32>,
          tpu.vector_store %arg11[%swap3A_324, %swap3A_325], %get3A_323 {add = true, strides = array<i32>} : memref<80x768xf32, #tpu.memory_space<vmem>>, vector<16xf32>,
          %get3A_327 = arith.index_cast %scan3A_135 : i32 to index
          %get3A_328 = arith.constant 496 : index
          %get3A_329 = tpu.vector_load %arg10[%get3A_327, %get3A_328] {strides = array<i32>} : memref<32x768xf32, #tpu.memory_space<vmem>>, vector<16xf32>,
          %swap3A_330 = arith.index_cast %squeeze3A : i32 to index
          %swap3A_331 = arith.constant 496 : index
          %swap3A_332 = tpu.vector_load %arg11[%swap3A_330, %swap3A_331] {strides = array<i32>} : memref<80x768xf32, #tpu.memory_space<vmem>>, vector<16xf32>,
          tpu.vector_store %arg11[%swap3A_330, %swap3A_331], %get3A_329 {add = true, strides = array<i32>} : memref<80x768xf32, #tpu.memory_space<vmem>>, vector<16xf32>,
          %get3A_333 = arith.index_cast %scan3A_135 : i32 to index
          %get3A_334 = arith.constant 512 : index
          %get3A_335 = tpu.vector_load %arg10[%get3A_333, %get3A_334] {strides = array<i32>} : memref<32x768xf32, #tpu.memory_space<vmem>>, vector<16xf32>,
          %swap3A_336 = arith.index_cast %squeeze3A : i32 to index
          %swap3A_337 = arith.constant 512 : index
          %swap3A_338 = tpu.vector_load %arg11[%swap3A_336, %swap3A_337] {strides = array<i32>} : memref<80x768xf32, #tpu.memory_space<vmem>>, vector<16xf32>,
          tpu.vector_store %arg11[%swap3A_336, %swap3A_337], %get3A_335 {add = true, strides = array<i32>} : memref<80x768xf32, #tpu.memory_space<vmem>>, vector<16xf32>,
          %get3A_339 = arith.index_cast %scan3A_135 : i32 to index
          %get3A_340 = arith.constant 528 : index
          %get3A_341 = tpu.vector_load %arg10[%get3A_339, %get3A_340] {strides = array<i32>} : memref<32x768xf32, #tpu.memory_space<vmem>>, vector<16xf32>,
          %swap3A_342 = arith.index_cast %squeeze3A : i32 to index
          %swap3A_343 = arith.constant 528 : index
          %swap3A_344 = tpu.vector_load %arg11[%swap3A_342, %swap3A_343] {strides = array<i32>} : memref<80x768xf32, #tpu.memory_space<vmem>>, vector<16xf32>,
          tpu.vector_store %arg11[%swap3A_342, %swap3A_343], %get3A_341 {add = true, strides = array<i32>} : memref<80x768xf32, #tpu.memory_space<vmem>>, vector<16xf32>,
          %get3A_345 = arith.index_cast %scan3A_135 : i32 to index
          %get3A_346 = arith.constant 544 : index
          %get3A_347 = tpu.vector_load %arg10[%get3A_345, %get3A_346] {strides = array<i32>} : memref<32x768xf32, #tpu.memory_space<vmem>>, vector<16xf32>,
          %swap3A_348 = arith.index_cast %squeeze3A : i32 to index
          %swap3A_349 = arith.constant 544 : index
          %swap3A_350 = tpu.vector_load %arg11[%swap3A_348, %swap3A_349] {strides = array<i32>} : memref<80x768xf32, #tpu.memory_space<vmem>>, vector<16xf32>,
          tpu.vector_store %arg11[%swap3A_348, %swap3A_349], %get3A_347 {add = true, strides = array<i32>} : memref<80x768xf32, #tpu.memory_space<vmem>>, vector<16xf32>,
          %get3A_351 = arith.index_cast %scan3A_135 : i32 to index
          %get3A_352 = arith.constant 560 : index
          %get3A_353 = tpu.vector_load %arg10[%get3A_351, %get3A_352] {strides = array<i32>} : memref<32x768xf32, #tpu.memory_space<vmem>>, vector<16xf32>,
          %swap3A_354 = arith.index_cast %squeeze3A : i32 to index
          %swap3A_355 = arith.constant 560 : index
          %swap3A_356 = tpu.vector_load %arg11[%swap3A_354, %swap3A_355] {strides = array<i32>} : memref<80x768xf32, #tpu.memory_space<vmem>>, vector<16xf32>,
          tpu.vector_store %arg11[%swap3A_354, %swap3A_355], %get3A_353 {add = true, strides = array<i32>} : memref<80x768xf32, #tpu.memory_space<vmem>>, vector<16xf32>,
          %get3A_357 = arith.index_cast %scan3A_135 : i32 to index
          %get3A_358 = arith.constant 576 : index
          %get3A_359 = tpu.vector_load %arg10[%get3A_357, %get3A_358] {strides = array<i32>} : memref<32x768xf32, #tpu.memory_space<vmem>>, vector<16xf32>,
          %swap3A_360 = arith.index_cast %squeeze3A : i32 to index
          %swap3A_361 = arith.constant 576 : index
          %swap3A_362 = tpu.vector_load %arg11[%swap3A_360, %swap3A_361] {strides = array<i32>} : memref<80x768xf32, #tpu.memory_space<vmem>>, vector<16xf32>,
          tpu.vector_store %arg11[%swap3A_360, %swap3A_361], %get3A_359 {add = true, strides = array<i32>} : memref<80x768xf32, #tpu.memory_space<vmem>>, vector<16xf32>,
          %get3A_363 = arith.index_cast %scan3A_135 : i32 to index
          %get3A_364 = arith.constant 592 : index
          %get3A_365 = tpu.vector_load %arg10[%get3A_363, %get3A_364] {strides = array<i32>} : memref<32x768xf32, #tpu.memory_space<vmem>>, vector<16xf32>,
          %swap3A_366 = arith.index_cast %squeeze3A : i32 to index
          %swap3A_367 = arith.constant 592 : index
          %swap3A_368 = tpu.vector_load %arg11[%swap3A_366, %swap3A_367] {strides = array<i32>} : memref<80x768xf32, #tpu.memory_space<vmem>>, vector<16xf32>,
          tpu.vector_store %arg11[%swap3A_366, %swap3A_367], %get3A_365 {add = true, strides = array<i32>} : memref<80x768xf32, #tpu.memory_space<vmem>>, vector<16xf32>,
          %get3A_369 = arith.index_cast %scan3A_135 : i32 to index
          %get3A_370 = arith.constant 608 : index
          %get3A_371 = tpu.vector_load %arg10[%get3A_369, %get3A_370] {strides = array<i32>} : memref<32x768xf32, #tpu.memory_space<vmem>>, vector<16xf32>,
          %swap3A_372 = arith.index_cast %squeeze3A : i32 to index
          %swap3A_373 = arith.constant 608 : index
          %swap3A_374 = tpu.vector_load %arg11[%swap3A_372, %swap3A_373] {strides = array<i32>} : memref<80x768xf32, #tpu.memory_space<vmem>>, vector<16xf32>,
          tpu.vector_store %arg11[%swap3A_372, %swap3A_373], %get3A_371 {add = true, strides = array<i32>} : memref<80x768xf32, #tpu.memory_space<vmem>>, vector<16xf32>,
          %get3A_375 = arith.index_cast %scan3A_135 : i32 to index
          %get3A_376 = arith.constant 624 : index
          %get3A_377 = tpu.vector_load %arg10[%get3A_375, %get3A_376] {strides = array<i32>} : memref<32x768xf32, #tpu.memory_space<vmem>>, vector<16xf32>,
          %swap3A_378 = arith.index_cast %squeeze3A : i32 to index
          %swap3A_379 = arith.constant 624 : index
          %swap3A_380 = tpu.vector_load %arg11[%swap3A_378, %swap3A_379] {strides = array<i32>} : memref<80x768xf32, #tpu.memory_space<vmem>>, vector<16xf32>,
          tpu.vector_store %arg11[%swap3A_378, %swap3A_379], %get3A_377 {add = true, strides = array<i32>} : memref<80x768xf32, #tpu.memory_space<vmem>>, vector<16xf32>,
          %get3A_381 = arith.index_cast %scan3A_135 : i32 to index
          %get3A_382 = arith.constant 640 : index
          %get3A_383 = tpu.vector_load %arg10[%get3A_381, %get3A_382] {strides = array<i32>} : memref<32x768xf32, #tpu.memory_space<vmem>>, vector<16xf32>,
          %swap3A_384 = arith.index_cast %squeeze3A : i32 to index
          %swap3A_385 = arith.constant 640 : index
          %swap3A_386 = tpu.vector_load %arg11[%swap3A_384, %swap3A_385] {strides = array<i32>} : memref<80x768xf32, #tpu.memory_space<vmem>>, vector<16xf32>,
          tpu.vector_store %arg11[%swap3A_384, %swap3A_385], %get3A_383 {add = true, strides = array<i32>} : memref<80x768xf32, #tpu.memory_space<vmem>>, vector<16xf32>,
          %get3A_387 = arith.index_cast %scan3A_135 : i32 to index
          %get3A_388 = arith.constant 656 : index
          %get3A_389 = tpu.vector_load %arg10[%get3A_387, %get3A_388] {strides = array<i32>} : memref<32x768xf32, #tpu.memory_space<vmem>>, vector<16xf32>,
          %swap3A_390 = arith.index_cast %squeeze3A : i32 to index
          %swap3A_391 = arith.constant 656 : index
          %swap3A_392 = tpu.vector_load %arg11[%swap3A_390, %swap3A_391] {strides = array<i32>} : memref<80x768xf32, #tpu.memory_space<vmem>>, vector<16xf32>,
          tpu.vector_store %arg11[%swap3A_390, %swap3A_391], %get3A_389 {add = true, strides = array<i32>} : memref<80x768xf32, #tpu.memory_space<vmem>>, vector<16xf32>,
          %get3A_393 = arith.index_cast %scan3A_135 : i32 to index
          %get3A_394 = arith.constant 672 : index
          %get3A_395 = tpu.vector_load %arg10[%get3A_393, %get3A_394] {strides = array<i32>} : memref<32x768xf32, #tpu.memory_space<vmem>>, vector<16xf32>,
          %swap3A_396 = arith.index_cast %squeeze3A : i32 to index
          %swap3A_397 = arith.constant 672 : index
          %swap3A_398 = tpu.vector_load %arg11[%swap3A_396, %swap3A_397] {strides = array<i32>} : memref<80x768xf32, #tpu.memory_space<vmem>>, vector<16xf32>,
          tpu.vector_store %arg11[%swap3A_396, %swap3A_397], %get3A_395 {add = true, strides = array<i32>} : memref<80x768xf32, #tpu.memory_space<vmem>>, vector<16xf32>,
          %get3A_399 = arith.index_cast %scan3A_135 : i32 to index
          %get3A_400 = arith.constant 688 : index
          %get3A_401 = tpu.vector_load %arg10[%get3A_399, %get3A_400] {strides = array<i32>} : memref<32x768xf32, #tpu.memory_space<vmem>>, vector<16xf32>,
          %swap3A_402 = arith.index_cast %squeeze3A : i32 to index
          %swap3A_403 = arith.constant 688 : index
          %swap3A_404 = tpu.vector_load %arg11[%swap3A_402, %swap3A_403] {strides = array<i32>} : memref<80x768xf32, #tpu.memory_space<vmem>>, vector<16xf32>,
          tpu.vector_store %arg11[%swap3A_402, %swap3A_403], %get3A_401 {add = true, strides = array<i32>} : memref<80x768xf32, #tpu.memory_space<vmem>>, vector<16xf32>,
          %get3A_405 = arith.index_cast %scan3A_135 : i32 to index
          %get3A_406 = arith.constant 704 : index
          %get3A_407 = tpu.vector_load %arg10[%get3A_405, %get3A_406] {strides = array<i32>} : memref<32x768xf32, #tpu.memory_space<vmem>>, vector<16xf32>,
          %swap3A_408 = arith.index_cast %squeeze3A : i32 to index
          %swap3A_409 = arith.constant 704 : index
          %swap3A_410 = tpu.vector_load %arg11[%swap3A_408, %swap3A_409] {strides = array<i32>} : memref<80x768xf32, #tpu.memory_space<vmem>>, vector<16xf32>,
          tpu.vector_store %arg11[%swap3A_408, %swap3A_409], %get3A_407 {add = true, strides = array<i32>} : memref<80x768xf32, #tpu.memory_space<vmem>>, vector<16xf32>,
          %get3A_411 = arith.index_cast %scan3A_135 : i32 to index
          %get3A_412 = arith.constant 720 : index
          %get3A_413 = tpu.vector_load %arg10[%get3A_411, %get3A_412] {strides = array<i32>} : memref<32x768xf32, #tpu.memory_space<vmem>>, vector<16xf32>,
          %swap3A_414 = arith.index_cast %squeeze3A : i32 to index
          %swap3A_415 = arith.constant 720 : index
          %swap3A_416 = tpu.vector_load %arg11[%swap3A_414, %swap3A_415] {strides = array<i32>} : memref<80x768xf32, #tpu.memory_space<vmem>>, vector<16xf32>,
          tpu.vector_store %arg11[%swap3A_414, %swap3A_415], %get3A_413 {add = true, strides = array<i32>} : memref<80x768xf32, #tpu.memory_space<vmem>>, vector<16xf32>,
          %get3A_417 = arith.index_cast %scan3A_135 : i32 to index
          %get3A_418 = arith.constant 736 : index
          %get3A_419 = tpu.vector_load %arg10[%get3A_417, %get3A_418] {strides = array<i32>} : memref<32x768xf32, #tpu.memory_space<vmem>>, vector<16xf32>,
          %swap3A_420 = arith.index_cast %squeeze3A : i32 to index
          %swap3A_421 = arith.constant 736 : index
          %swap3A_422 = tpu.vector_load %arg11[%swap3A_420, %swap3A_421] {strides = array<i32>} : memref<80x768xf32, #tpu.memory_space<vmem>>, vector<16xf32>,
          tpu.vector_store %arg11[%swap3A_420, %swap3A_421], %get3A_419 {add = true, strides = array<i32>} : memref<80x768xf32, #tpu.memory_space<vmem>>, vector<16xf32>,
          %get3A_423 = arith.index_cast %scan3A_135 : i32 to index
          %get3A_424 = arith.constant 752 : index
          %get3A_425 = tpu.vector_load %arg10[%get3A_423, %get3A_424] {strides = array<i32>} : memref<32x768xf32, #tpu.memory_space<vmem>>, vector<16xf32>,
          %swap3A_426 = arith.index_cast %squeeze3A : i32 to index
          %swap3A_427 = arith.constant 752 : index
          %swap3A_428 = tpu.vector_load %arg11[%swap3A_426, %swap3A_427] {strides = array<i32>} : memref<80x768xf32, #tpu.memory_space<vmem>>, vector<16xf32>,
          tpu.vector_store %arg11[%swap3A_426, %swap3A_427], %get3A_425 {add = true, strides = array<i32>} : memref<80x768xf32, #tpu.memory_space<vmem>>, vector<16xf32>,
          %scan3A_429 = arith.constant 0 : i32
          scf.yield %scan3A_429 : i32
        }
        %scan3A_133 = arith.constant 32 : i32
        %while3A_134 = arith.constant 0 : i32
        scf.yield %while3A_134 : i32
      }
      %scan3A_116 = arith.constant 0 : i32
      scf.yield %scan3A_116 : i32
    }
    %scan3A_38 = arith.constant 16 : i32
    "tpu.region"() ({
      %run_scoped3A = tpu.sem_alloc : memref<!tpu.dma_semaphore, #tpu.memory_space<semaphore_mem>>
      %dma_start3A = arith.constant 0 : i32
      %dma_start3A_52 = tpu.memref_slice %arg5[%add3A_29, %dma_start3A] : memref<10240x768xf32, #tpu.memory_space<hbm>> -> memref<80x768xf32, #tpu.memory_space<hbm>>
      %dma_start3A_53 = arith.constant 0 : i32
      %dma_start3A_54 = tpu.memref_slice %arg5[%add3A_29, %dma_start3A_53] : memref<10240x768xf32, #tpu.memory_space<hbm>> -> memref<80x768xf32, #tpu.memory_space<hbm>>
      tpu.enqueue_dma source(%arg11 : memref<80x768xf32, #tpu.memory_space<vmem>>) target(%dma_start3A_54 : memref<80x768xf32, #tpu.memory_space<hbm>>) target_semaphore(%run_scoped3A : memref<!tpu.dma_semaphore, #tpu.memory_space<semaphore_mem>>)
      %dma_wait3A = arith.constant 0 : i32
      %dma_wait3A_55 = tpu.memref_slice %arg5[%add3A_29, %dma_wait3A] : memref<10240x768xf32, #tpu.memory_space<hbm>> -> memref<80x768xf32, #tpu.memory_space<hbm>>
      %dma_wait3A_56 = arith.constant 0 : i32
      %dma_wait3A_57 = tpu.memref_slice %arg5[%add3A_29, %dma_wait3A_56] : memref<10240x768xf32, #tpu.memory_space<hbm>> -> memref<80x768xf32, #tpu.memory_space<hbm>>
      tpu.wait_dma2 semaphore(%run_scoped3A : memref<!tpu.dma_semaphore, #tpu.memory_space<semaphore_mem>>) src(%arg11 : memref<80x768xf32, #tpu.memory_space<vmem>>) dst(%dma_wait3A_57 : memref<80x768xf32, #tpu.memory_space<hbm>>)
      tpu.yield
    }) : () -> ()
    %mul3A_39 = arith.constant 320 : i32
    %mul3A_40 = arith.muli %add3A, %mul3A_39 : i32
    %add3A_41 = arith.constant 240 : i32
    %add3A_42 = arith.addi %mul3A_40, %add3A_41 : i32
    %add3A_43 = arith.constant 80 : i32
    %add3A_44 = arith.addi %add3A_42, %add3A_43 : i32
    "tpu.region"() ({
      %run_scoped3A = tpu.sem_alloc : memref<!tpu.dma_semaphore, #tpu.memory_space<semaphore_mem>>
      %dma_start3A = arith.constant 10160 : i32
      %dma_start3A_52 = arith.constant 0 : i32
      %dma_start3A_53 = tpu.memref_slice %arg2[%dma_start3A, %dma_start3A_52] : memref<10240x768xf32, #tpu.memory_space<hbm>> -> memref<80x768xf32, #tpu.memory_space<hbm>>
      %dma_start3A_54 = arith.constant 10160 : i32
      %dma_start3A_55 = arith.constant 0 : i32
      %dma_start3A_56 = tpu.memref_slice %arg2[%dma_start3A_54, %dma_start3A_55] : memref<10240x768xf32, #tpu.memory_space<hbm>> -> memref<80x768xf32, #tpu.memory_space<hbm>>
      tpu.enqueue_dma source(%dma_start3A_56 : memref<80x768xf32, #tpu.memory_space<hbm>>) target(%arg11 : memref<80x768xf32, #tpu.memory_space<vmem>>) target_semaphore(%run_scoped3A : memref<!tpu.dma_semaphore, #tpu.memory_space<semaphore_mem>>)
      %dma_wait3A = arith.constant 10160 : i32
      %dma_wait3A_57 = arith.constant 0 : i32
      %dma_wait3A_58 = tpu.memref_slice %arg2[%dma_wait3A, %dma_wait3A_57] : memref<10240x768xf32, #tpu.memory_space<hbm>> -> memref<80x768xf32, #tpu.memory_space<hbm>>
      %dma_wait3A_59 = arith.constant 10160 : i32
      %dma_wait3A_60 = arith.constant 0 : i32
      %dma_wait3A_61 = tpu.memref_slice %arg2[%dma_wait3A_59, %dma_wait3A_60] : memref<10240x768xf32, #tpu.memory_space<hbm>> -> memref<80x768xf32, #tpu.memory_space<hbm>>
      tpu.wait_dma2 semaphore(%run_scoped3A : memref<!tpu.dma_semaphore, #tpu.memory_space<semaphore_mem>>) src(%dma_wait3A_61 : memref<80x768xf32, #tpu.memory_space<hbm>>) dst(%arg11 : memref<80x768xf32, #tpu.memory_space<vmem>>)
      tpu.yield
    }) : () -> ()
    %scan3A_45 = arith.constant 0 : i32
    %scan3A_46 = arith.constant 0 : i32
    %scan3A_47 = arith.constant 16 : i32
    %scan3A_48 = arith.addi %scan3A_46, %scan3A_47 : i32
    %scan3A_49 = arith.constant 1 : i32
    %scan3A_50 = scf.for %scan3A_52 = %scan3A_46 to %scan3A_48 step %scan3A_49 iter_args(%scan3A_53 = %scan3A_45) -> (i32)  : i32 {
      %mul3A_54 = arith.constant 6400 : i32
      %mul3A_55 = arith.muli %scan3A_52, %mul3A_54 : i32
      "tpu.region"() ({
        %run_scoped3A = tpu.sem_alloc : memref<!tpu.dma_semaphore, #tpu.memory_space<semaphore_mem>>
        %dma_start3A = tpu.memref_slice %arg3[%mul3A_55] : memref<102400xi32, #tpu.memory_space<hbm>> -> memref<6400xi32, #tpu.memory_space<hbm>>
        %dma_start3A_117 = tpu.memref_slice %arg3[%mul3A_55] : memref<102400xi32, #tpu.memory_space<hbm>> -> memref<6400xi32, #tpu.memory_space<hbm>>
        tpu.enqueue_dma source(%dma_start3A_117 : memref<6400xi32, #tpu.memory_space<hbm>>) target(%arg6 : memref<6400xi32, #tpu.memory_space<vmem>>) target_semaphore(%run_scoped3A : memref<!tpu.dma_semaphore, #tpu.memory_space<semaphore_mem>>)
        %dma_wait3A = tpu.memref_slice %arg3[%mul3A_55] : memref<102400xi32, #tpu.memory_space<hbm>> -> memref<6400xi32, #tpu.memory_space<hbm>>
        %dma_wait3A_118 = tpu.memref_slice %arg3[%mul3A_55] : memref<102400xi32, #tpu.memory_space<hbm>> -> memref<6400xi32, #tpu.memory_space<hbm>>
        tpu.wait_dma2 semaphore(%run_scoped3A : memref<!tpu.dma_semaphore, #tpu.memory_space<semaphore_mem>>) src(%dma_wait3A_118 : memref<6400xi32, #tpu.memory_space<hbm>>) dst(%arg6 : memref<6400xi32, #tpu.memory_space<vmem>>)
        tpu.yield
      }) : () -> ()
      "tpu.region"() ({
        %run_scoped3A = tpu.sem_alloc : memref<!tpu.dma_semaphore, #tpu.memory_space<semaphore_mem>>
        %dma_start3A = tpu.memref_slice %arg4[%mul3A_55] : memref<102400xi32, #tpu.memory_space<hbm>> -> memref<6400xi32, #tpu.memory_space<hbm>>
        %dma_start3A_117 = tpu.memref_slice %arg4[%mul3A_55] : memref<102400xi32, #tpu.memory_space<hbm>> -> memref<6400xi32, #tpu.memory_space<hbm>>
        tpu.enqueue_dma source(%dma_start3A_117 : memref<6400xi32, #tpu.memory_space<hbm>>) target(%arg7 : memref<6400xi32, #tpu.memory_space<vmem>>) target_semaphore(%run_scoped3A : memref<!tpu.dma_semaphore, #tpu.memory_space<semaphore_mem>>)
        %dma_wait3A = tpu.memref_slice %arg4[%mul3A_55] : memref<102400xi32, #tpu.memory_space<hbm>> -> memref<6400xi32, #tpu.memory_space<hbm>>
        %dma_wait3A_118 = tpu.memref_slice %arg4[%mul3A_55] : memref<102400xi32, #tpu.memory_space<hbm>> -> memref<6400xi32, #tpu.memory_space<hbm>>
        tpu.wait_dma2 semaphore(%run_scoped3A : memref<!tpu.dma_semaphore, #tpu.memory_space<semaphore_mem>>) src(%dma_wait3A_118 : memref<6400xi32, #tpu.memory_space<hbm>>) dst(%arg7 : memref<6400xi32, #tpu.memory_space<vmem>>)
        tpu.yield
      }) : () -> ()
      %scan3A_56 = arith.constant 0 : i32
      %scan3A_57 = arith.constant 0 : i32
      %scan3A_58 = arith.constant 400 : i32
      %scan3A_59 = arith.addi %scan3A_57, %scan3A_58 : i32
      %scan3A_60 = arith.constant 1 : i32
      %scan3A_61 = scf.for %scan3A_117 = %scan3A_57 to %scan3A_59 step %scan3A_60 iter_args(%scan3A_118 = %scan3A_56) -> (i32)  : i32 {
        %mul3A_119 = arith.constant 16 : i32
        %mul3A_120 = arith.muli %scan3A_117, %mul3A_119 : i32
        %get3A = arith.index_cast %mul3A_120 : i32 to index
        %get3A_121 = tpu.vector_load %arg7[%get3A] {strides = array<i32>} : memref<6400xi32, #tpu.memory_space<vmem>>, vector<16xi32>,
        %ge3A = vector.broadcast %add3A_42 : i32 to vector<16xi32>
        %ge3A_122 = arith.cmpi sge, %get3A_121, %ge3A : vector<16xi32>
        %lt3A = vector.broadcast %add3A_44 : i32 to vector<16xi32>
        %lt3A_123 = arith.cmpi slt, %get3A_121, %lt3A : vector<16xi32>
        %and3A_124 = arith.andi %ge3A_122, %lt3A_123 : vector<16xi1>
        %sub3A_125 = vector.broadcast %add3A_42 : i32 to vector<16xi32>
        %sub3A_126 = arith.subi %get3A_121, %sub3A_125 : vector<16xi32>
        %swap3A_127 = arith.index_cast %scan3A_118 : i32 to index
        %swap3A_128 = tpu.vector_load %arg9[%swap3A_127] masked %and3A_124 {strides = array<i32>} : memref<6448xi32, #tpu.memory_space<vmem>>, vector<16xi32>, vector<16xi1>
        tpu.vector_store %arg9[%swap3A_127], %sub3A_126 masked %and3A_124 {strides = array<i32>} : memref<6448xi32, #tpu.memory_space<vmem>>, vector<16xi32>, vector<16xi1>
        %mul3A_129 = arith.constant 16 : i32
        %mul3A_130 = arith.muli %scan3A_117, %mul3A_129 : i32
        %get3A_131 = arith.index_cast %mul3A_130 : i32 to index
        %get3A_132 = tpu.vector_load %arg6[%get3A_131] {strides = array<i32>} : memref<6400xi32, #tpu.memory_space<vmem>>, vector<16xi32>,
        %swap3A_133 = arith.index_cast %scan3A_118 : i32 to index
        %swap3A_134 = tpu.vector_load %arg8[%swap3A_133] masked %and3A_124 {strides = array<i32>} : memref<6448xi32, #tpu.memory_space<vmem>>, vector<16xi32>, vector<16xi1>
        tpu.vector_store %arg8[%swap3A_133], %get3A_132 masked %and3A_124 {strides = array<i32>} : memref<6448xi32, #tpu.memory_space<vmem>>, vector<16xi32>, vector<16xi1>
        %convert_element_type3A = arith.extui %and3A_124 : vector<16xi1> to vector<16xi32>
        %reduce_sum3A = arith.constant true
        %reduce_sum3A_135 = vector.broadcast %reduce_sum3A : i1 to vector<16xi1>
        %reduce_sum3A_136 = tpu.scan <sum>, %convert_element_type3A masked %reduce_sum3A_135 : vector<16xi32>, vector<16xi1> -> vector<16xi32>
        %reduce_sum3A_137 = vector.extract %reduce_sum3A_136[15] : i32 from vector<16xi32>
        %add3A_138 = arith.addi %scan3A_118, %reduce_sum3A_137 : i32
        scf.yield %add3A_138 : i32
      }
      %scan3A_62 = arith.constant 400 : i32
      %broadcast_in_dim3A = arith.constant 0 : i32
      %broadcast_in_dim3A_63 = vector.broadcast %broadcast_in_dim3A : i32 to vector<16xi32>
      %add3A_64 = arith.constant 0 : i32
      %add3A_65 = arith.addi %scan3A_61, %add3A_64 : i32
      %swap3A = arith.index_cast %add3A_65 : i32 to index
      %swap3A_66 = tpu.vector_load %arg9[%swap3A] {strides = array<i32>} : memref<6448xi32, #tpu.memory_space<vmem>>, vector<16xi32>,
      tpu.vector_store %arg9[%swap3A], %broadcast_in_dim3A_63 {strides = array<i32>} : memref<6448xi32, #tpu.memory_space<vmem>>, vector<16xi32>,
      %broadcast_in_dim3A_67 = arith.constant 10200 : i32
      %broadcast_in_dim3A_68 = vector.broadcast %broadcast_in_dim3A_67 : i32 to vector<16xi32>
      %add3A_69 = arith.constant 0 : i32
      %add3A_70 = arith.addi %scan3A_61, %add3A_69 : i32
      %swap3A_71 = arith.index_cast %add3A_70 : i32 to index
      %swap3A_72 = tpu.vector_load %arg8[%swap3A_71] {strides = array<i32>} : memref<6448xi32, #tpu.memory_space<vmem>>, vector<16xi32>,
      tpu.vector_store %arg8[%swap3A_71], %broadcast_in_dim3A_68 {strides = array<i32>} : memref<6448xi32, #tpu.memory_space<vmem>>, vector<16xi32>,
      %broadcast_in_dim3A_73 = arith.constant 0 : i32
      %broadcast_in_dim3A_74 = vector.broadcast %broadcast_in_dim3A_73 : i32 to vector<16xi32>
      %add3A_75 = arith.constant 16 : i32
      %add3A_76 = arith.addi %scan3A_61, %add3A_75 : i32
      %swap3A_77 = arith.index_cast %add3A_76 : i32 to index
      %swap3A_78 = tpu.vector_load %arg9[%swap3A_77] {strides = array<i32>} : memref<6448xi32, #tpu.memory_space<vmem>>, vector<16xi32>,
      tpu.vector_store %arg9[%swap3A_77], %broadcast_in_dim3A_74 {strides = array<i32>} : memref<6448xi32, #tpu.memory_space<vmem>>, vector<16xi32>,
      %broadcast_in_dim3A_79 = arith.constant 10200 : i32
      %broadcast_in_dim3A_80 = vector.broadcast %broadcast_in_dim3A_79 : i32 to vector<16xi32>
      %add3A_81 = arith.constant 16 : i32
      %add3A_82 = arith.addi %scan3A_61, %add3A_81 : i32
      %swap3A_83 = arith.index_cast %add3A_82 : i32 to index
      %swap3A_84 = tpu.vector_load %arg8[%swap3A_83] {strides = array<i32>} : memref<6448xi32, #tpu.memory_space<vmem>>, vector<16xi32>,
      tpu.vector_store %arg8[%swap3A_83], %broadcast_in_dim3A_80 {strides = array<i32>} : memref<6448xi32, #tpu.memory_space<vmem>>, vector<16xi32>,
      %add3A_85 = arith.constant 32 : i32
      %add3A_86 = arith.addi %scan3A_61, %add3A_85 : i32
      %sub3A = arith.constant 1 : i32
      %sub3A_87 = arith.subi %add3A_86, %sub3A : i32
      %jit3A = arith.constant 32 : i32
      %div3A = arith.divsi %sub3A_87, %jit3A : i32
      %sign3A = arith.constant 0 : i32
      %sign3A_88 = arith.cmpi sgt, %sub3A_87, %sign3A : i32
      %sign3A_89 = arith.extui %sign3A_88 : i1 to i32
      %sign3A_90 = arith.constant 0 : i32
      %sign3A_91 = arith.cmpi slt, %sub3A_87, %sign3A_90 : i32
      %sign3A_92 = arith.extui %sign3A_91 : i1 to i32
      %sign3A_93 = arith.subi %sign3A_89, %sign3A_92 : i32
      %sign3A_94 = arith.constant 0 : i32
      %sign3A_95 = arith.cmpi sgt, %jit3A, %sign3A_94 : i32
      %sign3A_96 = arith.extui %sign3A_95 : i1 to i32
      %sign3A_97 = arith.constant 0 : i32
      %sign3A_98 = arith.cmpi slt, %jit3A, %sign3A_97 : i32
      %sign3A_99 = arith.extui %sign3A_98 : i1 to i32
      %sign3A_100 = arith.subi %sign3A_96, %sign3A_99 : i32
      %ne3A = arith.cmpi ne, %sign3A_93, %sign3A_100 : i32
      %rem3A = arith.remsi %sub3A_87, %jit3A : i32
      %ne3A_101 = arith.constant 0 : i32
      %ne3A_102 = arith.cmpi ne, %rem3A, %ne3A_101 : i32
      %and3A = arith.andi %ne3A, %ne3A_102 : i1
      %sub3A_103 = arith.constant 1 : i32
      %sub3A_104 = arith.subi %div3A, %sub3A_103 : i32
      %select_n3A = arith.select %and3A, %sub3A_104, %div3A : i32
      %while3A = arith.constant 0 : i32
      %while3A_105 = arith.constant 0 : i32
      %while3A_106 = arith.subi %select_n3A, %while3A : i32
      %while3A_107 = arith.addi %while3A, %while3A_106 : i32
      %while3A_108 = arith.constant 1 : i32
      %while3A_109 = arith.divsi %while3A_106, %while3A_108 : i32
      %while3A_110 = arith.muli %while3A_109, %while3A_108 : i32
      %while3A_111 = arith.addi %while3A, %while3A_110 : i32
      %while3A_112 = arith.constant 1 : i32
      %while3A_113 = scf.for %while3A_117 = %while3A to %while3A_111 step %while3A_112 iter_args(%while3A_118 = %while3A_105) -> (i32)  : i32 {
        %mul3A_119 = arith.constant 32 : i32
        %mul3A_120 = arith.muli %while3A_117, %mul3A_119 : i32
        %dma_start3A = tpu.memref_slice %arg8[%mul3A_120] : memref<6448xi32, #tpu.memory_space<vmem>> -> memref<32xi32, #tpu.memory_space<vmem>>
        %dma_start3A_121 = arith.constant 0 : i32
        %dma_start3A_122 = arith.constant 0 : i32
        %dma_start3A_123 = tpu.memref_slice %arg2[%dma_start3A_121, %dma_start3A_122] : memref<10240x768xf32, #tpu.memory_space<hbm>> -> memref<10240x768xf32, #tpu.memory_space<hbm>>
        tpu.enqueue_indirect_dma source(%dma_start3A_123 : memref<10240x768xf32, #tpu.memory_space<hbm>>) target(%arg10 : memref<32x768xf32, #tpu.memory_space<vmem>>) offsets(%dma_start3A : memref<32xi32, #tpu.memory_space<vmem>>) semaphore(%arg12 : memref<!tpu.dma_semaphore, #tpu.memory_space<semaphore_mem>>)
        %dma_wait3A = tpu.memref_slice %arg8[%mul3A_120] : memref<6448xi32, #tpu.memory_space<vmem>> -> memref<32xi32, #tpu.memory_space<vmem>>
        %dma_wait3A_124 = arith.constant 0 : i32
        %dma_wait3A_125 = arith.constant 0 : i32
        %dma_wait3A_126 = tpu.memref_slice %arg2[%dma_wait3A_124, %dma_wait3A_125] : memref<10240x768xf32, #tpu.memory_space<hbm>> -> memref<10240x768xf32, #tpu.memory_space<hbm>>
        tpu.wait_indirect_dma semaphore(%arg12 : memref<!tpu.dma_semaphore, #tpu.memory_space<semaphore_mem>>) src(%dma_wait3A_126 : memref<10240x768xf32, #tpu.memory_space<hbm>>) dst(%arg10 : memref<32x768xf32, #tpu.memory_space<vmem>>)
        %scan3A_127 = arith.constant 0 : i32
        %scan3A_128 = arith.constant 0 : i32
        %scan3A_129 = arith.constant 32 : i32
        %scan3A_130 = arith.addi %scan3A_128, %scan3A_129 : i32
        %scan3A_131 = arith.constant 1 : i32
        %scan3A_132 = scf.for %scan3A_135 = %scan3A_128 to %scan3A_130 step %scan3A_131 iter_args(%scan3A_136 = %scan3A_127) -> (i32)  : i32 {
          %mul3A_137 = arith.constant 32 : i32
          %mul3A_138 = arith.muli %while3A_117, %mul3A_137 : i32
          %add3A_139 = arith.addi %mul3A_138, %scan3A_135 : i32
          %get3A = arith.index_cast %add3A_139 : i32 to index
          %get3A_140 = tpu.vector_load %arg9[%get3A] {strides = array<i32>} : memref<6448xi32, #tpu.memory_space<vmem>>, vector<16xi32>,
          %slice3A = vector.extract_strided_slice %get3A_140 {offsets = [0], sizes = [1], strides = [1]} : vector<16xi32> to vector<1xi32>
          %squeeze3A = vector.extract %slice3A[0] : i32 from vector<1xi32>
          %get3A_141 = arith.index_cast %scan3A_135 : i32 to index
          %get3A_142 = arith.constant 0 : index
          %get3A_143 = tpu.vector_load %arg10[%get3A_141, %get3A_142] {strides = array<i32>} : memref<32x768xf32, #tpu.memory_space<vmem>>, vector<16xf32>,
          %swap3A_144 = arith.index_cast %squeeze3A : i32 to index
          %swap3A_145 = arith.constant 0 : index
          %swap3A_146 = tpu.vector_load %arg11[%swap3A_144, %swap3A_145] {strides = array<i32>} : memref<80x768xf32, #tpu.memory_space<vmem>>, vector<16xf32>,
          tpu.vector_store %arg11[%swap3A_144, %swap3A_145], %get3A_143 {add = true, strides = array<i32>} : memref<80x768xf32, #tpu.memory_space<vmem>>, vector<16xf32>,
          %get3A_147 = arith.index_cast %scan3A_135 : i32 to index
          %get3A_148 = arith.constant 16 : index
          %get3A_149 = tpu.vector_load %arg10[%get3A_147, %get3A_148] {strides = array<i32>} : memref<32x768xf32, #tpu.memory_space<vmem>>, vector<16xf32>,
          %swap3A_150 = arith.index_cast %squeeze3A : i32 to index
          %swap3A_151 = arith.constant 16 : index
          %swap3A_152 = tpu.vector_load %arg11[%swap3A_150, %swap3A_151] {strides = array<i32>} : memref<80x768xf32, #tpu.memory_space<vmem>>, vector<16xf32>,
          tpu.vector_store %arg11[%swap3A_150, %swap3A_151], %get3A_149 {add = true, strides = array<i32>} : memref<80x768xf32, #tpu.memory_space<vmem>>, vector<16xf32>,
          %get3A_153 = arith.index_cast %scan3A_135 : i32 to index
          %get3A_154 = arith.constant 32 : index
          %get3A_155 = tpu.vector_load %arg10[%get3A_153, %get3A_154] {strides = array<i32>} : memref<32x768xf32, #tpu.memory_space<vmem>>, vector<16xf32>,
          %swap3A_156 = arith.index_cast %squeeze3A : i32 to index
          %swap3A_157 = arith.constant 32 : index
          %swap3A_158 = tpu.vector_load %arg11[%swap3A_156, %swap3A_157] {strides = array<i32>} : memref<80x768xf32, #tpu.memory_space<vmem>>, vector<16xf32>,
          tpu.vector_store %arg11[%swap3A_156, %swap3A_157], %get3A_155 {add = true, strides = array<i32>} : memref<80x768xf32, #tpu.memory_space<vmem>>, vector<16xf32>,
          %get3A_159 = arith.index_cast %scan3A_135 : i32 to index
          %get3A_160 = arith.constant 48 : index
          %get3A_161 = tpu.vector_load %arg10[%get3A_159, %get3A_160] {strides = array<i32>} : memref<32x768xf32, #tpu.memory_space<vmem>>, vector<16xf32>,
          %swap3A_162 = arith.index_cast %squeeze3A : i32 to index
          %swap3A_163 = arith.constant 48 : index
          %swap3A_164 = tpu.vector_load %arg11[%swap3A_162, %swap3A_163] {strides = array<i32>} : memref<80x768xf32, #tpu.memory_space<vmem>>, vector<16xf32>,
          tpu.vector_store %arg11[%swap3A_162, %swap3A_163], %get3A_161 {add = true, strides = array<i32>} : memref<80x768xf32, #tpu.memory_space<vmem>>, vector<16xf32>,
          %get3A_165 = arith.index_cast %scan3A_135 : i32 to index
          %get3A_166 = arith.constant 64 : index
          %get3A_167 = tpu.vector_load %arg10[%get3A_165, %get3A_166] {strides = array<i32>} : memref<32x768xf32, #tpu.memory_space<vmem>>, vector<16xf32>,
          %swap3A_168 = arith.index_cast %squeeze3A : i32 to index
          %swap3A_169 = arith.constant 64 : index
          %swap3A_170 = tpu.vector_load %arg11[%swap3A_168, %swap3A_169] {strides = array<i32>} : memref<80x768xf32, #tpu.memory_space<vmem>>, vector<16xf32>,
          tpu.vector_store %arg11[%swap3A_168, %swap3A_169], %get3A_167 {add = true, strides = array<i32>} : memref<80x768xf32, #tpu.memory_space<vmem>>, vector<16xf32>,
          %get3A_171 = arith.index_cast %scan3A_135 : i32 to index
          %get3A_172 = arith.constant 80 : index
          %get3A_173 = tpu.vector_load %arg10[%get3A_171, %get3A_172] {strides = array<i32>} : memref<32x768xf32, #tpu.memory_space<vmem>>, vector<16xf32>,
          %swap3A_174 = arith.index_cast %squeeze3A : i32 to index
          %swap3A_175 = arith.constant 80 : index
          %swap3A_176 = tpu.vector_load %arg11[%swap3A_174, %swap3A_175] {strides = array<i32>} : memref<80x768xf32, #tpu.memory_space<vmem>>, vector<16xf32>,
          tpu.vector_store %arg11[%swap3A_174, %swap3A_175], %get3A_173 {add = true, strides = array<i32>} : memref<80x768xf32, #tpu.memory_space<vmem>>, vector<16xf32>,
          %get3A_177 = arith.index_cast %scan3A_135 : i32 to index
          %get3A_178 = arith.constant 96 : index
          %get3A_179 = tpu.vector_load %arg10[%get3A_177, %get3A_178] {strides = array<i32>} : memref<32x768xf32, #tpu.memory_space<vmem>>, vector<16xf32>,
          %swap3A_180 = arith.index_cast %squeeze3A : i32 to index
          %swap3A_181 = arith.constant 96 : index
          %swap3A_182 = tpu.vector_load %arg11[%swap3A_180, %swap3A_181] {strides = array<i32>} : memref<80x768xf32, #tpu.memory_space<vmem>>, vector<16xf32>,
          tpu.vector_store %arg11[%swap3A_180, %swap3A_181], %get3A_179 {add = true, strides = array<i32>} : memref<80x768xf32, #tpu.memory_space<vmem>>, vector<16xf32>,
          %get3A_183 = arith.index_cast %scan3A_135 : i32 to index
          %get3A_184 = arith.constant 112 : index
          %get3A_185 = tpu.vector_load %arg10[%get3A_183, %get3A_184] {strides = array<i32>} : memref<32x768xf32, #tpu.memory_space<vmem>>, vector<16xf32>,
          %swap3A_186 = arith.index_cast %squeeze3A : i32 to index
          %swap3A_187 = arith.constant 112 : index
          %swap3A_188 = tpu.vector_load %arg11[%swap3A_186, %swap3A_187] {strides = array<i32>} : memref<80x768xf32, #tpu.memory_space<vmem>>, vector<16xf32>,
          tpu.vector_store %arg11[%swap3A_186, %swap3A_187], %get3A_185 {add = true, strides = array<i32>} : memref<80x768xf32, #tpu.memory_space<vmem>>, vector<16xf32>,
          %get3A_189 = arith.index_cast %scan3A_135 : i32 to index
          %get3A_190 = arith.constant 128 : index
          %get3A_191 = tpu.vector_load %arg10[%get3A_189, %get3A_190] {strides = array<i32>} : memref<32x768xf32, #tpu.memory_space<vmem>>, vector<16xf32>,
          %swap3A_192 = arith.index_cast %squeeze3A : i32 to index
          %swap3A_193 = arith.constant 128 : index
          %swap3A_194 = tpu.vector_load %arg11[%swap3A_192, %swap3A_193] {strides = array<i32>} : memref<80x768xf32, #tpu.memory_space<vmem>>, vector<16xf32>,
          tpu.vector_store %arg11[%swap3A_192, %swap3A_193], %get3A_191 {add = true, strides = array<i32>} : memref<80x768xf32, #tpu.memory_space<vmem>>, vector<16xf32>,
          %get3A_195 = arith.index_cast %scan3A_135 : i32 to index
          %get3A_196 = arith.constant 144 : index
          %get3A_197 = tpu.vector_load %arg10[%get3A_195, %get3A_196] {strides = array<i32>} : memref<32x768xf32, #tpu.memory_space<vmem>>, vector<16xf32>,
          %swap3A_198 = arith.index_cast %squeeze3A : i32 to index
          %swap3A_199 = arith.constant 144 : index
          %swap3A_200 = tpu.vector_load %arg11[%swap3A_198, %swap3A_199] {strides = array<i32>} : memref<80x768xf32, #tpu.memory_space<vmem>>, vector<16xf32>,
          tpu.vector_store %arg11[%swap3A_198, %swap3A_199], %get3A_197 {add = true, strides = array<i32>} : memref<80x768xf32, #tpu.memory_space<vmem>>, vector<16xf32>,
          %get3A_201 = arith.index_cast %scan3A_135 : i32 to index
          %get3A_202 = arith.constant 160 : index
          %get3A_203 = tpu.vector_load %arg10[%get3A_201, %get3A_202] {strides = array<i32>} : memref<32x768xf32, #tpu.memory_space<vmem>>, vector<16xf32>,
          %swap3A_204 = arith.index_cast %squeeze3A : i32 to index
          %swap3A_205 = arith.constant 160 : index
          %swap3A_206 = tpu.vector_load %arg11[%swap3A_204, %swap3A_205] {strides = array<i32>} : memref<80x768xf32, #tpu.memory_space<vmem>>, vector<16xf32>,
          tpu.vector_store %arg11[%swap3A_204, %swap3A_205], %get3A_203 {add = true, strides = array<i32>} : memref<80x768xf32, #tpu.memory_space<vmem>>, vector<16xf32>,
          %get3A_207 = arith.index_cast %scan3A_135 : i32 to index
          %get3A_208 = arith.constant 176 : index
          %get3A_209 = tpu.vector_load %arg10[%get3A_207, %get3A_208] {strides = array<i32>} : memref<32x768xf32, #tpu.memory_space<vmem>>, vector<16xf32>,
          %swap3A_210 = arith.index_cast %squeeze3A : i32 to index
          %swap3A_211 = arith.constant 176 : index
          %swap3A_212 = tpu.vector_load %arg11[%swap3A_210, %swap3A_211] {strides = array<i32>} : memref<80x768xf32, #tpu.memory_space<vmem>>, vector<16xf32>,
          tpu.vector_store %arg11[%swap3A_210, %swap3A_211], %get3A_209 {add = true, strides = array<i32>} : memref<80x768xf32, #tpu.memory_space<vmem>>, vector<16xf32>,
          %get3A_213 = arith.index_cast %scan3A_135 : i32 to index
          %get3A_214 = arith.constant 192 : index
          %get3A_215 = tpu.vector_load %arg10[%get3A_213, %get3A_214] {strides = array<i32>} : memref<32x768xf32, #tpu.memory_space<vmem>>, vector<16xf32>,
          %swap3A_216 = arith.index_cast %squeeze3A : i32 to index
          %swap3A_217 = arith.constant 192 : index
          %swap3A_218 = tpu.vector_load %arg11[%swap3A_216, %swap3A_217] {strides = array<i32>} : memref<80x768xf32, #tpu.memory_space<vmem>>, vector<16xf32>,
          tpu.vector_store %arg11[%swap3A_216, %swap3A_217], %get3A_215 {add = true, strides = array<i32>} : memref<80x768xf32, #tpu.memory_space<vmem>>, vector<16xf32>,
          %get3A_219 = arith.index_cast %scan3A_135 : i32 to index
          %get3A_220 = arith.constant 208 : index
          %get3A_221 = tpu.vector_load %arg10[%get3A_219, %get3A_220] {strides = array<i32>} : memref<32x768xf32, #tpu.memory_space<vmem>>, vector<16xf32>,
          %swap3A_222 = arith.index_cast %squeeze3A : i32 to index
          %swap3A_223 = arith.constant 208 : index
          %swap3A_224 = tpu.vector_load %arg11[%swap3A_222, %swap3A_223] {strides = array<i32>} : memref<80x768xf32, #tpu.memory_space<vmem>>, vector<16xf32>,
          tpu.vector_store %arg11[%swap3A_222, %swap3A_223], %get3A_221 {add = true, strides = array<i32>} : memref<80x768xf32, #tpu.memory_space<vmem>>, vector<16xf32>,
          %get3A_225 = arith.index_cast %scan3A_135 : i32 to index
          %get3A_226 = arith.constant 224 : index
          %get3A_227 = tpu.vector_load %arg10[%get3A_225, %get3A_226] {strides = array<i32>} : memref<32x768xf32, #tpu.memory_space<vmem>>, vector<16xf32>,
          %swap3A_228 = arith.index_cast %squeeze3A : i32 to index
          %swap3A_229 = arith.constant 224 : index
          %swap3A_230 = tpu.vector_load %arg11[%swap3A_228, %swap3A_229] {strides = array<i32>} : memref<80x768xf32, #tpu.memory_space<vmem>>, vector<16xf32>,
          tpu.vector_store %arg11[%swap3A_228, %swap3A_229], %get3A_227 {add = true, strides = array<i32>} : memref<80x768xf32, #tpu.memory_space<vmem>>, vector<16xf32>,
          %get3A_231 = arith.index_cast %scan3A_135 : i32 to index
          %get3A_232 = arith.constant 240 : index
          %get3A_233 = tpu.vector_load %arg10[%get3A_231, %get3A_232] {strides = array<i32>} : memref<32x768xf32, #tpu.memory_space<vmem>>, vector<16xf32>,
          %swap3A_234 = arith.index_cast %squeeze3A : i32 to index
          %swap3A_235 = arith.constant 240 : index
          %swap3A_236 = tpu.vector_load %arg11[%swap3A_234, %swap3A_235] {strides = array<i32>} : memref<80x768xf32, #tpu.memory_space<vmem>>, vector<16xf32>,
          tpu.vector_store %arg11[%swap3A_234, %swap3A_235], %get3A_233 {add = true, strides = array<i32>} : memref<80x768xf32, #tpu.memory_space<vmem>>, vector<16xf32>,
          %get3A_237 = arith.index_cast %scan3A_135 : i32 to index
          %get3A_238 = arith.constant 256 : index
          %get3A_239 = tpu.vector_load %arg10[%get3A_237, %get3A_238] {strides = array<i32>} : memref<32x768xf32, #tpu.memory_space<vmem>>, vector<16xf32>,
          %swap3A_240 = arith.index_cast %squeeze3A : i32 to index
          %swap3A_241 = arith.constant 256 : index
          %swap3A_242 = tpu.vector_load %arg11[%swap3A_240, %swap3A_241] {strides = array<i32>} : memref<80x768xf32, #tpu.memory_space<vmem>>, vector<16xf32>,
          tpu.vector_store %arg11[%swap3A_240, %swap3A_241], %get3A_239 {add = true, strides = array<i32>} : memref<80x768xf32, #tpu.memory_space<vmem>>, vector<16xf32>,
          %get3A_243 = arith.index_cast %scan3A_135 : i32 to index
          %get3A_244 = arith.constant 272 : index
          %get3A_245 = tpu.vector_load %arg10[%get3A_243, %get3A_244] {strides = array<i32>} : memref<32x768xf32, #tpu.memory_space<vmem>>, vector<16xf32>,
          %swap3A_246 = arith.index_cast %squeeze3A : i32 to index
          %swap3A_247 = arith.constant 272 : index
          %swap3A_248 = tpu.vector_load %arg11[%swap3A_246, %swap3A_247] {strides = array<i32>} : memref<80x768xf32, #tpu.memory_space<vmem>>, vector<16xf32>,
          tpu.vector_store %arg11[%swap3A_246, %swap3A_247], %get3A_245 {add = true, strides = array<i32>} : memref<80x768xf32, #tpu.memory_space<vmem>>, vector<16xf32>,
          %get3A_249 = arith.index_cast %scan3A_135 : i32 to index
          %get3A_250 = arith.constant 288 : index
          %get3A_251 = tpu.vector_load %arg10[%get3A_249, %get3A_250] {strides = array<i32>} : memref<32x768xf32, #tpu.memory_space<vmem>>, vector<16xf32>,
          %swap3A_252 = arith.index_cast %squeeze3A : i32 to index
          %swap3A_253 = arith.constant 288 : index
          %swap3A_254 = tpu.vector_load %arg11[%swap3A_252, %swap3A_253] {strides = array<i32>} : memref<80x768xf32, #tpu.memory_space<vmem>>, vector<16xf32>,
          tpu.vector_store %arg11[%swap3A_252, %swap3A_253], %get3A_251 {add = true, strides = array<i32>} : memref<80x768xf32, #tpu.memory_space<vmem>>, vector<16xf32>,
          %get3A_255 = arith.index_cast %scan3A_135 : i32 to index
          %get3A_256 = arith.constant 304 : index
          %get3A_257 = tpu.vector_load %arg10[%get3A_255, %get3A_256] {strides = array<i32>} : memref<32x768xf32, #tpu.memory_space<vmem>>, vector<16xf32>,
          %swap3A_258 = arith.index_cast %squeeze3A : i32 to index
          %swap3A_259 = arith.constant 304 : index
          %swap3A_260 = tpu.vector_load %arg11[%swap3A_258, %swap3A_259] {strides = array<i32>} : memref<80x768xf32, #tpu.memory_space<vmem>>, vector<16xf32>,
          tpu.vector_store %arg11[%swap3A_258, %swap3A_259], %get3A_257 {add = true, strides = array<i32>} : memref<80x768xf32, #tpu.memory_space<vmem>>, vector<16xf32>,
          %get3A_261 = arith.index_cast %scan3A_135 : i32 to index
          %get3A_262 = arith.constant 320 : index
          %get3A_263 = tpu.vector_load %arg10[%get3A_261, %get3A_262] {strides = array<i32>} : memref<32x768xf32, #tpu.memory_space<vmem>>, vector<16xf32>,
          %swap3A_264 = arith.index_cast %squeeze3A : i32 to index
          %swap3A_265 = arith.constant 320 : index
          %swap3A_266 = tpu.vector_load %arg11[%swap3A_264, %swap3A_265] {strides = array<i32>} : memref<80x768xf32, #tpu.memory_space<vmem>>, vector<16xf32>,
          tpu.vector_store %arg11[%swap3A_264, %swap3A_265], %get3A_263 {add = true, strides = array<i32>} : memref<80x768xf32, #tpu.memory_space<vmem>>, vector<16xf32>,
          %get3A_267 = arith.index_cast %scan3A_135 : i32 to index
          %get3A_268 = arith.constant 336 : index
          %get3A_269 = tpu.vector_load %arg10[%get3A_267, %get3A_268] {strides = array<i32>} : memref<32x768xf32, #tpu.memory_space<vmem>>, vector<16xf32>,
          %swap3A_270 = arith.index_cast %squeeze3A : i32 to index
          %swap3A_271 = arith.constant 336 : index
          %swap3A_272 = tpu.vector_load %arg11[%swap3A_270, %swap3A_271] {strides = array<i32>} : memref<80x768xf32, #tpu.memory_space<vmem>>, vector<16xf32>,
          tpu.vector_store %arg11[%swap3A_270, %swap3A_271], %get3A_269 {add = true, strides = array<i32>} : memref<80x768xf32, #tpu.memory_space<vmem>>, vector<16xf32>,
          %get3A_273 = arith.index_cast %scan3A_135 : i32 to index
          %get3A_274 = arith.constant 352 : index
          %get3A_275 = tpu.vector_load %arg10[%get3A_273, %get3A_274] {strides = array<i32>} : memref<32x768xf32, #tpu.memory_space<vmem>>, vector<16xf32>,
          %swap3A_276 = arith.index_cast %squeeze3A : i32 to index
          %swap3A_277 = arith.constant 352 : index
          %swap3A_278 = tpu.vector_load %arg11[%swap3A_276, %swap3A_277] {strides = array<i32>} : memref<80x768xf32, #tpu.memory_space<vmem>>, vector<16xf32>,
          tpu.vector_store %arg11[%swap3A_276, %swap3A_277], %get3A_275 {add = true, strides = array<i32>} : memref<80x768xf32, #tpu.memory_space<vmem>>, vector<16xf32>,
          %get3A_279 = arith.index_cast %scan3A_135 : i32 to index
          %get3A_280 = arith.constant 368 : index
          %get3A_281 = tpu.vector_load %arg10[%get3A_279, %get3A_280] {strides = array<i32>} : memref<32x768xf32, #tpu.memory_space<vmem>>, vector<16xf32>,
          %swap3A_282 = arith.index_cast %squeeze3A : i32 to index
          %swap3A_283 = arith.constant 368 : index
          %swap3A_284 = tpu.vector_load %arg11[%swap3A_282, %swap3A_283] {strides = array<i32>} : memref<80x768xf32, #tpu.memory_space<vmem>>, vector<16xf32>,
          tpu.vector_store %arg11[%swap3A_282, %swap3A_283], %get3A_281 {add = true, strides = array<i32>} : memref<80x768xf32, #tpu.memory_space<vmem>>, vector<16xf32>,
          %get3A_285 = arith.index_cast %scan3A_135 : i32 to index
          %get3A_286 = arith.constant 384 : index
          %get3A_287 = tpu.vector_load %arg10[%get3A_285, %get3A_286] {strides = array<i32>} : memref<32x768xf32, #tpu.memory_space<vmem>>, vector<16xf32>,
          %swap3A_288 = arith.index_cast %squeeze3A : i32 to index
          %swap3A_289 = arith.constant 384 : index
          %swap3A_290 = tpu.vector_load %arg11[%swap3A_288, %swap3A_289] {strides = array<i32>} : memref<80x768xf32, #tpu.memory_space<vmem>>, vector<16xf32>,
          tpu.vector_store %arg11[%swap3A_288, %swap3A_289], %get3A_287 {add = true, strides = array<i32>} : memref<80x768xf32, #tpu.memory_space<vmem>>, vector<16xf32>,
          %get3A_291 = arith.index_cast %scan3A_135 : i32 to index
          %get3A_292 = arith.constant 400 : index
          %get3A_293 = tpu.vector_load %arg10[%get3A_291, %get3A_292] {strides = array<i32>} : memref<32x768xf32, #tpu.memory_space<vmem>>, vector<16xf32>,
          %swap3A_294 = arith.index_cast %squeeze3A : i32 to index
          %swap3A_295 = arith.constant 400 : index
          %swap3A_296 = tpu.vector_load %arg11[%swap3A_294, %swap3A_295] {strides = array<i32>} : memref<80x768xf32, #tpu.memory_space<vmem>>, vector<16xf32>,
          tpu.vector_store %arg11[%swap3A_294, %swap3A_295], %get3A_293 {add = true, strides = array<i32>} : memref<80x768xf32, #tpu.memory_space<vmem>>, vector<16xf32>,
          %get3A_297 = arith.index_cast %scan3A_135 : i32 to index
          %get3A_298 = arith.constant 416 : index
          %get3A_299 = tpu.vector_load %arg10[%get3A_297, %get3A_298] {strides = array<i32>} : memref<32x768xf32, #tpu.memory_space<vmem>>, vector<16xf32>,
          %swap3A_300 = arith.index_cast %squeeze3A : i32 to index
          %swap3A_301 = arith.constant 416 : index
          %swap3A_302 = tpu.vector_load %arg11[%swap3A_300, %swap3A_301] {strides = array<i32>} : memref<80x768xf32, #tpu.memory_space<vmem>>, vector<16xf32>,
          tpu.vector_store %arg11[%swap3A_300, %swap3A_301], %get3A_299 {add = true, strides = array<i32>} : memref<80x768xf32, #tpu.memory_space<vmem>>, vector<16xf32>,
          %get3A_303 = arith.index_cast %scan3A_135 : i32 to index
          %get3A_304 = arith.constant 432 : index
          %get3A_305 = tpu.vector_load %arg10[%get3A_303, %get3A_304] {strides = array<i32>} : memref<32x768xf32, #tpu.memory_space<vmem>>, vector<16xf32>,
          %swap3A_306 = arith.index_cast %squeeze3A : i32 to index
          %swap3A_307 = arith.constant 432 : index
          %swap3A_308 = tpu.vector_load %arg11[%swap3A_306, %swap3A_307] {strides = array<i32>} : memref<80x768xf32, #tpu.memory_space<vmem>>, vector<16xf32>,
          tpu.vector_store %arg11[%swap3A_306, %swap3A_307], %get3A_305 {add = true, strides = array<i32>} : memref<80x768xf32, #tpu.memory_space<vmem>>, vector<16xf32>,
          %get3A_309 = arith.index_cast %scan3A_135 : i32 to index
          %get3A_310 = arith.constant 448 : index
          %get3A_311 = tpu.vector_load %arg10[%get3A_309, %get3A_310] {strides = array<i32>} : memref<32x768xf32, #tpu.memory_space<vmem>>, vector<16xf32>,
          %swap3A_312 = arith.index_cast %squeeze3A : i32 to index
          %swap3A_313 = arith.constant 448 : index
          %swap3A_314 = tpu.vector_load %arg11[%swap3A_312, %swap3A_313] {strides = array<i32>} : memref<80x768xf32, #tpu.memory_space<vmem>>, vector<16xf32>,
          tpu.vector_store %arg11[%swap3A_312, %swap3A_313], %get3A_311 {add = true, strides = array<i32>} : memref<80x768xf32, #tpu.memory_space<vmem>>, vector<16xf32>,
          %get3A_315 = arith.index_cast %scan3A_135 : i32 to index
          %get3A_316 = arith.constant 464 : index
          %get3A_317 = tpu.vector_load %arg10[%get3A_315, %get3A_316] {strides = array<i32>} : memref<32x768xf32, #tpu.memory_space<vmem>>, vector<16xf32>,
          %swap3A_318 = arith.index_cast %squeeze3A : i32 to index
          %swap3A_319 = arith.constant 464 : index
          %swap3A_320 = tpu.vector_load %arg11[%swap3A_318, %swap3A_319] {strides = array<i32>} : memref<80x768xf32, #tpu.memory_space<vmem>>, vector<16xf32>,
          tpu.vector_store %arg11[%swap3A_318, %swap3A_319], %get3A_317 {add = true, strides = array<i32>} : memref<80x768xf32, #tpu.memory_space<vmem>>, vector<16xf32>,
          %get3A_321 = arith.index_cast %scan3A_135 : i32 to index
          %get3A_322 = arith.constant 480 : index
          %get3A_323 = tpu.vector_load %arg10[%get3A_321, %get3A_322] {strides = array<i32>} : memref<32x768xf32, #tpu.memory_space<vmem>>, vector<16xf32>,
          %swap3A_324 = arith.index_cast %squeeze3A : i32 to index
          %swap3A_325 = arith.constant 480 : index
          %swap3A_326 = tpu.vector_load %arg11[%swap3A_324, %swap3A_325] {strides = array<i32>} : memref<80x768xf32, #tpu.memory_space<vmem>>, vector<16xf32>,
          tpu.vector_store %arg11[%swap3A_324, %swap3A_325], %get3A_323 {add = true, strides = array<i32>} : memref<80x768xf32, #tpu.memory_space<vmem>>, vector<16xf32>,
          %get3A_327 = arith.index_cast %scan3A_135 : i32 to index
          %get3A_328 = arith.constant 496 : index
          %get3A_329 = tpu.vector_load %arg10[%get3A_327, %get3A_328] {strides = array<i32>} : memref<32x768xf32, #tpu.memory_space<vmem>>, vector<16xf32>,
          %swap3A_330 = arith.index_cast %squeeze3A : i32 to index
          %swap3A_331 = arith.constant 496 : index
          %swap3A_332 = tpu.vector_load %arg11[%swap3A_330, %swap3A_331] {strides = array<i32>} : memref<80x768xf32, #tpu.memory_space<vmem>>, vector<16xf32>,
          tpu.vector_store %arg11[%swap3A_330, %swap3A_331], %get3A_329 {add = true, strides = array<i32>} : memref<80x768xf32, #tpu.memory_space<vmem>>, vector<16xf32>,
          %get3A_333 = arith.index_cast %scan3A_135 : i32 to index
          %get3A_334 = arith.constant 512 : index
          %get3A_335 = tpu.vector_load %arg10[%get3A_333, %get3A_334] {strides = array<i32>} : memref<32x768xf32, #tpu.memory_space<vmem>>, vector<16xf32>,
          %swap3A_336 = arith.index_cast %squeeze3A : i32 to index
          %swap3A_337 = arith.constant 512 : index
          %swap3A_338 = tpu.vector_load %arg11[%swap3A_336, %swap3A_337] {strides = array<i32>} : memref<80x768xf32, #tpu.memory_space<vmem>>, vector<16xf32>,
          tpu.vector_store %arg11[%swap3A_336, %swap3A_337], %get3A_335 {add = true, strides = array<i32>} : memref<80x768xf32, #tpu.memory_space<vmem>>, vector<16xf32>,
          %get3A_339 = arith.index_cast %scan3A_135 : i32 to index
          %get3A_340 = arith.constant 528 : index
          %get3A_341 = tpu.vector_load %arg10[%get3A_339, %get3A_340] {strides = array<i32>} : memref<32x768xf32, #tpu.memory_space<vmem>>, vector<16xf32>,
          %swap3A_342 = arith.index_cast %squeeze3A : i32 to index
          %swap3A_343 = arith.constant 528 : index
          %swap3A_344 = tpu.vector_load %arg11[%swap3A_342, %swap3A_343] {strides = array<i32>} : memref<80x768xf32, #tpu.memory_space<vmem>>, vector<16xf32>,
          tpu.vector_store %arg11[%swap3A_342, %swap3A_343], %get3A_341 {add = true, strides = array<i32>} : memref<80x768xf32, #tpu.memory_space<vmem>>, vector<16xf32>,
          %get3A_345 = arith.index_cast %scan3A_135 : i32 to index
          %get3A_346 = arith.constant 544 : index
          %get3A_347 = tpu.vector_load %arg10[%get3A_345, %get3A_346] {strides = array<i32>} : memref<32x768xf32, #tpu.memory_space<vmem>>, vector<16xf32>,
          %swap3A_348 = arith.index_cast %squeeze3A : i32 to index
          %swap3A_349 = arith.constant 544 : index
          %swap3A_350 = tpu.vector_load %arg11[%swap3A_348, %swap3A_349] {strides = array<i32>} : memref<80x768xf32, #tpu.memory_space<vmem>>, vector<16xf32>,
          tpu.vector_store %arg11[%swap3A_348, %swap3A_349], %get3A_347 {add = true, strides = array<i32>} : memref<80x768xf32, #tpu.memory_space<vmem>>, vector<16xf32>,
          %get3A_351 = arith.index_cast %scan3A_135 : i32 to index
          %get3A_352 = arith.constant 560 : index
          %get3A_353 = tpu.vector_load %arg10[%get3A_351, %get3A_352] {strides = array<i32>} : memref<32x768xf32, #tpu.memory_space<vmem>>, vector<16xf32>,
          %swap3A_354 = arith.index_cast %squeeze3A : i32 to index
          %swap3A_355 = arith.constant 560 : index
          %swap3A_356 = tpu.vector_load %arg11[%swap3A_354, %swap3A_355] {strides = array<i32>} : memref<80x768xf32, #tpu.memory_space<vmem>>, vector<16xf32>,
          tpu.vector_store %arg11[%swap3A_354, %swap3A_355], %get3A_353 {add = true, strides = array<i32>} : memref<80x768xf32, #tpu.memory_space<vmem>>, vector<16xf32>,
          %get3A_357 = arith.index_cast %scan3A_135 : i32 to index
          %get3A_358 = arith.constant 576 : index
          %get3A_359 = tpu.vector_load %arg10[%get3A_357, %get3A_358] {strides = array<i32>} : memref<32x768xf32, #tpu.memory_space<vmem>>, vector<16xf32>,
          %swap3A_360 = arith.index_cast %squeeze3A : i32 to index
          %swap3A_361 = arith.constant 576 : index
          %swap3A_362 = tpu.vector_load %arg11[%swap3A_360, %swap3A_361] {strides = array<i32>} : memref<80x768xf32, #tpu.memory_space<vmem>>, vector<16xf32>,
          tpu.vector_store %arg11[%swap3A_360, %swap3A_361], %get3A_359 {add = true, strides = array<i32>} : memref<80x768xf32, #tpu.memory_space<vmem>>, vector<16xf32>,
          %get3A_363 = arith.index_cast %scan3A_135 : i32 to index
          %get3A_364 = arith.constant 592 : index
          %get3A_365 = tpu.vector_load %arg10[%get3A_363, %get3A_364] {strides = array<i32>} : memref<32x768xf32, #tpu.memory_space<vmem>>, vector<16xf32>,
          %swap3A_366 = arith.index_cast %squeeze3A : i32 to index
          %swap3A_367 = arith.constant 592 : index
          %swap3A_368 = tpu.vector_load %arg11[%swap3A_366, %swap3A_367] {strides = array<i32>} : memref<80x768xf32, #tpu.memory_space<vmem>>, vector<16xf32>,
          tpu.vector_store %arg11[%swap3A_366, %swap3A_367], %get3A_365 {add = true, strides = array<i32>} : memref<80x768xf32, #tpu.memory_space<vmem>>, vector<16xf32>,
          %get3A_369 = arith.index_cast %scan3A_135 : i32 to index
          %get3A_370 = arith.constant 608 : index
          %get3A_371 = tpu.vector_load %arg10[%get3A_369, %get3A_370] {strides = array<i32>} : memref<32x768xf32, #tpu.memory_space<vmem>>, vector<16xf32>,
          %swap3A_372 = arith.index_cast %squeeze3A : i32 to index
          %swap3A_373 = arith.constant 608 : index
          %swap3A_374 = tpu.vector_load %arg11[%swap3A_372, %swap3A_373] {strides = array<i32>} : memref<80x768xf32, #tpu.memory_space<vmem>>, vector<16xf32>,
          tpu.vector_store %arg11[%swap3A_372, %swap3A_373], %get3A_371 {add = true, strides = array<i32>} : memref<80x768xf32, #tpu.memory_space<vmem>>, vector<16xf32>,
          %get3A_375 = arith.index_cast %scan3A_135 : i32 to index
          %get3A_376 = arith.constant 624 : index
          %get3A_377 = tpu.vector_load %arg10[%get3A_375, %get3A_376] {strides = array<i32>} : memref<32x768xf32, #tpu.memory_space<vmem>>, vector<16xf32>,
          %swap3A_378 = arith.index_cast %squeeze3A : i32 to index
          %swap3A_379 = arith.constant 624 : index
          %swap3A_380 = tpu.vector_load %arg11[%swap3A_378, %swap3A_379] {strides = array<i32>} : memref<80x768xf32, #tpu.memory_space<vmem>>, vector<16xf32>,
          tpu.vector_store %arg11[%swap3A_378, %swap3A_379], %get3A_377 {add = true, strides = array<i32>} : memref<80x768xf32, #tpu.memory_space<vmem>>, vector<16xf32>,
          %get3A_381 = arith.index_cast %scan3A_135 : i32 to index
          %get3A_382 = arith.constant 640 : index
          %get3A_383 = tpu.vector_load %arg10[%get3A_381, %get3A_382] {strides = array<i32>} : memref<32x768xf32, #tpu.memory_space<vmem>>, vector<16xf32>,
          %swap3A_384 = arith.index_cast %squeeze3A : i32 to index
          %swap3A_385 = arith.constant 640 : index
          %swap3A_386 = tpu.vector_load %arg11[%swap3A_384, %swap3A_385] {strides = array<i32>} : memref<80x768xf32, #tpu.memory_space<vmem>>, vector<16xf32>,
          tpu.vector_store %arg11[%swap3A_384, %swap3A_385], %get3A_383 {add = true, strides = array<i32>} : memref<80x768xf32, #tpu.memory_space<vmem>>, vector<16xf32>,
          %get3A_387 = arith.index_cast %scan3A_135 : i32 to index
          %get3A_388 = arith.constant 656 : index
          %get3A_389 = tpu.vector_load %arg10[%get3A_387, %get3A_388] {strides = array<i32>} : memref<32x768xf32, #tpu.memory_space<vmem>>, vector<16xf32>,
          %swap3A_390 = arith.index_cast %squeeze3A : i32 to index
          %swap3A_391 = arith.constant 656 : index
          %swap3A_392 = tpu.vector_load %arg11[%swap3A_390, %swap3A_391] {strides = array<i32>} : memref<80x768xf32, #tpu.memory_space<vmem>>, vector<16xf32>,
          tpu.vector_store %arg11[%swap3A_390, %swap3A_391], %get3A_389 {add = true, strides = array<i32>} : memref<80x768xf32, #tpu.memory_space<vmem>>, vector<16xf32>,
          %get3A_393 = arith.index_cast %scan3A_135 : i32 to index
          %get3A_394 = arith.constant 672 : index
          %get3A_395 = tpu.vector_load %arg10[%get3A_393, %get3A_394] {strides = array<i32>} : memref<32x768xf32, #tpu.memory_space<vmem>>, vector<16xf32>,
          %swap3A_396 = arith.index_cast %squeeze3A : i32 to index
          %swap3A_397 = arith.constant 672 : index
          %swap3A_398 = tpu.vector_load %arg11[%swap3A_396, %swap3A_397] {strides = array<i32>} : memref<80x768xf32, #tpu.memory_space<vmem>>, vector<16xf32>,
          tpu.vector_store %arg11[%swap3A_396, %swap3A_397], %get3A_395 {add = true, strides = array<i32>} : memref<80x768xf32, #tpu.memory_space<vmem>>, vector<16xf32>,
          %get3A_399 = arith.index_cast %scan3A_135 : i32 to index
          %get3A_400 = arith.constant 688 : index
          %get3A_401 = tpu.vector_load %arg10[%get3A_399, %get3A_400] {strides = array<i32>} : memref<32x768xf32, #tpu.memory_space<vmem>>, vector<16xf32>,
          %swap3A_402 = arith.index_cast %squeeze3A : i32 to index
          %swap3A_403 = arith.constant 688 : index
          %swap3A_404 = tpu.vector_load %arg11[%swap3A_402, %swap3A_403] {strides = array<i32>} : memref<80x768xf32, #tpu.memory_space<vmem>>, vector<16xf32>,
          tpu.vector_store %arg11[%swap3A_402, %swap3A_403], %get3A_401 {add = true, strides = array<i32>} : memref<80x768xf32, #tpu.memory_space<vmem>>, vector<16xf32>,
          %get3A_405 = arith.index_cast %scan3A_135 : i32 to index
          %get3A_406 = arith.constant 704 : index
          %get3A_407 = tpu.vector_load %arg10[%get3A_405, %get3A_406] {strides = array<i32>} : memref<32x768xf32, #tpu.memory_space<vmem>>, vector<16xf32>,
          %swap3A_408 = arith.index_cast %squeeze3A : i32 to index
          %swap3A_409 = arith.constant 704 : index
          %swap3A_410 = tpu.vector_load %arg11[%swap3A_408, %swap3A_409] {strides = array<i32>} : memref<80x768xf32, #tpu.memory_space<vmem>>, vector<16xf32>,
          tpu.vector_store %arg11[%swap3A_408, %swap3A_409], %get3A_407 {add = true, strides = array<i32>} : memref<80x768xf32, #tpu.memory_space<vmem>>, vector<16xf32>,
          %get3A_411 = arith.index_cast %scan3A_135 : i32 to index
          %get3A_412 = arith.constant 720 : index
          %get3A_413 = tpu.vector_load %arg10[%get3A_411, %get3A_412] {strides = array<i32>} : memref<32x768xf32, #tpu.memory_space<vmem>>, vector<16xf32>,
          %swap3A_414 = arith.index_cast %squeeze3A : i32 to index
          %swap3A_415 = arith.constant 720 : index
          %swap3A_416 = tpu.vector_load %arg11[%swap3A_414, %swap3A_415] {strides = array<i32>} : memref<80x768xf32, #tpu.memory_space<vmem>>, vector<16xf32>,
          tpu.vector_store %arg11[%swap3A_414, %swap3A_415], %get3A_413 {add = true, strides = array<i32>} : memref<80x768xf32, #tpu.memory_space<vmem>>, vector<16xf32>,
          %get3A_417 = arith.index_cast %scan3A_135 : i32 to index
          %get3A_418 = arith.constant 736 : index
          %get3A_419 = tpu.vector_load %arg10[%get3A_417, %get3A_418] {strides = array<i32>} : memref<32x768xf32, #tpu.memory_space<vmem>>, vector<16xf32>,
          %swap3A_420 = arith.index_cast %squeeze3A : i32 to index
          %swap3A_421 = arith.constant 736 : index
          %swap3A_422 = tpu.vector_load %arg11[%swap3A_420, %swap3A_421] {strides = array<i32>} : memref<80x768xf32, #tpu.memory_space<vmem>>, vector<16xf32>,
          tpu.vector_store %arg11[%swap3A_420, %swap3A_421], %get3A_419 {add = true, strides = array<i32>} : memref<80x768xf32, #tpu.memory_space<vmem>>, vector<16xf32>,
          %get3A_423 = arith.index_cast %scan3A_135 : i32 to index
          %get3A_424 = arith.constant 752 : index
          %get3A_425 = tpu.vector_load %arg10[%get3A_423, %get3A_424] {strides = array<i32>} : memref<32x768xf32, #tpu.memory_space<vmem>>, vector<16xf32>,
          %swap3A_426 = arith.index_cast %squeeze3A : i32 to index
          %swap3A_427 = arith.constant 752 : index
          %swap3A_428 = tpu.vector_load %arg11[%swap3A_426, %swap3A_427] {strides = array<i32>} : memref<80x768xf32, #tpu.memory_space<vmem>>, vector<16xf32>,
          tpu.vector_store %arg11[%swap3A_426, %swap3A_427], %get3A_425 {add = true, strides = array<i32>} : memref<80x768xf32, #tpu.memory_space<vmem>>, vector<16xf32>,
          %scan3A_429 = arith.constant 0 : i32
          scf.yield %scan3A_429 : i32
        }
        %scan3A_133 = arith.constant 32 : i32
        %while3A_134 = arith.constant 0 : i32
        scf.yield %while3A_134 : i32
      }
      %while3A_114 = arith.constant 1 : i32
      %while3A_115 = scf.for %while3A_117 = %while3A_111 to %while3A_107 step %while3A_114 iter_args(%while3A_118 = %while3A_113) -> (i32)  : i32 {
        %mul3A_119 = arith.constant 32 : i32
        %mul3A_120 = arith.muli %while3A_117, %mul3A_119 : i32
        %dma_start3A = tpu.memref_slice %arg8[%mul3A_120] : memref<6448xi32, #tpu.memory_space<vmem>> -> memref<32xi32, #tpu.memory_space<vmem>>
        %dma_start3A_121 = arith.constant 0 : i32
        %dma_start3A_122 = arith.constant 0 : i32
        %dma_start3A_123 = tpu.memref_slice %arg2[%dma_start3A_121, %dma_start3A_122] : memref<10240x768xf32, #tpu.memory_space<hbm>> -> memref<10240x768xf32, #tpu.memory_space<hbm>>
        tpu.enqueue_indirect_dma source(%dma_start3A_123 : memref<10240x768xf32, #tpu.memory_space<hbm>>) target(%arg10 : memref<32x768xf32, #tpu.memory_space<vmem>>) offsets(%dma_start3A : memref<32xi32, #tpu.memory_space<vmem>>) semaphore(%arg12 : memref<!tpu.dma_semaphore, #tpu.memory_space<semaphore_mem>>)
        %dma_wait3A = tpu.memref_slice %arg8[%mul3A_120] : memref<6448xi32, #tpu.memory_space<vmem>> -> memref<32xi32, #tpu.memory_space<vmem>>
        %dma_wait3A_124 = arith.constant 0 : i32
        %dma_wait3A_125 = arith.constant 0 : i32
        %dma_wait3A_126 = tpu.memref_slice %arg2[%dma_wait3A_124, %dma_wait3A_125] : memref<10240x768xf32, #tpu.memory_space<hbm>> -> memref<10240x768xf32, #tpu.memory_space<hbm>>
        tpu.wait_indirect_dma semaphore(%arg12 : memref<!tpu.dma_semaphore, #tpu.memory_space<semaphore_mem>>) src(%dma_wait3A_126 : memref<10240x768xf32, #tpu.memory_space<hbm>>) dst(%arg10 : memref<32x768xf32, #tpu.memory_space<vmem>>)
        %scan3A_127 = arith.constant 0 : i32
        %scan3A_128 = arith.constant 0 : i32
        %scan3A_129 = arith.constant 32 : i32
        %scan3A_130 = arith.addi %scan3A_128, %scan3A_129 : i32
        %scan3A_131 = arith.constant 1 : i32
        %scan3A_132 = scf.for %scan3A_135 = %scan3A_128 to %scan3A_130 step %scan3A_131 iter_args(%scan3A_136 = %scan3A_127) -> (i32)  : i32 {
          %mul3A_137 = arith.constant 32 : i32
          %mul3A_138 = arith.muli %while3A_117, %mul3A_137 : i32
          %add3A_139 = arith.addi %mul3A_138, %scan3A_135 : i32
          %get3A = arith.index_cast %add3A_139 : i32 to index
          %get3A_140 = tpu.vector_load %arg9[%get3A] {strides = array<i32>} : memref<6448xi32, #tpu.memory_space<vmem>>, vector<16xi32>,
          %slice3A = vector.extract_strided_slice %get3A_140 {offsets = [0], sizes = [1], strides = [1]} : vector<16xi32> to vector<1xi32>
          %squeeze3A = vector.extract %slice3A[0] : i32 from vector<1xi32>
          %get3A_141 = arith.index_cast %scan3A_135 : i32 to index
          %get3A_142 = arith.constant 0 : index
          %get3A_143 = tpu.vector_load %arg10[%get3A_141, %get3A_142] {strides = array<i32>} : memref<32x768xf32, #tpu.memory_space<vmem>>, vector<16xf32>,
          %swap3A_144 = arith.index_cast %squeeze3A : i32 to index
          %swap3A_145 = arith.constant 0 : index
          %swap3A_146 = tpu.vector_load %arg11[%swap3A_144, %swap3A_145] {strides = array<i32>} : memref<80x768xf32, #tpu.memory_space<vmem>>, vector<16xf32>,
          tpu.vector_store %arg11[%swap3A_144, %swap3A_145], %get3A_143 {add = true, strides = array<i32>} : memref<80x768xf32, #tpu.memory_space<vmem>>, vector<16xf32>,
          %get3A_147 = arith.index_cast %scan3A_135 : i32 to index
          %get3A_148 = arith.constant 16 : index
          %get3A_149 = tpu.vector_load %arg10[%get3A_147, %get3A_148] {strides = array<i32>} : memref<32x768xf32, #tpu.memory_space<vmem>>, vector<16xf32>,
          %swap3A_150 = arith.index_cast %squeeze3A : i32 to index
          %swap3A_151 = arith.constant 16 : index
          %swap3A_152 = tpu.vector_load %arg11[%swap3A_150, %swap3A_151] {strides = array<i32>} : memref<80x768xf32, #tpu.memory_space<vmem>>, vector<16xf32>,
          tpu.vector_store %arg11[%swap3A_150, %swap3A_151], %get3A_149 {add = true, strides = array<i32>} : memref<80x768xf32, #tpu.memory_space<vmem>>, vector<16xf32>,
          %get3A_153 = arith.index_cast %scan3A_135 : i32 to index
          %get3A_154 = arith.constant 32 : index
          %get3A_155 = tpu.vector_load %arg10[%get3A_153, %get3A_154] {strides = array<i32>} : memref<32x768xf32, #tpu.memory_space<vmem>>, vector<16xf32>,
          %swap3A_156 = arith.index_cast %squeeze3A : i32 to index
          %swap3A_157 = arith.constant 32 : index
          %swap3A_158 = tpu.vector_load %arg11[%swap3A_156, %swap3A_157] {strides = array<i32>} : memref<80x768xf32, #tpu.memory_space<vmem>>, vector<16xf32>,
          tpu.vector_store %arg11[%swap3A_156, %swap3A_157], %get3A_155 {add = true, strides = array<i32>} : memref<80x768xf32, #tpu.memory_space<vmem>>, vector<16xf32>,
          %get3A_159 = arith.index_cast %scan3A_135 : i32 to index
          %get3A_160 = arith.constant 48 : index
          %get3A_161 = tpu.vector_load %arg10[%get3A_159, %get3A_160] {strides = array<i32>} : memref<32x768xf32, #tpu.memory_space<vmem>>, vector<16xf32>,
          %swap3A_162 = arith.index_cast %squeeze3A : i32 to index
          %swap3A_163 = arith.constant 48 : index
          %swap3A_164 = tpu.vector_load %arg11[%swap3A_162, %swap3A_163] {strides = array<i32>} : memref<80x768xf32, #tpu.memory_space<vmem>>, vector<16xf32>,
          tpu.vector_store %arg11[%swap3A_162, %swap3A_163], %get3A_161 {add = true, strides = array<i32>} : memref<80x768xf32, #tpu.memory_space<vmem>>, vector<16xf32>,
          %get3A_165 = arith.index_cast %scan3A_135 : i32 to index
          %get3A_166 = arith.constant 64 : index
          %get3A_167 = tpu.vector_load %arg10[%get3A_165, %get3A_166] {strides = array<i32>} : memref<32x768xf32, #tpu.memory_space<vmem>>, vector<16xf32>,
          %swap3A_168 = arith.index_cast %squeeze3A : i32 to index
          %swap3A_169 = arith.constant 64 : index
          %swap3A_170 = tpu.vector_load %arg11[%swap3A_168, %swap3A_169] {strides = array<i32>} : memref<80x768xf32, #tpu.memory_space<vmem>>, vector<16xf32>,
          tpu.vector_store %arg11[%swap3A_168, %swap3A_169], %get3A_167 {add = true, strides = array<i32>} : memref<80x768xf32, #tpu.memory_space<vmem>>, vector<16xf32>,
          %get3A_171 = arith.index_cast %scan3A_135 : i32 to index
          %get3A_172 = arith.constant 80 : index
          %get3A_173 = tpu.vector_load %arg10[%get3A_171, %get3A_172] {strides = array<i32>} : memref<32x768xf32, #tpu.memory_space<vmem>>, vector<16xf32>,
          %swap3A_174 = arith.index_cast %squeeze3A : i32 to index
          %swap3A_175 = arith.constant 80 : index
          %swap3A_176 = tpu.vector_load %arg11[%swap3A_174, %swap3A_175] {strides = array<i32>} : memref<80x768xf32, #tpu.memory_space<vmem>>, vector<16xf32>,
          tpu.vector_store %arg11[%swap3A_174, %swap3A_175], %get3A_173 {add = true, strides = array<i32>} : memref<80x768xf32, #tpu.memory_space<vmem>>, vector<16xf32>,
          %get3A_177 = arith.index_cast %scan3A_135 : i32 to index
          %get3A_178 = arith.constant 96 : index
          %get3A_179 = tpu.vector_load %arg10[%get3A_177, %get3A_178] {strides = array<i32>} : memref<32x768xf32, #tpu.memory_space<vmem>>, vector<16xf32>,
          %swap3A_180 = arith.index_cast %squeeze3A : i32 to index
          %swap3A_181 = arith.constant 96 : index
          %swap3A_182 = tpu.vector_load %arg11[%swap3A_180, %swap3A_181] {strides = array<i32>} : memref<80x768xf32, #tpu.memory_space<vmem>>, vector<16xf32>,
          tpu.vector_store %arg11[%swap3A_180, %swap3A_181], %get3A_179 {add = true, strides = array<i32>} : memref<80x768xf32, #tpu.memory_space<vmem>>, vector<16xf32>,
          %get3A_183 = arith.index_cast %scan3A_135 : i32 to index
          %get3A_184 = arith.constant 112 : index
          %get3A_185 = tpu.vector_load %arg10[%get3A_183, %get3A_184] {strides = array<i32>} : memref<32x768xf32, #tpu.memory_space<vmem>>, vector<16xf32>,
          %swap3A_186 = arith.index_cast %squeeze3A : i32 to index
          %swap3A_187 = arith.constant 112 : index
          %swap3A_188 = tpu.vector_load %arg11[%swap3A_186, %swap3A_187] {strides = array<i32>} : memref<80x768xf32, #tpu.memory_space<vmem>>, vector<16xf32>,
          tpu.vector_store %arg11[%swap3A_186, %swap3A_187], %get3A_185 {add = true, strides = array<i32>} : memref<80x768xf32, #tpu.memory_space<vmem>>, vector<16xf32>,
          %get3A_189 = arith.index_cast %scan3A_135 : i32 to index
          %get3A_190 = arith.constant 128 : index
          %get3A_191 = tpu.vector_load %arg10[%get3A_189, %get3A_190] {strides = array<i32>} : memref<32x768xf32, #tpu.memory_space<vmem>>, vector<16xf32>,
          %swap3A_192 = arith.index_cast %squeeze3A : i32 to index
          %swap3A_193 = arith.constant 128 : index
          %swap3A_194 = tpu.vector_load %arg11[%swap3A_192, %swap3A_193] {strides = array<i32>} : memref<80x768xf32, #tpu.memory_space<vmem>>, vector<16xf32>,
          tpu.vector_store %arg11[%swap3A_192, %swap3A_193], %get3A_191 {add = true, strides = array<i32>} : memref<80x768xf32, #tpu.memory_space<vmem>>, vector<16xf32>,
          %get3A_195 = arith.index_cast %scan3A_135 : i32 to index
          %get3A_196 = arith.constant 144 : index
          %get3A_197 = tpu.vector_load %arg10[%get3A_195, %get3A_196] {strides = array<i32>} : memref<32x768xf32, #tpu.memory_space<vmem>>, vector<16xf32>,
          %swap3A_198 = arith.index_cast %squeeze3A : i32 to index
          %swap3A_199 = arith.constant 144 : index
          %swap3A_200 = tpu.vector_load %arg11[%swap3A_198, %swap3A_199] {strides = array<i32>} : memref<80x768xf32, #tpu.memory_space<vmem>>, vector<16xf32>,
          tpu.vector_store %arg11[%swap3A_198, %swap3A_199], %get3A_197 {add = true, strides = array<i32>} : memref<80x768xf32, #tpu.memory_space<vmem>>, vector<16xf32>,
          %get3A_201 = arith.index_cast %scan3A_135 : i32 to index
          %get3A_202 = arith.constant 160 : index
          %get3A_203 = tpu.vector_load %arg10[%get3A_201, %get3A_202] {strides = array<i32>} : memref<32x768xf32, #tpu.memory_space<vmem>>, vector<16xf32>,
          %swap3A_204 = arith.index_cast %squeeze3A : i32 to index
          %swap3A_205 = arith.constant 160 : index
          %swap3A_206 = tpu.vector_load %arg11[%swap3A_204, %swap3A_205] {strides = array<i32>} : memref<80x768xf32, #tpu.memory_space<vmem>>, vector<16xf32>,
          tpu.vector_store %arg11[%swap3A_204, %swap3A_205], %get3A_203 {add = true, strides = array<i32>} : memref<80x768xf32, #tpu.memory_space<vmem>>, vector<16xf32>,
          %get3A_207 = arith.index_cast %scan3A_135 : i32 to index
          %get3A_208 = arith.constant 176 : index
          %get3A_209 = tpu.vector_load %arg10[%get3A_207, %get3A_208] {strides = array<i32>} : memref<32x768xf32, #tpu.memory_space<vmem>>, vector<16xf32>,
          %swap3A_210 = arith.index_cast %squeeze3A : i32 to index
          %swap3A_211 = arith.constant 176 : index
          %swap3A_212 = tpu.vector_load %arg11[%swap3A_210, %swap3A_211] {strides = array<i32>} : memref<80x768xf32, #tpu.memory_space<vmem>>, vector<16xf32>,
          tpu.vector_store %arg11[%swap3A_210, %swap3A_211], %get3A_209 {add = true, strides = array<i32>} : memref<80x768xf32, #tpu.memory_space<vmem>>, vector<16xf32>,
          %get3A_213 = arith.index_cast %scan3A_135 : i32 to index
          %get3A_214 = arith.constant 192 : index
          %get3A_215 = tpu.vector_load %arg10[%get3A_213, %get3A_214] {strides = array<i32>} : memref<32x768xf32, #tpu.memory_space<vmem>>, vector<16xf32>,
          %swap3A_216 = arith.index_cast %squeeze3A : i32 to index
          %swap3A_217 = arith.constant 192 : index
          %swap3A_218 = tpu.vector_load %arg11[%swap3A_216, %swap3A_217] {strides = array<i32>} : memref<80x768xf32, #tpu.memory_space<vmem>>, vector<16xf32>,
          tpu.vector_store %arg11[%swap3A_216, %swap3A_217], %get3A_215 {add = true, strides = array<i32>} : memref<80x768xf32, #tpu.memory_space<vmem>>, vector<16xf32>,
          %get3A_219 = arith.index_cast %scan3A_135 : i32 to index
          %get3A_220 = arith.constant 208 : index
          %get3A_221 = tpu.vector_load %arg10[%get3A_219, %get3A_220] {strides = array<i32>} : memref<32x768xf32, #tpu.memory_space<vmem>>, vector<16xf32>,
          %swap3A_222 = arith.index_cast %squeeze3A : i32 to index
          %swap3A_223 = arith.constant 208 : index
          %swap3A_224 = tpu.vector_load %arg11[%swap3A_222, %swap3A_223] {strides = array<i32>} : memref<80x768xf32, #tpu.memory_space<vmem>>, vector<16xf32>,
          tpu.vector_store %arg11[%swap3A_222, %swap3A_223], %get3A_221 {add = true, strides = array<i32>} : memref<80x768xf32, #tpu.memory_space<vmem>>, vector<16xf32>,
          %get3A_225 = arith.index_cast %scan3A_135 : i32 to index
          %get3A_226 = arith.constant 224 : index
          %get3A_227 = tpu.vector_load %arg10[%get3A_225, %get3A_226] {strides = array<i32>} : memref<32x768xf32, #tpu.memory_space<vmem>>, vector<16xf32>,
          %swap3A_228 = arith.index_cast %squeeze3A : i32 to index
          %swap3A_229 = arith.constant 224 : index
          %swap3A_230 = tpu.vector_load %arg11[%swap3A_228, %swap3A_229] {strides = array<i32>} : memref<80x768xf32, #tpu.memory_space<vmem>>, vector<16xf32>,
          tpu.vector_store %arg11[%swap3A_228, %swap3A_229], %get3A_227 {add = true, strides = array<i32>} : memref<80x768xf32, #tpu.memory_space<vmem>>, vector<16xf32>,
          %get3A_231 = arith.index_cast %scan3A_135 : i32 to index
          %get3A_232 = arith.constant 240 : index
          %get3A_233 = tpu.vector_load %arg10[%get3A_231, %get3A_232] {strides = array<i32>} : memref<32x768xf32, #tpu.memory_space<vmem>>, vector<16xf32>,
          %swap3A_234 = arith.index_cast %squeeze3A : i32 to index
          %swap3A_235 = arith.constant 240 : index
          %swap3A_236 = tpu.vector_load %arg11[%swap3A_234, %swap3A_235] {strides = array<i32>} : memref<80x768xf32, #tpu.memory_space<vmem>>, vector<16xf32>,
          tpu.vector_store %arg11[%swap3A_234, %swap3A_235], %get3A_233 {add = true, strides = array<i32>} : memref<80x768xf32, #tpu.memory_space<vmem>>, vector<16xf32>,
          %get3A_237 = arith.index_cast %scan3A_135 : i32 to index
          %get3A_238 = arith.constant 256 : index
          %get3A_239 = tpu.vector_load %arg10[%get3A_237, %get3A_238] {strides = array<i32>} : memref<32x768xf32, #tpu.memory_space<vmem>>, vector<16xf32>,
          %swap3A_240 = arith.index_cast %squeeze3A : i32 to index
          %swap3A_241 = arith.constant 256 : index
          %swap3A_242 = tpu.vector_load %arg11[%swap3A_240, %swap3A_241] {strides = array<i32>} : memref<80x768xf32, #tpu.memory_space<vmem>>, vector<16xf32>,
          tpu.vector_store %arg11[%swap3A_240, %swap3A_241], %get3A_239 {add = true, strides = array<i32>} : memref<80x768xf32, #tpu.memory_space<vmem>>, vector<16xf32>,
          %get3A_243 = arith.index_cast %scan3A_135 : i32 to index
          %get3A_244 = arith.constant 272 : index
          %get3A_245 = tpu.vector_load %arg10[%get3A_243, %get3A_244] {strides = array<i32>} : memref<32x768xf32, #tpu.memory_space<vmem>>, vector<16xf32>,
          %swap3A_246 = arith.index_cast %squeeze3A : i32 to index
          %swap3A_247 = arith.constant 272 : index
          %swap3A_248 = tpu.vector_load %arg11[%swap3A_246, %swap3A_247] {strides = array<i32>} : memref<80x768xf32, #tpu.memory_space<vmem>>, vector<16xf32>,
          tpu.vector_store %arg11[%swap3A_246, %swap3A_247], %get3A_245 {add = true, strides = array<i32>} : memref<80x768xf32, #tpu.memory_space<vmem>>, vector<16xf32>,
          %get3A_249 = arith.index_cast %scan3A_135 : i32 to index
          %get3A_250 = arith.constant 288 : index
          %get3A_251 = tpu.vector_load %arg10[%get3A_249, %get3A_250] {strides = array<i32>} : memref<32x768xf32, #tpu.memory_space<vmem>>, vector<16xf32>,
          %swap3A_252 = arith.index_cast %squeeze3A : i32 to index
          %swap3A_253 = arith.constant 288 : index
          %swap3A_254 = tpu.vector_load %arg11[%swap3A_252, %swap3A_253] {strides = array<i32>} : memref<80x768xf32, #tpu.memory_space<vmem>>, vector<16xf32>,
          tpu.vector_store %arg11[%swap3A_252, %swap3A_253], %get3A_251 {add = true, strides = array<i32>} : memref<80x768xf32, #tpu.memory_space<vmem>>, vector<16xf32>,
          %get3A_255 = arith.index_cast %scan3A_135 : i32 to index
          %get3A_256 = arith.constant 304 : index
          %get3A_257 = tpu.vector_load %arg10[%get3A_255, %get3A_256] {strides = array<i32>} : memref<32x768xf32, #tpu.memory_space<vmem>>, vector<16xf32>,
          %swap3A_258 = arith.index_cast %squeeze3A : i32 to index
          %swap3A_259 = arith.constant 304 : index
          %swap3A_260 = tpu.vector_load %arg11[%swap3A_258, %swap3A_259] {strides = array<i32>} : memref<80x768xf32, #tpu.memory_space<vmem>>, vector<16xf32>,
          tpu.vector_store %arg11[%swap3A_258, %swap3A_259], %get3A_257 {add = true, strides = array<i32>} : memref<80x768xf32, #tpu.memory_space<vmem>>, vector<16xf32>,
          %get3A_261 = arith.index_cast %scan3A_135 : i32 to index
          %get3A_262 = arith.constant 320 : index
          %get3A_263 = tpu.vector_load %arg10[%get3A_261, %get3A_262] {strides = array<i32>} : memref<32x768xf32, #tpu.memory_space<vmem>>, vector<16xf32>,
          %swap3A_264 = arith.index_cast %squeeze3A : i32 to index
          %swap3A_265 = arith.constant 320 : index
          %swap3A_266 = tpu.vector_load %arg11[%swap3A_264, %swap3A_265] {strides = array<i32>} : memref<80x768xf32, #tpu.memory_space<vmem>>, vector<16xf32>,
          tpu.vector_store %arg11[%swap3A_264, %swap3A_265], %get3A_263 {add = true, strides = array<i32>} : memref<80x768xf32, #tpu.memory_space<vmem>>, vector<16xf32>,
          %get3A_267 = arith.index_cast %scan3A_135 : i32 to index
          %get3A_268 = arith.constant 336 : index
          %get3A_269 = tpu.vector_load %arg10[%get3A_267, %get3A_268] {strides = array<i32>} : memref<32x768xf32, #tpu.memory_space<vmem>>, vector<16xf32>,
          %swap3A_270 = arith.index_cast %squeeze3A : i32 to index
          %swap3A_271 = arith.constant 336 : index
          %swap3A_272 = tpu.vector_load %arg11[%swap3A_270, %swap3A_271] {strides = array<i32>} : memref<80x768xf32, #tpu.memory_space<vmem>>, vector<16xf32>,
          tpu.vector_store %arg11[%swap3A_270, %swap3A_271], %get3A_269 {add = true, strides = array<i32>} : memref<80x768xf32, #tpu.memory_space<vmem>>, vector<16xf32>,
          %get3A_273 = arith.index_cast %scan3A_135 : i32 to index
          %get3A_274 = arith.constant 352 : index
          %get3A_275 = tpu.vector_load %arg10[%get3A_273, %get3A_274] {strides = array<i32>} : memref<32x768xf32, #tpu.memory_space<vmem>>, vector<16xf32>,
          %swap3A_276 = arith.index_cast %squeeze3A : i32 to index
          %swap3A_277 = arith.constant 352 : index
          %swap3A_278 = tpu.vector_load %arg11[%swap3A_276, %swap3A_277] {strides = array<i32>} : memref<80x768xf32, #tpu.memory_space<vmem>>, vector<16xf32>,
          tpu.vector_store %arg11[%swap3A_276, %swap3A_277], %get3A_275 {add = true, strides = array<i32>} : memref<80x768xf32, #tpu.memory_space<vmem>>, vector<16xf32>,
          %get3A_279 = arith.index_cast %scan3A_135 : i32 to index
          %get3A_280 = arith.constant 368 : index
          %get3A_281 = tpu.vector_load %arg10[%get3A_279, %get3A_280] {strides = array<i32>} : memref<32x768xf32, #tpu.memory_space<vmem>>, vector<16xf32>,
          %swap3A_282 = arith.index_cast %squeeze3A : i32 to index
          %swap3A_283 = arith.constant 368 : index
          %swap3A_284 = tpu.vector_load %arg11[%swap3A_282, %swap3A_283] {strides = array<i32>} : memref<80x768xf32, #tpu.memory_space<vmem>>, vector<16xf32>,
          tpu.vector_store %arg11[%swap3A_282, %swap3A_283], %get3A_281 {add = true, strides = array<i32>} : memref<80x768xf32, #tpu.memory_space<vmem>>, vector<16xf32>,
          %get3A_285 = arith.index_cast %scan3A_135 : i32 to index
          %get3A_286 = arith.constant 384 : index
          %get3A_287 = tpu.vector_load %arg10[%get3A_285, %get3A_286] {strides = array<i32>} : memref<32x768xf32, #tpu.memory_space<vmem>>, vector<16xf32>,
          %swap3A_288 = arith.index_cast %squeeze3A : i32 to index
          %swap3A_289 = arith.constant 384 : index
          %swap3A_290 = tpu.vector_load %arg11[%swap3A_288, %swap3A_289] {strides = array<i32>} : memref<80x768xf32, #tpu.memory_space<vmem>>, vector<16xf32>,
          tpu.vector_store %arg11[%swap3A_288, %swap3A_289], %get3A_287 {add = true, strides = array<i32>} : memref<80x768xf32, #tpu.memory_space<vmem>>, vector<16xf32>,
          %get3A_291 = arith.index_cast %scan3A_135 : i32 to index
          %get3A_292 = arith.constant 400 : index
          %get3A_293 = tpu.vector_load %arg10[%get3A_291, %get3A_292] {strides = array<i32>} : memref<32x768xf32, #tpu.memory_space<vmem>>, vector<16xf32>,
          %swap3A_294 = arith.index_cast %squeeze3A : i32 to index
          %swap3A_295 = arith.constant 400 : index
          %swap3A_296 = tpu.vector_load %arg11[%swap3A_294, %swap3A_295] {strides = array<i32>} : memref<80x768xf32, #tpu.memory_space<vmem>>, vector<16xf32>,
          tpu.vector_store %arg11[%swap3A_294, %swap3A_295], %get3A_293 {add = true, strides = array<i32>} : memref<80x768xf32, #tpu.memory_space<vmem>>, vector<16xf32>,
          %get3A_297 = arith.index_cast %scan3A_135 : i32 to index
          %get3A_298 = arith.constant 416 : index
          %get3A_299 = tpu.vector_load %arg10[%get3A_297, %get3A_298] {strides = array<i32>} : memref<32x768xf32, #tpu.memory_space<vmem>>, vector<16xf32>,
          %swap3A_300 = arith.index_cast %squeeze3A : i32 to index
          %swap3A_301 = arith.constant 416 : index
          %swap3A_302 = tpu.vector_load %arg11[%swap3A_300, %swap3A_301] {strides = array<i32>} : memref<80x768xf32, #tpu.memory_space<vmem>>, vector<16xf32>,
          tpu.vector_store %arg11[%swap3A_300, %swap3A_301], %get3A_299 {add = true, strides = array<i32>} : memref<80x768xf32, #tpu.memory_space<vmem>>, vector<16xf32>,
          %get3A_303 = arith.index_cast %scan3A_135 : i32 to index
          %get3A_304 = arith.constant 432 : index
          %get3A_305 = tpu.vector_load %arg10[%get3A_303, %get3A_304] {strides = array<i32>} : memref<32x768xf32, #tpu.memory_space<vmem>>, vector<16xf32>,
          %swap3A_306 = arith.index_cast %squeeze3A : i32 to index
          %swap3A_307 = arith.constant 432 : index
          %swap3A_308 = tpu.vector_load %arg11[%swap3A_306, %swap3A_307] {strides = array<i32>} : memref<80x768xf32, #tpu.memory_space<vmem>>, vector<16xf32>,
          tpu.vector_store %arg11[%swap3A_306, %swap3A_307], %get3A_305 {add = true, strides = array<i32>} : memref<80x768xf32, #tpu.memory_space<vmem>>, vector<16xf32>,
          %get3A_309 = arith.index_cast %scan3A_135 : i32 to index
          %get3A_310 = arith.constant 448 : index
          %get3A_311 = tpu.vector_load %arg10[%get3A_309, %get3A_310] {strides = array<i32>} : memref<32x768xf32, #tpu.memory_space<vmem>>, vector<16xf32>,
          %swap3A_312 = arith.index_cast %squeeze3A : i32 to index
          %swap3A_313 = arith.constant 448 : index
          %swap3A_314 = tpu.vector_load %arg11[%swap3A_312, %swap3A_313] {strides = array<i32>} : memref<80x768xf32, #tpu.memory_space<vmem>>, vector<16xf32>,
          tpu.vector_store %arg11[%swap3A_312, %swap3A_313], %get3A_311 {add = true, strides = array<i32>} : memref<80x768xf32, #tpu.memory_space<vmem>>, vector<16xf32>,
          %get3A_315 = arith.index_cast %scan3A_135 : i32 to index
          %get3A_316 = arith.constant 464 : index
          %get3A_317 = tpu.vector_load %arg10[%get3A_315, %get3A_316] {strides = array<i32>} : memref<32x768xf32, #tpu.memory_space<vmem>>, vector<16xf32>,
          %swap3A_318 = arith.index_cast %squeeze3A : i32 to index
          %swap3A_319 = arith.constant 464 : index
          %swap3A_320 = tpu.vector_load %arg11[%swap3A_318, %swap3A_319] {strides = array<i32>} : memref<80x768xf32, #tpu.memory_space<vmem>>, vector<16xf32>,
          tpu.vector_store %arg11[%swap3A_318, %swap3A_319], %get3A_317 {add = true, strides = array<i32>} : memref<80x768xf32, #tpu.memory_space<vmem>>, vector<16xf32>,
          %get3A_321 = arith.index_cast %scan3A_135 : i32 to index
          %get3A_322 = arith.constant 480 : index
          %get3A_323 = tpu.vector_load %arg10[%get3A_321, %get3A_322] {strides = array<i32>} : memref<32x768xf32, #tpu.memory_space<vmem>>, vector<16xf32>,
          %swap3A_324 = arith.index_cast %squeeze3A : i32 to index
          %swap3A_325 = arith.constant 480 : index
          %swap3A_326 = tpu.vector_load %arg11[%swap3A_324, %swap3A_325] {strides = array<i32>} : memref<80x768xf32, #tpu.memory_space<vmem>>, vector<16xf32>,
          tpu.vector_store %arg11[%swap3A_324, %swap3A_325], %get3A_323 {add = true, strides = array<i32>} : memref<80x768xf32, #tpu.memory_space<vmem>>, vector<16xf32>,
          %get3A_327 = arith.index_cast %scan3A_135 : i32 to index
          %get3A_328 = arith.constant 496 : index
          %get3A_329 = tpu.vector_load %arg10[%get3A_327, %get3A_328] {strides = array<i32>} : memref<32x768xf32, #tpu.memory_space<vmem>>, vector<16xf32>,
          %swap3A_330 = arith.index_cast %squeeze3A : i32 to index
          %swap3A_331 = arith.constant 496 : index
          %swap3A_332 = tpu.vector_load %arg11[%swap3A_330, %swap3A_331] {strides = array<i32>} : memref<80x768xf32, #tpu.memory_space<vmem>>, vector<16xf32>,
          tpu.vector_store %arg11[%swap3A_330, %swap3A_331], %get3A_329 {add = true, strides = array<i32>} : memref<80x768xf32, #tpu.memory_space<vmem>>, vector<16xf32>,
          %get3A_333 = arith.index_cast %scan3A_135 : i32 to index
          %get3A_334 = arith.constant 512 : index
          %get3A_335 = tpu.vector_load %arg10[%get3A_333, %get3A_334] {strides = array<i32>} : memref<32x768xf32, #tpu.memory_space<vmem>>, vector<16xf32>,
          %swap3A_336 = arith.index_cast %squeeze3A : i32 to index
          %swap3A_337 = arith.constant 512 : index
          %swap3A_338 = tpu.vector_load %arg11[%swap3A_336, %swap3A_337] {strides = array<i32>} : memref<80x768xf32, #tpu.memory_space<vmem>>, vector<16xf32>,
          tpu.vector_store %arg11[%swap3A_336, %swap3A_337], %get3A_335 {add = true, strides = array<i32>} : memref<80x768xf32, #tpu.memory_space<vmem>>, vector<16xf32>,
          %get3A_339 = arith.index_cast %scan3A_135 : i32 to index
          %get3A_340 = arith.constant 528 : index
          %get3A_341 = tpu.vector_load %arg10[%get3A_339, %get3A_340] {strides = array<i32>} : memref<32x768xf32, #tpu.memory_space<vmem>>, vector<16xf32>,
          %swap3A_342 = arith.index_cast %squeeze3A : i32 to index
          %swap3A_343 = arith.constant 528 : index
          %swap3A_344 = tpu.vector_load %arg11[%swap3A_342, %swap3A_343] {strides = array<i32>} : memref<80x768xf32, #tpu.memory_space<vmem>>, vector<16xf32>,
          tpu.vector_store %arg11[%swap3A_342, %swap3A_343], %get3A_341 {add = true, strides = array<i32>} : memref<80x768xf32, #tpu.memory_space<vmem>>, vector<16xf32>,
          %get3A_345 = arith.index_cast %scan3A_135 : i32 to index
          %get3A_346 = arith.constant 544 : index
          %get3A_347 = tpu.vector_load %arg10[%get3A_345, %get3A_346] {strides = array<i32>} : memref<32x768xf32, #tpu.memory_space<vmem>>, vector<16xf32>,
          %swap3A_348 = arith.index_cast %squeeze3A : i32 to index
          %swap3A_349 = arith.constant 544 : index
          %swap3A_350 = tpu.vector_load %arg11[%swap3A_348, %swap3A_349] {strides = array<i32>} : memref<80x768xf32, #tpu.memory_space<vmem>>, vector<16xf32>,
          tpu.vector_store %arg11[%swap3A_348, %swap3A_349], %get3A_347 {add = true, strides = array<i32>} : memref<80x768xf32, #tpu.memory_space<vmem>>, vector<16xf32>,
          %get3A_351 = arith.index_cast %scan3A_135 : i32 to index
          %get3A_352 = arith.constant 560 : index
          %get3A_353 = tpu.vector_load %arg10[%get3A_351, %get3A_352] {strides = array<i32>} : memref<32x768xf32, #tpu.memory_space<vmem>>, vector<16xf32>,
          %swap3A_354 = arith.index_cast %squeeze3A : i32 to index
          %swap3A_355 = arith.constant 560 : index
          %swap3A_356 = tpu.vector_load %arg11[%swap3A_354, %swap3A_355] {strides = array<i32>} : memref<80x768xf32, #tpu.memory_space<vmem>>, vector<16xf32>,
          tpu.vector_store %arg11[%swap3A_354, %swap3A_355], %get3A_353 {add = true, strides = array<i32>} : memref<80x768xf32, #tpu.memory_space<vmem>>, vector<16xf32>,
          %get3A_357 = arith.index_cast %scan3A_135 : i32 to index
          %get3A_358 = arith.constant 576 : index
          %get3A_359 = tpu.vector_load %arg10[%get3A_357, %get3A_358] {strides = array<i32>} : memref<32x768xf32, #tpu.memory_space<vmem>>, vector<16xf32>,
          %swap3A_360 = arith.index_cast %squeeze3A : i32 to index
          %swap3A_361 = arith.constant 576 : index
          %swap3A_362 = tpu.vector_load %arg11[%swap3A_360, %swap3A_361] {strides = array<i32>} : memref<80x768xf32, #tpu.memory_space<vmem>>, vector<16xf32>,
          tpu.vector_store %arg11[%swap3A_360, %swap3A_361], %get3A_359 {add = true, strides = array<i32>} : memref<80x768xf32, #tpu.memory_space<vmem>>, vector<16xf32>,
          %get3A_363 = arith.index_cast %scan3A_135 : i32 to index
          %get3A_364 = arith.constant 592 : index
          %get3A_365 = tpu.vector_load %arg10[%get3A_363, %get3A_364] {strides = array<i32>} : memref<32x768xf32, #tpu.memory_space<vmem>>, vector<16xf32>,
          %swap3A_366 = arith.index_cast %squeeze3A : i32 to index
          %swap3A_367 = arith.constant 592 : index
          %swap3A_368 = tpu.vector_load %arg11[%swap3A_366, %swap3A_367] {strides = array<i32>} : memref<80x768xf32, #tpu.memory_space<vmem>>, vector<16xf32>,
          tpu.vector_store %arg11[%swap3A_366, %swap3A_367], %get3A_365 {add = true, strides = array<i32>} : memref<80x768xf32, #tpu.memory_space<vmem>>, vector<16xf32>,
          %get3A_369 = arith.index_cast %scan3A_135 : i32 to index
          %get3A_370 = arith.constant 608 : index
          %get3A_371 = tpu.vector_load %arg10[%get3A_369, %get3A_370] {strides = array<i32>} : memref<32x768xf32, #tpu.memory_space<vmem>>, vector<16xf32>,
          %swap3A_372 = arith.index_cast %squeeze3A : i32 to index
          %swap3A_373 = arith.constant 608 : index
          %swap3A_374 = tpu.vector_load %arg11[%swap3A_372, %swap3A_373] {strides = array<i32>} : memref<80x768xf32, #tpu.memory_space<vmem>>, vector<16xf32>,
          tpu.vector_store %arg11[%swap3A_372, %swap3A_373], %get3A_371 {add = true, strides = array<i32>} : memref<80x768xf32, #tpu.memory_space<vmem>>, vector<16xf32>,
          %get3A_375 = arith.index_cast %scan3A_135 : i32 to index
          %get3A_376 = arith.constant 624 : index
          %get3A_377 = tpu.vector_load %arg10[%get3A_375, %get3A_376] {strides = array<i32>} : memref<32x768xf32, #tpu.memory_space<vmem>>, vector<16xf32>,
          %swap3A_378 = arith.index_cast %squeeze3A : i32 to index
          %swap3A_379 = arith.constant 624 : index
          %swap3A_380 = tpu.vector_load %arg11[%swap3A_378, %swap3A_379] {strides = array<i32>} : memref<80x768xf32, #tpu.memory_space<vmem>>, vector<16xf32>,
          tpu.vector_store %arg11[%swap3A_378, %swap3A_379], %get3A_377 {add = true, strides = array<i32>} : memref<80x768xf32, #tpu.memory_space<vmem>>, vector<16xf32>,
          %get3A_381 = arith.index_cast %scan3A_135 : i32 to index
          %get3A_382 = arith.constant 640 : index
          %get3A_383 = tpu.vector_load %arg10[%get3A_381, %get3A_382] {strides = array<i32>} : memref<32x768xf32, #tpu.memory_space<vmem>>, vector<16xf32>,
          %swap3A_384 = arith.index_cast %squeeze3A : i32 to index
          %swap3A_385 = arith.constant 640 : index
          %swap3A_386 = tpu.vector_load %arg11[%swap3A_384, %swap3A_385] {strides = array<i32>} : memref<80x768xf32, #tpu.memory_space<vmem>>, vector<16xf32>,
          tpu.vector_store %arg11[%swap3A_384, %swap3A_385], %get3A_383 {add = true, strides = array<i32>} : memref<80x768xf32, #tpu.memory_space<vmem>>, vector<16xf32>,
          %get3A_387 = arith.index_cast %scan3A_135 : i32 to index
          %get3A_388 = arith.constant 656 : index
          %get3A_389 = tpu.vector_load %arg10[%get3A_387, %get3A_388] {strides = array<i32>} : memref<32x768xf32, #tpu.memory_space<vmem>>, vector<16xf32>,
          %swap3A_390 = arith.index_cast %squeeze3A : i32 to index
          %swap3A_391 = arith.constant 656 : index
          %swap3A_392 = tpu.vector_load %arg11[%swap3A_390, %swap3A_391] {strides = array<i32>} : memref<80x768xf32, #tpu.memory_space<vmem>>, vector<16xf32>,
          tpu.vector_store %arg11[%swap3A_390, %swap3A_391], %get3A_389 {add = true, strides = array<i32>} : memref<80x768xf32, #tpu.memory_space<vmem>>, vector<16xf32>,
          %get3A_393 = arith.index_cast %scan3A_135 : i32 to index
          %get3A_394 = arith.constant 672 : index
          %get3A_395 = tpu.vector_load %arg10[%get3A_393, %get3A_394] {strides = array<i32>} : memref<32x768xf32, #tpu.memory_space<vmem>>, vector<16xf32>,
          %swap3A_396 = arith.index_cast %squeeze3A : i32 to index
          %swap3A_397 = arith.constant 672 : index
          %swap3A_398 = tpu.vector_load %arg11[%swap3A_396, %swap3A_397] {strides = array<i32>} : memref<80x768xf32, #tpu.memory_space<vmem>>, vector<16xf32>,
          tpu.vector_store %arg11[%swap3A_396, %swap3A_397], %get3A_395 {add = true, strides = array<i32>} : memref<80x768xf32, #tpu.memory_space<vmem>>, vector<16xf32>,
          %get3A_399 = arith.index_cast %scan3A_135 : i32 to index
          %get3A_400 = arith.constant 688 : index
          %get3A_401 = tpu.vector_load %arg10[%get3A_399, %get3A_400] {strides = array<i32>} : memref<32x768xf32, #tpu.memory_space<vmem>>, vector<16xf32>,
          %swap3A_402 = arith.index_cast %squeeze3A : i32 to index
          %swap3A_403 = arith.constant 688 : index
          %swap3A_404 = tpu.vector_load %arg11[%swap3A_402, %swap3A_403] {strides = array<i32>} : memref<80x768xf32, #tpu.memory_space<vmem>>, vector<16xf32>,
          tpu.vector_store %arg11[%swap3A_402, %swap3A_403], %get3A_401 {add = true, strides = array<i32>} : memref<80x768xf32, #tpu.memory_space<vmem>>, vector<16xf32>,
          %get3A_405 = arith.index_cast %scan3A_135 : i32 to index
          %get3A_406 = arith.constant 704 : index
          %get3A_407 = tpu.vector_load %arg10[%get3A_405, %get3A_406] {strides = array<i32>} : memref<32x768xf32, #tpu.memory_space<vmem>>, vector<16xf32>,
          %swap3A_408 = arith.index_cast %squeeze3A : i32 to index
          %swap3A_409 = arith.constant 704 : index
          %swap3A_410 = tpu.vector_load %arg11[%swap3A_408, %swap3A_409] {strides = array<i32>} : memref<80x768xf32, #tpu.memory_space<vmem>>, vector<16xf32>,
          tpu.vector_store %arg11[%swap3A_408, %swap3A_409], %get3A_407 {add = true, strides = array<i32>} : memref<80x768xf32, #tpu.memory_space<vmem>>, vector<16xf32>,
          %get3A_411 = arith.index_cast %scan3A_135 : i32 to index
          %get3A_412 = arith.constant 720 : index
          %get3A_413 = tpu.vector_load %arg10[%get3A_411, %get3A_412] {strides = array<i32>} : memref<32x768xf32, #tpu.memory_space<vmem>>, vector<16xf32>,
          %swap3A_414 = arith.index_cast %squeeze3A : i32 to index
          %swap3A_415 = arith.constant 720 : index
          %swap3A_416 = tpu.vector_load %arg11[%swap3A_414, %swap3A_415] {strides = array<i32>} : memref<80x768xf32, #tpu.memory_space<vmem>>, vector<16xf32>,
          tpu.vector_store %arg11[%swap3A_414, %swap3A_415], %get3A_413 {add = true, strides = array<i32>} : memref<80x768xf32, #tpu.memory_space<vmem>>, vector<16xf32>,
          %get3A_417 = arith.index_cast %scan3A_135 : i32 to index
          %get3A_418 = arith.constant 736 : index
          %get3A_419 = tpu.vector_load %arg10[%get3A_417, %get3A_418] {strides = array<i32>} : memref<32x768xf32, #tpu.memory_space<vmem>>, vector<16xf32>,
          %swap3A_420 = arith.index_cast %squeeze3A : i32 to index
          %swap3A_421 = arith.constant 736 : index
          %swap3A_422 = tpu.vector_load %arg11[%swap3A_420, %swap3A_421] {strides = array<i32>} : memref<80x768xf32, #tpu.memory_space<vmem>>, vector<16xf32>,
          tpu.vector_store %arg11[%swap3A_420, %swap3A_421], %get3A_419 {add = true, strides = array<i32>} : memref<80x768xf32, #tpu.memory_space<vmem>>, vector<16xf32>,
          %get3A_423 = arith.index_cast %scan3A_135 : i32 to index
          %get3A_424 = arith.constant 752 : index
          %get3A_425 = tpu.vector_load %arg10[%get3A_423, %get3A_424] {strides = array<i32>} : memref<32x768xf32, #tpu.memory_space<vmem>>, vector<16xf32>,
          %swap3A_426 = arith.index_cast %squeeze3A : i32 to index
          %swap3A_427 = arith.constant 752 : index
          %swap3A_428 = tpu.vector_load %arg11[%swap3A_426, %swap3A_427] {strides = array<i32>} : memref<80x768xf32, #tpu.memory_space<vmem>>, vector<16xf32>,
          tpu.vector_store %arg11[%swap3A_426, %swap3A_427], %get3A_425 {add = true, strides = array<i32>} : memref<80x768xf32, #tpu.memory_space<vmem>>, vector<16xf32>,
          %scan3A_429 = arith.constant 0 : i32
          scf.yield %scan3A_429 : i32
        }
        %scan3A_133 = arith.constant 32 : i32
        %while3A_134 = arith.constant 0 : i32
        scf.yield %while3A_134 : i32
      }
      %scan3A_116 = arith.constant 0 : i32
      scf.yield %scan3A_116 : i32
    }
    %scan3A_51 = arith.constant 16 : i32
    "tpu.region"() ({
      %run_scoped3A = tpu.sem_alloc : memref<!tpu.dma_semaphore, #tpu.memory_space<semaphore_mem>>
      %dma_start3A = arith.constant 0 : i32
      %dma_start3A_52 = tpu.memref_slice %arg5[%add3A_42, %dma_start3A] : memref<10240x768xf32, #tpu.memory_space<hbm>> -> memref<80x768xf32, #tpu.memory_space<hbm>>
      %dma_start3A_53 = arith.constant 0 : i32
      %dma_start3A_54 = tpu.memref_slice %arg5[%add3A_42, %dma_start3A_53] : memref<10240x768xf32, #tpu.memory_space<hbm>> -> memref<80x768xf32, #tpu.memory_space<hbm>>
      tpu.enqueue_dma source(%arg11 : memref<80x768xf32, #tpu.memory_space<vmem>>) target(%dma_start3A_54 : memref<80x768xf32, #tpu.memory_space<hbm>>) target_semaphore(%run_scoped3A : memref<!tpu.dma_semaphore, #tpu.memory_space<semaphore_mem>>)
      %dma_wait3A = arith.constant 0 : i32
      %dma_wait3A_55 = tpu.memref_slice %arg5[%add3A_42, %dma_wait3A] : memref<10240x768xf32, #tpu.memory_space<hbm>> -> memref<80x768xf32, #tpu.memory_space<hbm>>
      %dma_wait3A_56 = arith.constant 0 : i32
      %dma_wait3A_57 = tpu.memref_slice %arg5[%add3A_42, %dma_wait3A_56] : memref<10240x768xf32, #tpu.memory_space<hbm>> -> memref<80x768xf32, #tpu.memory_space<hbm>>
      tpu.wait_dma2 semaphore(%run_scoped3A : memref<!tpu.dma_semaphore, #tpu.memory_space<semaphore_mem>>) src(%arg11 : memref<80x768xf32, #tpu.memory_space<vmem>>) dst(%dma_wait3A_57 : memref<80x768xf32, #tpu.memory_space<hbm>>)
      tpu.yield
    }) : () -> ()
    return
  }
}

#map = affine_map<(d0, d1) -> (0)>
#map1 = affine_map<(d0, d1) -> (0, 0)>
module attributes {stable_mosaic.version = 14 : i64} {
  func.func @_deg_body(%arg0: i32, %arg1: i32, %arg2: memref<102400xi32, #tpu.memory_space<hbm>>, %arg3: memref<32x10240xi32, #tpu.memory_space<hbm>>, %arg4: memref<3200xi32, #tpu.memory_space<vmem>>, %arg5: memref<10240xi32, #tpu.memory_space<vmem>>) attributes {dimension_semantics = [#tpu.dimension_semantics<core_parallel>, #tpu.dimension_semantics<subcore_parallel>], iteration_bounds = array<i64: 2, 16>, scalar_prefetch = 0 : i64, scratch_operands = 2 : i64, tpu.core_type = #tpu.core_type<sc_vector_subcore>, window_params = [{transform_indices = #map}, {transform_indices = #map1}]} {
    %mul3A = arith.constant 16 : i32
    %mul3A_0 = arith.muli %arg0, %mul3A : i32
    %add3A = arith.addi %mul3A_0, %arg1 : i32
    %mul3A_1 = arith.constant 3200 : i32
    %mul3A_2 = arith.muli %add3A, %mul3A_1 : i32
    "tpu.region"() ({
      %run_scoped3A = tpu.sem_alloc : memref<!tpu.dma_semaphore, #tpu.memory_space<semaphore_mem>>
      %dma_start3A = tpu.memref_slice %arg2[%mul3A_2] : memref<102400xi32, #tpu.memory_space<hbm>> -> memref<3200xi32, #tpu.memory_space<hbm>>
      %dma_start3A_16 = tpu.memref_slice %arg2[%mul3A_2] : memref<102400xi32, #tpu.memory_space<hbm>> -> memref<3200xi32, #tpu.memory_space<hbm>>
      tpu.enqueue_dma source(%dma_start3A_16 : memref<3200xi32, #tpu.memory_space<hbm>>) target(%arg4 : memref<3200xi32, #tpu.memory_space<vmem>>) target_semaphore(%run_scoped3A : memref<!tpu.dma_semaphore, #tpu.memory_space<semaphore_mem>>)
      %dma_wait3A = tpu.memref_slice %arg2[%mul3A_2] : memref<102400xi32, #tpu.memory_space<hbm>> -> memref<3200xi32, #tpu.memory_space<hbm>>
      %dma_wait3A_17 = tpu.memref_slice %arg2[%mul3A_2] : memref<102400xi32, #tpu.memory_space<hbm>> -> memref<3200xi32, #tpu.memory_space<hbm>>
      tpu.wait_dma2 semaphore(%run_scoped3A : memref<!tpu.dma_semaphore, #tpu.memory_space<semaphore_mem>>) src(%dma_wait3A_17 : memref<3200xi32, #tpu.memory_space<hbm>>) dst(%arg4 : memref<3200xi32, #tpu.memory_space<vmem>>)
      tpu.yield
    }) : () -> ()
    %scan3A = arith.constant 0 : i32
    %scan3A_3 = arith.constant 0 : i32
    %scan3A_4 = arith.constant 640 : i32
    %scan3A_5 = arith.addi %scan3A_3, %scan3A_4 : i32
    %scan3A_6 = arith.constant 1 : i32
    %scan3A_7 = scf.for %scan3A_16 = %scan3A_3 to %scan3A_5 step %scan3A_6 iter_args(%scan3A_17 = %scan3A) -> (i32)  : i32 {
      %broadcast_in_dim3A = arith.constant 0 : i32
      %broadcast_in_dim3A_18 = vector.broadcast %broadcast_in_dim3A : i32 to vector<16xi32>
      %mul3A_19 = arith.constant 16 : i32
      %mul3A_20 = arith.muli %scan3A_16, %mul3A_19 : i32
      %swap3A = arith.index_cast %mul3A_20 : i32 to index
      %swap3A_21 = tpu.vector_load %arg5[%swap3A] {strides = array<i32>} : memref<10240xi32, #tpu.memory_space<vmem>>, vector<16xi32>,
      tpu.vector_store %arg5[%swap3A], %broadcast_in_dim3A_18 {strides = array<i32>} : memref<10240xi32, #tpu.memory_space<vmem>>, vector<16xi32>,
      %scan3A_22 = arith.constant 0 : i32
      scf.yield %scan3A_22 : i32
    }
    %scan3A_8 = arith.constant 640 : i32
    %scan3A_9 = arith.constant 0 : i32
    %scan3A_10 = arith.constant 0 : i32
    %scan3A_11 = arith.constant 200 : i32
    %scan3A_12 = arith.addi %scan3A_10, %scan3A_11 : i32
    %scan3A_13 = arith.constant 1 : i32
    %scan3A_14 = scf.for %scan3A_16 = %scan3A_10 to %scan3A_12 step %scan3A_13 iter_args(%scan3A_17 = %scan3A_9) -> (i32)  : i32 {
      %mul3A_18 = arith.constant 16 : i32
      %mul3A_19 = arith.muli %scan3A_16, %mul3A_18 : i32
      %get3A = arith.index_cast %mul3A_19 : i32 to index
      %get3A_20 = tpu.vector_load %arg4[%get3A] {strides = array<i32>} : memref<3200xi32, #tpu.memory_space<vmem>>, vector<16xi32>,
      %broadcast_in_dim3A = arith.constant 1 : i32
      %broadcast_in_dim3A_21 = vector.broadcast %broadcast_in_dim3A : i32 to vector<16xi32>
      tpu.vector_store_idx %arg5[%get3A_20], %broadcast_in_dim3A_21 {add = true} : memref<10240xi32, #tpu.memory_space<vmem>>[vector<16xi32>], vector<16xi32>,
      %scan3A_22 = arith.constant 0 : i32
      scf.yield %scan3A_22 : i32
    }
    %scan3A_15 = arith.constant 200 : i32
    "tpu.region"() ({
      %run_scoped3A = tpu.sem_alloc : memref<!tpu.dma_semaphore, #tpu.memory_space<semaphore_mem>>
      %dma_start3A = arith.constant 0 : i32
      %dma_start3A_16 = tpu.memref_slice %arg3[%add3A, %dma_start3A] : memref<32x10240xi32, #tpu.memory_space<hbm>> -> memref<1x10240xi32, #tpu.memory_space<hbm>>
      %dma_start3A_17 = tpu.memref_squeeze %dma_start3A_16 : memref<1x10240xi32, #tpu.memory_space<hbm>> -> memref<10240xi32, #tpu.memory_space<hbm>>
      %dma_start3A_18 = arith.constant 0 : i32
      %dma_start3A_19 = tpu.memref_slice %arg3[%add3A, %dma_start3A_18] : memref<32x10240xi32, #tpu.memory_space<hbm>> -> memref<1x10240xi32, #tpu.memory_space<hbm>>
      %dma_start3A_20 = tpu.memref_squeeze %dma_start3A_19 : memref<1x10240xi32, #tpu.memory_space<hbm>> -> memref<10240xi32, #tpu.memory_space<hbm>>
      tpu.enqueue_dma source(%arg5 : memref<10240xi32, #tpu.memory_space<vmem>>) target(%dma_start3A_20 : memref<10240xi32, #tpu.memory_space<hbm>>) target_semaphore(%run_scoped3A : memref<!tpu.dma_semaphore, #tpu.memory_space<semaphore_mem>>)
      %dma_wait3A = arith.constant 0 : i32
      %dma_wait3A_21 = tpu.memref_slice %arg3[%add3A, %dma_wait3A] : memref<32x10240xi32, #tpu.memory_space<hbm>> -> memref<1x10240xi32, #tpu.memory_space<hbm>>
      %dma_wait3A_22 = tpu.memref_squeeze %dma_wait3A_21 : memref<1x10240xi32, #tpu.memory_space<hbm>> -> memref<10240xi32, #tpu.memory_space<hbm>>
      %dma_wait3A_23 = arith.constant 0 : i32
      %dma_wait3A_24 = tpu.memref_slice %arg3[%add3A, %dma_wait3A_23] : memref<32x10240xi32, #tpu.memory_space<hbm>> -> memref<1x10240xi32, #tpu.memory_space<hbm>>
      %dma_wait3A_25 = tpu.memref_squeeze %dma_wait3A_24 : memref<1x10240xi32, #tpu.memory_space<hbm>> -> memref<10240xi32, #tpu.memory_space<hbm>>
      tpu.wait_dma2 semaphore(%run_scoped3A : memref<!tpu.dma_semaphore, #tpu.memory_space<semaphore_mem>>) src(%arg5 : memref<10240xi32, #tpu.memory_space<vmem>>) dst(%dma_wait3A_25 : memref<10240xi32, #tpu.memory_space<hbm>>)
      tpu.yield
    }) : () -> ()
    return
  }
}

module attributes {stable_mosaic.version = 14 : i64} {
  func.func @_comb_body(%arg0: i32, %arg1: memref<512x768xf32, #tpu.memory_space<vmem>>, %arg2: memref<512x768xf32, #tpu.memory_space<vmem>>, %arg3: memref<8x512xf32, #tpu.memory_space<vmem>>, %arg4: memref<1x768xf32, #tpu.memory_space<vmem>>, %arg5: memref<512x768xf32, #tpu.memory_space<vmem>>) attributes {dimension_semantics = [#tpu.dimension_semantics<arbitrary>], iteration_bounds = array<i64: 20>, scalar_prefetch = 0 : i64, scratch_operands = 0 : i64, tpu.core_type = #tpu.core_type<tc>, window_params = [{transform_indices = @transform_0, window_bounds = array<i64: 512, 768>}, {transform_indices = @transform_1, window_bounds = array<i64: 512, 768>}, {transform_indices = @transform_2, window_bounds = array<i64: 8, 512>}, {pipeline_mode = #tpu.pipeline_mode<synchronous>, transform_indices = @transform_3, window_bounds = array<i64: 1, 768>}, {transform_indices = @transform_4, window_bounds = array<i64: 512, 768>}]} {
    %get3A = arith.constant 0 : index
    %get3A_0 = arith.constant 0 : index
    %get3A_1 = vector.load %arg3[%get3A, %get3A_0] : memref<8x512xf32, #tpu.memory_space<vmem>>, vector<1x512xf32>
    %get3A_2 = vector.shape_cast %get3A_1 : vector<1x512xf32> to vector<512xf32>
    %get3A_3 = arith.constant 0 : index
    %get3A_4 = arith.constant 0 : index
    %get3A_5 = vector.load %arg1[%get3A_3, %get3A_4] : memref<512x768xf32, #tpu.memory_space<vmem>>, vector<512x768xf32>
    %get3A_6 = arith.constant 0 : index
    %get3A_7 = arith.constant 0 : index
    %get3A_8 = vector.load %arg2[%get3A_6, %get3A_7] : memref<512x768xf32, #tpu.memory_space<vmem>>, vector<512x768xf32>
    %add3A = arith.addf %get3A_5, %get3A_8 : vector<512x768xf32>
    %broadcast_in_dim3A = vector.shape_cast %get3A_2 : vector<512xf32> to vector<512x1xf32>
    %mul3A = vector.broadcast %broadcast_in_dim3A : vector<512x1xf32> to vector<512x768xf32>
    %mul3A_9 = arith.mulf %add3A, %mul3A : vector<512x768xf32>
    %get3A_10 = arith.constant 0 : index
    %get3A_11 = arith.constant 0 : index
    %get3A_12 = vector.load %arg4[%get3A_10, %get3A_11] : memref<1x768xf32, #tpu.memory_space<vmem>>, vector<1x768xf32>
    %add3A_13 = vector.broadcast %get3A_12 : vector<1x768xf32> to vector<512x768xf32>
    %add3A_14 = arith.addf %mul3A_9, %add3A_13 : vector<512x768xf32>
    %swap3A = arith.constant 0 : index
    %swap3A_15 = arith.constant 0 : index
    %swap3A_16 = vector.load %arg5[%swap3A, %swap3A_15] : memref<512x768xf32, #tpu.memory_space<vmem>>, vector<512x768xf32>
    tpu.vector_store %arg5[%swap3A, %swap3A_15], %add3A_14 {strides = array<i32>} : memref<512x768xf32, #tpu.memory_space<vmem>>, vector<512x768xf32>,
    return
  }
  func.func @transform_0(%arg0: i32) -> (i32, i32) {
    %c0_i32 = arith.constant 0 : i32
    %c0_i32_0 = arith.constant 0 : i32
    return %arg0, %c0_i32 : i32, i32
  }
  func.func @transform_1(%arg0: i32) -> (i32, i32) {
    %c0_i32 = arith.constant 0 : i32
    %c0_i32_0 = arith.constant 0 : i32
    return %arg0, %c0_i32 : i32, i32
  }
  func.func @transform_2(%arg0: i32) -> (i32, i32) {
    %c0_i32 = arith.constant 0 : i32
    %c0_i32_0 = arith.constant 0 : i32
    return %c0_i32, %arg0 : i32, i32
  }
  func.func @transform_3(%arg0: i32) -> (i32, i32) {
    %c0_i32 = arith.constant 0 : i32
    %c0_i32_0 = arith.constant 0 : i32
    %c0_i32_1 = arith.constant 0 : i32
    return %c0_i32, %c0_i32_0 : i32, i32
  }
  func.func @transform_4(%arg0: i32) -> (i32, i32) {
    %c0_i32 = arith.constant 0 : i32
    %c0_i32_0 = arith.constant 0 : i32
    return %arg0, %c0_i32 : i32, i32
  }
}

module attributes {stable_mosaic.version = 14 : i64} {
  func.func @_mm_body(%arg0: i32, %arg1: memref<512x768xf32, #tpu.memory_space<vmem>>, %arg2: memref<768x768xf32, #tpu.memory_space<vmem>>, %arg3: memref<32x512xi32, #tpu.memory_space<vmem>>, %arg4: memref<512x768xf32, #tpu.memory_space<vmem>>, %arg5: memref<8x512xf32, #tpu.memory_space<vmem>>) attributes {dimension_semantics = [#tpu.dimension_semantics<arbitrary>], iteration_bounds = array<i64: 20>, scalar_prefetch = 0 : i64, scratch_operands = 0 : i64, tpu.core_type = #tpu.core_type<tc>, window_params = [{transform_indices = @transform_0, window_bounds = array<i64: 512, 768>}, {pipeline_mode = #tpu.pipeline_mode<synchronous>, transform_indices = @transform_1, window_bounds = array<i64: 768, 768>}, {transform_indices = @transform_2, window_bounds = array<i64: 32, 512>}, {transform_indices = @transform_3, window_bounds = array<i64: 512, 768>}, {transform_indices = @transform_4, window_bounds = array<i64: 8, 512>}]} {
    %get3A = arith.constant 0 : index
    %get3A_0 = arith.constant 0 : index
    %get3A_1 = vector.load %arg3[%get3A, %get3A_0] : memref<32x512xi32, #tpu.memory_space<vmem>>, vector<32x512xi32>
    %reduce_sum3A = arith.constant dense<0> : vector<512xi32>
    %reduce_sum3A_2 = vector.multi_reduction <add>, %get3A_1, %reduce_sum3A [0] : vector<32x512xi32> to vector<512xi32>
    %add3A = arith.constant 1 : i32
    %add3A_3 = vector.broadcast %add3A : i32 to vector<512xi32>
    %add3A_4 = arith.addi %reduce_sum3A_2, %add3A_3 : vector<512xi32>
    %convert_element_type3A = arith.sitofp %add3A_4 : vector<512xi32> to vector<512xf32>
    %rsqrt3A = math.rsqrt %convert_element_type3A : vector<512xf32>
    %get3A_5 = arith.constant 0 : index
    %get3A_6 = arith.constant 0 : index
    %get3A_7 = vector.load %arg1[%get3A_5, %get3A_6] : memref<512x768xf32, #tpu.memory_space<vmem>>, vector<512x768xf32>
    %get3A_8 = arith.constant 0 : index
    %get3A_9 = arith.constant 0 : index
    %get3A_10 = vector.load %arg2[%get3A_8, %get3A_9] : memref<768x768xf32, #tpu.memory_space<vmem>>, vector<768x768xf32>
    %dot_general3A = arith.constant dense<0.000000e+00> : vector<512x768xf32>
    %dot_general3A_11 = tpu.matmul %get3A_7, %get3A_10, %dot_general3A {dimension_numbers = #tpu.dot_dimension_numbers<[1], [0], [0], [1], [0, 0, 1, 1], [], []>, transpose_lhs_hint = false} : vector<512x768xf32>, vector<768x768xf32>, vector<512x768xf32> -> vector<512x768xf32>
    %broadcast_in_dim3A = vector.shape_cast %rsqrt3A : vector<512xf32> to vector<512x1xf32>
    %mul3A = vector.broadcast %broadcast_in_dim3A : vector<512x1xf32> to vector<512x768xf32>
    %mul3A_12 = arith.mulf %dot_general3A_11, %mul3A : vector<512x768xf32>
    %swap3A = arith.constant 0 : index
    %swap3A_13 = arith.constant 0 : index
    %swap3A_14 = vector.load %arg4[%swap3A, %swap3A_13] : memref<512x768xf32, #tpu.memory_space<vmem>>, vector<512x768xf32>
    tpu.vector_store %arg4[%swap3A, %swap3A_13], %mul3A_12 {strides = array<i32>} : memref<512x768xf32, #tpu.memory_space<vmem>>, vector<512x768xf32>,
    %broadcast_in_dim3A_15 = vector.shape_cast %rsqrt3A : vector<512xf32> to vector<1x512xf32>
    %broadcast_in_dim3A_16 = vector.shape_cast %broadcast_in_dim3A_15 : vector<1x512xf32> to vector<1x512xf32>
    %broadcast_in_dim3A_17 = vector.broadcast %broadcast_in_dim3A_16 : vector<1x512xf32> to vector<8x512xf32>
    %swap3A_18 = arith.constant 0 : index
    %swap3A_19 = arith.constant 0 : index
    %swap3A_20 = vector.load %arg5[%swap3A_18, %swap3A_19] : memref<8x512xf32, #tpu.memory_space<vmem>>, vector<8x512xf32>
    tpu.vector_store %arg5[%swap3A_18, %swap3A_19], %broadcast_in_dim3A_17 {strides = array<i32>} : memref<8x512xf32, #tpu.memory_space<vmem>>, vector<8x512xf32>,
    return
  }
  func.func @transform_0(%arg0: i32) -> (i32, i32) {
    %c0_i32 = arith.constant 0 : i32
    %c0_i32_0 = arith.constant 0 : i32
    return %arg0, %c0_i32 : i32, i32
  }
  func.func @transform_1(%arg0: i32) -> (i32, i32) {
    %c0_i32 = arith.constant 0 : i32
    %c0_i32_0 = arith.constant 0 : i32
    %c0_i32_1 = arith.constant 0 : i32
    return %c0_i32, %c0_i32_0 : i32, i32
  }
  func.func @transform_2(%arg0: i32) -> (i32, i32) {
    %c0_i32 = arith.constant 0 : i32
    %c0_i32_0 = arith.constant 0 : i32
    return %c0_i32, %arg0 : i32, i32
  }
  func.func @transform_3(%arg0: i32) -> (i32, i32) {
    %c0_i32 = arith.constant 0 : i32
    %c0_i32_0 = arith.constant 0 : i32
    return %arg0, %c0_i32 : i32, i32
  }
  func.func @transform_4(%arg0: i32) -> (i32, i32) {
    %c0_i32 = arith.constant 0 : i32
    %c0_i32_0 = arith.constant 0 : i32
    return %c0_i32, %arg0 : i32, i32
  }
}

</mosaic_0001>

<sc_bundles>
// kernel: kernel.6.cloned.1.call-start
scs
__scs_entry_jumppad:
0x0: {  	(pc) =	sbr.rel $0x88, $3  }
0x1: {  	(tag) =	ssettag $0x0;
	lr =	simm.s32 $0x1  }
0x2: {  	[smem:$0x3F9D] =	sst lr;
	_ =	strace $0xD0000000  }
0x3: {  	_ = 	snop  }
0x4: {  	_ = 	snop  }
0x5: {  	_ = 	snop  }
0x6: {  	_ = 	snop  }
0x7: {  	_ = 	snop  }
__scs_overlays_trampoline_lowered:
0x8: {  	[smem:$0x3FAC] =	sst s0  }
0x9: {  	[smem:$0x3FAD] =	sst s1  }
0xa: {  	[smem:$0x3FAE] =	sst s2  }
0xb: {  	[smem:$0x3FAF] =	sst s3  }
0xc: {  	[smem:$0x3FB0] =	sst s4  }
0xd: {  	[smem:$0x3FB1] =	sst s5  }
0xe: {  	[smem:$0x3FB2] =	sst s6  }
0xf: {  	[smem:$0x3FB3] =	sst s7  }
0x10: {  	[smem:$0x3FB4] =	sst s8  }
0x11: {  	[smem:$0x3FB5] =	sst s9;
	s0 =	simm.s32 @!p0 $0x0  }
0x12: {  	s1 =	sld [smem:$0x3F9B];
	s0 =	simm.s32 @p0 $0x1  }
0x13: {  	[smem:$0x3FB6] =	sst s0;
	s0 =	simm.s32 @!p1 $0x0  }
0x14: {  	s2 =	sld [smem:$0x3F9A];
	s0 =	simm.s32 @p1 $0x1  }
0x15: {  	[smem:$0x3FB7] =	sst s0;
	s0 =	simm.s32 @!p2 $0x0  }
0x16: {  	s3 =	sld [smem:$0x3FDB];
	s0 =	simm.s32 @p2 $0x1  }
0x17: {  	s4 =	simm.s32 $0x1BF5;
	[smem:$0x3FB9] =	sst s0  }
0x18: {  	s0 =	sld [smem:$0x3F9C];
	_ =	swait.ge [sflag:s4], $0x0  }
0x19: {  	s7 =	sld [smem:$0x3F9D]  }
0x1a: {  	s8 =	sadd.s32 $0xFFFFE003, lr  }
0x1b: {  	s9 =	sadd.s32 $0xFFFFFEF7, lr;
	s5 =	simm.s32 $0xFFFFFFFF;
	p2 =	slt.u32 s8, $0xFFFFF086  }
0x1c: {  	p1 =	slt.u32 s9, $0xF7A;
	s5 =	simm.s32 @!p2 $0x0  }
0x1d: {  	s5 =	simm.s32 @p1 $0x1;
	p0 =	seq.s32 s7, s2  }
0x1e: {  	s7 =	smul.u32 @!p0 $0xF7A, s2;
	p2 =	seq.s32 @!p0 s5, $0x0  }
0x1f: {  	s9 =	smul.u32 $0xF7A, s1;
	s8 =	simm.s32 @!p0 $0x1BF5;
	p2 =	por !p2, p0  }
0x20: {  	[sflag:s8] =	ssyncset.s32 @!p0 $0xFFFFF086;
	s6 =	sadd.s32 @!p0 s3, s7;
	s7 =	simm.s32 @!p0 $0x108  }
0x21: {  	s3 =	sadd.s32 s3, s9;
	s6 =	sadd.s32 @!p0 $0x88, s6;
	s7 =	simm.s32 @p2 $0x1082  }
0x22: {  	[simem:s7], [sflag:s8] =	dma.local @!p0 [hbm:s6], $0xF7A  }
0x23: {  	s9 =	sor.u32 $0xD0000000, s2;
	s6 =	simm.s32 $0x108;
	_ =	swait.ge @!p0 [sflag:s8], $0x0  }
0x24: {  	s3 =	sadd.s32 $0x88, s3;
	s6 =	simm.s32 @!p1 $0x1082;
	[sflag:s4] =	ssyncset.s32 $0xFFFFF086  }
0x25: {  	[simem:s6], [sflag:s4] =	dma.local [hbm:s3], $0xF7A  }
0x26: {  	[smem:$0x3F9D] =	sst s1;
	(tag) =	ssettag s2;
	_ =	strace s9  }
0x27: {  	s1 =	sld [smem:$0x3FAD]  }
0x28: {  	s2 =	sld [smem:$0x3FAE]  }
0x29: {  	s4 =	sld [smem:$0x3FB0]  }
0x2a: {  	p0 =	seq.s32 s5, $0x0;
	s5 =	sld [smem:$0x3FB1]  }
0x2b: {  	s6 =	sld [smem:$0x3FB2]  }
0x2c: {  	s7 =	sld [smem:$0x3FB3]  }
0x2d: {  	s3 =	simm.s32 $0x108;
	s8 =	sld [smem:$0x3FB4]  }
0x2e: {  	s3 =	simm.s32 @!p0 $0x1082;
	s9 =	sld [smem:$0x3FB5]  }
0x2f: {  	lr =	sadd.s32 s0, s3;
	s0 =	sld [smem:$0x3FAC]  }
0x30: {  	s3 =	sld [smem:$0x3FAF]  }
0x31: {  	[smem:$0x3FB8] =	sst s10  }
0x32: {  	s10 =	sld [smem:$0x3FB6];
	_ =	sdelay $0x3  }
0x33: {  	p0 =	seq.s32 s10, $0x1;
	s10 =	sld [smem:$0x3FB8];
	_ =	sdelay $0x3  }
0x34: {  	[smem:$0x3FB8] =	sst s10  }
0x35: {  	s10 =	sld [smem:$0x3FB7];
	_ =	sdelay $0x3  }
0x36: {  	p1 =	seq.s32 s10, $0x1;
	s10 =	sld [smem:$0x3FB8];
	_ =	sdelay $0x3  }
0x37: {  	[smem:$0x3FB8] =	sst s10  }
0x38: {  	s10 =	sld [smem:$0x3FB9]  }
0x39: {  	_ = 	snop;
	(pc) =	sbr.ind lr, $3  }
0x3a: {  	_ = 	snop  }
0x3b: {  	_ = 	snop  }
0x3c: {  	p2 =	seq.s32 s10, $0x1;
	s10 =	sld [smem:$0x3FB8]  }
0x3d: {  	_ =	shalt  }
0x3e: {  	_ =	shalt  }
0x3f: {  	_ =	shalt  }
0x40: {  	_ =	shalt  }
0x41: {  	_ =	shalt  }
0x42: {  	_ =	shalt  }
0x43: {  	_ =	shalt  }
0x44: {  	_ =	shalt  }
0x45: {  	_ =	shalt  }
0x46: {  	_ =	shalt  }
0x47: {  	_ =	shalt  }
0x48: {  	_ =	shalt  }
0x49: {  	_ =	shalt  }
0x4a: {  	_ =	shalt  }
0x4b: {  	_ =	shalt  }
0x4c: {  	_ =	shalt  }
0x4d: {  	_ =	shalt  }
0x4e: {  	_ =	shalt  }
0x4f: {  	_ =	shalt  }
0x50: {  	_ =	shalt  }
0x51: {  	_ =	shalt  }
0x52: {  	_ =	shalt  }
0x53: {  	_ =	shalt  }
0x54: {  	_ =	shalt  }
0x55: {  	_ =	shalt  }
0x56: {  	_ =	shalt  }
0x57: {  	_ =	shalt  }
0x58: {  	_ =	shalt  }
0x59: {  	_ =	shalt  }
0x5a: {  	_ =	shalt  }
0x5b: {  	_ =	shalt  }
0x5c: {  	_ =	shalt  }
0x5d: {  	_ =	shalt  }
0x5e: {  	_ =	shalt  }
0x5f: {  	_ =	shalt  }
0x60: {  	_ =	shalt  }
0x61: {  	_ =	shalt  }
0x62: {  	_ =	shalt  }
0x63: {  	_ =	shalt  }
0x64: {  	_ =	shalt  }
0x65: {  	_ =	shalt  }
0x66: {  	_ =	shalt  }
0x67: {  	_ =	shalt  }
0x68: {  	_ =	shalt  }
0x69: {  	_ =	shalt  }
0x6a: {  	_ =	shalt  }
0x6b: {  	_ =	shalt  }
0x6c: {  	_ =	shalt  }
0x6d: {  	_ =	shalt  }
0x6e: {  	_ =	shalt  }
0x6f: {  	_ =	shalt  }
0x70: {  	_ =	shalt  }
0x71: {  	_ =	shalt  }
0x72: {  	_ =	shalt  }
0x73: {  	_ =	shalt  }
0x74: {  	_ =	shalt  }
0x75: {  	_ =	shalt  }
0x76: {  	_ =	shalt  }
0x77: {  	_ =	shalt  }
0x78: {  	_ =	shalt  }
0x79: {  	_ =	shalt  }
0x7a: {  	_ =	shalt  }
0x7b: {  	_ =	shalt  }
0x7c: {  	_ =	shalt  }
0x7d: {  	_ =	shalt  }
0x7e: {  	_ =	shalt  }
0x7f: {  	_ =	shalt  }
0x80: {  	_ =	shalt  }
0x81: {  	_ =	shalt  }
0x82: {  	_ =	shalt  }
0x83: {  	_ =	shalt  }
0x84: {  	_ =	shalt  }
0x85: {  	_ =	shalt  }
0x86: {  	_ =	shalt  }
0x87: {  	_ =	shalt  }
.Lfunc_end0:
.L_simem_size_0:
called_computation_lowered:
.L_overlay_start_0:
0x88: {  	s2 =	sld [smem:$0x3FD9]  }
0x89: {  	s3 =	sld [smem:$0x3FFE];
	_ =	sdelay $0x1  }
0x8a: {  	s1 =	srdreg.scid  }
0x8b: {  	s0 =	sand.u32 $0x1, s1  }
0x8c: {  	s17 =	sshll.u32 s0, $0xA;
	s2 =	sadd.s32 s3, s2  }
0x8d: {  	s2 =	sadd.s32 s2, s17  }
0x8e: {  	[smem:$0x3FC4] =	sst s2  }
0x8f: {  	_ = 	snop  }
0x90: {  	s2 =	sld [smem:$0x3FD0];
	(tm) =	ssettm $0x1  }
0x91: {  	s18 =	sld [smem:$0x3FFB];
	_ =	sdelay $0x3  }
0x92: {  	_ =	strace s18  }
0x93: {  	s3 =	sld [smem:$0x3FFC];
	_ =	sdelay $0x3  }
0x94: {  	_ =	strace s3  }
0x95: {  	s3 =	sld [smem:$0x3FFD];
	_ =	sdelay $0x3  }
0x96: {  	_ =	strace s3  }
0x97: {  	_ =	strace $0x8FFFFFFF  }
0x98: {  	s19 =	sld [smem:$0x3FDB];
	_ =	sdelay $0x1  }
0x99: {  	s4 =	simm.s32 $_scs_section_size  }
0x9a: {  	s5 =	simm.s32 $_size__tile_overlayer_lowered;
	s6 =	simm.s32 $_tile_overlayer_lowered  }
0x9b: {  	s22 =	simm.s32 $0x1BFF;
	s21 =	sshll.u32 s6, $0x1;
	s3 =	sadd.s32 s4, s19  }
0x9c: {  	s7 =	simm.s32 $0x0;
	s20 =	sshll.u32 s5, $0x1;
	s5 =	sadd.s32 s21, s3  }
0x9d: {  	[timem:s7], [sflag:s22] =	dma.local [hbm:s5], s20  }
0x9e: {  	_ =	swait.ge [sflag:s22], s20  }
0x9f: {  	s4 =	ssub.s32 $0x0, s20;
	[sflag:s22] =	ssyncset.done $0x0  }
0xa0: {  	[sflag:s22] =	ssyncadd.s32 s4;
	_ =	sdelay $0x1  }
0xa1: {  	s23 =	simm.s32 $0x1B8B  }
0xa2: {  	_ =	swait.ge [sflag:s23], $0x1  }
0xa3: {  	[sflag:s23] =	ssyncset.done $0x0  }
0xa4: {  	s25 =	simm.s32 $0x1B8E;
	s24 =	sld [smem:$0x3FFE];
	[sflag:s23] =	ssyncadd.s32 $0xFFFFFFFF  }
0xa5: {  	s26 =	simm.s32 $execute0_lowered;
	[smem:$0x3FD2] =	sst s25  }
0xa6: {  	s5 =	sshll.u32 s26, $0x1;
	_ =	strace $0x80000046;
	[dreg:$0x1] =	wrdreg $0xFFFFFFFF  }
0xa7: {  	s28 =	simm.s32 $_size_execute0_lowered;
	s3 =	sadd.s32 s3, s5;
	[dreg:$0x0] =	wrdreg $0x0  }
0xa8: {  	s5 =	sshll.u32 s28, $0x1;
	[dreg:$0x2] =	wrdreg s3  }
0xa9: {  	[dreg:$0x3] =	wrdreg s5  }
0xaa: {  	[dreg:$0x4] =	wrdreg $0xC0  }
0xab: {  	_ =	task [dreg:s7], $0x5FFFF  }
0xac: {  	[dreg:$0x1] =	wrdreg $0xFFFFFFFF  }
0xad: {  	[dreg:$0x0] =	wrdreg $0x60  }
0xae: {  	[dreg:$0x2] =	wrdreg s24  }
0xaf: {  	[dreg:$0x3] =	wrdreg s2  }
0xb0: {  	[dreg:$0x4] =	wrdreg $0x9  }
0xb1: {  	_ =	task.clear_ibuf [dreg:s7], $0x5FFFF;
	_ =	strace $0x90000046  }
0xb2: {  	s29 =	simm.s32 $0x9;
	_ =	strace $0x80000048  }
0xb3: {  	_ =	swait.ge [sflag:s29], $0x1  }
0xb4: {  	[sflag:s29] =	ssyncadd.s32 $0xFFFFFFFF  }
0xb5: {  	_ =	strace $0x90000048  }
0xb6: {  	_ =	sfence  }
0xb7: {  	s30 =	sld [smem:$0x0];
	_ =	sdelay $0x2  }
0xb8: {  	s31 =	sshll.u32 s1, $0xD;
	s1 =	sshrl.u32 s1, $0x2  }
0xb9: {  	s3 =	sand.u32 $0x4000, s31;
	s1 =	sadd.s32 s1, s30  }
0xba: {  	s0 =	sor.u32 s3, s0;
	s1 =	sshll.u32 s1, $0x11  }
0xbb: {  	s0 =	sor.u32 s1, s0  }
0xbc: {  	s0 =	sadd.s32 $0x8F2B, s0  }
0xbd: {  	[sflag:s0] =	ssyncadd.remote.s32 $0x1  }
0xbe: {  	_ =	sfence.sel $0xFFFF  }
0xbf: {  	[dreg:$0x0] =	wrdreg $0xFFFFFFFF;
	(pc) =	sbr.abs _section_cstart, $3  }
0xc0: {  	[dreg:$0x1] =	wrdreg $0xFFFFFFFF  }
0xc1: {  	_ =	task.clear_ibuf [dreg:s7], $0x2FFFF;
	_ =	strace $0x9FFFFFFF  }
0xc2: {  	(tm) =	ssettm $0x7FFFFFFF  }
0xc3: {  	_ =	shalt  }
tec
execute0_lowered:
.L_overlay_start_1:
0x0: {  	(tag) =	ssettag $0x1  }
0x1: {  	s0 =	srdreg.scid  }
0x2: {  	s4 =	rddreg [dreg:$0x0];
	s3 =	sand.u32 $0x1, s0  }
0x3: {  	s5 =	rddreg [dreg:$0x1];
	s0 =	stileid.u32;
	s1 =	sshll.u32 s3, $0x4  }
0x4: {  	s2 =	simm.s32 $0x0;
	s9 =	simm.s32 $0x400;
	s6 =	sor.u32 s0, s1  }
0x5: {  	s10 =	simm.s32 $0x0;
	[smem:$0x7FF] =	sst s2;
	s7 =	sshrl.u32 s6, $0x3  }
0x6: {  	s8 =	sshll.u32 s0, $0x7;
	s3 =	ssub.s32 $0x2, s3;
	s7 =	smul.u32 $0x14000, s7  }
0x7: {  	s1 =	rddreg [dreg:$0x2];
	s8 =	sand.u32 $0x380, s8;
	s6 =	smul.u32 $0x190, s6  }
0x8: {  	_ =	strace $0x80000047;
	s31 =	sshrl.u32 s3, $0x1;
	s7 =	sor.u32 s8, s7  }
0x9: {  	s4 =	sadd.s32 s6, s4;
	s6 =	ssub.s32 s3, s31;
	s7 =	sshrl.u32 s7, $0x3  }
0xa: {  	s3 =	sadd.s32 $0x800, s4;
	s8 =	simm.s32 $0x80;
	s4 =	sadd.s32 s5, s7  }
0xb: {  	v0 =	vimm.s32 $0x0;
	v1 =	vimm.s32 $0x1;
	s5 =	smax.u32 s6, $0x1;
	s6 =	simm.s32 $0x1;
	s7 =	simm.s32 $0xC80  }
.LBB2_1:
0xc: {  	[tilespmem:s2], [sflag:$0x1] =	stream.linear.gather [hbm4b:s3+s2], $0xC80, $0x38;
	[tilespmem:$0x3480] =	vst v63  }
0xd: {  	_ =	swait.ge [sflag:s6], $0xC80  }
0xe: {  	[sflag:s6] =	ssyncset.done $0x0  }
0xf: {  	s11 =	simm.s32 $0x0;
	[sflag:s6] =	ssyncadd.s32 $0xFFFFF380  }
.LBB2_2:
0x10: {  	p0 =	sne.s32 s11, $0x9FC0  }
.Ltmp0:
0x11: {  	_ = 	snop;
	(pc) =	sbr.rel @p0 .LBB2_2-.Ltmp0, $3  }
0x12: {  	_ =	sdelay $0x1  }
0x13: {  	s12 =	sshra.s32 s11, $0x2  }
0x14: {  	s11 =	sadd.s32 $0x40, s11;
	[tilespmem:s12+$0xC80] =	vst v0  }
0x15: {  	s12 =	simm.s32 $0x0;
	s11 =	simm.s32 $0x40  }
.LBB2_4:
0x16: {  	p0 =	sne.s32 s11, $0x31C0;
	v2 =	vld [tilespmem:s12+$0x0];
	_ =	sdelay $0x3  }
.Ltmp1:
0x17: {  	(pc) =	sbr.rel @p0 .LBB2_4-.Ltmp1, $2  }
0x18: {  	_ =	sdelay $0x2  }
0x19: {  	s12 =	sshra.s32 s11, $0x2;
	s11 =	sadd.s32 $0x40, s11;
	[tilespmem:v2+s7+$0x0] =	vst.idx.add.s32.msk $0xffff, v1  }
0x1a: {  	v2 =	vld [tilespmem:s12+$0x0];
	_ =	sdelay $0x5  }
0x1b: {  	s10 =	sadd.s32 $0x1, s10  }
0x1c: {  	p0 =	sne.s32 s10, s5  }
.Ltmp2:
0x1d: {  	[tilespmem:v2+s7+$0x0] =	vst.idx.add.s32.msk $0xffff, v1;
	(pc) =	sbr.rel @p0 .LBB2_1-.Ltmp2, $4  }
0x1e: {  	[hbm4b:s4+s8] =	stream.strided.scatter [tilespmem:s7], [sflag:$0x1], $0x2800, s9, s8, $0x38;
	[tilespmem:$0x3480] =	vst v63  }
0x1f: {  	_ =	swait.ge [sflag:s6], $0x2800  }
0x20: {  	[sflag:s6] =	ssyncset.done $0x0  }
0x21: {  	[sflag:s6] =	ssyncadd.s32 $0xFFFFD800  }
0x22: {  	_ =	sfence.sel $0x180000  }
0x23: {  	[bflag:$0x0] =	sbarrier.arrive $0xFFFF  }
0x24: {  	p0 =	sne.s32 s0, $0x0;
	_ =	strace $0x90000047  }
0x25: {  	s0 =	sadd.s32 @!p0 $0x100000, s1;
	[bflag:$0x2] =	sbarrier.arrive $0xFFFF  }
0x26: {  	[sflag:s0] =	ssyncadd.tile.s32 @!p0 $0x1;
	_ =	shalt  }
.Lfunc_end2:
_tile_overlayer_lowered:
.L_overlay_start_2:
0x27: {  	(tag) =	ssettag $0x2  }
0x28: {  	s0 =	rddreg [dreg:$0x0];
	s2 =	stileid.u32  }
0x29: {  	s1 =	rddreg [dreg:$0x1];
	p0 =	sne.s32 s2, $0x0  }
0x2a: {  	s3 =	rddreg [dreg:$0x2];
	[bflag:$0x3] =	sbarrier.arrive $0xFFFF;
	s2 =	simm.s32 @!p0 $0x1C01  }
0x2b: {  	[timem:s3], [sflag:s2] =	dma.local @!p0 [hbm:s0], s1  }
0x2c: {  	s0 =	simm.s32 @!p0 $0x1  }
0x2d: {  	_ =	swait.ge @!p0 [sflag:s0], s1  }
0x2e: {  	s1 =	ssub.s32 @!p0 $0x0, s1;
	[sflag:s0] =	ssyncset.done @!p0 $0x0  }
0x2f: {  	[sflag:s0] =	ssyncadd.s32 @!p0 s1  }
0x30: {  	[bflag:$0x3] =	sbarrier.arrive $0xFFFF  }
0x31: {  	_ =	shalt  }

// kernel: kernel.9.cloned.1.call-start
scs
__scs_entry_jumppad:
0x0: {  	(pc) =	sbr.rel $0x88, $3  }
0x1: {  	(tag) =	ssettag $0x0;
	lr =	simm.s32 $0x1  }
0x2: {  	[smem:$0x3F9D] =	sst lr;
	_ =	strace $0xD0000000  }
0x3: {  	_ = 	snop  }
0x4: {  	_ = 	snop  }
0x5: {  	_ = 	snop  }
0x6: {  	_ = 	snop  }
0x7: {  	_ = 	snop  }
__scs_overlays_trampoline_lowered:
0x8: {  	[smem:$0x3FAC] =	sst s0  }
0x9: {  	[smem:$0x3FAD] =	sst s1  }
0xa: {  	[smem:$0x3FAE] =	sst s2  }
0xb: {  	[smem:$0x3FAF] =	sst s3  }
0xc: {  	[smem:$0x3FB0] =	sst s4  }
0xd: {  	[smem:$0x3FB1] =	sst s5  }
0xe: {  	[smem:$0x3FB2] =	sst s6  }
0xf: {  	[smem:$0x3FB3] =	sst s7  }
0x10: {  	[smem:$0x3FB4] =	sst s8  }
0x11: {  	[smem:$0x3FB5] =	sst s9;
	s0 =	simm.s32 @!p0 $0x0  }
0x12: {  	s1 =	sld [smem:$0x3F9B];
	s0 =	simm.s32 @p0 $0x1  }
0x13: {  	[smem:$0x3FB6] =	sst s0;
	s0 =	simm.s32 @!p1 $0x0  }
0x14: {  	s2 =	sld [smem:$0x3F9A];
	s0 =	simm.s32 @p1 $0x1  }
0x15: {  	[smem:$0x3FB7] =	sst s0;
	s0 =	simm.s32 @!p2 $0x0  }
0x16: {  	s3 =	sld [smem:$0x3FDB];
	s0 =	simm.s32 @p2 $0x1  }
0x17: {  	s4 =	simm.s32 $0x1BF5;
	[smem:$0x3FB9] =	sst s0  }
0x18: {  	s0 =	sld [smem:$0x3F9C];
	_ =	swait.ge [sflag:s4], $0x0  }
0x19: {  	s7 =	sld [smem:$0x3F9D]  }
0x1a: {  	s8 =	sadd.s32 $0xFFFFE003, lr  }
0x1b: {  	s9 =	sadd.s32 $0xFFFFFEF7, lr;
	s5 =	simm.s32 $0xFFFFFFFF;
	p2 =	slt.u32 s8, $0xFFFFF086  }
0x1c: {  	p1 =	slt.u32 s9, $0xF7A;
	s5 =	simm.s32 @!p2 $0x0  }
0x1d: {  	s5 =	simm.s32 @p1 $0x1;
	p0 =	seq.s32 s7, s2  }
0x1e: {  	s7 =	smul.u32 @!p0 $0xF7A, s2;
	p2 =	seq.s32 @!p0 s5, $0x0  }
0x1f: {  	s9 =	smul.u32 $0xF7A, s1;
	s8 =	simm.s32 @!p0 $0x1BF5;
	p2 =	por !p2, p0  }
0x20: {  	[sflag:s8] =	ssyncset.s32 @!p0 $0xFFFFF086;
	s6 =	sadd.s32 @!p0 s3, s7;
	s7 =	simm.s32 @!p0 $0x108  }
0x21: {  	s3 =	sadd.s32 s3, s9;
	s6 =	sadd.s32 @!p0 $0x88, s6;
	s7 =	simm.s32 @p2 $0x1082  }
0x22: {  	[simem:s7], [sflag:s8] =	dma.local @!p0 [hbm:s6], $0xF7A  }
0x23: {  	s9 =	sor.u32 $0xD0000000, s2;
	s6 =	simm.s32 $0x108;
	_ =	swait.ge @!p0 [sflag:s8], $0x0  }
0x24: {  	s3 =	sadd.s32 $0x88, s3;
	s6 =	simm.s32 @!p1 $0x1082;
	[sflag:s4] =	ssyncset.s32 $0xFFFFF086  }
0x25: {  	[simem:s6], [sflag:s4] =	dma.local [hbm:s3], $0xF7A  }
0x26: {  	[smem:$0x3F9D] =	sst s1;
	(tag) =	ssettag s2;
	_ =	strace s9  }
0x27: {  	s1 =	sld [smem:$0x3FAD]  }
0x28: {  	s2 =	sld [smem:$0x3FAE]  }
0x29: {  	s4 =	sld [smem:$0x3FB0]  }
0x2a: {  	p0 =	seq.s32 s5, $0x0;
	s5 =	sld [smem:$0x3FB1]  }
0x2b: {  	s6 =	sld [smem:$0x3FB2]  }
0x2c: {  	s7 =	sld [smem:$0x3FB3]  }
0x2d: {  	s3 =	simm.s32 $0x108;
	s8 =	sld [smem:$0x3FB4]  }
0x2e: {  	s3 =	simm.s32 @!p0 $0x1082;
	s9 =	sld [smem:$0x3FB5]  }
0x2f: {  	lr =	sadd.s32 s0, s3;
	s0 =	sld [smem:$0x3FAC]  }
0x30: {  	s3 =	sld [smem:$0x3FAF]  }
0x31: {  	[smem:$0x3FB8] =	sst s10  }
0x32: {  	s10 =	sld [smem:$0x3FB6];
	_ =	sdelay $0x3  }
0x33: {  	p0 =	seq.s32 s10, $0x1;
	s10 =	sld [smem:$0x3FB8];
	_ =	sdelay $0x3  }
0x34: {  	[smem:$0x3FB8] =	sst s10  }
0x35: {  	s10 =	sld [smem:$0x3FB7];
	_ =	sdelay $0x3  }
0x36: {  	p1 =	seq.s32 s10, $0x1;
	s10 =	sld [smem:$0x3FB8];
	_ =	sdelay $0x3  }
0x37: {  	[smem:$0x3FB8] =	sst s10  }
0x38: {  	s10 =	sld [smem:$0x3FB9]  }
0x39: {  	_ = 	snop;
	(pc) =	sbr.ind lr, $3  }
0x3a: {  	_ = 	snop  }
0x3b: {  	_ = 	snop  }
0x3c: {  	p2 =	seq.s32 s10, $0x1;
	s10 =	sld [smem:$0x3FB8]  }
0x3d: {  	_ =	shalt  }
0x3e: {  	_ =	shalt  }
0x3f: {  	_ =	shalt  }
0x40: {  	_ =	shalt  }
0x41: {  	_ =	shalt  }
0x42: {  	_ =	shalt  }
0x43: {  	_ =	shalt  }
0x44: {  	_ =	shalt  }
0x45: {  	_ =	shalt  }
0x46: {  	_ =	shalt  }
0x47: {  	_ =	shalt  }
0x48: {  	_ =	shalt  }
0x49: {  	_ =	shalt  }
0x4a: {  	_ =	shalt  }
0x4b: {  	_ =	shalt  }
0x4c: {  	_ =	shalt  }
0x4d: {  	_ =	shalt  }
0x4e: {  	_ =	shalt  }
0x4f: {  	_ =	shalt  }
0x50: {  	_ =	shalt  }
0x51: {  	_ =	shalt  }
0x52: {  	_ =	shalt  }
0x53: {  	_ =	shalt  }
0x54: {  	_ =	shalt  }
0x55: {  	_ =	shalt  }
0x56: {  	_ =	shalt  }
0x57: {  	_ =	shalt  }
0x58: {  	_ =	shalt  }
0x59: {  	_ =	shalt  }
0x5a: {  	_ =	shalt  }
0x5b: {  	_ =	shalt  }
0x5c: {  	_ =	shalt  }
0x5d: {  	_ =	shalt  }
0x5e: {  	_ =	shalt  }
0x5f: {  	_ =	shalt  }
0x60: {  	_ =	shalt  }
0x61: {  	_ =	shalt  }
0x62: {  	_ =	shalt  }
0x63: {  	_ =	shalt  }
0x64: {  	_ =	shalt  }
0x65: {  	_ =	shalt  }
0x66: {  	_ =	shalt  }
0x67: {  	_ =	shalt  }
0x68: {  	_ =	shalt  }
0x69: {  	_ =	shalt  }
0x6a: {  	_ =	shalt  }
0x6b: {  	_ =	shalt  }
0x6c: {  	_ =	shalt  }
0x6d: {  	_ =	shalt  }
0x6e: {  	_ =	shalt  }
0x6f: {  	_ =	shalt  }
0x70: {  	_ =	shalt  }
0x71: {  	_ =	shalt  }
0x72: {  	_ =	shalt  }
0x73: {  	_ =	shalt  }
0x74: {  	_ =	shalt  }
0x75: {  	_ =	shalt  }
0x76: {  	_ =	shalt  }
0x77: {  	_ =	shalt  }
0x78: {  	_ =	shalt  }
0x79: {  	_ =	shalt  }
0x7a: {  	_ =	shalt  }
0x7b: {  	_ =	shalt  }
0x7c: {  	_ =	shalt  }
0x7d: {  	_ =	shalt  }
0x7e: {  	_ =	shalt  }
0x7f: {  	_ =	shalt  }
0x80: {  	_ =	shalt  }
0x81: {  	_ =	shalt  }
0x82: {  	_ =	shalt  }
0x83: {  	_ =	shalt  }
0x84: {  	_ =	shalt  }
0x85: {  	_ =	shalt  }
0x86: {  	_ =	shalt  }
0x87: {  	_ =	shalt  }
.Lfunc_end0:
.L_simem_size_0:
called_computation.1_lowered:
.L_overlay_start_0:
0x88: {  	s2 =	sld [smem:$0x3FD9]  }
0x89: {  	s3 =	sld [smem:$0x3FFE];
	_ =	sdelay $0x1  }
0x8a: {  	s1 =	srdreg.scid  }
0x8b: {  	s0 =	sand.u32 $0x1, s1  }
0x8c: {  	s16 =	sshll.u32 s0, $0xA;
	s2 =	sadd.s32 s3, s2  }
0x8d: {  	s2 =	sadd.s32 s2, s16  }
0x8e: {  	[smem:$0x3FC4] =	sst s2  }
0x8f: {  	_ = 	snop  }
0x90: {  	(tm) =	ssettm $0x1  }
0x91: {  	s17 =	sld [smem:$0x3FFB];
	_ =	sdelay $0x3  }
0x92: {  	_ =	strace s17  }
0x93: {  	s2 =	sld [smem:$0x3FFC];
	_ =	sdelay $0x3  }
0x94: {  	_ =	strace s2  }
0x95: {  	s2 =	sld [smem:$0x3FFD];
	_ =	sdelay $0x3  }
0x96: {  	_ =	strace s2  }
0x97: {  	_ =	strace $0x8FFFFFFF  }
0x98: {  	s18 =	sld [smem:$0x3FDB];
	_ =	sdelay $0x1  }
0x99: {  	s19 =	simm.s32 $_scs_section_size  }
0x9a: {  	s4 =	simm.s32 $_size__tile_overlayer_lowered;
	s5 =	simm.s32 $_tile_overlayer_lowered  }
0x9b: {  	s22 =	simm.s32 $0x1BFF;
	s21 =	sshll.u32 s5, $0x1;
	s2 =	sadd.s32 s19, s18  }
0x9c: {  	s6 =	simm.s32 $0x0;
	s20 =	sshll.u32 s4, $0x1;
	s4 =	sadd.s32 s21, s2  }
0x9d: {  	[timem:s6], [sflag:s22] =	dma.local [hbm:s4], s20  }
0x9e: {  	_ =	swait.ge [sflag:s22], s20  }
0x9f: {  	s3 =	ssub.s32 $0x0, s20;
	[sflag:s22] =	ssyncset.done $0x0  }
0xa0: {  	[sflag:s22] =	ssyncadd.s32 s3;
	_ =	sdelay $0x1  }
0xa1: {  	s23 =	simm.s32 $0x1B8B  }
0xa2: {  	_ =	swait.ge [sflag:s23], $0x1  }
0xa3: {  	[sflag:s23] =	ssyncset.done $0x0  }
0xa4: {  	s25 =	simm.s32 $0x1B8E;
	s24 =	sld [smem:$0x3FFE];
	[sflag:s23] =	ssyncadd.s32 $0xFFFFFFFF  }
0xa5: {  	s26 =	simm.s32 $execute0_lowered;
	[smem:$0x3FD2] =	sst s25  }
0xa6: {  	s4 =	sshll.u32 s26, $0x1;
	_ =	strace $0x80000049;
	[dreg:$0x1] =	wrdreg $0xFFFFFFFF  }
0xa7: {  	s28 =	simm.s32 $_size_execute0_lowered;
	s2 =	sadd.s32 s2, s4;
	[dreg:$0x0] =	wrdreg $0x0  }
0xa8: {  	s4 =	sshll.u32 s28, $0x1;
	[dreg:$0x2] =	wrdreg s2  }
0xa9: {  	[dreg:$0x3] =	wrdreg s4  }
0xaa: {  	[dreg:$0x4] =	wrdreg $0xC0  }
0xab: {  	_ =	task [dreg:s6], $0x5FFFF  }
0xac: {  	[dreg:$0x1] =	wrdreg $0xFFFFFFFF  }
0xad: {  	[dreg:$0x0] =	wrdreg $0x60  }
0xae: {  	[dreg:$0x2] =	wrdreg s24  }
0xaf: {  	[dreg:$0x3] =	wrdreg $0x9  }
0xb0: {  	_ =	task.clear_ibuf [dreg:s6], $0x4FFFF;
	_ =	strace $0x90000049  }
0xb1: {  	s29 =	simm.s32 $0x9;
	_ =	strace $0x8000004B  }
0xb2: {  	_ =	swait.ge [sflag:s29], $0x1  }
0xb3: {  	[sflag:s29] =	ssyncadd.s32 $0xFFFFFFFF  }
0xb4: {  	_ =	strace $0x9000004B  }
0xb5: {  	_ =	sfence  }
0xb6: {  	s30 =	sld [smem:$0x0];
	_ =	sdelay $0x2  }
0xb7: {  	s31 =	sshll.u32 s1, $0xD;
	s1 =	sshrl.u32 s1, $0x2  }
0xb8: {  	s3 =	sand.u32 $0x4000, s31;
	s1 =	sadd.s32 s1, s30  }
0xb9: {  	s0 =	sor.u32 s3, s0;
	s1 =	sshll.u32 s1, $0x11  }
0xba: {  	s0 =	sor.u32 s1, s0  }
0xbb: {  	s0 =	sadd.s32 $0x8F2B, s0  }
0xbc: {  	[sflag:s0] =	ssyncadd.remote.s32 $0x1  }
0xbd: {  	_ =	sfence.sel $0xFFFF  }
0xbe: {  	[dreg:$0x0] =	wrdreg $0xFFFFFFFF;
	(pc) =	sbr.abs _section_cstart, $3  }
0xbf: {  	[dreg:$0x1] =	wrdreg $0xFFFFFFFF  }
0xc0: {  	_ =	task.clear_ibuf [dreg:s6], $0x2FFFF;
	_ =	strace $0x9FFFFFFF  }
0xc1: {  	(tm) =	ssettm $0x7FFFFFFF  }
tec
execute0_lowered:
.L_overlay_start_1:
0x0: {  	(tag) =	ssettag $0x1  }
0x1: {  	s0 =	rddreg [dreg:$0x0]  }
0x2: {  	s1 =	srdreg.scid;
	s4 =	simm.s32 $0x0;
	s3 =	stileid.u32  }
0x3: {  	s17 =	simm.s32 $0x1;
	s18 =	simm.s32 $0x6500;
	s19 =	simm.s32 $0x6D00  }
0x4: {  	s28 =	simm.s32 $0xAD00;
	s29 =	simm.s32 $0xB500;
	s30 =	simm.s32 $0xBD00  }
0x5: {  	s1 =	sand.u32 $0x1, s1;
	[smem:$0x7FF] =	sst s4;
	s5 =	sadd.s32 $0x3A00, s0  }
0x6: {  	s6 =	sadd.s32 $0x6C00, s0;
	s23 =	sadd.s32 $0x1E4E00, s0;
	s2 =	sshll.u32 s1, $0x4  }
0x7: {  	_ =	strace $0x8000004A;
	[dreg:$0x2] =	wrdreg s5;
	s5 =	sadd.s32 $0x800, s0  }
0x8: {  	s1 =	ssub.s32 $0x2, s1;
	[dreg:$0x3] =	wrdreg s23;
	s2 =	sor.u32 s3, s2  }
0x9: {  	s23 =	simm.s32 $0x8D00;
	s7 =	sshrl.u32 s1, $0x1;
	s2 =	smul.u32 $0x140, s2  }
0xa: {  	s3 =	sadd.s32 $0xF6C00, s0;
	s1 =	ssub.s32 s1, s7;
	s7 =	sadd.s32 $0xF6D00, s0  }
0xb: {  	s1 =	smax.u32 s1, $0x1;
	s9 =	sadd.s32 $0x50, s2;
	s8 =	sshrl.u32 s2, $0x3  }
0xc: {  	s11 =	sadd.s32 $0xA0, s2;
	s13 =	sadd.s32 $0xF0, s2;
	s31 =	sadd.s32 $0x140, s2  }
0xd: {  	[dreg:$0x8] =	wrdreg s1;
	s10 =	smul.u32 $0x300, s8;
	s20 =	sshrl.u32 s9, $0x3  }
0xe: {  	s1 =	simm.s32 $0xC500;
	s21 =	sshrl.u32 s11, $0x3;
	s12 =	smul.u32 $0x300, s20  }
0xf: {  	v0 =	vmov s2;
	s2 =	simm.s32 $0x0;
	s22 =	sshrl.u32 s13, $0x3;
	s14 =	smul.u32 $0x300, s21  }
0x10: {  	s8 =	sadd.s32 $0xF6E00, s0;
	s15 =	smul.u32 $0x300, s22;
	s20 =	simm.s32 $0x7500  }
.Ltmp0:
0x11: {  	s21 =	simm.s32 $0x7D00;
	s24 =	sadd.s32 s6, s10;
	(pc) =	sbr.rel .LBB2_1-.Ltmp0, $4  }
0x12: {  	v5 =	vimm.s32 $0x0;
	v9 =	vlaneseq.u32;
	v6 =	vimm.s32 $0x27D8;
	s22 =	simm.s32 $0x8500;
	[dreg:$0x4] =	wrdreg s24;
	s25 =	sadd.s32 s6, s12  }
0x13: {  	vm0 =	vmmov $0xffff;
	v7 =	vand.u32 $0x7, v9;
	v8 =	vshrl.u32 v9, $0x3;
	s26 =	sadd.s32 s6, s14;
	s6 =	sadd.s32 s6, s15;
	[dreg:$0x5] =	wrdreg s25  }
0x14: {  	v9 =	vor.u32 $0x8, v9;
	v8 =	vmul.u32 $0x8, v8;
	v1 =	vmov s9;
	s15 =	simm.s32 $0x2;
	s24 =	simm.s32 $0x9500;
	[dreg:$0x6] =	wrdreg s26  }
0x15: {  	v2 =	vmov s11;
	v3 =	vmov s13;
	v4 =	vmov s31;
	[dreg:$0x7] =	wrdreg s6;
	s25 =	simm.s32 $0x9D00;
	s26 =	simm.s32 $0xA500  }
.LBB2_33:
0x16: {  	s4 =	simm.s32 $0x0;
	s0 =	rddreg [dreg:$0x7];
	s1 =	simm.s32 $0xC500  }
0x17: {  	[hbm4b:s0+s4] =	stream.linear.scatter [tilespmem:s1], [sflag:$0x2], $0xF000, $0x38;
	[tilespmem:$0x1B500] =	vst v63  }
0x18: {  	_ =	swait.ge [sflag:s15], $0xF000  }
0x19: {  	s2 =	rddreg [dreg:$0x9]  }
0x1a: {  	s31 =	rddreg [dreg:$0x8];
	s2 =	sadd.s32 $0x1, s2  }
0x1b: {  	p0 =	sne.s32 s2, s31  }
.Ltmp1:
0x1c: {  	_ = 	snop;
	(pc) =	sbr.rel @!p0 .LBB2_34-.Ltmp1, $3  }
0x1d: {  	_ =	sdelay $0x1  }
0x1e: {  	[sflag:s15] =	ssyncset.done $0x0  }
0x1f: {  	[sflag:s15] =	ssyncadd.s32 $0xFFFF1000  }
.LBB2_1:
0x20: {  	[dreg:$0x9] =	wrdreg s2  }
.Ltmp2:
0x21: {  	s0 =	rddreg [dreg:$0x3];
	(pc) =	sbr.rel .LBB2_2-.Ltmp2, $4  }
0x22: {  	[tilespmem:s1], [sflag:$0x2] =	stream.linear.gather [hbm4b:s0+s4], $0xF000, $0x38;
	[tilespmem:$0x1B500] =	vst v63  }
0x23: {  	_ =	swait.ge [sflag:s15], $0xF000  }
0x24: {  	[sflag:s15] =	ssyncset.done $0x0  }
0x25: {  	s0 =	simm.s32 $0x0;
	[sflag:s15] =	ssyncadd.s32 $0xFFFF1000  }
.LBB2_8:
0x26: {  	s0 =	sadd.s32 $0x1, s0  }
0x27: {  	p0 =	sne.s32 s0, $0x10  }
.Ltmp3:
0x28: {  	_ = 	snop;
	(pc) =	sbr.rel @!p0 .LBB2_9-.Ltmp3, $1  }
0x29: {  	_ =	sdelay $0x3  }
.LBB2_2:
0x2a: {  	s2 =	smul.u32 $0x320, s0  }
0x2b: {  	s1 =	rddreg [dreg:$0x2]  }
0x2c: {  	s6 =	sadd.s32 s1, s2;
	s1 =	simm.s32 $0x0  }
0x2d: {  	[tilespmem:s1], [sflag:$0x2] =	stream.linear.gather [hbm4b:s6+s1], $0x1900, $0x38;
	[tilespmem:$0x1B500] =	vst v63  }
0x2e: {  	_ =	swait.ge [sflag:s15], $0x1900  }
0x2f: {  	[sflag:s15] =	ssyncset.done $0x0  }
0x30: {  	s4 =	simm.s32 $0x1900;
	s2 =	sadd.s32 s5, s2;
	[sflag:s15] =	ssyncadd.s32 $0xFFFFE700  }
0x31: {  	[tilespmem:s4], [sflag:$0x2] =	stream.linear.gather [hbm4b:s2+s1], $0x1900, $0x38;
	[tilespmem:$0x1B500] =	vst v63  }
0x32: {  	_ =	swait.ge [sflag:s15], $0x1900  }
0x33: {  	[sflag:s15] =	ssyncset.done $0x0  }
0x34: {  	s31 =	simm.s32 $0x0;
	[sflag:s15] =	ssyncadd.s32 $0xFFFFE700  }
0x35: {  	v10 =	vld [tilespmem:s31+$0x1900];
	_ =	sdelay $0x4  }
0x36: {  	vm1 =	vge.s32 v10, v0;
	vm2 =	vlt.s32 v10, v1  }
0x37: {  	vm1 =	vmand vm1, vm2  }
0x38: {  	v11 =	vsel vm1, $0x1, v5  }
0x39: {  	(xrf0) =	vadd.scan.msk.s32 $0xffff, v11;
	_ =	sdelay $0x3  }
0x3a: {  	v10 =	vsub.s32 v10, v0  }
0x3b: {  	[tilespmem:s1+$0x4B80] =	vst.msk vm1, v10  }
0x3c: {  	v10 =	vld [tilespmem:s31+$0x0];
	v11, _, _ =	vpop (xrf0)  }
0x3d: {  	(v2sf) =	vpush v11, $0xF;
	_ =	sdelay $0x3  }
0x3e: {  	s6 =	simm.s32 $0x80;
	s2 =	simm.s32 $0x10;
	[tilespmem:s1+$0x3200] =	vst.msk vm1, v10  }
.LBB2_3:
0x3f: {  	p0 =	sne.s32 s6, $0x63C0;
	v10 =	vld [tilespmem:s2+$0x1900];
	_ =	sdelay $0x4  }
0x40: {  	vm1 =	vge.s32 v10, v0;
	vm2 =	vlt.s32 v10, v1;
	v10 =	vsub.s32 v10, v0  }
0x41: {  	vm1 =	vmand vm1, vm2  }
0x42: {  	v11 =	vsel vm1, $0x1, v5  }
0x43: {  	(xrf0) =	vadd.scan.msk.s32 $0xffff, v11;
	_ =	sdelay $0x1  }
0x44: {  	s9 =	spop (v2sf)  }
0x45: {  	s1 =	sadd.s32 s1, s9  }
0x46: {  	[tilespmem:s1+$0x4B80] =	vst.msk vm1, v10  }
0x47: {  	v10 =	vld [tilespmem:s2+$0x0]  }
0x48: {  	v11, _, _ =	vpop (xrf0)  }
.Ltmp4:
0x49: {  	(v2sf) =	vpush v11, $0xF;
	(pc) =	sbr.rel @p0 .LBB2_3-.Ltmp4, $3  }
0x4a: {  	_ =	sdelay $0x1  }
0x4b: {  	[tilespmem:s1+$0x3200] =	vst.msk vm1, v10  }
0x4c: {  	s2 =	sshra.s32 s6, $0x2;
	s6 =	sadd.s32 $0x40, s6  }
0x4d: {  	v10 =	vld [tilespmem:s2+$0x1900];
	_ =	sdelay $0x4  }
0x4e: {  	vm1 =	vge.s32 v10, v0;
	vm2 =	vlt.s32 v10, v1  }
0x4f: {  	vm1 =	vmand vm1, vm2  }
0x50: {  	v11 =	vsel vm1, $0x1, v5  }
0x51: {  	(xrf0) =	vadd.scan.msk.s32 $0xffff, v11;
	_ =	sdelay $0x5  }
0x52: {  	v11, _, _ =	vpop (xrf0)  }
0x53: {  	(v2sf) =	vpush v11, $0xF;
	_ =	sdelay $0xd  }
0x54: {  	s6 =	spop (v2sf)  }
0x55: {  	v10 =	vsub.s32 v10, v0;
	s1 =	sadd.s32 s1, s6;
	s13 =	spop (v2sf)  }
0x56: {  	[tilespmem:s1+$0x4B80] =	vst.msk vm1, v10;
	s14 =	sadd.s32 s1, s13  }
0x57: {  	v10 =	vld [tilespmem:s2+$0x0];
	s6 =	sadd.s32 $0x1F, s14  }
0x58: {  	s9 =	sand.u32 $0x1F, s6  }
0x59: {  	s16 =	sshra.s32 s6, $0x1F;
	p1 =	slt.s32 s6, $0x1;
	p0 =	sne.s32 s9, $0x0  }
0x5a: {  	s9 =	sshrl.u32 s16, $0x1B;
	p0 =	por !p1, !p0  }
0x5b: {  	s31 =	sadd.s32 s9, s6;
	s6 =	simm.s32 $0x1;
	p0 =	por !p0, !p0  }
0x5c: {  	[tilespmem:s1+$0x3200] =	vst.msk vm1, v10;
	s1 =	sshra.s32 s31, $0x5;
	s6 =	simm.s32 @!p0 $0x0  }
0x5d: {  	s1 =	ssub.s32 s1, s6  }
0x5e: {  	p0 =	slt.s32 s1, $0x1  }
.Ltmp5:
0x5f: {  	_ = 	snop;
	(pc) =	sbr.rel @p0 .LBB2_8-.Ltmp5, $4  }
0x60: {  	[tilespmem:s14+$0x4B80] =	vst v5  }
0x61: {  	[tilespmem:s14+$0x3200] =	vst v6  }
0x62: {  	[tilespmem:s14+$0x4B90] =	vst v5  }
0x63: {  	s10 =	simm.s32 $0x0;
	s2 =	simm.s32 $0x0;
	[tilespmem:s14+$0x3210] =	vst v6;
	s9 =	simm.s32 $0x4B80  }
.LBB2_5:
0x64: {  	s6 =	sshll.u32 s10, $0x5  }
0x65: {  	v10 =	vld [tilespmem:s6+$0x3200];
	_ =	sdelay $0x4  }
0x66: {  	v11 =	vshrl.u32 v10, $0x3  }
0x67: {  	v11 =	vmul.u32 $0x30, v11  }
0x68: {  	v10 =	vand.u32 $0x7, v10  }
0x69: {  	v10 =	vor.u32 v10, v11  }
0x6a: {  	v11 =	vperm.xlane v10, v7;
	_ =	sdelay $0x1  }
0x6b: {  	v11 =	vadd.s32 v8, v11;
	_ =	sdelay $0x3  }
0x6c: {  	v10 =	vperm.xlane v10, v9  }
0x6d: {  	[tilespmem:s18], [sflag:$0x1] =	stream.indirect_vreg.gather [hbm4b:s3+s2], $0x80, v11, vm0, $0xb8;
	[tilespmem:$0x1B500] =	vst v63  }
0x6e: {  	v10 =	vadd.s32 v8, v10  }
0x6f: {  	[tilespmem:s19], [sflag:$0x1] =	stream.indirect_vreg.gather [hbm4b:s7+s2], $0x80, v11, vm0, $0xb8;
	[tilespmem:$0x1B500] =	vst v63  }
0x70: {  	_ = 	snop  }
0x71: {  	[tilespmem:s20], [sflag:$0x1] =	stream.indirect_vreg.gather [hbm4b:s8+s2], $0x80, v11, vm0, $0xb8;
	[tilespmem:$0x1B500] =	vst v63  }
0x72: {  	_ = 	snop  }
0x73: {  	[tilespmem:s21], [sflag:$0x1] =	stream.indirect_vreg.gather [hbm4b:s3+s2], $0x80, v10, vm0, $0xb8;
	[tilespmem:$0x1B500] =	vst v63  }
0x74: {  	_ = 	snop  }
0x75: {  	[tilespmem:s22], [sflag:$0x1] =	stream.indirect_vreg.gather [hbm4b:s7+s2], $0x80, v10, vm0, $0xb8;
	[tilespmem:$0x1B500] =	vst v63  }
0x76: {  	_ = 	snop  }
0x77: {  	[tilespmem:s23], [sflag:$0x1] =	stream.indirect_vreg.gather [hbm4b:s8+s2], $0x80, v10, vm0, $0xb8;
	[tilespmem:$0x1B500] =	vst v63  }
0x78: {  	v10 =	vld [tilespmem:s6+$0x3210];
	_ =	sdelay $0x4  }
0x79: {  	v11 =	vshrl.u32 v10, $0x3  }
0x7a: {  	v11 =	vmul.u32 $0x30, v11  }
0x7b: {  	v10 =	vand.u32 $0x7, v10  }
0x7c: {  	v10 =	vor.u32 v10, v11  }
0x7d: {  	v11 =	vperm.xlane v10, v7;
	_ =	sdelay $0x1  }
0x7e: {  	v11 =	vadd.s32 v8, v11;
	_ =	sdelay $0x3  }
0x7f: {  	v10 =	vperm.xlane v10, v9  }
0x80: {  	[tilespmem:s24], [sflag:$0x1] =	stream.indirect_vreg.gather [hbm4b:s3+s2], $0x80, v11, vm0, $0xb8;
	[tilespmem:$0x1B500] =	vst v63  }
0x81: {  	v10 =	vadd.s32 v8, v10  }
0x82: {  	[tilespmem:s25], [sflag:$0x1] =	stream.indirect_vreg.gather [hbm4b:s7+s2], $0x80, v11, vm0, $0xb8;
	[tilespmem:$0x1B500] =	vst v63  }
0x83: {  	_ = 	snop  }
0x84: {  	[tilespmem:s26], [sflag:$0x1] =	stream.indirect_vreg.gather [hbm4b:s8+s2], $0x80, v11, vm0, $0xb8;
	[tilespmem:$0x1B500] =	vst v63  }
0x85: {  	_ = 	snop  }
0x86: {  	[tilespmem:s28], [sflag:$0x1] =	stream.indirect_vreg.gather [hbm4b:s3+s2], $0x80, v10, vm0, $0xb8;
	[tilespmem:$0x1B500] =	vst v63  }
0x87: {  	_ = 	snop  }
0x88: {  	[tilespmem:s29], [sflag:$0x1] =	stream.indirect_vreg.gather [hbm4b:s7+s2], $0x80, v10, vm0, $0xb8;
	[tilespmem:$0x1B500] =	vst v63  }
0x89: {  	_ = 	snop  }
0x8a: {  	[tilespmem:s30], [sflag:$0x1] =	stream.indirect_vreg.gather [hbm4b:s8+s2], $0x80, v10, vm0, $0xb8;
	[tilespmem:$0x1B500] =	vst v63  }
0x8b: {  	_ =	swait.ge [sflag:s17], $0x6000  }
0x8c: {  	[sflag:s17] =	ssyncset.done $0x0  }
0x8d: {  	[sflag:s17] =	ssyncadd.s32 $0xFFFFA000  }
0x8e: {  	v10 =	vld [tilespmem:s9+$0x0];
	_ =	sdelay $0x4  }
0x8f: {  	(v2sf) =	vpush v10, $0x0;
	_ =	sdelay $0xa  }
0x90: {  	s16 =	simm.s32 $0x0  }
0x91: {  	s6 =	smul.u32 $0x6000, s16;
	_ =	sdelay $0x1  }
0x92: {  	s11 =	sand.u32 $0x380, s2;
	s6 =	sshra.s32 s6, $0x2  }
0x93: {  	s6 =	sor.u32 s11, s6;
	s31 =	spop (v2sf)  }
0x94: {  	v10 =	vld [tilespmem:s6+$0x6500];
	s12 =	sshrl.u32 s31, $0x3  }
0x95: {  	s12 =	smul.u32 $0x6000, s12  }
0x96: {  	s11 =	sshll.u32 s31, $0x7  }
0x97: {  	s11 =	sand.u32 $0x380, s11;
	s12 =	sshra.s32 s12, $0x2  }
0x98: {  	s11 =	sor.u32 s11, s12  }
0x99: {  	[tilespmem:s11+$0xC500] =	vst.add.f32.msk $0xffff, v10  }
0x9a: {  	v10 =	vld [tilespmem:s6+$0x6510];
	_ =	sdelay $0x4  }
0x9b: {  	[tilespmem:s11+$0xC510] =	vst.add.f32.msk $0xffff, v10  }
0x9c: {  	v10 =	vld [tilespmem:s6+$0x6520];
	_ =	sdelay $0x4  }
0x9d: {  	[tilespmem:s11+$0xC520] =	vst.add.f32.msk $0xffff, v10  }
0x9e: {  	v10 =	vld [tilespmem:s6+$0x6530];
	_ =	sdelay $0x4  }
0x9f: {  	[tilespmem:s11+$0xC530] =	vst.add.f32.msk $0xffff, v10  }
0xa0: {  	v10 =	vld [tilespmem:s6+$0x6540];
	_ =	sdelay $0x4  }
0xa1: {  	[tilespmem:s11+$0xC540] =	vst.add.f32.msk $0xffff, v10  }
0xa2: {  	v10 =	vld [tilespmem:s6+$0x6550];
	_ =	sdelay $0x4  }
0xa3: {  	[tilespmem:s11+$0xC550] =	vst.add.f32.msk $0xffff, v10  }
0xa4: {  	v10 =	vld [tilespmem:s6+$0x6560];
	_ =	sdelay $0x4  }
0xa5: {  	[tilespmem:s11+$0xC560] =	vst.add.f32.msk $0xffff, v10  }
0xa6: {  	v10 =	vld [tilespmem:s6+$0x6570];
	_ =	sdelay $0x4  }
0xa7: {  	[tilespmem:s11+$0xC570] =	vst.add.f32.msk $0xffff, v10  }
0xa8: {  	v10 =	vld [tilespmem:s6+$0x6900];
	_ =	sdelay $0x4  }
0xa9: {  	[tilespmem:s11+$0xC900] =	vst.add.f32.msk $0xffff, v10  }
0xaa: {  	v10 =	vld [tilespmem:s6+$0x6910];
	_ =	sdelay $0x4  }
0xab: {  	[tilespmem:s11+$0xC910] =	vst.add.f32.msk $0xffff, v10  }
0xac: {  	v10 =	vld [tilespmem:s6+$0x6920];
	_ =	sdelay $0x4  }
0xad: {  	[tilespmem:s11+$0xC920] =	vst.add.f32.msk $0xffff, v10  }
0xae: {  	v10 =	vld [tilespmem:s6+$0x6930];
	_ =	sdelay $0x4  }
0xaf: {  	[tilespmem:s11+$0xC930] =	vst.add.f32.msk $0xffff, v10  }
0xb0: {  	v10 =	vld [tilespmem:s6+$0x6940];
	_ =	sdelay $0x4  }
0xb1: {  	[tilespmem:s11+$0xC940] =	vst.add.f32.msk $0xffff, v10  }
0xb2: {  	v10 =	vld [tilespmem:s6+$0x6950];
	_ =	sdelay $0x4  }
0xb3: {  	[tilespmem:s11+$0xC950] =	vst.add.f32.msk $0xffff, v10  }
0xb4: {  	v10 =	vld [tilespmem:s6+$0x6960];
	_ =	sdelay $0x4  }
0xb5: {  	[tilespmem:s11+$0xC960] =	vst.add.f32.msk $0xffff, v10  }
0xb6: {  	v10 =	vld [tilespmem:s6+$0x6970];
	_ =	sdelay $0x4  }
0xb7: {  	[tilespmem:s11+$0xC970] =	vst.add.f32.msk $0xffff, v10  }
0xb8: {  	v10 =	vld [tilespmem:s6+$0x6D00];
	_ =	sdelay $0x4  }
0xb9: {  	[tilespmem:s11+$0xCD00] =	vst.add.f32.msk $0xffff, v10  }
0xba: {  	v10 =	vld [tilespmem:s6+$0x6D10];
	_ =	sdelay $0x4  }
0xbb: {  	[tilespmem:s11+$0xCD10] =	vst.add.f32.msk $0xffff, v10  }
0xbc: {  	v10 =	vld [tilespmem:s6+$0x6D20];
	_ =	sdelay $0x4  }
0xbd: {  	[tilespmem:s11+$0xCD20] =	vst.add.f32.msk $0xffff, v10  }
0xbe: {  	v10 =	vld [tilespmem:s6+$0x6D30];
	_ =	sdelay $0x4  }
0xbf: {  	[tilespmem:s11+$0xCD30] =	vst.add.f32.msk $0xffff, v10  }
0xc0: {  	v10 =	vld [tilespmem:s6+$0x6D40];
	_ =	sdelay $0x4  }
0xc1: {  	[tilespmem:s11+$0xCD40] =	vst.add.f32.msk $0xffff, v10  }
0xc2: {  	v10 =	vld [tilespmem:s6+$0x6D50];
	_ =	sdelay $0x4  }
0xc3: {  	[tilespmem:s11+$0xCD50] =	vst.add.f32.msk $0xffff, v10  }
0xc4: {  	v10 =	vld [tilespmem:s6+$0x6D60];
	_ =	sdelay $0x4  }
0xc5: {  	[tilespmem:s11+$0xCD60] =	vst.add.f32.msk $0xffff, v10  }
0xc6: {  	v10 =	vld [tilespmem:s6+$0x6D70];
	_ =	sdelay $0x4  }
0xc7: {  	[tilespmem:s11+$0xCD70] =	vst.add.f32.msk $0xffff, v10  }
0xc8: {  	v10 =	vld [tilespmem:s6+$0x7100];
	_ =	sdelay $0x4  }
0xc9: {  	[tilespmem:s11+$0xD100] =	vst.add.f32.msk $0xffff, v10  }
0xca: {  	v10 =	vld [tilespmem:s6+$0x7110];
	_ =	sdelay $0x4  }
0xcb: {  	[tilespmem:s11+$0xD110] =	vst.add.f32.msk $0xffff, v10  }
0xcc: {  	v10 =	vld [tilespmem:s6+$0x7120];
	_ =	sdelay $0x4  }
0xcd: {  	[tilespmem:s11+$0xD120] =	vst.add.f32.msk $0xffff, v10  }
0xce: {  	v10 =	vld [tilespmem:s6+$0x7130];
	_ =	sdelay $0x4  }
0xcf: {  	[tilespmem:s11+$0xD130] =	vst.add.f32.msk $0xffff, v10  }
0xd0: {  	v10 =	vld [tilespmem:s6+$0x7140];
	_ =	sdelay $0x4  }
0xd1: {  	[tilespmem:s11+$0xD140] =	vst.add.f32.msk $0xffff, v10  }
0xd2: {  	v10 =	vld [tilespmem:s6+$0x7150];
	_ =	sdelay $0x4  }
0xd3: {  	[tilespmem:s11+$0xD150] =	vst.add.f32.msk $0xffff, v10  }
0xd4: {  	v10 =	vld [tilespmem:s6+$0x7160];
	_ =	sdelay $0x4  }
0xd5: {  	[tilespmem:s11+$0xD160] =	vst.add.f32.msk $0xffff, v10  }
0xd6: {  	v10 =	vld [tilespmem:s6+$0x7170];
	_ =	sdelay $0x4  }
0xd7: {  	[tilespmem:s11+$0xD170] =	vst.add.f32.msk $0xffff, v10  }
0xd8: {  	v10 =	vld [tilespmem:s6+$0x7500];
	_ =	sdelay $0x4  }
0xd9: {  	[tilespmem:s11+$0xD500] =	vst.add.f32.msk $0xffff, v10  }
0xda: {  	v10 =	vld [tilespmem:s6+$0x7510];
	_ =	sdelay $0x4  }
0xdb: {  	[tilespmem:s11+$0xD510] =	vst.add.f32.msk $0xffff, v10  }
0xdc: {  	v10 =	vld [tilespmem:s6+$0x7520];
	_ =	sdelay $0x4  }
0xdd: {  	[tilespmem:s11+$0xD520] =	vst.add.f32.msk $0xffff, v10  }
0xde: {  	v10 =	vld [tilespmem:s6+$0x7530];
	_ =	sdelay $0x4  }
0xdf: {  	[tilespmem:s11+$0xD530] =	vst.add.f32.msk $0xffff, v10  }
0xe0: {  	v10 =	vld [tilespmem:s6+$0x7540];
	_ =	sdelay $0x4  }
0xe1: {  	[tilespmem:s11+$0xD540] =	vst.add.f32.msk $0xffff, v10  }
0xe2: {  	v10 =	vld [tilespmem:s6+$0x7550];
	_ =	sdelay $0x4  }
0xe3: {  	[tilespmem:s11+$0xD550] =	vst.add.f32.msk $0xffff, v10  }
0xe4: {  	v10 =	vld [tilespmem:s6+$0x7560];
	_ =	sdelay $0x4  }
0xe5: {  	[tilespmem:s11+$0xD560] =	vst.add.f32.msk $0xffff, v10  }
0xe6: {  	v10 =	vld [tilespmem:s6+$0x7570];
	_ =	sdelay $0x4  }
0xe7: {  	[tilespmem:s11+$0xD570] =	vst.add.f32.msk $0xffff, v10  }
0xe8: {  	v10 =	vld [tilespmem:s6+$0x7900];
	_ =	sdelay $0x4  }
0xe9: {  	[tilespmem:s11+$0xD900] =	vst.add.f32.msk $0xffff, v10  }
0xea: {  	v10 =	vld [tilespmem:s6+$0x7910];
	_ =	sdelay $0x4  }
0xeb: {  	[tilespmem:s11+$0xD910] =	vst.add.f32.msk $0xffff, v10  }
0xec: {  	v10 =	vld [tilespmem:s6+$0x7920];
	_ =	sdelay $0x4  }
0xed: {  	[tilespmem:s11+$0xD920] =	vst.add.f32.msk $0xffff, v10  }
0xee: {  	v10 =	vld [tilespmem:s6+$0x7930];
	_ =	sdelay $0x4  }
0xef: {  	[tilespmem:s11+$0xD930] =	vst.add.f32.msk $0xffff, v10  }
0xf0: {  	v10 =	vld [tilespmem:s6+$0x7940];
	_ =	sdelay $0x4  }
0xf1: {  	[tilespmem:s11+$0xD940] =	vst.add.f32.msk $0xffff, v10  }
0xf2: {  	v10 =	vld [tilespmem:s6+$0x7950];
	_ =	sdelay $0x4  }
0xf3: {  	[tilespmem:s11+$0xD950] =	vst.add.f32.msk $0xffff, v10  }
0xf4: {  	v10 =	vld [tilespmem:s6+$0x7960];
	_ =	sdelay $0x4  }
0xf5: {  	[tilespmem:s11+$0xD960] =	vst.add.f32.msk $0xffff, v10  }
0xf6: {  	v10 =	vld [tilespmem:s6+$0x7970];
	_ =	sdelay $0x4  }
0xf7: {  	s13 =	sadd.s32 $0x1, s9;
	[tilespmem:s11+$0xD970] =	vst.add.f32.msk $0xffff, v10  }
0xf8: {  	s14 =	simm.s32 $0x2;
	s12 =	simm.s32 $0x0;
	s11 =	simm.s32 $0x1;
	v10 =	vld [tilespmem:s13+$0x0]  }
.LBB2_6:
0xf9: {  	p0 =	sne.s32 s14, $0x1F;
	_ =	sdelay $0x3  }
0xfa: {  	(v2sf) =	vpush v10, $0x0;
	_ =	sdelay $0xa  }
0xfb: {  	s6 =	sshrl.u32 s11, $0x3;
	s11 =	smov.u32 s14  }
0xfc: {  	s6 =	smul.u32 $0x6000, s6  }
0xfd: {  	s12 =	sadd.s32 $0x80, s12  }
0xfe: {  	s16 =	sand.u32 $0x380, s12;
	s6 =	sshra.s32 s6, $0x2  }
0xff: {  	s6 =	sor.u32 s16, s6;
	s16 =	spop (v2sf)  }
0x100: {  	v10 =	vld [tilespmem:s6+$0x6500];
	s31 =	sshrl.u32 s16, $0x3  }
0x101: {  	s31 =	smul.u32 $0x6000, s31  }
0x102: {  	s16 =	sshll.u32 s16, $0x7  }
0x103: {  	s16 =	sand.u32 $0x380, s16;
	s31 =	sshra.s32 s31, $0x2  }
0x104: {  	s31 =	sor.u32 s16, s31  }
0x105: {  	[tilespmem:s31+$0xC500] =	vst.add.f32.msk $0xffff, v10  }
0x106: {  	v10 =	vld [tilespmem:s6+$0x6510];
	_ =	sdelay $0x4  }
0x107: {  	[tilespmem:s31+$0xC510] =	vst.add.f32.msk $0xffff, v10  }
0x108: {  	v10 =	vld [tilespmem:s6+$0x6520];
	_ =	sdelay $0x4  }
0x109: {  	[tilespmem:s31+$0xC520] =	vst.add.f32.msk $0xffff, v10  }
0x10a: {  	v10 =	vld [tilespmem:s6+$0x6530];
	_ =	sdelay $0x4  }
0x10b: {  	[tilespmem:s31+$0xC530] =	vst.add.f32.msk $0xffff, v10  }
0x10c: {  	v10 =	vld [tilespmem:s6+$0x6540];
	_ =	sdelay $0x4  }
0x10d: {  	[tilespmem:s31+$0xC540] =	vst.add.f32.msk $0xffff, v10  }
0x10e: {  	v10 =	vld [tilespmem:s6+$0x6550];
	_ =	sdelay $0x4  }
0x10f: {  	[tilespmem:s31+$0xC550] =	vst.add.f32.msk $0xffff, v10  }
0x110: {  	v10 =	vld [tilespmem:s6+$0x6560];
	_ =	sdelay $0x4  }
0x111: {  	[tilespmem:s31+$0xC560] =	vst.add.f32.msk $0xffff, v10  }
0x112: {  	v10 =	vld [tilespmem:s6+$0x6570];
	_ =	sdelay $0x4  }
0x113: {  	[tilespmem:s31+$0xC570] =	vst.add.f32.msk $0xffff, v10  }
0x114: {  	v10 =	vld [tilespmem:s6+$0x6900];
	_ =	sdelay $0x4  }
0x115: {  	[tilespmem:s31+$0xC900] =	vst.add.f32.msk $0xffff, v10  }
0x116: {  	v10 =	vld [tilespmem:s6+$0x6910];
	_ =	sdelay $0x4  }
0x117: {  	[tilespmem:s31+$0xC910] =	vst.add.f32.msk $0xffff, v10  }
0x118: {  	v10 =	vld [tilespmem:s6+$0x6920];
	_ =	sdelay $0x4  }
0x119: {  	[tilespmem:s31+$0xC920] =	vst.add.f32.msk $0xffff, v10  }
0x11a: {  	v10 =	vld [tilespmem:s6+$0x6930];
	_ =	sdelay $0x4  }
0x11b: {  	[tilespmem:s31+$0xC930] =	vst.add.f32.msk $0xffff, v10  }
0x11c: {  	v10 =	vld [tilespmem:s6+$0x6940];
	_ =	sdelay $0x4  }
0x11d: {  	[tilespmem:s31+$0xC940] =	vst.add.f32.msk $0xffff, v10  }
0x11e: {  	v10 =	vld [tilespmem:s6+$0x6950];
	_ =	sdelay $0x4  }
0x11f: {  	[tilespmem:s31+$0xC950] =	vst.add.f32.msk $0xffff, v10  }
0x120: {  	v10 =	vld [tilespmem:s6+$0x6960];
	_ =	sdelay $0x4  }
0x121: {  	[tilespmem:s31+$0xC960] =	vst.add.f32.msk $0xffff, v10  }
0x122: {  	v10 =	vld [tilespmem:s6+$0x6970];
	_ =	sdelay $0x4  }
0x123: {  	[tilespmem:s31+$0xC970] =	vst.add.f32.msk $0xffff, v10  }
0x124: {  	v10 =	vld [tilespmem:s6+$0x6D00];
	_ =	sdelay $0x4  }
0x125: {  	[tilespmem:s31+$0xCD00] =	vst.add.f32.msk $0xffff, v10  }
0x126: {  	v10 =	vld [tilespmem:s6+$0x6D10];
	_ =	sdelay $0x4  }
0x127: {  	[tilespmem:s31+$0xCD10] =	vst.add.f32.msk $0xffff, v10  }
0x128: {  	v10 =	vld [tilespmem:s6+$0x6D20];
	_ =	sdelay $0x4  }
0x129: {  	[tilespmem:s31+$0xCD20] =	vst.add.f32.msk $0xffff, v10  }
0x12a: {  	v10 =	vld [tilespmem:s6+$0x6D30];
	_ =	sdelay $0x4  }
0x12b: {  	[tilespmem:s31+$0xCD30] =	vst.add.f32.msk $0xffff, v10  }
0x12c: {  	v10 =	vld [tilespmem:s6+$0x6D40];
	_ =	sdelay $0x4  }
0x12d: {  	[tilespmem:s31+$0xCD40] =	vst.add.f32.msk $0xffff, v10  }
0x12e: {  	v10 =	vld [tilespmem:s6+$0x6D50];
	_ =	sdelay $0x4  }
0x12f: {  	[tilespmem:s31+$0xCD50] =	vst.add.f32.msk $0xffff, v10  }
0x130: {  	v10 =	vld [tilespmem:s6+$0x6D60];
	_ =	sdelay $0x4  }
0x131: {  	[tilespmem:s31+$0xCD60] =	vst.add.f32.msk $0xffff, v10  }
0x132: {  	v10 =	vld [tilespmem:s6+$0x6D70];
	_ =	sdelay $0x4  }
0x133: {  	[tilespmem:s31+$0xCD70] =	vst.add.f32.msk $0xffff, v10  }
0x134: {  	v10 =	vld [tilespmem:s6+$0x7100];
	_ =	sdelay $0x4  }
0x135: {  	[tilespmem:s31+$0xD100] =	vst.add.f32.msk $0xffff, v10  }
0x136: {  	v10 =	vld [tilespmem:s6+$0x7110];
	_ =	sdelay $0x4  }
0x137: {  	[tilespmem:s31+$0xD110] =	vst.add.f32.msk $0xffff, v10  }
0x138: {  	v10 =	vld [tilespmem:s6+$0x7120];
	_ =	sdelay $0x4  }
0x139: {  	[tilespmem:s31+$0xD120] =	vst.add.f32.msk $0xffff, v10  }
0x13a: {  	v10 =	vld [tilespmem:s6+$0x7130];
	_ =	sdelay $0x4  }
0x13b: {  	[tilespmem:s31+$0xD130] =	vst.add.f32.msk $0xffff, v10  }
0x13c: {  	v10 =	vld [tilespmem:s6+$0x7140];
	_ =	sdelay $0x4  }
0x13d: {  	[tilespmem:s31+$0xD140] =	vst.add.f32.msk $0xffff, v10  }
0x13e: {  	v10 =	vld [tilespmem:s6+$0x7150];
	_ =	sdelay $0x4  }
0x13f: {  	[tilespmem:s31+$0xD150] =	vst.add.f32.msk $0xffff, v10  }
0x140: {  	v10 =	vld [tilespmem:s6+$0x7160];
	_ =	sdelay $0x4  }
0x141: {  	[tilespmem:s31+$0xD160] =	vst.add.f32.msk $0xffff, v10  }
0x142: {  	v10 =	vld [tilespmem:s6+$0x7170];
	_ =	sdelay $0x4  }
0x143: {  	[tilespmem:s31+$0xD170] =	vst.add.f32.msk $0xffff, v10  }
0x144: {  	v10 =	vld [tilespmem:s6+$0x7500];
	_ =	sdelay $0x4  }
0x145: {  	[tilespmem:s31+$0xD500] =	vst.add.f32.msk $0xffff, v10  }
0x146: {  	v10 =	vld [tilespmem:s6+$0x7510];
	_ =	sdelay $0x4  }
0x147: {  	[tilespmem:s31+$0xD510] =	vst.add.f32.msk $0xffff, v10  }
0x148: {  	v10 =	vld [tilespmem:s6+$0x7520];
	_ =	sdelay $0x4  }
0x149: {  	[tilespmem:s31+$0xD520] =	vst.add.f32.msk $0xffff, v10  }
0x14a: {  	v10 =	vld [tilespmem:s6+$0x7530];
	_ =	sdelay $0x4  }
0x14b: {  	[tilespmem:s31+$0xD530] =	vst.add.f32.msk $0xffff, v10  }
0x14c: {  	v10 =	vld [tilespmem:s6+$0x7540];
	_ =	sdelay $0x4  }
0x14d: {  	[tilespmem:s31+$0xD540] =	vst.add.f32.msk $0xffff, v10  }
0x14e: {  	v10 =	vld [tilespmem:s6+$0x7550];
	_ =	sdelay $0x4  }
0x14f: {  	[tilespmem:s31+$0xD550] =	vst.add.f32.msk $0xffff, v10  }
0x150: {  	v10 =	vld [tilespmem:s6+$0x7560];
	_ =	sdelay $0x4  }
0x151: {  	[tilespmem:s31+$0xD560] =	vst.add.f32.msk $0xffff, v10  }
0x152: {  	v10 =	vld [tilespmem:s6+$0x7570];
	_ =	sdelay $0x4  }
0x153: {  	[tilespmem:s31+$0xD570] =	vst.add.f32.msk $0xffff, v10  }
0x154: {  	v10 =	vld [tilespmem:s6+$0x7900];
	_ =	sdelay $0x4  }
0x155: {  	[tilespmem:s31+$0xD900] =	vst.add.f32.msk $0xffff, v10  }
0x156: {  	v10 =	vld [tilespmem:s6+$0x7910];
	_ =	sdelay $0x4  }
0x157: {  	[tilespmem:s31+$0xD910] =	vst.add.f32.msk $0xffff, v10  }
0x158: {  	v10 =	vld [tilespmem:s6+$0x7920];
	_ =	sdelay $0x4  }
0x159: {  	[tilespmem:s31+$0xD920] =	vst.add.f32.msk $0xffff, v10  }
0x15a: {  	v10 =	vld [tilespmem:s6+$0x7930];
	_ =	sdelay $0x4  }
0x15b: {  	[tilespmem:s31+$0xD930] =	vst.add.f32.msk $0xffff, v10  }
0x15c: {  	v10 =	vld [tilespmem:s6+$0x7940];
	_ =	sdelay $0x4  }
0x15d: {  	[tilespmem:s31+$0xD940] =	vst.add.f32.msk $0xffff, v10  }
0x15e: {  	v10 =	vld [tilespmem:s6+$0x7950];
	_ =	sdelay $0x4  }
0x15f: {  	[tilespmem:s31+$0xD950] =	vst.add.f32.msk $0xffff, v10  }
0x160: {  	v10 =	vld [tilespmem:s6+$0x7960];
	_ =	sdelay $0x4  }
0x161: {  	[tilespmem:s31+$0xD960] =	vst.add.f32.msk $0xffff, v10  }
0x162: {  	v10 =	vld [tilespmem:s6+$0x7970];
	_ =	sdelay $0x1  }
.Ltmp6:
0x163: {  	(pc) =	sbr.rel @p0 .LBB2_6-.Ltmp6, $3  }
0x164: {  	_ =	sdelay $0x1  }
0x165: {  	s13 =	sadd.s32 $0x1, s13;
	[tilespmem:s31+$0xD970] =	vst.add.f32.msk $0xffff, v10  }
0x166: {  	s14 =	sadd.s32 $0x1, s14;
	v10 =	vld [tilespmem:s13+$0x0]  }
0x167: {  	_ =	sdelay $0x3  }
0x168: {  	(v2sf) =	vpush v10, $0x0;
	_ =	sdelay $0xa  }
0x169: {  	s6 =	sshrl.u32 s11, $0x3  }
0x16a: {  	s6 =	smul.u32 $0x6000, s6  }
0x16b: {  	s14 =	sadd.s32 $0x80, s12  }
0x16c: {  	s11 =	sand.u32 $0x380, s14;
	s6 =	sshra.s32 s6, $0x2  }
0x16d: {  	s6 =	sor.u32 s11, s6;
	s16 =	spop (v2sf)  }
0x16e: {  	v10 =	vld [tilespmem:s6+$0x6500];
	s31 =	sshrl.u32 s16, $0x3  }
0x16f: {  	s12 =	smul.u32 $0x6000, s31  }
0x170: {  	s11 =	sshll.u32 s16, $0x7  }
0x171: {  	s11 =	sand.u32 $0x380, s11;
	s12 =	sshra.s32 s12, $0x2  }
0x172: {  	s11 =	sor.u32 s11, s12  }
0x173: {  	[tilespmem:s11+$0xC500] =	vst.add.f32.msk $0xffff, v10  }
0x174: {  	v10 =	vld [tilespmem:s6+$0x6510];
	_ =	sdelay $0x4  }
0x175: {  	[tilespmem:s11+$0xC510] =	vst.add.f32.msk $0xffff, v10  }
0x176: {  	v10 =	vld [tilespmem:s6+$0x6520];
	_ =	sdelay $0x4  }
0x177: {  	[tilespmem:s11+$0xC520] =	vst.add.f32.msk $0xffff, v10  }
0x178: {  	v10 =	vld [tilespmem:s6+$0x6530];
	_ =	sdelay $0x4  }
0x179: {  	[tilespmem:s11+$0xC530] =	vst.add.f32.msk $0xffff, v10  }
0x17a: {  	v10 =	vld [tilespmem:s6+$0x6540];
	_ =	sdelay $0x4  }
0x17b: {  	[tilespmem:s11+$0xC540] =	vst.add.f32.msk $0xffff, v10  }
0x17c: {  	v10 =	vld [tilespmem:s6+$0x6550];
	_ =	sdelay $0x4  }
0x17d: {  	[tilespmem:s11+$0xC550] =	vst.add.f32.msk $0xffff, v10  }
0x17e: {  	v10 =	vld [tilespmem:s6+$0x6560];
	_ =	sdelay $0x4  }
0x17f: {  	[tilespmem:s11+$0xC560] =	vst.add.f32.msk $0xffff, v10  }
0x180: {  	v10 =	vld [tilespmem:s6+$0x6570];
	_ =	sdelay $0x4  }
0x181: {  	[tilespmem:s11+$0xC570] =	vst.add.f32.msk $0xffff, v10  }
0x182: {  	v10 =	vld [tilespmem:s6+$0x6900];
	_ =	sdelay $0x4  }
0x183: {  	[tilespmem:s11+$0xC900] =	vst.add.f32.msk $0xffff, v10  }
0x184: {  	v10 =	vld [tilespmem:s6+$0x6910];
	_ =	sdelay $0x4  }
0x185: {  	[tilespmem:s11+$0xC910] =	vst.add.f32.msk $0xffff, v10  }
0x186: {  	v10 =	vld [tilespmem:s6+$0x6920];
	_ =	sdelay $0x4  }
0x187: {  	[tilespmem:s11+$0xC920] =	vst.add.f32.msk $0xffff, v10  }
0x188: {  	v10 =	vld [tilespmem:s6+$0x6930];
	_ =	sdelay $0x4  }
0x189: {  	[tilespmem:s11+$0xC930] =	vst.add.f32.msk $0xffff, v10  }
0x18a: {  	v10 =	vld [tilespmem:s6+$0x6940];
	_ =	sdelay $0x4  }
0x18b: {  	[tilespmem:s11+$0xC940] =	vst.add.f32.msk $0xffff, v10  }
0x18c: {  	v10 =	vld [tilespmem:s6+$0x6950];
	_ =	sdelay $0x4  }
0x18d: {  	[tilespmem:s11+$0xC950] =	vst.add.f32.msk $0xffff, v10  }
0x18e: {  	v10 =	vld [tilespmem:s6+$0x6960];
	_ =	sdelay $0x4  }
0x18f: {  	[tilespmem:s11+$0xC960] =	vst.add.f32.msk $0xffff, v10  }
0x190: {  	v10 =	vld [tilespmem:s6+$0x6970];
	_ =	sdelay $0x4  }
0x191: {  	[tilespmem:s11+$0xC970] =	vst.add.f32.msk $0xffff, v10  }
0x192: {  	v10 =	vld [tilespmem:s6+$0x6D00];
	_ =	sdelay $0x4  }
0x193: {  	[tilespmem:s11+$0xCD00] =	vst.add.f32.msk $0xffff, v10  }
0x194: {  	v10 =	vld [tilespmem:s6+$0x6D10];
	_ =	sdelay $0x4  }
0x195: {  	[tilespmem:s11+$0xCD10] =	vst.add.f32.msk $0xffff, v10  }
0x196: {  	v10 =	vld [tilespmem:s6+$0x6D20];
	_ =	sdelay $0x4  }
0x197: {  	[tilespmem:s11+$0xCD20] =	vst.add.f32.msk $0xffff, v10  }
0x198: {  	v10 =	vld [tilespmem:s6+$0x6D30];
	_ =	sdelay $0x4  }
0x199: {  	[tilespmem:s11+$0xCD30] =	vst.add.f32.msk $0xffff, v10  }
0x19a: {  	v10 =	vld [tilespmem:s6+$0x6D40];
	_ =	sdelay $0x4  }
0x19b: {  	[tilespmem:s11+$0xCD40] =	vst.add.f32.msk $0xffff, v10  }
0x19c: {  	v10 =	vld [tilespmem:s6+$0x6D50];
	_ =	sdelay $0x4  }
0x19d: {  	[tilespmem:s11+$0xCD50] =	vst.add.f32.msk $0xffff, v10  }
0x19e: {  	v10 =	vld [tilespmem:s6+$0x6D60];
	_ =	sdelay $0x4  }
0x19f: {  	[tilespmem:s11+$0xCD60] =	vst.add.f32.msk $0xffff, v10  }
0x1a0: {  	v10 =	vld [tilespmem:s6+$0x6D70];
	_ =	sdelay $0x4  }
0x1a1: {  	[tilespmem:s11+$0xCD70] =	vst.add.f32.msk $0xffff, v10  }
0x1a2: {  	v10 =	vld [tilespmem:s6+$0x7100];
	_ =	sdelay $0x4  }
0x1a3: {  	[tilespmem:s11+$0xD100] =	vst.add.f32.msk $0xffff, v10  }
0x1a4: {  	v10 =	vld [tilespmem:s6+$0x7110];
	_ =	sdelay $0x4  }
0x1a5: {  	[tilespmem:s11+$0xD110] =	vst.add.f32.msk $0xffff, v10  }
0x1a6: {  	v10 =	vld [tilespmem:s6+$0x7120];
	_ =	sdelay $0x4  }
0x1a7: {  	[tilespmem:s11+$0xD120] =	vst.add.f32.msk $0xffff, v10  }
0x1a8: {  	v10 =	vld [tilespmem:s6+$0x7130];
	_ =	sdelay $0x4  }
0x1a9: {  	[tilespmem:s11+$0xD130] =	vst.add.f32.msk $0xffff, v10  }
0x1aa: {  	v10 =	vld [tilespmem:s6+$0x7140];
	_ =	sdelay $0x4  }
0x1ab: {  	[tilespmem:s11+$0xD140] =	vst.add.f32.msk $0xffff, v10  }
0x1ac: {  	v10 =	vld [tilespmem:s6+$0x7150];
	_ =	sdelay $0x4  }
0x1ad: {  	[tilespmem:s11+$0xD150] =	vst.add.f32.msk $0xffff, v10  }
0x1ae: {  	v10 =	vld [tilespmem:s6+$0x7160];
	_ =	sdelay $0x4  }
0x1af: {  	[tilespmem:s11+$0xD160] =	vst.add.f32.msk $0xffff, v10  }
0x1b0: {  	v10 =	vld [tilespmem:s6+$0x7170];
	_ =	sdelay $0x4  }
0x1b1: {  	[tilespmem:s11+$0xD170] =	vst.add.f32.msk $0xffff, v10  }
0x1b2: {  	v10 =	vld [tilespmem:s6+$0x7500];
	_ =	sdelay $0x4  }
0x1b3: {  	[tilespmem:s11+$0xD500] =	vst.add.f32.msk $0xffff, v10  }
0x1b4: {  	v10 =	vld [tilespmem:s6+$0x7510];
	_ =	sdelay $0x4  }
0x1b5: {  	[tilespmem:s11+$0xD510] =	vst.add.f32.msk $0xffff, v10  }
0x1b6: {  	v10 =	vld [tilespmem:s6+$0x7520];
	_ =	sdelay $0x4  }
0x1b7: {  	[tilespmem:s11+$0xD520] =	vst.add.f32.msk $0xffff, v10  }
0x1b8: {  	v10 =	vld [tilespmem:s6+$0x7530];
	_ =	sdelay $0x4  }
0x1b9: {  	[tilespmem:s11+$0xD530] =	vst.add.f32.msk $0xffff, v10  }
0x1ba: {  	v10 =	vld [tilespmem:s6+$0x7540];
	_ =	sdelay $0x4  }
0x1bb: {  	[tilespmem:s11+$0xD540] =	vst.add.f32.msk $0xffff, v10  }
0x1bc: {  	v10 =	vld [tilespmem:s6+$0x7550];
	_ =	sdelay $0x4  }
0x1bd: {  	[tilespmem:s11+$0xD550] =	vst.add.f32.msk $0xffff, v10  }
0x1be: {  	v10 =	vld [tilespmem:s6+$0x7560];
	_ =	sdelay $0x4  }
0x1bf: {  	[tilespmem:s11+$0xD560] =	vst.add.f32.msk $0xffff, v10  }
0x1c0: {  	v10 =	vld [tilespmem:s6+$0x7570];
	_ =	sdelay $0x4  }
0x1c1: {  	[tilespmem:s11+$0xD570] =	vst.add.f32.msk $0xffff, v10  }
0x1c2: {  	v10 =	vld [tilespmem:s6+$0x7900];
	_ =	sdelay $0x4  }
0x1c3: {  	[tilespmem:s11+$0xD900] =	vst.add.f32.msk $0xffff, v10  }
0x1c4: {  	v10 =	vld [tilespmem:s6+$0x7910];
	_ =	sdelay $0x4  }
0x1c5: {  	[tilespmem:s11+$0xD910] =	vst.add.f32.msk $0xffff, v10  }
0x1c6: {  	v10 =	vld [tilespmem:s6+$0x7920];
	_ =	sdelay $0x4  }
0x1c7: {  	[tilespmem:s11+$0xD920] =	vst.add.f32.msk $0xffff, v10  }
0x1c8: {  	v10 =	vld [tilespmem:s6+$0x7930];
	_ =	sdelay $0x4  }
0x1c9: {  	[tilespmem:s11+$0xD930] =	vst.add.f32.msk $0xffff, v10  }
0x1ca: {  	v10 =	vld [tilespmem:s6+$0x7940];
	_ =	sdelay $0x4  }
0x1cb: {  	[tilespmem:s11+$0xD940] =	vst.add.f32.msk $0xffff, v10  }
0x1cc: {  	v10 =	vld [tilespmem:s6+$0x7950];
	_ =	sdelay $0x4  }
0x1cd: {  	[tilespmem:s11+$0xD950] =	vst.add.f32.msk $0xffff, v10  }
0x1ce: {  	v10 =	vld [tilespmem:s6+$0x7960];
	_ =	sdelay $0x4  }
0x1cf: {  	s10 =	sadd.s32 $0x1, s10;
	[tilespmem:s11+$0xD960] =	vst.add.f32.msk $0xffff, v10  }
0x1d0: {  	p0 =	sne.s32 s10, s1;
	v10 =	vld [tilespmem:s6+$0x7970]  }
.Ltmp7:
0x1d1: {  	_ = 	snop;
	(pc) =	sbr.rel @p0 .LBB2_5-.Ltmp7, $4  }
.Ltmp8:
0x1d2: {  	_ = 	snop;
	(pc) =	sbr.rel @!p0 .LBB2_8-.Ltmp8, $4  }
0x1d3: {  	_ = 	snop  }
0x1d4: {  	_ = 	snop  }
0x1d5: {  	s9 =	sadd.s32 $0x20, s9;
	[tilespmem:s11+$0xD970] =	vst.add.f32.msk $0xffff, v10  }
0x1d6: {  	_ = 	snop  }
.LBB2_9:
0x1d7: {  	s0 =	simm.s32 $0x0;
	s1 =	rddreg [dreg:$0x4];
	s2 =	simm.s32 $0xC500  }
0x1d8: {  	[hbm4b:s1+s0] =	stream.linear.scatter [tilespmem:s2], [sflag:$0x2], $0xF000, $0x38;
	[tilespmem:$0x1B500] =	vst v63  }
0x1d9: {  	_ =	swait.ge [sflag:s15], $0xF000  }
0x1da: {  	[sflag:s15] =	ssyncset.done $0x0  }
.Ltmp9:
0x1db: {  	s31 =	rddreg [dreg:$0x3];
	[sflag:s15] =	ssyncadd.s32 $0xFFFF1000;
	(pc) =	sbr.rel .LBB2_10-.Ltmp9, $4  }
0x1dc: {  	[tilespmem:s2], [sflag:$0x2] =	stream.linear.gather [hbm4b:s31+s0], $0xF000, $0x38;
	[tilespmem:$0x1B500] =	vst v63  }
0x1dd: {  	_ =	swait.ge [sflag:s15], $0xF000  }
0x1de: {  	[sflag:s15] =	ssyncset.done $0x0  }
0x1df: {  	s1 =	simm.s32 $0x0;
	[sflag:s15] =	ssyncadd.s32 $0xFFFF1000  }
.LBB2_16:
0x1e0: {  	s1 =	sadd.s32 $0x1, s1  }
0x1e1: {  	p0 =	sne.s32 s1, $0x10  }
.Ltmp10:
0x1e2: {  	_ = 	snop;
	(pc) =	sbr.rel @!p0 .LBB2_17-.Ltmp10, $1  }
0x1e3: {  	_ =	sdelay $0x3  }
.LBB2_10:
0x1e4: {  	s2 =	smul.u32 $0x320, s1  }
0x1e5: {  	s4 =	rddreg [dreg:$0x2]  }
0x1e6: {  	s6 =	sadd.s32 s4, s2  }
0x1e7: {  	[tilespmem:s0], [sflag:$0x2] =	stream.linear.gather [hbm4b:s6+s0], $0x1900, $0x38;
	[tilespmem:$0x1B500] =	vst v63  }
0x1e8: {  	_ =	swait.ge [sflag:s15], $0x1900  }
0x1e9: {  	[sflag:s15] =	ssyncset.done $0x0  }
0x1ea: {  	s16 =	simm.s32 $0x1900;
	s2 =	sadd.s32 s5, s2;
	[sflag:s15] =	ssyncadd.s32 $0xFFFFE700  }
0x1eb: {  	[tilespmem:s16], [sflag:$0x2] =	stream.linear.gather [hbm4b:s2+s0], $0x1900, $0x38;
	[tilespmem:$0x1B500] =	vst v63  }
0x1ec: {  	_ =	swait.ge [sflag:s15], $0x1900  }
0x1ed: {  	[sflag:s15] =	ssyncset.done $0x0  }
0x1ee: {  	s31 =	simm.s32 $0x0;
	[sflag:s15] =	ssyncadd.s32 $0xFFFFE700  }
0x1ef: {  	v10 =	vld [tilespmem:s31+$0x1900];
	_ =	sdelay $0x4  }
0x1f0: {  	vm1 =	vge.s32 v10, v1;
	vm2 =	vlt.s32 v10, v2  }
0x1f1: {  	vm1 =	vmand vm1, vm2  }
0x1f2: {  	v11 =	vsel vm1, $0x1, v5  }
0x1f3: {  	(xrf0) =	vadd.scan.msk.s32 $0xffff, v11;
	_ =	sdelay $0x3  }
0x1f4: {  	v10 =	vsub.s32 v10, v1  }
0x1f5: {  	[tilespmem:s0+$0x4B80] =	vst.msk vm1, v10  }
0x1f6: {  	v10 =	vld [tilespmem:s31+$0x0];
	v11, _, _ =	vpop (xrf0)  }
0x1f7: {  	(v2sf) =	vpush v11, $0xF;
	_ =	sdelay $0x3  }
0x1f8: {  	s9 =	simm.s32 $0x80;
	s6 =	simm.s32 $0x10;
	s2 =	simm.s32 $0x0;
	[tilespmem:s0+$0x3200] =	vst.msk vm1, v10  }
.LBB2_11:
0x1f9: {  	p0 =	sne.s32 s9, $0x63C0;
	v10 =	vld [tilespmem:s6+$0x1900];
	_ =	sdelay $0x4  }
0x1fa: {  	vm1 =	vge.s32 v10, v1;
	vm2 =	vlt.s32 v10, v2;
	v10 =	vsub.s32 v10, v1  }
0x1fb: {  	vm1 =	vmand vm1, vm2  }
0x1fc: {  	v11 =	vsel vm1, $0x1, v5  }
0x1fd: {  	(xrf0) =	vadd.scan.msk.s32 $0xffff, v11;
	_ =	sdelay $0x1  }
0x1fe: {  	s10 =	spop (v2sf)  }
0x1ff: {  	s2 =	sadd.s32 s2, s10  }
0x200: {  	[tilespmem:s2+$0x4B80] =	vst.msk vm1, v10  }
0x201: {  	v10 =	vld [tilespmem:s6+$0x0]  }
0x202: {  	v11, _, _ =	vpop (xrf0)  }
.Ltmp11:
0x203: {  	(v2sf) =	vpush v11, $0xF;
	(pc) =	sbr.rel @p0 .LBB2_11-.Ltmp11, $3  }
0x204: {  	_ =	sdelay $0x1  }
0x205: {  	[tilespmem:s2+$0x3200] =	vst.msk vm1, v10  }
0x206: {  	s6 =	sshra.s32 s9, $0x2;
	s9 =	sadd.s32 $0x40, s9  }
0x207: {  	v10 =	vld [tilespmem:s6+$0x1900];
	_ =	sdelay $0x4  }
0x208: {  	vm1 =	vge.s32 v10, v1;
	vm2 =	vlt.s32 v10, v2  }
0x209: {  	vm1 =	vmand vm1, vm2  }
0x20a: {  	v11 =	vsel vm1, $0x1, v5  }
0x20b: {  	(xrf0) =	vadd.scan.msk.s32 $0xffff, v11;
	_ =	sdelay $0x5  }
0x20c: {  	v11, _, _ =	vpop (xrf0)  }
0x20d: {  	(v2sf) =	vpush v11, $0xF;
	_ =	sdelay $0xd  }
0x20e: {  	s9 =	spop (v2sf)  }
0x20f: {  	v10 =	vsub.s32 v10, v1;
	s2 =	sadd.s32 s2, s9;
	s13 =	spop (v2sf)  }
0x210: {  	[tilespmem:s2+$0x4B80] =	vst.msk vm1, v10;
	s14 =	sadd.s32 s2, s13  }
0x211: {  	v10 =	vld [tilespmem:s6+$0x0];
	s9 =	sadd.s32 $0x1F, s14  }
0x212: {  	s10 =	sand.u32 $0x1F, s9  }
0x213: {  	s16 =	sshra.s32 s9, $0x1F;
	p1 =	slt.s32 s9, $0x1;
	p0 =	sne.s32 s10, $0x0  }
0x214: {  	s10 =	sshrl.u32 s16, $0x1B;
	p0 =	por !p1, !p0  }
0x215: {  	s31 =	sadd.s32 s10, s9;
	s9 =	simm.s32 $0x1;
	p0 =	por !p0, !p0  }
0x216: {  	[tilespmem:s2+$0x3200] =	vst.msk vm1, v10;
	s2 =	sshra.s32 s31, $0x5;
	s9 =	simm.s32 @!p0 $0x0  }
0x217: {  	s2 =	ssub.s32 s2, s9  }
0x218: {  	p0 =	slt.s32 s2, $0x1  }
.Ltmp12:
0x219: {  	_ = 	snop;
	(pc) =	sbr.rel @p0 .LBB2_16-.Ltmp12, $4  }
0x21a: {  	[tilespmem:s14+$0x4B80] =	vst v5  }
0x21b: {  	[tilespmem:s14+$0x3200] =	vst v6  }
0x21c: {  	[tilespmem:s14+$0x4B90] =	vst v5  }
0x21d: {  	s11 =	simm.s32 $0x0;
	[tilespmem:s14+$0x3210] =	vst v6;
	s10 =	simm.s32 $0x4B80;
	s9 =	simm.s32 $0x0  }
.LBB2_13:
0x21e: {  	s6 =	sshll.u32 s11, $0x5  }
0x21f: {  	v10 =	vld [tilespmem:s6+$0x3200];
	_ =	sdelay $0x4  }
0x220: {  	v11 =	vshrl.u32 v10, $0x3  }
0x221: {  	v11 =	vmul.u32 $0x30, v11  }
0x222: {  	v10 =	vand.u32 $0x7, v10  }
0x223: {  	v10 =	vor.u32 v10, v11  }
0x224: {  	v11 =	vperm.xlane v10, v7;
	_ =	sdelay $0x1  }
0x225: {  	v11 =	vadd.s32 v8, v11;
	_ =	sdelay $0x3  }
0x226: {  	v10 =	vperm.xlane v10, v9  }
0x227: {  	[tilespmem:s18], [sflag:$0x1] =	stream.indirect_vreg.gather [hbm4b:s3+s9], $0x80, v11, vm0, $0xb8;
	[tilespmem:$0x1B500] =	vst v63  }
0x228: {  	v10 =	vadd.s32 v8, v10  }
0x229: {  	[tilespmem:s19], [sflag:$0x1] =	stream.indirect_vreg.gather [hbm4b:s7+s9], $0x80, v11, vm0, $0xb8;
	[tilespmem:$0x1B500] =	vst v63  }
0x22a: {  	_ = 	snop  }
0x22b: {  	[tilespmem:s20], [sflag:$0x1] =	stream.indirect_vreg.gather [hbm4b:s8+s9], $0x80, v11, vm0, $0xb8;
	[tilespmem:$0x1B500] =	vst v63  }
0x22c: {  	_ = 	snop  }
0x22d: {  	[tilespmem:s21], [sflag:$0x1] =	stream.indirect_vreg.gather [hbm4b:s3+s9], $0x80, v10, vm0, $0xb8;
	[tilespmem:$0x1B500] =	vst v63  }
0x22e: {  	_ = 	snop  }
0x22f: {  	[tilespmem:s22], [sflag:$0x1] =	stream.indirect_vreg.gather [hbm4b:s7+s9], $0x80, v10, vm0, $0xb8;
	[tilespmem:$0x1B500] =	vst v63  }
0x230: {  	_ = 	snop  }
0x231: {  	[tilespmem:s23], [sflag:$0x1] =	stream.indirect_vreg.gather [hbm4b:s8+s9], $0x80, v10, vm0, $0xb8;
	[tilespmem:$0x1B500] =	vst v63  }
0x232: {  	v10 =	vld [tilespmem:s6+$0x3210];
	_ =	sdelay $0x4  }
0x233: {  	v11 =	vshrl.u32 v10, $0x3  }
0x234: {  	v11 =	vmul.u32 $0x30, v11  }
0x235: {  	v10 =	vand.u32 $0x7, v10  }
0x236: {  	v10 =	vor.u32 v10, v11  }
0x237: {  	v11 =	vperm.xlane v10, v7;
	_ =	sdelay $0x1  }
0x238: {  	v11 =	vadd.s32 v8, v11;
	_ =	sdelay $0x3  }
0x239: {  	v10 =	vperm.xlane v10, v9  }
0x23a: {  	[tilespmem:s24], [sflag:$0x1] =	stream.indirect_vreg.gather [hbm4b:s3+s9], $0x80, v11, vm0, $0xb8;
	[tilespmem:$0x1B500] =	vst v63  }
0x23b: {  	v10 =	vadd.s32 v8, v10  }
0x23c: {  	[tilespmem:s25], [sflag:$0x1] =	stream.indirect_vreg.gather [hbm4b:s7+s9], $0x80, v11, vm0, $0xb8;
	[tilespmem:$0x1B500] =	vst v63  }
0x23d: {  	_ = 	snop  }
0x23e: {  	[tilespmem:s26], [sflag:$0x1] =	stream.indirect_vreg.gather [hbm4b:s8+s9], $0x80, v11, vm0, $0xb8;
	[tilespmem:$0x1B500] =	vst v63  }
0x23f: {  	_ = 	snop  }
0x240: {  	[tilespmem:s28], [sflag:$0x1] =	stream.indirect_vreg.gather [hbm4b:s3+s9], $0x80, v10, vm0, $0xb8;
	[tilespmem:$0x1B500] =	vst v63  }
0x241: {  	_ = 	snop  }
0x242: {  	[tilespmem:s29], [sflag:$0x1] =	stream.indirect_vreg.gather [hbm4b:s7+s9], $0x80, v10, vm0, $0xb8;
	[tilespmem:$0x1B500] =	vst v63  }
0x243: {  	_ = 	snop  }
0x244: {  	[tilespmem:s30], [sflag:$0x1] =	stream.indirect_vreg.gather [hbm4b:s8+s9], $0x80, v10, vm0, $0xb8;
	[tilespmem:$0x1B500] =	vst v63  }
0x245: {  	_ =	swait.ge [sflag:s17], $0x6000  }
0x246: {  	[sflag:s17] =	ssyncset.done $0x0  }
0x247: {  	[sflag:s17] =	ssyncadd.s32 $0xFFFFA000  }
0x248: {  	v10 =	vld [tilespmem:s10+$0x0];
	_ =	sdelay $0x4  }
0x249: {  	(v2sf) =	vpush v10, $0x0;
	_ =	sdelay $0xa  }
0x24a: {  	s16 =	simm.s32 $0x0  }
0x24b: {  	s6 =	smul.u32 $0x6000, s16;
	_ =	sdelay $0x1  }
0x24c: {  	s12 =	sand.u32 $0x380, s9;
	s6 =	sshra.s32 s6, $0x2  }
0x24d: {  	s6 =	sor.u32 s12, s6;
	s31 =	spop (v2sf)  }
0x24e: {  	v10 =	vld [tilespmem:s6+$0x6500];
	s13 =	sshrl.u32 s31, $0x3  }
0x24f: {  	s13 =	smul.u32 $0x6000, s13  }
0x250: {  	s12 =	sshll.u32 s31, $0x7  }
0x251: {  	s12 =	sand.u32 $0x380, s12;
	s13 =	sshra.s32 s13, $0x2  }
0x252: {  	s12 =	sor.u32 s12, s13  }
0x253: {  	[tilespmem:s12+$0xC500] =	vst.add.f32.msk $0xffff, v10  }
0x254: {  	v10 =	vld [tilespmem:s6+$0x6510];
	_ =	sdelay $0x4  }
0x255: {  	[tilespmem:s12+$0xC510] =	vst.add.f32.msk $0xffff, v10  }
0x256: {  	v10 =	vld [tilespmem:s6+$0x6520];
	_ =	sdelay $0x4  }
0x257: {  	[tilespmem:s12+$0xC520] =	vst.add.f32.msk $0xffff, v10  }
0x258: {  	v10 =	vld [tilespmem:s6+$0x6530];
	_ =	sdelay $0x4  }
0x259: {  	[tilespmem:s12+$0xC530] =	vst.add.f32.msk $0xffff, v10  }
0x25a: {  	v10 =	vld [tilespmem:s6+$0x6540];
	_ =	sdelay $0x4  }
0x25b: {  	[tilespmem:s12+$0xC540] =	vst.add.f32.msk $0xffff, v10  }
0x25c: {  	v10 =	vld [tilespmem:s6+$0x6550];
	_ =	sdelay $0x4  }
0x25d: {  	[tilespmem:s12+$0xC550] =	vst.add.f32.msk $0xffff, v10  }
0x25e: {  	v10 =	vld [tilespmem:s6+$0x6560];
	_ =	sdelay $0x4  }
0x25f: {  	[tilespmem:s12+$0xC560] =	vst.add.f32.msk $0xffff, v10  }
0x260: {  	v10 =	vld [tilespmem:s6+$0x6570];
	_ =	sdelay $0x4  }
0x261: {  	[tilespmem:s12+$0xC570] =	vst.add.f32.msk $0xffff, v10  }
0x262: {  	v10 =	vld [tilespmem:s6+$0x6900];
	_ =	sdelay $0x4  }
0x263: {  	[tilespmem:s12+$0xC900] =	vst.add.f32.msk $0xffff, v10  }
0x264: {  	v10 =	vld [tilespmem:s6+$0x6910];
	_ =	sdelay $0x4  }
0x265: {  	[tilespmem:s12+$0xC910] =	vst.add.f32.msk $0xffff, v10  }
0x266: {  	v10 =	vld [tilespmem:s6+$0x6920];
	_ =	sdelay $0x4  }
0x267: {  	[tilespmem:s12+$0xC920] =	vst.add.f32.msk $0xffff, v10  }
0x268: {  	v10 =	vld [tilespmem:s6+$0x6930];
	_ =	sdelay $0x4  }
0x269: {  	[tilespmem:s12+$0xC930] =	vst.add.f32.msk $0xffff, v10  }
0x26a: {  	v10 =	vld [tilespmem:s6+$0x6940];
	_ =	sdelay $0x4  }
0x26b: {  	[tilespmem:s12+$0xC940] =	vst.add.f32.msk $0xffff, v10  }
0x26c: {  	v10 =	vld [tilespmem:s6+$0x6950];
	_ =	sdelay $0x4  }
0x26d: {  	[tilespmem:s12+$0xC950] =	vst.add.f32.msk $0xffff, v10  }
0x26e: {  	v10 =	vld [tilespmem:s6+$0x6960];
	_ =	sdelay $0x4  }
0x26f: {  	[tilespmem:s12+$0xC960] =	vst.add.f32.msk $0xffff, v10  }
0x270: {  	v10 =	vld [tilespmem:s6+$0x6970];
	_ =	sdelay $0x4  }
0x271: {  	[tilespmem:s12+$0xC970] =	vst.add.f32.msk $0xffff, v10  }
0x272: {  	v10 =	vld [tilespmem:s6+$0x6D00];
	_ =	sdelay $0x4  }
0x273: {  	[tilespmem:s12+$0xCD00] =	vst.add.f32.msk $0xffff, v10  }
0x274: {  	v10 =	vld [tilespmem:s6+$0x6D10];
	_ =	sdelay $0x4  }
0x275: {  	[tilespmem:s12+$0xCD10] =	vst.add.f32.msk $0xffff, v10  }
0x276: {  	v10 =	vld [tilespmem:s6+$0x6D20];
	_ =	sdelay $0x4  }
0x277: {  	[tilespmem:s12+$0xCD20] =	vst.add.f32.msk $0xffff, v10  }
0x278: {  	v10 =	vld [tilespmem:s6+$0x6D30];
	_ =	sdelay $0x4  }
0x279: {  	[tilespmem:s12+$0xCD30] =	vst.add.f32.msk $0xffff, v10  }
0x27a: {  	v10 =	vld [tilespmem:s6+$0x6D40];
	_ =	sdelay $0x4  }
0x27b: {  	[tilespmem:s12+$0xCD40] =	vst.add.f32.msk $0xffff, v10  }
0x27c: {  	v10 =	vld [tilespmem:s6+$0x6D50];
	_ =	sdelay $0x4  }
0x27d: {  	[tilespmem:s12+$0xCD50] =	vst.add.f32.msk $0xffff, v10  }
0x27e: {  	v10 =	vld [tilespmem:s6+$0x6D60];
	_ =	sdelay $0x4  }
0x27f: {  	[tilespmem:s12+$0xCD60] =	vst.add.f32.msk $0xffff, v10  }
0x280: {  	v10 =	vld [tilespmem:s6+$0x6D70];
	_ =	sdelay $0x4  }
0x281: {  	[tilespmem:s12+$0xCD70] =	vst.add.f32.msk $0xffff, v10  }
0x282: {  	v10 =	vld [tilespmem:s6+$0x7100];
	_ =	sdelay $0x4  }
0x283: {  	[tilespmem:s12+$0xD100] =	vst.add.f32.msk $0xffff, v10  }
0x284: {  	v10 =	vld [tilespmem:s6+$0x7110];
	_ =	sdelay $0x4  }
0x285: {  	[tilespmem:s12+$0xD110] =	vst.add.f32.msk $0xffff, v10  }
0x286: {  	v10 =	vld [tilespmem:s6+$0x7120];
	_ =	sdelay $0x4  }
0x287: {  	[tilespmem:s12+$0xD120] =	vst.add.f32.msk $0xffff, v10  }
0x288: {  	v10 =	vld [tilespmem:s6+$0x7130];
	_ =	sdelay $0x4  }
0x289: {  	[tilespmem:s12+$0xD130] =	vst.add.f32.msk $0xffff, v10  }
0x28a: {  	v10 =	vld [tilespmem:s6+$0x7140];
	_ =	sdelay $0x4  }
0x28b: {  	[tilespmem:s12+$0xD140] =	vst.add.f32.msk $0xffff, v10  }
0x28c: {  	v10 =	vld [tilespmem:s6+$0x7150];
	_ =	sdelay $0x4  }
0x28d: {  	[tilespmem:s12+$0xD150] =	vst.add.f32.msk $0xffff, v10  }
0x28e: {  	v10 =	vld [tilespmem:s6+$0x7160];
	_ =	sdelay $0x4  }
0x28f: {  	[tilespmem:s12+$0xD160] =	vst.add.f32.msk $0xffff, v10  }
0x290: {  	v10 =	vld [tilespmem:s6+$0x7170];
	_ =	sdelay $0x4  }
0x291: {  	[tilespmem:s12+$0xD170] =	vst.add.f32.msk $0xffff, v10  }
0x292: {  	v10 =	vld [tilespmem:s6+$0x7500];
	_ =	sdelay $0x4  }
0x293: {  	[tilespmem:s12+$0xD500] =	vst.add.f32.msk $0xffff, v10  }
0x294: {  	v10 =	vld [tilespmem:s6+$0x7510];
	_ =	sdelay $0x4  }
0x295: {  	[tilespmem:s12+$0xD510] =	vst.add.f32.msk $0xffff, v10  }
0x296: {  	v10 =	vld [tilespmem:s6+$0x7520];
	_ =	sdelay $0x4  }
0x297: {  	[tilespmem:s12+$0xD520] =	vst.add.f32.msk $0xffff, v10  }
0x298: {  	v10 =	vld [tilespmem:s6+$0x7530];
	_ =	sdelay $0x4  }
0x299: {  	[tilespmem:s12+$0xD530] =	vst.add.f32.msk $0xffff, v10  }
0x29a: {  	v10 =	vld [tilespmem:s6+$0x7540];
	_ =	sdelay $0x4  }
0x29b: {  	[tilespmem:s12+$0xD540] =	vst.add.f32.msk $0xffff, v10  }
0x29c: {  	v10 =	vld [tilespmem:s6+$0x7550];
	_ =	sdelay $0x4  }
0x29d: {  	[tilespmem:s12+$0xD550] =	vst.add.f32.msk $0xffff, v10  }
0x29e: {  	v10 =	vld [tilespmem:s6+$0x7560];
	_ =	sdelay $0x4  }
0x29f: {  	[tilespmem:s12+$0xD560] =	vst.add.f32.msk $0xffff, v10  }
0x2a0: {  	v10 =	vld [tilespmem:s6+$0x7570];
	_ =	sdelay $0x4  }
0x2a1: {  	[tilespmem:s12+$0xD570] =	vst.add.f32.msk $0xffff, v10  }
0x2a2: {  	v10 =	vld [tilespmem:s6+$0x7900];
	_ =	sdelay $0x4  }
0x2a3: {  	[tilespmem:s12+$0xD900] =	vst.add.f32.msk $0xffff, v10  }
0x2a4: {  	v10 =	vld [tilespmem:s6+$0x7910];
	_ =	sdelay $0x4  }
0x2a5: {  	[tilespmem:s12+$0xD910] =	vst.add.f32.msk $0xffff, v10  }
0x2a6: {  	v10 =	vld [tilespmem:s6+$0x7920];
	_ =	sdelay $0x4  }
0x2a7: {  	[tilespmem:s12+$0xD920] =	vst.add.f32.msk $0xffff, v10  }
0x2a8: {  	v10 =	vld [tilespmem:s6+$0x7930];
	_ =	sdelay $0x4  }
0x2a9: {  	[tilespmem:s12+$0xD930] =	vst.add.f32.msk $0xffff, v10  }
0x2aa: {  	v10 =	vld [tilespmem:s6+$0x7940];
	_ =	sdelay $0x4  }
0x2ab: {  	[tilespmem:s12+$0xD940] =	vst.add.f32.msk $0xffff, v10  }
0x2ac: {  	v10 =	vld [tilespmem:s6+$0x7950];
	_ =	sdelay $0x4  }
0x2ad: {  	[tilespmem:s12+$0xD950] =	vst.add.f32.msk $0xffff, v10  }
0x2ae: {  	v10 =	vld [tilespmem:s6+$0x7960];
	_ =	sdelay $0x4  }
0x2af: {  	[tilespmem:s12+$0xD960] =	vst.add.f32.msk $0xffff, v10  }
0x2b0: {  	v10 =	vld [tilespmem:s6+$0x7970];
	_ =	sdelay $0x4  }
0x2b1: {  	s14 =	sadd.s32 $0x1, s10;
	[tilespmem:s12+$0xD970] =	vst.add.f32.msk $0xffff, v10  }
0x2b2: {  	s13 =	simm.s32 $0x0;
	s6 =	simm.s32 $0x2;
	s12 =	simm.s32 $0x1;
	v10 =	vld [tilespmem:s14+$0x0]  }
.LBB2_14:
0x2b3: {  	p0 =	sne.s32 s6, $0x1F;
	_ =	sdelay $0x3  }
0x2b4: {  	(v2sf) =	vpush v10, $0x0;
	_ =	sdelay $0xa  }
0x2b5: {  	s16 =	sshrl.u32 s12, $0x3;
	s12 =	smov.u32 s6  }
0x2b6: {  	s16 =	smul.u32 $0x6000, s16  }
0x2b7: {  	s13 =	sadd.s32 $0x80, s13  }
0x2b8: {  	s31 =	sand.u32 $0x380, s13;
	s16 =	sshra.s32 s16, $0x2  }
0x2b9: {  	s31 =	sor.u32 s31, s16;
	s16 =	spop (v2sf)  }
0x2ba: {  	v10 =	vld [tilespmem:s31+$0x6500];
	s4 =	sshrl.u32 s16, $0x3  }
0x2bb: {  	s4 =	smul.u32 $0x6000, s4  }
0x2bc: {  	s16 =	sshll.u32 s16, $0x7  }
0x2bd: {  	s16 =	sand.u32 $0x380, s16;
	s4 =	sshra.s32 s4, $0x2  }
0x2be: {  	s16 =	sor.u32 s16, s4  }
0x2bf: {  	[tilespmem:s16+$0xC500] =	vst.add.f32.msk $0xffff, v10  }
0x2c0: {  	v10 =	vld [tilespmem:s31+$0x6510];
	_ =	sdelay $0x4  }
0x2c1: {  	[tilespmem:s16+$0xC510] =	vst.add.f32.msk $0xffff, v10  }
0x2c2: {  	v10 =	vld [tilespmem:s31+$0x6520];
	_ =	sdelay $0x4  }
0x2c3: {  	[tilespmem:s16+$0xC520] =	vst.add.f32.msk $0xffff, v10  }
0x2c4: {  	v10 =	vld [tilespmem:s31+$0x6530];
	_ =	sdelay $0x4  }
0x2c5: {  	[tilespmem:s16+$0xC530] =	vst.add.f32.msk $0xffff, v10  }
0x2c6: {  	v10 =	vld [tilespmem:s31+$0x6540];
	_ =	sdelay $0x4  }
0x2c7: {  	[tilespmem:s16+$0xC540] =	vst.add.f32.msk $0xffff, v10  }
0x2c8: {  	v10 =	vld [tilespmem:s31+$0x6550];
	_ =	sdelay $0x4  }
0x2c9: {  	[tilespmem:s16+$0xC550] =	vst.add.f32.msk $0xffff, v10  }
0x2ca: {  	v10 =	vld [tilespmem:s31+$0x6560];
	_ =	sdelay $0x4  }
0x2cb: {  	[tilespmem:s16+$0xC560] =	vst.add.f32.msk $0xffff, v10  }
0x2cc: {  	v10 =	vld [tilespmem:s31+$0x6570];
	_ =	sdelay $0x4  }
0x2cd: {  	[tilespmem:s16+$0xC570] =	vst.add.f32.msk $0xffff, v10  }
0x2ce: {  	v10 =	vld [tilespmem:s31+$0x6900];
	_ =	sdelay $0x4  }
0x2cf: {  	[tilespmem:s16+$0xC900] =	vst.add.f32.msk $0xffff, v10  }
0x2d0: {  	v10 =	vld [tilespmem:s31+$0x6910];
	_ =	sdelay $0x4  }
0x2d1: {  	[tilespmem:s16+$0xC910] =	vst.add.f32.msk $0xffff, v10  }
0x2d2: {  	v10 =	vld [tilespmem:s31+$0x6920];
	_ =	sdelay $0x4  }
0x2d3: {  	[tilespmem:s16+$0xC920] =	vst.add.f32.msk $0xffff, v10  }
0x2d4: {  	v10 =	vld [tilespmem:s31+$0x6930];
	_ =	sdelay $0x4  }
0x2d5: {  	[tilespmem:s16+$0xC930] =	vst.add.f32.msk $0xffff, v10  }
0x2d6: {  	v10 =	vld [tilespmem:s31+$0x6940];
	_ =	sdelay $0x4  }
0x2d7: {  	[tilespmem:s16+$0xC940] =	vst.add.f32.msk $0xffff, v10  }
0x2d8: {  	v10 =	vld [tilespmem:s31+$0x6950];
	_ =	sdelay $0x4  }
0x2d9: {  	[tilespmem:s16+$0xC950] =	vst.add.f32.msk $0xffff, v10  }
0x2da: {  	v10 =	vld [tilespmem:s31+$0x6960];
	_ =	sdelay $0x4  }
0x2db: {  	[tilespmem:s16+$0xC960] =	vst.add.f32.msk $0xffff, v10  }
0x2dc: {  	v10 =	vld [tilespmem:s31+$0x6970];
	_ =	sdelay $0x4  }
0x2dd: {  	[tilespmem:s16+$0xC970] =	vst.add.f32.msk $0xffff, v10  }
0x2de: {  	v10 =	vld [tilespmem:s31+$0x6D00];
	_ =	sdelay $0x4  }
0x2df: {  	[tilespmem:s16+$0xCD00] =	vst.add.f32.msk $0xffff, v10  }
0x2e0: {  	v10 =	vld [tilespmem:s31+$0x6D10];
	_ =	sdelay $0x4  }
0x2e1: {  	[tilespmem:s16+$0xCD10] =	vst.add.f32.msk $0xffff, v10  }
0x2e2: {  	v10 =	vld [tilespmem:s31+$0x6D20];
	_ =	sdelay $0x4  }
0x2e3: {  	[tilespmem:s16+$0xCD20] =	vst.add.f32.msk $0xffff, v10  }
0x2e4: {  	v10 =	vld [tilespmem:s31+$0x6D30];
	_ =	sdelay $0x4  }
0x2e5: {  	[tilespmem:s16+$0xCD30] =	vst.add.f32.msk $0xffff, v10  }
0x2e6: {  	v10 =	vld [tilespmem:s31+$0x6D40];
	_ =	sdelay $0x4  }
0x2e7: {  	[tilespmem:s16+$0xCD40] =	vst.add.f32.msk $0xffff, v10  }
0x2e8: {  	v10 =	vld [tilespmem:s31+$0x6D50];
	_ =	sdelay $0x4  }
0x2e9: {  	[tilespmem:s16+$0xCD50] =	vst.add.f32.msk $0xffff, v10  }
0x2ea: {  	v10 =	vld [tilespmem:s31+$0x6D60];
	_ =	sdelay $0x4  }
0x2eb: {  	[tilespmem:s16+$0xCD60] =	vst.add.f32.msk $0xffff, v10  }
0x2ec: {  	v10 =	vld [tilespmem:s31+$0x6D70];
	_ =	sdelay $0x4  }
0x2ed: {  	[tilespmem:s16+$0xCD70] =	vst.add.f32.msk $0xffff, v10  }
0x2ee: {  	v10 =	vld [tilespmem:s31+$0x7100];
	_ =	sdelay $0x4  }
0x2ef: {  	[tilespmem:s16+$0xD100] =	vst.add.f32.msk $0xffff, v10  }
0x2f0: {  	v10 =	vld [tilespmem:s31+$0x7110];
	_ =	sdelay $0x4  }
0x2f1: {  	[tilespmem:s16+$0xD110] =	vst.add.f32.msk $0xffff, v10  }
0x2f2: {  	v10 =	vld [tilespmem:s31+$0x7120];
	_ =	sdelay $0x4  }
0x2f3: {  	[tilespmem:s16+$0xD120] =	vst.add.f32.msk $0xffff, v10  }
0x2f4: {  	v10 =	vld [tilespmem:s31+$0x7130];
	_ =	sdelay $0x4  }
0x2f5: {  	[tilespmem:s16+$0xD130] =	vst.add.f32.msk $0xffff, v10  }
0x2f6: {  	v10 =	vld [tilespmem:s31+$0x7140];
	_ =	sdelay $0x4  }
0x2f7: {  	[tilespmem:s16+$0xD140] =	vst.add.f32.msk $0xffff, v10  }
0x2f8: {  	v10 =	vld [tilespmem:s31+$0x7150];
	_ =	sdelay $0x4  }
0x2f9: {  	[tilespmem:s16+$0xD150] =	vst.add.f32.msk $0xffff, v10  }
0x2fa: {  	v10 =	vld [tilespmem:s31+$0x7160];
	_ =	sdelay $0x4  }
0x2fb: {  	[tilespmem:s16+$0xD160] =	vst.add.f32.msk $0xffff, v10  }
0x2fc: {  	v10 =	vld [tilespmem:s31+$0x7170];
	_ =	sdelay $0x4  }
0x2fd: {  	[tilespmem:s16+$0xD170] =	vst.add.f32.msk $0xffff, v10  }
0x2fe: {  	v10 =	vld [tilespmem:s31+$0x7500];
	_ =	sdelay $0x4  }
0x2ff: {  	[tilespmem:s16+$0xD500] =	vst.add.f32.msk $0xffff, v10  }
0x300: {  	v10 =	vld [tilespmem:s31+$0x7510];
	_ =	sdelay $0x4  }
0x301: {  	[tilespmem:s16+$0xD510] =	vst.add.f32.msk $0xffff, v10  }
0x302: {  	v10 =	vld [tilespmem:s31+$0x7520];
	_ =	sdelay $0x4  }
0x303: {  	[tilespmem:s16+$0xD520] =	vst.add.f32.msk $0xffff, v10  }
0x304: {  	v10 =	vld [tilespmem:s31+$0x7530];
	_ =	sdelay $0x4  }
0x305: {  	[tilespmem:s16+$0xD530] =	vst.add.f32.msk $0xffff, v10  }
0x306: {  	v10 =	vld [tilespmem:s31+$0x7540];
	_ =	sdelay $0x4  }
0x307: {  	[tilespmem:s16+$0xD540] =	vst.add.f32.msk $0xffff, v10  }
0x308: {  	v10 =	vld [tilespmem:s31+$0x7550];
	_ =	sdelay $0x4  }
0x309: {  	[tilespmem:s16+$0xD550] =	vst.add.f32.msk $0xffff, v10  }
0x30a: {  	v10 =	vld [tilespmem:s31+$0x7560];
	_ =	sdelay $0x4  }
0x30b: {  	[tilespmem:s16+$0xD560] =	vst.add.f32.msk $0xffff, v10  }
0x30c: {  	v10 =	vld [tilespmem:s31+$0x7570];
	_ =	sdelay $0x4  }
0x30d: {  	[tilespmem:s16+$0xD570] =	vst.add.f32.msk $0xffff, v10  }
0x30e: {  	v10 =	vld [tilespmem:s31+$0x7900];
	_ =	sdelay $0x4  }
0x30f: {  	[tilespmem:s16+$0xD900] =	vst.add.f32.msk $0xffff, v10  }
0x310: {  	v10 =	vld [tilespmem:s31+$0x7910];
	_ =	sdelay $0x4  }
0x311: {  	[tilespmem:s16+$0xD910] =	vst.add.f32.msk $0xffff, v10  }
0x312: {  	v10 =	vld [tilespmem:s31+$0x7920];
	_ =	sdelay $0x4  }
0x313: {  	[tilespmem:s16+$0xD920] =	vst.add.f32.msk $0xffff, v10  }
0x314: {  	v10 =	vld [tilespmem:s31+$0x7930];
	_ =	sdelay $0x4  }
0x315: {  	[tilespmem:s16+$0xD930] =	vst.add.f32.msk $0xffff, v10  }
0x316: {  	v10 =	vld [tilespmem:s31+$0x7940];
	_ =	sdelay $0x4  }
0x317: {  	[tilespmem:s16+$0xD940] =	vst.add.f32.msk $0xffff, v10  }
0x318: {  	v10 =	vld [tilespmem:s31+$0x7950];
	_ =	sdelay $0x4  }
0x319: {  	[tilespmem:s16+$0xD950] =	vst.add.f32.msk $0xffff, v10  }
0x31a: {  	v10 =	vld [tilespmem:s31+$0x7960];
	_ =	sdelay $0x4  }
0x31b: {  	[tilespmem:s16+$0xD960] =	vst.add.f32.msk $0xffff, v10  }
0x31c: {  	v10 =	vld [tilespmem:s31+$0x7970];
	_ =	sdelay $0x1  }
.Ltmp13:
0x31d: {  	(pc) =	sbr.rel @p0 .LBB2_14-.Ltmp13, $3  }
0x31e: {  	_ =	sdelay $0x1  }
0x31f: {  	s14 =	sadd.s32 $0x1, s14;
	[tilespmem:s16+$0xD970] =	vst.add.f32.msk $0xffff, v10  }
0x320: {  	s6 =	sadd.s32 $0x1, s6;
	v10 =	vld [tilespmem:s14+$0x0]  }
0x321: {  	_ =	sdelay $0x3  }
0x322: {  	(v2sf) =	vpush v10, $0x0;
	_ =	sdelay $0xa  }
0x323: {  	s4 =	sshrl.u32 s12, $0x3  }
0x324: {  	s4 =	smul.u32 $0x6000, s4  }
0x325: {  	s6 =	sadd.s32 $0x80, s13  }
0x326: {  	s6 =	sand.u32 $0x380, s6;
	s4 =	sshra.s32 s4, $0x2  }
0x327: {  	s6 =	sor.u32 s6, s4;
	s16 =	spop (v2sf)  }
0x328: {  	v10 =	vld [tilespmem:s6+$0x6500];
	s31 =	sshrl.u32 s16, $0x3  }
0x329: {  	s12 =	smul.u32 $0x6000, s31  }
0x32a: {  	s4 =	sshll.u32 s16, $0x7  }
0x32b: {  	s4 =	sand.u32 $0x380, s4;
	s12 =	sshra.s32 s12, $0x2  }
0x32c: {  	s12 =	sor.u32 s4, s12  }
0x32d: {  	[tilespmem:s12+$0xC500] =	vst.add.f32.msk $0xffff, v10  }
0x32e: {  	v10 =	vld [tilespmem:s6+$0x6510];
	_ =	sdelay $0x4  }
0x32f: {  	[tilespmem:s12+$0xC510] =	vst.add.f32.msk $0xffff, v10  }
0x330: {  	v10 =	vld [tilespmem:s6+$0x6520];
	_ =	sdelay $0x4  }
0x331: {  	[tilespmem:s12+$0xC520] =	vst.add.f32.msk $0xffff, v10  }
0x332: {  	v10 =	vld [tilespmem:s6+$0x6530];
	_ =	sdelay $0x4  }
0x333: {  	[tilespmem:s12+$0xC530] =	vst.add.f32.msk $0xffff, v10  }
0x334: {  	v10 =	vld [tilespmem:s6+$0x6540];
	_ =	sdelay $0x4  }
0x335: {  	[tilespmem:s12+$0xC540] =	vst.add.f32.msk $0xffff, v10  }
0x336: {  	v10 =	vld [tilespmem:s6+$0x6550];
	_ =	sdelay $0x4  }
0x337: {  	[tilespmem:s12+$0xC550] =	vst.add.f32.msk $0xffff, v10  }
0x338: {  	v10 =	vld [tilespmem:s6+$0x6560];
	_ =	sdelay $0x4  }
0x339: {  	[tilespmem:s12+$0xC560] =	vst.add.f32.msk $0xffff, v10  }
0x33a: {  	v10 =	vld [tilespmem:s6+$0x6570];
	_ =	sdelay $0x4  }
0x33b: {  	[tilespmem:s12+$0xC570] =	vst.add.f32.msk $0xffff, v10  }
0x33c: {  	v10 =	vld [tilespmem:s6+$0x6900];
	_ =	sdelay $0x4  }
0x33d: {  	[tilespmem:s12+$0xC900] =	vst.add.f32.msk $0xffff, v10  }
0x33e: {  	v10 =	vld [tilespmem:s6+$0x6910];
	_ =	sdelay $0x4  }
0x33f: {  	[tilespmem:s12+$0xC910] =	vst.add.f32.msk $0xffff, v10  }
0x340: {  	v10 =	vld [tilespmem:s6+$0x6920];
	_ =	sdelay $0x4  }
0x341: {  	[tilespmem:s12+$0xC920] =	vst.add.f32.msk $0xffff, v10  }
0x342: {  	v10 =	vld [tilespmem:s6+$0x6930];
	_ =	sdelay $0x4  }
0x343: {  	[tilespmem:s12+$0xC930] =	vst.add.f32.msk $0xffff, v10  }
0x344: {  	v10 =	vld [tilespmem:s6+$0x6940];
	_ =	sdelay $0x4  }
0x345: {  	[tilespmem:s12+$0xC940] =	vst.add.f32.msk $0xffff, v10  }
0x346: {  	v10 =	vld [tilespmem:s6+$0x6950];
	_ =	sdelay $0x4  }
0x347: {  	[tilespmem:s12+$0xC950] =	vst.add.f32.msk $0xffff, v10  }
0x348: {  	v10 =	vld [tilespmem:s6+$0x6960];
	_ =	sdelay $0x4  }
0x349: {  	[tilespmem:s12+$0xC960] =	vst.add.f32.msk $0xffff, v10  }
0x34a: {  	v10 =	vld [tilespmem:s6+$0x6970];
	_ =	sdelay $0x4  }
0x34b: {  	[tilespmem:s12+$0xC970] =	vst.add.f32.msk $0xffff, v10  }
0x34c: {  	v10 =	vld [tilespmem:s6+$0x6D00];
	_ =	sdelay $0x4  }
0x34d: {  	[tilespmem:s12+$0xCD00] =	vst.add.f32.msk $0xffff, v10  }
0x34e: {  	v10 =	vld [tilespmem:s6+$0x6D10];
	_ =	sdelay $0x4  }
0x34f: {  	[tilespmem:s12+$0xCD10] =	vst.add.f32.msk $0xffff, v10  }
0x350: {  	v10 =	vld [tilespmem:s6+$0x6D20];
	_ =	sdelay $0x4  }
0x351: {  	[tilespmem:s12+$0xCD20] =	vst.add.f32.msk $0xffff, v10  }
0x352: {  	v10 =	vld [tilespmem:s6+$0x6D30];
	_ =	sdelay $0x4  }
0x353: {  	[tilespmem:s12+$0xCD30] =	vst.add.f32.msk $0xffff, v10  }
0x354: {  	v10 =	vld [tilespmem:s6+$0x6D40];
	_ =	sdelay $0x4  }
0x355: {  	[tilespmem:s12+$0xCD40] =	vst.add.f32.msk $0xffff, v10  }
0x356: {  	v10 =	vld [tilespmem:s6+$0x6D50];
	_ =	sdelay $0x4  }
0x357: {  	[tilespmem:s12+$0xCD50] =	vst.add.f32.msk $0xffff, v10  }
0x358: {  	v10 =	vld [tilespmem:s6+$0x6D60];
	_ =	sdelay $0x4  }
0x359: {  	[tilespmem:s12+$0xCD60] =	vst.add.f32.msk $0xffff, v10  }
0x35a: {  	v10 =	vld [tilespmem:s6+$0x6D70];
	_ =	sdelay $0x4  }
0x35b: {  	[tilespmem:s12+$0xCD70] =	vst.add.f32.msk $0xffff, v10  }
0x35c: {  	v10 =	vld [tilespmem:s6+$0x7100];
	_ =	sdelay $0x4  }
0x35d: {  	[tilespmem:s12+$0xD100] =	vst.add.f32.msk $0xffff, v10  }
0x35e: {  	v10 =	vld [tilespmem:s6+$0x7110];
	_ =	sdelay $0x4  }
0x35f: {  	[tilespmem:s12+$0xD110] =	vst.add.f32.msk $0xffff, v10  }
0x360: {  	v10 =	vld [tilespmem:s6+$0x7120];
	_ =	sdelay $0x4  }
0x361: {  	[tilespmem:s12+$0xD120] =	vst.add.f32.msk $0xffff, v10  }
0x362: {  	v10 =	vld [tilespmem:s6+$0x7130];
	_ =	sdelay $0x4  }
0x363: {  	[tilespmem:s12+$0xD130] =	vst.add.f32.msk $0xffff, v10  }
0x364: {  	v10 =	vld [tilespmem:s6+$0x7140];
	_ =	sdelay $0x4  }
0x365: {  	[tilespmem:s12+$0xD140] =	vst.add.f32.msk $0xffff, v10  }
0x366: {  	v10 =	vld [tilespmem:s6+$0x7150];
	_ =	sdelay $0x4  }
0x367: {  	[tilespmem:s12+$0xD150] =	vst.add.f32.msk $0xffff, v10  }
0x368: {  	v10 =	vld [tilespmem:s6+$0x7160];
	_ =	sdelay $0x4  }
0x369: {  	[tilespmem:s12+$0xD160] =	vst.add.f32.msk $0xffff, v10  }
0x36a: {  	v10 =	vld [tilespmem:s6+$0x7170];
	_ =	sdelay $0x4  }
0x36b: {  	[tilespmem:s12+$0xD170] =	vst.add.f32.msk $0xffff, v10  }
0x36c: {  	v10 =	vld [tilespmem:s6+$0x7500];
	_ =	sdelay $0x4  }
0x36d: {  	[tilespmem:s12+$0xD500] =	vst.add.f32.msk $0xffff, v10  }
0x36e: {  	v10 =	vld [tilespmem:s6+$0x7510];
	_ =	sdelay $0x4  }
0x36f: {  	[tilespmem:s12+$0xD510] =	vst.add.f32.msk $0xffff, v10  }
0x370: {  	v10 =	vld [tilespmem:s6+$0x7520];
	_ =	sdelay $0x4  }
0x371: {  	[tilespmem:s12+$0xD520] =	vst.add.f32.msk $0xffff, v10  }
0x372: {  	v10 =	vld [tilespmem:s6+$0x7530];
	_ =	sdelay $0x4  }
0x373: {  	[tilespmem:s12+$0xD530] =	vst.add.f32.msk $0xffff, v10  }
0x374: {  	v10 =	vld [tilespmem:s6+$0x7540];
	_ =	sdelay $0x4  }
0x375: {  	[tilespmem:s12+$0xD540] =	vst.add.f32.msk $0xffff, v10  }
0x376: {  	v10 =	vld [tilespmem:s6+$0x7550];
	_ =	sdelay $0x4  }
0x377: {  	[tilespmem:s12+$0xD550] =	vst.add.f32.msk $0xffff, v10  }
0x378: {  	v10 =	vld [tilespmem:s6+$0x7560];
	_ =	sdelay $0x4  }
0x379: {  	[tilespmem:s12+$0xD560] =	vst.add.f32.msk $0xffff, v10  }
0x37a: {  	v10 =	vld [tilespmem:s6+$0x7570];
	_ =	sdelay $0x4  }
0x37b: {  	[tilespmem:s12+$0xD570] =	vst.add.f32.msk $0xffff, v10  }
0x37c: {  	v10 =	vld [tilespmem:s6+$0x7900];
	_ =	sdelay $0x4  }
0x37d: {  	[tilespmem:s12+$0xD900] =	vst.add.f32.msk $0xffff, v10  }
0x37e: {  	v10 =	vld [tilespmem:s6+$0x7910];
	_ =	sdelay $0x4  }
0x37f: {  	[tilespmem:s12+$0xD910] =	vst.add.f32.msk $0xffff, v10  }
0x380: {  	v10 =	vld [tilespmem:s6+$0x7920];
	_ =	sdelay $0x4  }
0x381: {  	[tilespmem:s12+$0xD920] =	vst.add.f32.msk $0xffff, v10  }
0x382: {  	v10 =	vld [tilespmem:s6+$0x7930];
	_ =	sdelay $0x4  }
0x383: {  	[tilespmem:s12+$0xD930] =	vst.add.f32.msk $0xffff, v10  }
0x384: {  	v10 =	vld [tilespmem:s6+$0x7940];
	_ =	sdelay $0x4  }
0x385: {  	[tilespmem:s12+$0xD940] =	vst.add.f32.msk $0xffff, v10  }
0x386: {  	v10 =	vld [tilespmem:s6+$0x7950];
	_ =	sdelay $0x4  }
0x387: {  	[tilespmem:s12+$0xD950] =	vst.add.f32.msk $0xffff, v10  }
0x388: {  	v10 =	vld [tilespmem:s6+$0x7960];
	_ =	sdelay $0x4  }
0x389: {  	s11 =	sadd.s32 $0x1, s11;
	[tilespmem:s12+$0xD960] =	vst.add.f32.msk $0xffff, v10  }
0x38a: {  	p0 =	sne.s32 s11, s2;
	v10 =	vld [tilespmem:s6+$0x7970]  }
.Ltmp14:
0x38b: {  	_ = 	snop;
	(pc) =	sbr.rel @p0 .LBB2_13-.Ltmp14, $4  }
.Ltmp15:
0x38c: {  	_ = 	snop;
	(pc) =	sbr.rel @!p0 .LBB2_16-.Ltmp15, $4  }
0x38d: {  	_ = 	snop  }
0x38e: {  	_ = 	snop  }
0x38f: {  	s10 =	sadd.s32 $0x20, s10;
	[tilespmem:s12+$0xD970] =	vst.add.f32.msk $0xffff, v10  }
0x390: {  	_ = 	snop  }
.LBB2_17:
0x391: {  	s0 =	simm.s32 $0x0;
	s1 =	rddreg [dreg:$0x5];
	s2 =	simm.s32 $0xC500  }
0x392: {  	[hbm4b:s1+s0] =	stream.linear.scatter [tilespmem:s2], [sflag:$0x2], $0xF000, $0x38;
	[tilespmem:$0x1B500] =	vst v63  }
0x393: {  	_ =	swait.ge [sflag:s15], $0xF000  }
0x394: {  	[sflag:s15] =	ssyncset.done $0x0  }
.Ltmp16:
0x395: {  	s31 =	rddreg [dreg:$0x3];
	[sflag:s15] =	ssyncadd.s32 $0xFFFF1000;
	(pc) =	sbr.rel .LBB2_18-.Ltmp16, $4  }
0x396: {  	[tilespmem:s2], [sflag:$0x2] =	stream.linear.gather [hbm4b:s31+s0], $0xF000, $0x38;
	[tilespmem:$0x1B500] =	vst v63  }
0x397: {  	_ =	swait.ge [sflag:s15], $0xF000  }
0x398: {  	[sflag:s15] =	ssyncset.done $0x0  }
0x399: {  	s1 =	simm.s32 $0x0;
	[sflag:s15] =	ssyncadd.s32 $0xFFFF1000  }
.LBB2_24:
0x39a: {  	s1 =	sadd.s32 $0x1, s1  }
0x39b: {  	p0 =	sne.s32 s1, $0x10  }
.Ltmp17:
0x39c: {  	_ = 	snop;
	(pc) =	sbr.rel @!p0 .LBB2_25-.Ltmp17, $1  }
0x39d: {  	_ =	sdelay $0x3  }
.LBB2_18:
0x39e: {  	s2 =	smul.u32 $0x320, s1  }
0x39f: {  	s4 =	rddreg [dreg:$0x2]  }
0x3a0: {  	s4 =	sadd.s32 s4, s2  }
0x3a1: {  	[tilespmem:s0], [sflag:$0x2] =	stream.linear.gather [hbm4b:s4+s0], $0x1900, $0x38;
	[tilespmem:$0x1B500] =	vst v63  }
0x3a2: {  	_ =	swait.ge [sflag:s15], $0x1900  }
0x3a3: {  	[sflag:s15] =	ssyncset.done $0x0  }
0x3a4: {  	s16 =	simm.s32 $0x1900;
	s2 =	sadd.s32 s5, s2;
	[sflag:s15] =	ssyncadd.s32 $0xFFFFE700  }
0x3a5: {  	[tilespmem:s16], [sflag:$0x2] =	stream.linear.gather [hbm4b:s2+s0], $0x1900, $0x38;
	[tilespmem:$0x1B500] =	vst v63  }
0x3a6: {  	_ =	swait.ge [sflag:s15], $0x1900  }
0x3a7: {  	[sflag:s15] =	ssyncset.done $0x0  }
0x3a8: {  	s31 =	simm.s32 $0x0;
	[sflag:s15] =	ssyncadd.s32 $0xFFFFE700  }
0x3a9: {  	v10 =	vld [tilespmem:s31+$0x1900];
	_ =	sdelay $0x4  }
0x3aa: {  	vm1 =	vge.s32 v10, v2;
	vm2 =	vlt.s32 v10, v3  }
0x3ab: {  	vm1 =	vmand vm1, vm2  }
0x3ac: {  	v11 =	vsel vm1, $0x1, v5  }
0x3ad: {  	(xrf0) =	vadd.scan.msk.s32 $0xffff, v11;
	_ =	sdelay $0x3  }
0x3ae: {  	v10 =	vsub.s32 v10, v2  }
0x3af: {  	[tilespmem:s0+$0x4B80] =	vst.msk vm1, v10  }
0x3b0: {  	v10 =	vld [tilespmem:s31+$0x0];
	v11, _, _ =	vpop (xrf0)  }
0x3b1: {  	(v2sf) =	vpush v11, $0xF;
	_ =	sdelay $0x3  }
0x3b2: {  	s6 =	simm.s32 $0x10;
	s9 =	simm.s32 $0x80;
	s2 =	simm.s32 $0x0;
	[tilespmem:s0+$0x3200] =	vst.msk vm1, v10  }
.LBB2_19:
0x3b3: {  	p0 =	sne.s32 s9, $0x63C0;
	v10 =	vld [tilespmem:s6+$0x1900];
	_ =	sdelay $0x4  }
0x3b4: {  	vm1 =	vge.s32 v10, v2;
	vm2 =	vlt.s32 v10, v3;
	v10 =	vsub.s32 v10, v2  }
0x3b5: {  	vm1 =	vmand vm1, vm2  }
0x3b6: {  	v11 =	vsel vm1, $0x1, v5  }
0x3b7: {  	(xrf0) =	vadd.scan.msk.s32 $0xffff, v11;
	_ =	sdelay $0x1  }
0x3b8: {  	s4 =	spop (v2sf)  }
0x3b9: {  	s2 =	sadd.s32 s2, s4  }
0x3ba: {  	[tilespmem:s2+$0x4B80] =	vst.msk vm1, v10  }
0x3bb: {  	v10 =	vld [tilespmem:s6+$0x0]  }
0x3bc: {  	v11, _, _ =	vpop (xrf0)  }
.Ltmp18:
0x3bd: {  	(v2sf) =	vpush v11, $0xF;
	(pc) =	sbr.rel @p0 .LBB2_19-.Ltmp18, $3  }
0x3be: {  	_ =	sdelay $0x1  }
0x3bf: {  	[tilespmem:s2+$0x3200] =	vst.msk vm1, v10  }
0x3c0: {  	s6 =	sshra.s32 s9, $0x2;
	s9 =	sadd.s32 $0x40, s9  }
0x3c1: {  	v10 =	vld [tilespmem:s6+$0x1900];
	_ =	sdelay $0x4  }
0x3c2: {  	vm1 =	vge.s32 v10, v2;
	vm2 =	vlt.s32 v10, v3  }
0x3c3: {  	vm1 =	vmand vm1, vm2  }
0x3c4: {  	v11 =	vsel vm1, $0x1, v5  }
0x3c5: {  	(xrf0) =	vadd.scan.msk.s32 $0xffff, v11;
	_ =	sdelay $0x5  }
0x3c6: {  	v11, _, _ =	vpop (xrf0)  }
0x3c7: {  	(v2sf) =	vpush v11, $0xF;
	_ =	sdelay $0xd  }
0x3c8: {  	s4 =	spop (v2sf)  }
0x3c9: {  	v10 =	vsub.s32 v10, v2;
	s2 =	sadd.s32 s2, s4;
	s13 =	spop (v2sf)  }
0x3ca: {  	[tilespmem:s2+$0x4B80] =	vst.msk vm1, v10;
	s4 =	sadd.s32 s2, s13  }
0x3cb: {  	v10 =	vld [tilespmem:s6+$0x0];
	s14 =	sadd.s32 $0x1F, s4  }
0x3cc: {  	s9 =	sand.u32 $0x1F, s14  }
0x3cd: {  	s16 =	sshra.s32 s14, $0x1F;
	p1 =	slt.s32 s14, $0x1;
	p0 =	sne.s32 s9, $0x0  }
0x3ce: {  	s9 =	sshrl.u32 s16, $0x1B;
	p0 =	por !p1, !p0  }
0x3cf: {  	s6 =	simm.s32 $0x1;
	s31 =	sadd.s32 s9, s14;
	p0 =	por !p0, !p0  }
0x3d0: {  	[tilespmem:s2+$0x3200] =	vst.msk vm1, v10;
	s2 =	sshra.s32 s31, $0x5;
	s6 =	simm.s32 @!p0 $0x0  }
0x3d1: {  	s2 =	ssub.s32 s2, s6  }
0x3d2: {  	p0 =	slt.s32 s2, $0x1  }
.Ltmp19:
0x3d3: {  	_ = 	snop;
	(pc) =	sbr.rel @p0 .LBB2_24-.Ltmp19, $4  }
0x3d4: {  	[tilespmem:s4+$0x4B80] =	vst v5  }
0x3d5: {  	[tilespmem:s4+$0x3200] =	vst v6  }
0x3d6: {  	[tilespmem:s4+$0x4B90] =	vst v5  }
0x3d7: {  	s10 =	simm.s32 $0x4B80;
	s11 =	simm.s32 $0x0;
	[tilespmem:s4+$0x3210] =	vst v6;
	s9 =	simm.s32 $0x0  }
.LBB2_21:
0x3d8: {  	s4 =	sshll.u32 s11, $0x5  }
0x3d9: {  	v10 =	vld [tilespmem:s4+$0x3200];
	_ =	sdelay $0x4  }
0x3da: {  	v11 =	vshrl.u32 v10, $0x3  }
0x3db: {  	v11 =	vmul.u32 $0x30, v11  }
0x3dc: {  	v10 =	vand.u32 $0x7, v10  }
0x3dd: {  	v10 =	vor.u32 v10, v11  }
0x3de: {  	v11 =	vperm.xlane v10, v7;
	_ =	sdelay $0x1  }
0x3df: {  	v11 =	vadd.s32 v8, v11;
	_ =	sdelay $0x3  }
0x3e0: {  	v10 =	vperm.xlane v10, v9  }
0x3e1: {  	[tilespmem:s18], [sflag:$0x1] =	stream.indirect_vreg.gather [hbm4b:s3+s9], $0x80, v11, vm0, $0xb8;
	[tilespmem:$0x1B500] =	vst v63  }
0x3e2: {  	v10 =	vadd.s32 v8, v10  }
0x3e3: {  	[tilespmem:s19], [sflag:$0x1] =	stream.indirect_vreg.gather [hbm4b:s7+s9], $0x80, v11, vm0, $0xb8;
	[tilespmem:$0x1B500] =	vst v63  }
0x3e4: {  	_ = 	snop  }
0x3e5: {  	[tilespmem:s20], [sflag:$0x1] =	stream.indirect_vreg.gather [hbm4b:s8+s9], $0x80, v11, vm0, $0xb8;
	[tilespmem:$0x1B500] =	vst v63  }
0x3e6: {  	_ = 	snop  }
0x3e7: {  	[tilespmem:s21], [sflag:$0x1] =	stream.indirect_vreg.gather [hbm4b:s3+s9], $0x80, v10, vm0, $0xb8;
	[tilespmem:$0x1B500] =	vst v63  }
0x3e8: {  	_ = 	snop  }
0x3e9: {  	[tilespmem:s22], [sflag:$0x1] =	stream.indirect_vreg.gather [hbm4b:s7+s9], $0x80, v10, vm0, $0xb8;
	[tilespmem:$0x1B500] =	vst v63  }
0x3ea: {  	_ = 	snop  }
0x3eb: {  	[tilespmem:s23], [sflag:$0x1] =	stream.indirect_vreg.gather [hbm4b:s8+s9], $0x80, v10, vm0, $0xb8;
	[tilespmem:$0x1B500] =	vst v63  }
0x3ec: {  	v10 =	vld [tilespmem:s4+$0x3210];
	_ =	sdelay $0x4  }
0x3ed: {  	v11 =	vshrl.u32 v10, $0x3  }
0x3ee: {  	v11 =	vmul.u32 $0x30, v11  }
0x3ef: {  	v10 =	vand.u32 $0x7, v10  }
0x3f0: {  	v10 =	vor.u32 v10, v11  }
0x3f1: {  	v11 =	vperm.xlane v10, v7;
	_ =	sdelay $0x1  }
0x3f2: {  	v11 =	vadd.s32 v8, v11;
	_ =	sdelay $0x3  }
0x3f3: {  	v10 =	vperm.xlane v10, v9  }
0x3f4: {  	[tilespmem:s24], [sflag:$0x1] =	stream.indirect_vreg.gather [hbm4b:s3+s9], $0x80, v11, vm0, $0xb8;
	[tilespmem:$0x1B500] =	vst v63  }
0x3f5: {  	v10 =	vadd.s32 v8, v10  }
0x3f6: {  	[tilespmem:s25], [sflag:$0x1] =	stream.indirect_vreg.gather [hbm4b:s7+s9], $0x80, v11, vm0, $0xb8;
	[tilespmem:$0x1B500] =	vst v63  }
0x3f7: {  	_ = 	snop  }
0x3f8: {  	[tilespmem:s26], [sflag:$0x1] =	stream.indirect_vreg.gather [hbm4b:s8+s9], $0x80, v11, vm0, $0xb8;
	[tilespmem:$0x1B500] =	vst v63  }
0x3f9: {  	_ = 	snop  }
0x3fa: {  	[tilespmem:s28], [sflag:$0x1] =	stream.indirect_vreg.gather [hbm4b:s3+s9], $0x80, v10, vm0, $0xb8;
	[tilespmem:$0x1B500] =	vst v63  }
0x3fb: {  	_ = 	snop  }
0x3fc: {  	[tilespmem:s29], [sflag:$0x1] =	stream.indirect_vreg.gather [hbm4b:s7+s9], $0x80, v10, vm0, $0xb8;
	[tilespmem:$0x1B500] =	vst v63  }
0x3fd: {  	_ = 	snop  }
0x3fe: {  	[tilespmem:s30], [sflag:$0x1] =	stream.indirect_vreg.gather [hbm4b:s8+s9], $0x80, v10, vm0, $0xb8;
	[tilespmem:$0x1B500] =	vst v63  }
0x3ff: {  	_ =	swait.ge [sflag:s17], $0x6000  }
0x400: {  	[sflag:s17] =	ssyncset.done $0x0  }
0x401: {  	[sflag:s17] =	ssyncadd.s32 $0xFFFFA000  }
0x402: {  	v10 =	vld [tilespmem:s10+$0x0];
	_ =	sdelay $0x4  }
0x403: {  	(v2sf) =	vpush v10, $0x0;
	_ =	sdelay $0xa  }
0x404: {  	s16 =	simm.s32 $0x0  }
0x405: {  	s4 =	smul.u32 $0x6000, s16;
	_ =	sdelay $0x1  }
0x406: {  	s6 =	sand.u32 $0x380, s9;
	s4 =	sshra.s32 s4, $0x2  }
0x407: {  	s6 =	sor.u32 s6, s4;
	s31 =	spop (v2sf)  }
0x408: {  	v10 =	vld [tilespmem:s6+$0x6500];
	s12 =	sshrl.u32 s31, $0x3  }
0x409: {  	s12 =	smul.u32 $0x6000, s12  }
0x40a: {  	s4 =	sshll.u32 s31, $0x7  }
0x40b: {  	s4 =	sand.u32 $0x380, s4;
	s12 =	sshra.s32 s12, $0x2  }
0x40c: {  	s12 =	sor.u32 s4, s12  }
0x40d: {  	[tilespmem:s12+$0xC500] =	vst.add.f32.msk $0xffff, v10  }
0x40e: {  	v10 =	vld [tilespmem:s6+$0x6510];
	_ =	sdelay $0x4  }
0x40f: {  	[tilespmem:s12+$0xC510] =	vst.add.f32.msk $0xffff, v10  }
0x410: {  	v10 =	vld [tilespmem:s6+$0x6520];
	_ =	sdelay $0x4  }
0x411: {  	[tilespmem:s12+$0xC520] =	vst.add.f32.msk $0xffff, v10  }
0x412: {  	v10 =	vld [tilespmem:s6+$0x6530];
	_ =	sdelay $0x4  }
0x413: {  	[tilespmem:s12+$0xC530] =	vst.add.f32.msk $0xffff, v10  }
0x414: {  	v10 =	vld [tilespmem:s6+$0x6540];
	_ =	sdelay $0x4  }
0x415: {  	[tilespmem:s12+$0xC540] =	vst.add.f32.msk $0xffff, v10  }
0x416: {  	v10 =	vld [tilespmem:s6+$0x6550];
	_ =	sdelay $0x4  }
0x417: {  	[tilespmem:s12+$0xC550] =	vst.add.f32.msk $0xffff, v10  }
0x418: {  	v10 =	vld [tilespmem:s6+$0x6560];
	_ =	sdelay $0x4  }
0x419: {  	[tilespmem:s12+$0xC560] =	vst.add.f32.msk $0xffff, v10  }
0x41a: {  	v10 =	vld [tilespmem:s6+$0x6570];
	_ =	sdelay $0x4  }
0x41b: {  	[tilespmem:s12+$0xC570] =	vst.add.f32.msk $0xffff, v10  }
0x41c: {  	v10 =	vld [tilespmem:s6+$0x6900];
	_ =	sdelay $0x4  }
0x41d: {  	[tilespmem:s12+$0xC900] =	vst.add.f32.msk $0xffff, v10  }
0x41e: {  	v10 =	vld [tilespmem:s6+$0x6910];
	_ =	sdelay $0x4  }
0x41f: {  	[tilespmem:s12+$0xC910] =	vst.add.f32.msk $0xffff, v10  }
0x420: {  	v10 =	vld [tilespmem:s6+$0x6920];
	_ =	sdelay $0x4  }
0x421: {  	[tilespmem:s12+$0xC920] =	vst.add.f32.msk $0xffff, v10  }
0x422: {  	v10 =	vld [tilespmem:s6+$0x6930];
	_ =	sdelay $0x4  }
0x423: {  	[tilespmem:s12+$0xC930] =	vst.add.f32.msk $0xffff, v10  }
0x424: {  	v10 =	vld [tilespmem:s6+$0x6940];
	_ =	sdelay $0x4  }
0x425: {  	[tilespmem:s12+$0xC940] =	vst.add.f32.msk $0xffff, v10  }
0x426: {  	v10 =	vld [tilespmem:s6+$0x6950];
	_ =	sdelay $0x4  }
0x427: {  	[tilespmem:s12+$0xC950] =	vst.add.f32.msk $0xffff, v10  }
0x428: {  	v10 =	vld [tilespmem:s6+$0x6960];
	_ =	sdelay $0x4  }
0x429: {  	[tilespmem:s12+$0xC960] =	vst.add.f32.msk $0xffff, v10  }
0x42a: {  	v10 =	vld [tilespmem:s6+$0x6970];
	_ =	sdelay $0x4  }
0x42b: {  	[tilespmem:s12+$0xC970] =	vst.add.f32.msk $0xffff, v10  }
0x42c: {  	v10 =	vld [tilespmem:s6+$0x6D00];
	_ =	sdelay $0x4  }
0x42d: {  	[tilespmem:s12+$0xCD00] =	vst.add.f32.msk $0xffff, v10  }
0x42e: {  	v10 =	vld [tilespmem:s6+$0x6D10];
	_ =	sdelay $0x4  }
0x42f: {  	[tilespmem:s12+$0xCD10] =	vst.add.f32.msk $0xffff, v10  }
0x430: {  	v10 =	vld [tilespmem:s6+$0x6D20];
	_ =	sdelay $0x4  }
0x431: {  	[tilespmem:s12+$0xCD20] =	vst.add.f32.msk $0xffff, v10  }
0x432: {  	v10 =	vld [tilespmem:s6+$0x6D30];
	_ =	sdelay $0x4  }
0x433: {  	[tilespmem:s12+$0xCD30] =	vst.add.f32.msk $0xffff, v10  }
0x434: {  	v10 =	vld [tilespmem:s6+$0x6D40];
	_ =	sdelay $0x4  }
0x435: {  	[tilespmem:s12+$0xCD40] =	vst.add.f32.msk $0xffff, v10  }
0x436: {  	v10 =	vld [tilespmem:s6+$0x6D50];
	_ =	sdelay $0x4  }
0x437: {  	[tilespmem:s12+$0xCD50] =	vst.add.f32.msk $0xffff, v10  }
0x438: {  	v10 =	vld [tilespmem:s6+$0x6D60];
	_ =	sdelay $0x4  }
0x439: {  	[tilespmem:s12+$0xCD60] =	vst.add.f32.msk $0xffff, v10  }
0x43a: {  	v10 =	vld [tilespmem:s6+$0x6D70];
	_ =	sdelay $0x4  }
0x43b: {  	[tilespmem:s12+$0xCD70] =	vst.add.f32.msk $0xffff, v10  }
0x43c: {  	v10 =	vld [tilespmem:s6+$0x7100];
	_ =	sdelay $0x4  }
0x43d: {  	[tilespmem:s12+$0xD100] =	vst.add.f32.msk $0xffff, v10  }
0x43e: {  	v10 =	vld [tilespmem:s6+$0x7110];
	_ =	sdelay $0x4  }
0x43f: {  	[tilespmem:s12+$0xD110] =	vst.add.f32.msk $0xffff, v10  }
0x440: {  	v10 =	vld [tilespmem:s6+$0x7120];
	_ =	sdelay $0x4  }
0x441: {  	[tilespmem:s12+$0xD120] =	vst.add.f32.msk $0xffff, v10  }
0x442: {  	v10 =	vld [tilespmem:s6+$0x7130];
	_ =	sdelay $0x4  }
0x443: {  	[tilespmem:s12+$0xD130] =	vst.add.f32.msk $0xffff, v10  }
0x444: {  	v10 =	vld [tilespmem:s6+$0x7140];
	_ =	sdelay $0x4  }
0x445: {  	[tilespmem:s12+$0xD140] =	vst.add.f32.msk $0xffff, v10  }
0x446: {  	v10 =	vld [tilespmem:s6+$0x7150];
	_ =	sdelay $0x4  }
0x447: {  	[tilespmem:s12+$0xD150] =	vst.add.f32.msk $0xffff, v10  }
0x448: {  	v10 =	vld [tilespmem:s6+$0x7160];
	_ =	sdelay $0x4  }
0x449: {  	[tilespmem:s12+$0xD160] =	vst.add.f32.msk $0xffff, v10  }
0x44a: {  	v10 =	vld [tilespmem:s6+$0x7170];
	_ =	sdelay $0x4  }
0x44b: {  	[tilespmem:s12+$0xD170] =	vst.add.f32.msk $0xffff, v10  }
0x44c: {  	v10 =	vld [tilespmem:s6+$0x7500];
	_ =	sdelay $0x4  }
0x44d: {  	[tilespmem:s12+$0xD500] =	vst.add.f32.msk $0xffff, v10  }
0x44e: {  	v10 =	vld [tilespmem:s6+$0x7510];
	_ =	sdelay $0x4  }
0x44f: {  	[tilespmem:s12+$0xD510] =	vst.add.f32.msk $0xffff, v10  }
0x450: {  	v10 =	vld [tilespmem:s6+$0x7520];
	_ =	sdelay $0x4  }
0x451: {  	[tilespmem:s12+$0xD520] =	vst.add.f32.msk $0xffff, v10  }
0x452: {  	v10 =	vld [tilespmem:s6+$0x7530];
	_ =	sdelay $0x4  }
0x453: {  	[tilespmem:s12+$0xD530] =	vst.add.f32.msk $0xffff, v10  }
0x454: {  	v10 =	vld [tilespmem:s6+$0x7540];
	_ =	sdelay $0x4  }
0x455: {  	[tilespmem:s12+$0xD540] =	vst.add.f32.msk $0xffff, v10  }
0x456: {  	v10 =	vld [tilespmem:s6+$0x7550];
	_ =	sdelay $0x4  }
0x457: {  	[tilespmem:s12+$0xD550] =	vst.add.f32.msk $0xffff, v10  }
0x458: {  	v10 =	vld [tilespmem:s6+$0x7560];
	_ =	sdelay $0x4  }
0x459: {  	[tilespmem:s12+$0xD560] =	vst.add.f32.msk $0xffff, v10  }
0x45a: {  	v10 =	vld [tilespmem:s6+$0x7570];
	_ =	sdelay $0x4  }
0x45b: {  	[tilespmem:s12+$0xD570] =	vst.add.f32.msk $0xffff, v10  }
0x45c: {  	v10 =	vld [tilespmem:s6+$0x7900];
	_ =	sdelay $0x4  }
0x45d: {  	[tilespmem:s12+$0xD900] =	vst.add.f32.msk $0xffff, v10  }
0x45e: {  	v10 =	vld [tilespmem:s6+$0x7910];
	_ =	sdelay $0x4  }
0x45f: {  	[tilespmem:s12+$0xD910] =	vst.add.f32.msk $0xffff, v10  }
0x460: {  	v10 =	vld [tilespmem:s6+$0x7920];
	_ =	sdelay $0x4  }
0x461: {  	[tilespmem:s12+$0xD920] =	vst.add.f32.msk $0xffff, v10  }
0x462: {  	v10 =	vld [tilespmem:s6+$0x7930];
	_ =	sdelay $0x4  }
0x463: {  	[tilespmem:s12+$0xD930] =	vst.add.f32.msk $0xffff, v10  }
0x464: {  	v10 =	vld [tilespmem:s6+$0x7940];
	_ =	sdelay $0x4  }
0x465: {  	[tilespmem:s12+$0xD940] =	vst.add.f32.msk $0xffff, v10  }
0x466: {  	v10 =	vld [tilespmem:s6+$0x7950];
	_ =	sdelay $0x4  }
0x467: {  	[tilespmem:s12+$0xD950] =	vst.add.f32.msk $0xffff, v10  }
0x468: {  	v10 =	vld [tilespmem:s6+$0x7960];
	_ =	sdelay $0x4  }
0x469: {  	[tilespmem:s12+$0xD960] =	vst.add.f32.msk $0xffff, v10  }
0x46a: {  	v10 =	vld [tilespmem:s6+$0x7970];
	_ =	sdelay $0x4  }
0x46b: {  	s14 =	sadd.s32 $0x1, s10;
	[tilespmem:s12+$0xD970] =	vst.add.f32.msk $0xffff, v10  }
0x46c: {  	s13 =	simm.s32 $0x0;
	s6 =	simm.s32 $0x2;
	s12 =	simm.s32 $0x1;
	v10 =	vld [tilespmem:s14+$0x0]  }
.LBB2_22:
0x46d: {  	p0 =	sne.s32 s6, $0x1F;
	_ =	sdelay $0x3  }
0x46e: {  	(v2sf) =	vpush v10, $0x0;
	_ =	sdelay $0xa  }
0x46f: {  	s4 =	sshrl.u32 s12, $0x3;
	s12 =	smov.u32 s6  }
0x470: {  	s4 =	smul.u32 $0x6000, s4  }
0x471: {  	s13 =	sadd.s32 $0x80, s13  }
0x472: {  	s16 =	sand.u32 $0x380, s13;
	s4 =	sshra.s32 s4, $0x2  }
0x473: {  	s31 =	sor.u32 s16, s4;
	s4 =	spop (v2sf)  }
0x474: {  	v10 =	vld [tilespmem:s31+$0x6500];
	s16 =	sshrl.u32 s4, $0x3  }
0x475: {  	s16 =	smul.u32 $0x6000, s16  }
0x476: {  	s4 =	sshll.u32 s4, $0x7  }
0x477: {  	s4 =	sand.u32 $0x380, s4;
	s16 =	sshra.s32 s16, $0x2  }
0x478: {  	s16 =	sor.u32 s4, s16  }
0x479: {  	[tilespmem:s16+$0xC500] =	vst.add.f32.msk $0xffff, v10  }
0x47a: {  	v10 =	vld [tilespmem:s31+$0x6510];
	_ =	sdelay $0x4  }
0x47b: {  	[tilespmem:s16+$0xC510] =	vst.add.f32.msk $0xffff, v10  }
0x47c: {  	v10 =	vld [tilespmem:s31+$0x6520];
	_ =	sdelay $0x4  }
0x47d: {  	[tilespmem:s16+$0xC520] =	vst.add.f32.msk $0xffff, v10  }
0x47e: {  	v10 =	vld [tilespmem:s31+$0x6530];
	_ =	sdelay $0x4  }
0x47f: {  	[tilespmem:s16+$0xC530] =	vst.add.f32.msk $0xffff, v10  }
0x480: {  	v10 =	vld [tilespmem:s31+$0x6540];
	_ =	sdelay $0x4  }
0x481: {  	[tilespmem:s16+$0xC540] =	vst.add.f32.msk $0xffff, v10  }
0x482: {  	v10 =	vld [tilespmem:s31+$0x6550];
	_ =	sdelay $0x4  }
0x483: {  	[tilespmem:s16+$0xC550] =	vst.add.f32.msk $0xffff, v10  }
0x484: {  	v10 =	vld [tilespmem:s31+$0x6560];
	_ =	sdelay $0x4  }
0x485: {  	[tilespmem:s16+$0xC560] =	vst.add.f32.msk $0xffff, v10  }
0x486: {  	v10 =	vld [tilespmem:s31+$0x6570];
	_ =	sdelay $0x4  }
0x487: {  	[tilespmem:s16+$0xC570] =	vst.add.f32.msk $0xffff, v10  }
0x488: {  	v10 =	vld [tilespmem:s31+$0x6900];
	_ =	sdelay $0x4  }
0x489: {  	[tilespmem:s16+$0xC900] =	vst.add.f32.msk $0xffff, v10  }
0x48a: {  	v10 =	vld [tilespmem:s31+$0x6910];
	_ =	sdelay $0x4  }
0x48b: {  	[tilespmem:s16+$0xC910] =	vst.add.f32.msk $0xffff, v10  }
0x48c: {  	v10 =	vld [tilespmem:s31+$0x6920];
	_ =	sdelay $0x4  }
0x48d: {  	[tilespmem:s16+$0xC920] =	vst.add.f32.msk $0xffff, v10  }
0x48e: {  	v10 =	vld [tilespmem:s31+$0x6930];
	_ =	sdelay $0x4  }
0x48f: {  	[tilespmem:s16+$0xC930] =	vst.add.f32.msk $0xffff, v10  }
0x490: {  	v10 =	vld [tilespmem:s31+$0x6940];
	_ =	sdelay $0x4  }
0x491: {  	[tilespmem:s16+$0xC940] =	vst.add.f32.msk $0xffff, v10  }
0x492: {  	v10 =	vld [tilespmem:s31+$0x6950];
	_ =	sdelay $0x4  }
0x493: {  	[tilespmem:s16+$0xC950] =	vst.add.f32.msk $0xffff, v10  }
0x494: {  	v10 =	vld [tilespmem:s31+$0x6960];
	_ =	sdelay $0x4  }
0x495: {  	[tilespmem:s16+$0xC960] =	vst.add.f32.msk $0xffff, v10  }
0x496: {  	v10 =	vld [tilespmem:s31+$0x6970];
	_ =	sdelay $0x4  }
0x497: {  	[tilespmem:s16+$0xC970] =	vst.add.f32.msk $0xffff, v10  }
0x498: {  	v10 =	vld [tilespmem:s31+$0x6D00];
	_ =	sdelay $0x4  }
0x499: {  	[tilespmem:s16+$0xCD00] =	vst.add.f32.msk $0xffff, v10  }
0x49a: {  	v10 =	vld [tilespmem:s31+$0x6D10];
	_ =	sdelay $0x4  }
0x49b: {  	[tilespmem:s16+$0xCD10] =	vst.add.f32.msk $0xffff, v10  }
0x49c: {  	v10 =	vld [tilespmem:s31+$0x6D20];
	_ =	sdelay $0x4  }
0x49d: {  	[tilespmem:s16+$0xCD20] =	vst.add.f32.msk $0xffff, v10  }
0x49e: {  	v10 =	vld [tilespmem:s31+$0x6D30];
	_ =	sdelay $0x4  }
0x49f: {  	[tilespmem:s16+$0xCD30] =	vst.add.f32.msk $0xffff, v10  }
0x4a0: {  	v10 =	vld [tilespmem:s31+$0x6D40];
	_ =	sdelay $0x4  }
0x4a1: {  	[tilespmem:s16+$0xCD40] =	vst.add.f32.msk $0xffff, v10  }
0x4a2: {  	v10 =	vld [tilespmem:s31+$0x6D50];
	_ =	sdelay $0x4  }
0x4a3: {  	[tilespmem:s16+$0xCD50] =	vst.add.f32.msk $0xffff, v10  }
0x4a4: {  	v10 =	vld [tilespmem:s31+$0x6D60];
	_ =	sdelay $0x4  }
0x4a5: {  	[tilespmem:s16+$0xCD60] =	vst.add.f32.msk $0xffff, v10  }
0x4a6: {  	v10 =	vld [tilespmem:s31+$0x6D70];
	_ =	sdelay $0x4  }
0x4a7: {  	[tilespmem:s16+$0xCD70] =	vst.add.f32.msk $0xffff, v10  }
0x4a8: {  	v10 =	vld [tilespmem:s31+$0x7100];
	_ =	sdelay $0x4  }
0x4a9: {  	[tilespmem:s16+$0xD100] =	vst.add.f32.msk $0xffff, v10  }
0x4aa: {  	v10 =	vld [tilespmem:s31+$0x7110];
	_ =	sdelay $0x4  }
0x4ab: {  	[tilespmem:s16+$0xD110] =	vst.add.f32.msk $0xffff, v10  }
0x4ac: {  	v10 =	vld [tilespmem:s31+$0x7120];
	_ =	sdelay $0x4  }
0x4ad: {  	[tilespmem:s16+$0xD120] =	vst.add.f32.msk $0xffff, v10  }
0x4ae: {  	v10 =	vld [tilespmem:s31+$0x7130];
	_ =	sdelay $0x4  }
0x4af: {  	[tilespmem:s16+$0xD130] =	vst.add.f32.msk $0xffff, v10  }
0x4b0: {  	v10 =	vld [tilespmem:s31+$0x7140];
	_ =	sdelay $0x4  }
0x4b1: {  	[tilespmem:s16+$0xD140] =	vst.add.f32.msk $0xffff, v10  }
0x4b2: {  	v10 =	vld [tilespmem:s31+$0x7150];
	_ =	sdelay $0x4  }
0x4b3: {  	[tilespmem:s16+$0xD150] =	vst.add.f32.msk $0xffff, v10  }
0x4b4: {  	v10 =	vld [tilespmem:s31+$0x7160];
	_ =	sdelay $0x4  }
0x4b5: {  	[tilespmem:s16+$0xD160] =	vst.add.f32.msk $0xffff, v10  }
0x4b6: {  	v10 =	vld [tilespmem:s31+$0x7170];
	_ =	sdelay $0x4  }
0x4b7: {  	[tilespmem:s16+$0xD170] =	vst.add.f32.msk $0xffff, v10  }
0x4b8: {  	v10 =	vld [tilespmem:s31+$0x7500];
	_ =	sdelay $0x4  }
0x4b9: {  	[tilespmem:s16+$0xD500] =	vst.add.f32.msk $0xffff, v10  }
0x4ba: {  	v10 =	vld [tilespmem:s31+$0x7510];
	_ =	sdelay $0x4  }
0x4bb: {  	[tilespmem:s16+$0xD510] =	vst.add.f32.msk $0xffff, v10  }
0x4bc: {  	v10 =	vld [tilespmem:s31+$0x7520];
	_ =	sdelay $0x4  }
0x4bd: {  	[tilespmem:s16+$0xD520] =	vst.add.f32.msk $0xffff, v10  }
0x4be: {  	v10 =	vld [tilespmem:s31+$0x7530];
	_ =	sdelay $0x4  }
0x4bf: {  	[tilespmem:s16+$0xD530] =	vst.add.f32.msk $0xffff, v10  }
0x4c0: {  	v10 =	vld [tilespmem:s31+$0x7540];
	_ =	sdelay $0x4  }
0x4c1: {  	[tilespmem:s16+$0xD540] =	vst.add.f32.msk $0xffff, v10  }
0x4c2: {  	v10 =	vld [tilespmem:s31+$0x7550];
	_ =	sdelay $0x4  }
0x4c3: {  	[tilespmem:s16+$0xD550] =	vst.add.f32.msk $0xffff, v10  }
0x4c4: {  	v10 =	vld [tilespmem:s31+$0x7560];
	_ =	sdelay $0x4  }
0x4c5: {  	[tilespmem:s16+$0xD560] =	vst.add.f32.msk $0xffff, v10  }
0x4c6: {  	v10 =	vld [tilespmem:s31+$0x7570];
	_ =	sdelay $0x4  }
0x4c7: {  	[tilespmem:s16+$0xD570] =	vst.add.f32.msk $0xffff, v10  }
0x4c8: {  	v10 =	vld [tilespmem:s31+$0x7900];
	_ =	sdelay $0x4  }
0x4c9: {  	[tilespmem:s16+$0xD900] =	vst.add.f32.msk $0xffff, v10  }
0x4ca: {  	v10 =	vld [tilespmem:s31+$0x7910];
	_ =	sdelay $0x4  }
0x4cb: {  	[tilespmem:s16+$0xD910] =	vst.add.f32.msk $0xffff, v10  }
0x4cc: {  	v10 =	vld [tilespmem:s31+$0x7920];
	_ =	sdelay $0x4  }
0x4cd: {  	[tilespmem:s16+$0xD920] =	vst.add.f32.msk $0xffff, v10  }
0x4ce: {  	v10 =	vld [tilespmem:s31+$0x7930];
	_ =	sdelay $0x4  }
0x4cf: {  	[tilespmem:s16+$0xD930] =	vst.add.f32.msk $0xffff, v10  }
0x4d0: {  	v10 =	vld [tilespmem:s31+$0x7940];
	_ =	sdelay $0x4  }
0x4d1: {  	[tilespmem:s16+$0xD940] =	vst.add.f32.msk $0xffff, v10  }
0x4d2: {  	v10 =	vld [tilespmem:s31+$0x7950];
	_ =	sdelay $0x4  }
0x4d3: {  	[tilespmem:s16+$0xD950] =	vst.add.f32.msk $0xffff, v10  }
0x4d4: {  	v10 =	vld [tilespmem:s31+$0x7960];
	_ =	sdelay $0x4  }
0x4d5: {  	[tilespmem:s16+$0xD960] =	vst.add.f32.msk $0xffff, v10  }
0x4d6: {  	v10 =	vld [tilespmem:s31+$0x7970];
	_ =	sdelay $0x1  }
.Ltmp20:
0x4d7: {  	(pc) =	sbr.rel @p0 .LBB2_22-.Ltmp20, $3  }
0x4d8: {  	_ =	sdelay $0x1  }
0x4d9: {  	s14 =	sadd.s32 $0x1, s14;
	[tilespmem:s16+$0xD970] =	vst.add.f32.msk $0xffff, v10  }
0x4da: {  	s6 =	sadd.s32 $0x1, s6;
	v10 =	vld [tilespmem:s14+$0x0]  }
0x4db: {  	_ =	sdelay $0x3  }
0x4dc: {  	(v2sf) =	vpush v10, $0x0;
	_ =	sdelay $0xa  }
0x4dd: {  	s4 =	sshrl.u32 s12, $0x3  }
0x4de: {  	s4 =	smul.u32 $0x6000, s4  }
0x4df: {  	s6 =	sadd.s32 $0x80, s13  }
0x4e0: {  	s6 =	sand.u32 $0x380, s6;
	s4 =	sshra.s32 s4, $0x2  }
0x4e1: {  	s6 =	sor.u32 s6, s4;
	s16 =	spop (v2sf)  }
0x4e2: {  	v10 =	vld [tilespmem:s6+$0x6500];
	s31 =	sshrl.u32 s16, $0x3  }
0x4e3: {  	s12 =	smul.u32 $0x6000, s31  }
0x4e4: {  	s4 =	sshll.u32 s16, $0x7  }
0x4e5: {  	s4 =	sand.u32 $0x380, s4;
	s12 =	sshra.s32 s12, $0x2  }
0x4e6: {  	s12 =	sor.u32 s4, s12  }
0x4e7: {  	[tilespmem:s12+$0xC500] =	vst.add.f32.msk $0xffff, v10  }
0x4e8: {  	v10 =	vld [tilespmem:s6+$0x6510];
	_ =	sdelay $0x4  }
0x4e9: {  	[tilespmem:s12+$0xC510] =	vst.add.f32.msk $0xffff, v10  }
0x4ea: {  	v10 =	vld [tilespmem:s6+$0x6520];
	_ =	sdelay $0x4  }
0x4eb: {  	[tilespmem:s12+$0xC520] =	vst.add.f32.msk $0xffff, v10  }
0x4ec: {  	v10 =	vld [tilespmem:s6+$0x6530];
	_ =	sdelay $0x4  }
0x4ed: {  	[tilespmem:s12+$0xC530] =	vst.add.f32.msk $0xffff, v10  }
0x4ee: {  	v10 =	vld [tilespmem:s6+$0x6540];
	_ =	sdelay $0x4  }
0x4ef: {  	[tilespmem:s12+$0xC540] =	vst.add.f32.msk $0xffff, v10  }
0x4f0: {  	v10 =	vld [tilespmem:s6+$0x6550];
	_ =	sdelay $0x4  }
0x4f1: {  	[tilespmem:s12+$0xC550] =	vst.add.f32.msk $0xffff, v10  }
0x4f2: {  	v10 =	vld [tilespmem:s6+$0x6560];
	_ =	sdelay $0x4  }
0x4f3: {  	[tilespmem:s12+$0xC560] =	vst.add.f32.msk $0xffff, v10  }
0x4f4: {  	v10 =	vld [tilespmem:s6+$0x6570];
	_ =	sdelay $0x4  }
0x4f5: {  	[tilespmem:s12+$0xC570] =	vst.add.f32.msk $0xffff, v10  }
0x4f6: {  	v10 =	vld [tilespmem:s6+$0x6900];
	_ =	sdelay $0x4  }
0x4f7: {  	[tilespmem:s12+$0xC900] =	vst.add.f32.msk $0xffff, v10  }
0x4f8: {  	v10 =	vld [tilespmem:s6+$0x6910];
	_ =	sdelay $0x4  }
0x4f9: {  	[tilespmem:s12+$0xC910] =	vst.add.f32.msk $0xffff, v10  }
0x4fa: {  	v10 =	vld [tilespmem:s6+$0x6920];
	_ =	sdelay $0x4  }
0x4fb: {  	[tilespmem:s12+$0xC920] =	vst.add.f32.msk $0xffff, v10  }
0x4fc: {  	v10 =	vld [tilespmem:s6+$0x6930];
	_ =	sdelay $0x4  }
0x4fd: {  	[tilespmem:s12+$0xC930] =	vst.add.f32.msk $0xffff, v10  }
0x4fe: {  	v10 =	vld [tilespmem:s6+$0x6940];
	_ =	sdelay $0x4  }
0x4ff: {  	[tilespmem:s12+$0xC940] =	vst.add.f32.msk $0xffff, v10  }
0x500: {  	v10 =	vld [tilespmem:s6+$0x6950];
	_ =	sdelay $0x4  }
0x501: {  	[tilespmem:s12+$0xC950] =	vst.add.f32.msk $0xffff, v10  }
0x502: {  	v10 =	vld [tilespmem:s6+$0x6960];
	_ =	sdelay $0x4  }
0x503: {  	[tilespmem:s12+$0xC960] =	vst.add.f32.msk $0xffff, v10  }
0x504: {  	v10 =	vld [tilespmem:s6+$0x6970];
	_ =	sdelay $0x4  }
0x505: {  	[tilespmem:s12+$0xC970] =	vst.add.f32.msk $0xffff, v10  }
0x506: {  	v10 =	vld [tilespmem:s6+$0x6D00];
	_ =	sdelay $0x4  }
0x507: {  	[tilespmem:s12+$0xCD00] =	vst.add.f32.msk $0xffff, v10  }
0x508: {  	v10 =	vld [tilespmem:s6+$0x6D10];
	_ =	sdelay $0x4  }
0x509: {  	[tilespmem:s12+$0xCD10] =	vst.add.f32.msk $0xffff, v10  }
0x50a: {  	v10 =	vld [tilespmem:s6+$0x6D20];
	_ =	sdelay $0x4  }
0x50b: {  	[tilespmem:s12+$0xCD20] =	vst.add.f32.msk $0xffff, v10  }
0x50c: {  	v10 =	vld [tilespmem:s6+$0x6D30];
	_ =	sdelay $0x4  }
0x50d: {  	[tilespmem:s12+$0xCD30] =	vst.add.f32.msk $0xffff, v10  }
0x50e: {  	v10 =	vld [tilespmem:s6+$0x6D40];
	_ =	sdelay $0x4  }
0x50f: {  	[tilespmem:s12+$0xCD40] =	vst.add.f32.msk $0xffff, v10  }
0x510: {  	v10 =	vld [tilespmem:s6+$0x6D50];
	_ =	sdelay $0x4  }
0x511: {  	[tilespmem:s12+$0xCD50] =	vst.add.f32.msk $0xffff, v10  }
0x512: {  	v10 =	vld [tilespmem:s6+$0x6D60];
	_ =	sdelay $0x4  }
0x513: {  	[tilespmem:s12+$0xCD60] =	vst.add.f32.msk $0xffff, v10  }
0x514: {  	v10 =	vld [tilespmem:s6+$0x6D70];
	_ =	sdelay $0x4  }
0x515: {  	[tilespmem:s12+$0xCD70] =	vst.add.f32.msk $0xffff, v10  }
0x516: {  	v10 =	vld [tilespmem:s6+$0x7100];
	_ =	sdelay $0x4  }
0x517: {  	[tilespmem:s12+$0xD100] =	vst.add.f32.msk $0xffff, v10  }
0x518: {  	v10 =	vld [tilespmem:s6+$0x7110];
	_ =	sdelay $0x4  }
0x519: {  	[tilespmem:s12+$0xD110] =	vst.add.f32.msk $0xffff, v10  }
0x51a: {  	v10 =	vld [tilespmem:s6+$0x7120];
	_ =	sdelay $0x4  }
0x51b: {  	[tilespmem:s12+$0xD120] =	vst.add.f32.msk $0xffff, v10  }
0x51c: {  	v10 =	vld [tilespmem:s6+$0x7130];
	_ =	sdelay $0x4  }
0x51d: {  	[tilespmem:s12+$0xD130] =	vst.add.f32.msk $0xffff, v10  }
0x51e: {  	v10 =	vld [tilespmem:s6+$0x7140];
	_ =	sdelay $0x4  }
0x51f: {  	[tilespmem:s12+$0xD140] =	vst.add.f32.msk $0xffff, v10  }
0x520: {  	v10 =	vld [tilespmem:s6+$0x7150];
	_ =	sdelay $0x4  }
0x521: {  	[tilespmem:s12+$0xD150] =	vst.add.f32.msk $0xffff, v10  }
0x522: {  	v10 =	vld [tilespmem:s6+$0x7160];
	_ =	sdelay $0x4  }
0x523: {  	[tilespmem:s12+$0xD160] =	vst.add.f32.msk $0xffff, v10  }
0x524: {  	v10 =	vld [tilespmem:s6+$0x7170];
	_ =	sdelay $0x4  }
0x525: {  	[tilespmem:s12+$0xD170] =	vst.add.f32.msk $0xffff, v10  }
0x526: {  	v10 =	vld [tilespmem:s6+$0x7500];
	_ =	sdelay $0x4  }
0x527: {  	[tilespmem:s12+$0xD500] =	vst.add.f32.msk $0xffff, v10  }
0x528: {  	v10 =	vld [tilespmem:s6+$0x7510];
	_ =	sdelay $0x4  }
0x529: {  	[tilespmem:s12+$0xD510] =	vst.add.f32.msk $0xffff, v10  }
0x52a: {  	v10 =	vld [tilespmem:s6+$0x7520];
	_ =	sdelay $0x4  }
0x52b: {  	[tilespmem:s12+$0xD520] =	vst.add.f32.msk $0xffff, v10  }
0x52c: {  	v10 =	vld [tilespmem:s6+$0x7530];
	_ =	sdelay $0x4  }
0x52d: {  	[tilespmem:s12+$0xD530] =	vst.add.f32.msk $0xffff, v10  }
0x52e: {  	v10 =	vld [tilespmem:s6+$0x7540];
	_ =	sdelay $0x4  }
0x52f: {  	[tilespmem:s12+$0xD540] =	vst.add.f32.msk $0xffff, v10  }
0x530: {  	v10 =	vld [tilespmem:s6+$0x7550];
	_ =	sdelay $0x4  }
0x531: {  	[tilespmem:s12+$0xD550] =	vst.add.f32.msk $0xffff, v10  }
0x532: {  	v10 =	vld [tilespmem:s6+$0x7560];
	_ =	sdelay $0x4  }
0x533: {  	[tilespmem:s12+$0xD560] =	vst.add.f32.msk $0xffff, v10  }
0x534: {  	v10 =	vld [tilespmem:s6+$0x7570];
	_ =	sdelay $0x4  }
0x535: {  	[tilespmem:s12+$0xD570] =	vst.add.f32.msk $0xffff, v10  }
0x536: {  	v10 =	vld [tilespmem:s6+$0x7900];
	_ =	sdelay $0x4  }
0x537: {  	[tilespmem:s12+$0xD900] =	vst.add.f32.msk $0xffff, v10  }
0x538: {  	v10 =	vld [tilespmem:s6+$0x7910];
	_ =	sdelay $0x4  }
0x539: {  	[tilespmem:s12+$0xD910] =	vst.add.f32.msk $0xffff, v10  }
0x53a: {  	v10 =	vld [tilespmem:s6+$0x7920];
	_ =	sdelay $0x4  }
0x53b: {  	[tilespmem:s12+$0xD920] =	vst.add.f32.msk $0xffff, v10  }
0x53c: {  	v10 =	vld [tilespmem:s6+$0x7930];
	_ =	sdelay $0x4  }
0x53d: {  	[tilespmem:s12+$0xD930] =	vst.add.f32.msk $0xffff, v10  }
0x53e: {  	v10 =	vld [tilespmem:s6+$0x7940];
	_ =	sdelay $0x4  }
0x53f: {  	[tilespmem:s12+$0xD940] =	vst.add.f32.msk $0xffff, v10  }
0x540: {  	v10 =	vld [tilespmem:s6+$0x7950];
	_ =	sdelay $0x4  }
0x541: {  	[tilespmem:s12+$0xD950] =	vst.add.f32.msk $0xffff, v10  }
0x542: {  	v10 =	vld [tilespmem:s6+$0x7960];
	_ =	sdelay $0x4  }
0x543: {  	s11 =	sadd.s32 $0x1, s11;
	[tilespmem:s12+$0xD960] =	vst.add.f32.msk $0xffff, v10  }
0x544: {  	p0 =	sne.s32 s11, s2;
	v10 =	vld [tilespmem:s6+$0x7970]  }
.Ltmp21:
0x545: {  	_ = 	snop;
	(pc) =	sbr.rel @p0 .LBB2_21-.Ltmp21, $4  }
.Ltmp22:
0x546: {  	_ = 	snop;
	(pc) =	sbr.rel @!p0 .LBB2_24-.Ltmp22, $4  }
0x547: {  	_ = 	snop  }
0x548: {  	_ = 	snop  }
0x549: {  	s10 =	sadd.s32 $0x20, s10;
	[tilespmem:s12+$0xD970] =	vst.add.f32.msk $0xffff, v10  }
0x54a: {  	_ = 	snop  }
.LBB2_25:
0x54b: {  	s0 =	simm.s32 $0x0;
	s1 =	rddreg [dreg:$0x6];
	s2 =	simm.s32 $0xC500  }
0x54c: {  	[hbm4b:s1+s0] =	stream.linear.scatter [tilespmem:s2], [sflag:$0x2], $0xF000, $0x38;
	[tilespmem:$0x1B500] =	vst v63  }
0x54d: {  	_ =	swait.ge [sflag:s15], $0xF000  }
0x54e: {  	[sflag:s15] =	ssyncset.done $0x0  }
.Ltmp23:
0x54f: {  	s31 =	rddreg [dreg:$0x3];
	[sflag:s15] =	ssyncadd.s32 $0xFFFF1000;
	(pc) =	sbr.rel .LBB2_26-.Ltmp23, $4  }
0x550: {  	[tilespmem:s2], [sflag:$0x2] =	stream.linear.gather [hbm4b:s31+s0], $0xF000, $0x38;
	[tilespmem:$0x1B500] =	vst v63  }
0x551: {  	_ =	swait.ge [sflag:s15], $0xF000  }
0x552: {  	[sflag:s15] =	ssyncset.done $0x0  }
0x553: {  	s1 =	simm.s32 $0x0;
	[sflag:s15] =	ssyncadd.s32 $0xFFFF1000  }
.LBB2_32:
0x554: {  	s1 =	sadd.s32 $0x1, s1  }
0x555: {  	p0 =	sne.s32 s1, $0x10  }
.Ltmp24:
0x556: {  	_ = 	snop;
	(pc) =	sbr.rel @!p0 .LBB2_33-.Ltmp24, $1  }
0x557: {  	_ =	sdelay $0x3  }
.LBB2_26:
0x558: {  	s2 =	smul.u32 $0x320, s1  }
0x559: {  	s4 =	rddreg [dreg:$0x2]  }
0x55a: {  	s4 =	sadd.s32 s4, s2  }
0x55b: {  	[tilespmem:s0], [sflag:$0x2] =	stream.linear.gather [hbm4b:s4+s0], $0x1900, $0x38;
	[tilespmem:$0x1B500] =	vst v63  }
0x55c: {  	_ =	swait.ge [sflag:s15], $0x1900  }
0x55d: {  	[sflag:s15] =	ssyncset.done $0x0  }
0x55e: {  	s16 =	simm.s32 $0x1900;
	s2 =	sadd.s32 s5, s2;
	[sflag:s15] =	ssyncadd.s32 $0xFFFFE700  }
0x55f: {  	[tilespmem:s16], [sflag:$0x2] =	stream.linear.gather [hbm4b:s2+s0], $0x1900, $0x38;
	[tilespmem:$0x1B500] =	vst v63  }
0x560: {  	_ =	swait.ge [sflag:s15], $0x1900  }
0x561: {  	[sflag:s15] =	ssyncset.done $0x0  }
0x562: {  	s31 =	simm.s32 $0x0;
	[sflag:s15] =	ssyncadd.s32 $0xFFFFE700  }
0x563: {  	v10 =	vld [tilespmem:s31+$0x1900];
	_ =	sdelay $0x4  }
0x564: {  	vm1 =	vge.s32 v10, v3;
	vm2 =	vlt.s32 v10, v4  }
0x565: {  	vm1 =	vmand vm1, vm2  }
0x566: {  	v11 =	vsel vm1, $0x1, v5  }
0x567: {  	(xrf0) =	vadd.scan.msk.s32 $0xffff, v11;
	_ =	sdelay $0x3  }
0x568: {  	v10 =	vsub.s32 v10, v3  }
0x569: {  	[tilespmem:s0+$0x4B80] =	vst.msk vm1, v10  }
0x56a: {  	v10 =	vld [tilespmem:s31+$0x0];
	v11, _, _ =	vpop (xrf0)  }
0x56b: {  	(v2sf) =	vpush v11, $0xF;
	_ =	sdelay $0x3  }
0x56c: {  	s6 =	simm.s32 $0x10;
	s9 =	simm.s32 $0x80;
	s2 =	simm.s32 $0x0;
	[tilespmem:s0+$0x3200] =	vst.msk vm1, v10  }
.LBB2_27:
0x56d: {  	p0 =	sne.s32 s9, $0x63C0;
	v10 =	vld [tilespmem:s6+$0x1900];
	_ =	sdelay $0x4  }
0x56e: {  	vm1 =	vge.s32 v10, v3;
	vm2 =	vlt.s32 v10, v4;
	v10 =	vsub.s32 v10, v3  }
0x56f: {  	vm1 =	vmand vm1, vm2  }
0x570: {  	v11 =	vsel vm1, $0x1, v5  }
0x571: {  	(xrf0) =	vadd.scan.msk.s32 $0xffff, v11;
	_ =	sdelay $0x1  }
0x572: {  	s4 =	spop (v2sf)  }
0x573: {  	s2 =	sadd.s32 s2, s4  }
0x574: {  	[tilespmem:s2+$0x4B80] =	vst.msk vm1, v10  }
0x575: {  	v10 =	vld [tilespmem:s6+$0x0]  }
0x576: {  	v11, _, _ =	vpop (xrf0)  }
.Ltmp25:
0x577: {  	(v2sf) =	vpush v11, $0xF;
	(pc) =	sbr.rel @p0 .LBB2_27-.Ltmp25, $3  }
0x578: {  	_ =	sdelay $0x1  }
0x579: {  	[tilespmem:s2+$0x3200] =	vst.msk vm1, v10  }
0x57a: {  	s6 =	sshra.s32 s9, $0x2;
	s9 =	sadd.s32 $0x40, s9  }
0x57b: {  	v10 =	vld [tilespmem:s6+$0x1900];
	_ =	sdelay $0x4  }
0x57c: {  	vm1 =	vge.s32 v10, v3;
	vm2 =	vlt.s32 v10, v4  }
0x57d: {  	vm1 =	vmand vm1, vm2  }
0x57e: {  	v11 =	vsel vm1, $0x1, v5  }
0x57f: {  	(xrf0) =	vadd.scan.msk.s32 $0xffff, v11;
	_ =	sdelay $0x5  }
0x580: {  	v11, _, _ =	vpop (xrf0)  }
0x581: {  	(v2sf) =	vpush v11, $0xF;
	_ =	sdelay $0xd  }
0x582: {  	s4 =	spop (v2sf)  }
0x583: {  	v10 =	vsub.s32 v10, v3;
	s2 =	sadd.s32 s2, s4;
	s13 =	spop (v2sf)  }
0x584: {  	[tilespmem:s2+$0x4B80] =	vst.msk vm1, v10;
	s4 =	sadd.s32 s2, s13  }
0x585: {  	v10 =	vld [tilespmem:s6+$0x0];
	s14 =	sadd.s32 $0x1F, s4  }
0x586: {  	s9 =	sand.u32 $0x1F, s14  }
0x587: {  	s16 =	sshra.s32 s14, $0x1F;
	p1 =	slt.s32 s14, $0x1;
	p0 =	sne.s32 s9, $0x0  }
0x588: {  	s9 =	sshrl.u32 s16, $0x1B;
	p0 =	por !p1, !p0  }
0x589: {  	s6 =	simm.s32 $0x1;
	s31 =	sadd.s32 s9, s14;
	p0 =	por !p0, !p0  }
0x58a: {  	[tilespmem:s2+$0x3200] =	vst.msk vm1, v10;
	s2 =	sshra.s32 s31, $0x5;
	s6 =	simm.s32 @!p0 $0x0  }
0x58b: {  	s2 =	ssub.s32 s2, s6  }
0x58c: {  	p0 =	slt.s32 s2, $0x1  }
.Ltmp26:
0x58d: {  	_ = 	snop;
	(pc) =	sbr.rel @p0 .LBB2_32-.Ltmp26, $4  }
0x58e: {  	[tilespmem:s4+$0x4B80] =	vst v5  }
0x58f: {  	[tilespmem:s4+$0x3200] =	vst v6  }
0x590: {  	[tilespmem:s4+$0x4B90] =	vst v5  }
0x591: {  	s10 =	simm.s32 $0x4B80;
	s11 =	simm.s32 $0x0;
	[tilespmem:s4+$0x3210] =	vst v6;
	s9 =	simm.s32 $0x0  }
.LBB2_29:
0x592: {  	s4 =	sshll.u32 s11, $0x5  }
0x593: {  	v10 =	vld [tilespmem:s4+$0x3200];
	_ =	sdelay $0x4  }
0x594: {  	v11 =	vshrl.u32 v10, $0x3  }
0x595: {  	v11 =	vmul.u32 $0x30, v11  }
0x596: {  	v10 =	vand.u32 $0x7, v10  }
0x597: {  	v10 =	vor.u32 v10, v11  }
0x598: {  	v11 =	vperm.xlane v10, v7;
	_ =	sdelay $0x1  }
0x599: {  	v11 =	vadd.s32 v8, v11;
	_ =	sdelay $0x3  }
0x59a: {  	v10 =	vperm.xlane v10, v9  }
0x59b: {  	[tilespmem:s18], [sflag:$0x1] =	stream.indirect_vreg.gather [hbm4b:s3+s9], $0x80, v11, vm0, $0xb8;
	[tilespmem:$0x1B500] =	vst v63  }
0x59c: {  	v10 =	vadd.s32 v8, v10  }
0x59d: {  	[tilespmem:s19], [sflag:$0x1] =	stream.indirect_vreg.gather [hbm4b:s7+s9], $0x80, v11, vm0, $0xb8;
	[tilespmem:$0x1B500] =	vst v63  }
0x59e: {  	_ = 	snop  }
0x59f: {  	[tilespmem:s20], [sflag:$0x1] =	stream.indirect_vreg.gather [hbm4b:s8+s9], $0x80, v11, vm0, $0xb8;
	[tilespmem:$0x1B500] =	vst v63  }
0x5a0: {  	_ = 	snop  }
0x5a1: {  	[tilespmem:s21], [sflag:$0x1] =	stream.indirect_vreg.gather [hbm4b:s3+s9], $0x80, v10, vm0, $0xb8;
	[tilespmem:$0x1B500] =	vst v63  }
0x5a2: {  	_ = 	snop  }
0x5a3: {  	[tilespmem:s22], [sflag:$0x1] =	stream.indirect_vreg.gather [hbm4b:s7+s9], $0x80, v10, vm0, $0xb8;
	[tilespmem:$0x1B500] =	vst v63  }
0x5a4: {  	_ = 	snop  }
0x5a5: {  	[tilespmem:s23], [sflag:$0x1] =	stream.indirect_vreg.gather [hbm4b:s8+s9], $0x80, v10, vm0, $0xb8;
	[tilespmem:$0x1B500] =	vst v63  }
0x5a6: {  	v10 =	vld [tilespmem:s4+$0x3210];
	_ =	sdelay $0x4  }
0x5a7: {  	v11 =	vshrl.u32 v10, $0x3  }
0x5a8: {  	v11 =	vmul.u32 $0x30, v11  }
0x5a9: {  	v10 =	vand.u32 $0x7, v10  }
0x5aa: {  	v10 =	vor.u32 v10, v11  }
0x5ab: {  	v11 =	vperm.xlane v10, v7;
	_ =	sdelay $0x1  }
0x5ac: {  	v11 =	vadd.s32 v8, v11;
	_ =	sdelay $0x3  }
0x5ad: {  	v10 =	vperm.xlane v10, v9  }
0x5ae: {  	[tilespmem:s24], [sflag:$0x1] =	stream.indirect_vreg.gather [hbm4b:s3+s9], $0x80, v11, vm0, $0xb8;
	[tilespmem:$0x1B500] =	vst v63  }
0x5af: {  	v10 =	vadd.s32 v8, v10  }
0x5b0: {  	[tilespmem:s25], [sflag:$0x1] =	stream.indirect_vreg.gather [hbm4b:s7+s9], $0x80, v11, vm0, $0xb8;
	[tilespmem:$0x1B500] =	vst v63  }
0x5b1: {  	_ = 	snop  }
0x5b2: {  	[tilespmem:s26], [sflag:$0x1] =	stream.indirect_vreg.gather [hbm4b:s8+s9], $0x80, v11, vm0, $0xb8;
	[tilespmem:$0x1B500] =	vst v63  }
0x5b3: {  	_ = 	snop  }
0x5b4: {  	[tilespmem:s28], [sflag:$0x1] =	stream.indirect_vreg.gather [hbm4b:s3+s9], $0x80, v10, vm0, $0xb8;
	[tilespmem:$0x1B500] =	vst v63  }
0x5b5: {  	_ = 	snop  }
0x5b6: {  	[tilespmem:s29], [sflag:$0x1] =	stream.indirect_vreg.gather [hbm4b:s7+s9], $0x80, v10, vm0, $0xb8;
	[tilespmem:$0x1B500] =	vst v63  }
0x5b7: {  	_ = 	snop  }
0x5b8: {  	[tilespmem:s30], [sflag:$0x1] =	stream.indirect_vreg.gather [hbm4b:s8+s9], $0x80, v10, vm0, $0xb8;
	[tilespmem:$0x1B500] =	vst v63  }
0x5b9: {  	_ =	swait.ge [sflag:s17], $0x6000  }
0x5ba: {  	[sflag:s17] =	ssyncset.done $0x0  }
0x5bb: {  	[sflag:s17] =	ssyncadd.s32 $0xFFFFA000  }
0x5bc: {  	v10 =	vld [tilespmem:s10+$0x0];
	_ =	sdelay $0x4  }
0x5bd: {  	(v2sf) =	vpush v10, $0x0;
	_ =	sdelay $0xa  }
0x5be: {  	s16 =	simm.s32 $0x0  }
0x5bf: {  	s4 =	smul.u32 $0x6000, s16;
	_ =	sdelay $0x1  }
0x5c0: {  	s6 =	sand.u32 $0x380, s9;
	s4 =	sshra.s32 s4, $0x2  }
0x5c1: {  	s6 =	sor.u32 s6, s4;
	s31 =	spop (v2sf)  }
0x5c2: {  	v10 =	vld [tilespmem:s6+$0x6500];
	s12 =	sshrl.u32 s31, $0x3  }
0x5c3: {  	s12 =	smul.u32 $0x6000, s12  }
0x5c4: {  	s4 =	sshll.u32 s31, $0x7  }
0x5c5: {  	s4 =	sand.u32 $0x380, s4;
	s12 =	sshra.s32 s12, $0x2  }
0x5c6: {  	s12 =	sor.u32 s4, s12  }
0x5c7: {  	[tilespmem:s12+$0xC500] =	vst.add.f32.msk $0xffff, v10  }
0x5c8: {  	v10 =	vld [tilespmem:s6+$0x6510];
	_ =	sdelay $0x4  }
0x5c9: {  	[tilespmem:s12+$0xC510] =	vst.add.f32.msk $0xffff, v10  }
0x5ca: {  	v10 =	vld [tilespmem:s6+$0x6520];
	_ =	sdelay $0x4  }
0x5cb: {  	[tilespmem:s12+$0xC520] =	vst.add.f32.msk $0xffff, v10  }
0x5cc: {  	v10 =	vld [tilespmem:s6+$0x6530];
	_ =	sdelay $0x4  }
0x5cd: {  	[tilespmem:s12+$0xC530] =	vst.add.f32.msk $0xffff, v10  }
0x5ce: {  	v10 =	vld [tilespmem:s6+$0x6540];
	_ =	sdelay $0x4  }
0x5cf: {  	[tilespmem:s12+$0xC540] =	vst.add.f32.msk $0xffff, v10  }
0x5d0: {  	v10 =	vld [tilespmem:s6+$0x6550];
	_ =	sdelay $0x4  }
0x5d1: {  	[tilespmem:s12+$0xC550] =	vst.add.f32.msk $0xffff, v10  }
0x5d2: {  	v10 =	vld [tilespmem:s6+$0x6560];
	_ =	sdelay $0x4  }
0x5d3: {  	[tilespmem:s12+$0xC560] =	vst.add.f32.msk $0xffff, v10  }
0x5d4: {  	v10 =	vld [tilespmem:s6+$0x6570];
	_ =	sdelay $0x4  }
0x5d5: {  	[tilespmem:s12+$0xC570] =	vst.add.f32.msk $0xffff, v10  }
0x5d6: {  	v10 =	vld [tilespmem:s6+$0x6900];
	_ =	sdelay $0x4  }
0x5d7: {  	[tilespmem:s12+$0xC900] =	vst.add.f32.msk $0xffff, v10  }
0x5d8: {  	v10 =	vld [tilespmem:s6+$0x6910];
	_ =	sdelay $0x4  }
0x5d9: {  	[tilespmem:s12+$0xC910] =	vst.add.f32.msk $0xffff, v10  }
0x5da: {  	v10 =	vld [tilespmem:s6+$0x6920];
	_ =	sdelay $0x4  }
0x5db: {  	[tilespmem:s12+$0xC920] =	vst.add.f32.msk $0xffff, v10  }
0x5dc: {  	v10 =	vld [tilespmem:s6+$0x6930];
	_ =	sdelay $0x4  }
0x5dd: {  	[tilespmem:s12+$0xC930] =	vst.add.f32.msk $0xffff, v10  }
0x5de: {  	v10 =	vld [tilespmem:s6+$0x6940];
	_ =	sdelay $0x4  }
0x5df: {  	[tilespmem:s12+$0xC940] =	vst.add.f32.msk $0xffff, v10  }
0x5e0: {  	v10 =	vld [tilespmem:s6+$0x6950];
	_ =	sdelay $0x4  }
0x5e1: {  	[tilespmem:s12+$0xC950] =	vst.add.f32.msk $0xffff, v10  }
0x5e2: {  	v10 =	vld [tilespmem:s6+$0x6960];
	_ =	sdelay $0x4  }
0x5e3: {  	[tilespmem:s12+$0xC960] =	vst.add.f32.msk $0xffff, v10  }
0x5e4: {  	v10 =	vld [tilespmem:s6+$0x6970];
	_ =	sdelay $0x4  }
0x5e5: {  	[tilespmem:s12+$0xC970] =	vst.add.f32.msk $0xffff, v10  }
0x5e6: {  	v10 =	vld [tilespmem:s6+$0x6D00];
	_ =	sdelay $0x4  }
0x5e7: {  	[tilespmem:s12+$0xCD00] =	vst.add.f32.msk $0xffff, v10  }
0x5e8: {  	v10 =	vld [tilespmem:s6+$0x6D10];
	_ =	sdelay $0x4  }
0x5e9: {  	[tilespmem:s12+$0xCD10] =	vst.add.f32.msk $0xffff, v10  }
0x5ea: {  	v10 =	vld [tilespmem:s6+$0x6D20];
	_ =	sdelay $0x4  }
0x5eb: {  	[tilespmem:s12+$0xCD20] =	vst.add.f32.msk $0xffff, v10  }
0x5ec: {  	v10 =	vld [tilespmem:s6+$0x6D30];
	_ =	sdelay $0x4  }
0x5ed: {  	[tilespmem:s12+$0xCD30] =	vst.add.f32.msk $0xffff, v10  }
0x5ee: {  	v10 =	vld [tilespmem:s6+$0x6D40];
	_ =	sdelay $0x4  }
0x5ef: {  	[tilespmem:s12+$0xCD40] =	vst.add.f32.msk $0xffff, v10  }
0x5f0: {  	v10 =	vld [tilespmem:s6+$0x6D50];
	_ =	sdelay $0x4  }
0x5f1: {  	[tilespmem:s12+$0xCD50] =	vst.add.f32.msk $0xffff, v10  }
0x5f2: {  	v10 =	vld [tilespmem:s6+$0x6D60];
	_ =	sdelay $0x4  }
0x5f3: {  	[tilespmem:s12+$0xCD60] =	vst.add.f32.msk $0xffff, v10  }
0x5f4: {  	v10 =	vld [tilespmem:s6+$0x6D70];
	_ =	sdelay $0x4  }
0x5f5: {  	[tilespmem:s12+$0xCD70] =	vst.add.f32.msk $0xffff, v10  }
0x5f6: {  	v10 =	vld [tilespmem:s6+$0x7100];
	_ =	sdelay $0x4  }
0x5f7: {  	[tilespmem:s12+$0xD100] =	vst.add.f32.msk $0xffff, v10  }
0x5f8: {  	v10 =	vld [tilespmem:s6+$0x7110];
	_ =	sdelay $0x4  }
0x5f9: {  	[tilespmem:s12+$0xD110] =	vst.add.f32.msk $0xffff, v10  }
0x5fa: {  	v10 =	vld [tilespmem:s6+$0x7120];
	_ =	sdelay $0x4  }
0x5fb: {  	[tilespmem:s12+$0xD120] =	vst.add.f32.msk $0xffff, v10  }
0x5fc: {  	v10 =	vld [tilespmem:s6+$0x7130];
	_ =	sdelay $0x4  }
0x5fd: {  	[tilespmem:s12+$0xD130] =	vst.add.f32.msk $0xffff, v10  }
0x5fe: {  	v10 =	vld [tilespmem:s6+$0x7140];
	_ =	sdelay $0x4  }
0x5ff: {  	[tilespmem:s12+$0xD140] =	vst.add.f32.msk $0xffff, v10  }
0x600: {  	v10 =	vld [tilespmem:s6+$0x7150];
	_ =	sdelay $0x4  }
0x601: {  	[tilespmem:s12+$0xD150] =	vst.add.f32.msk $0xffff, v10  }
0x602: {  	v10 =	vld [tilespmem:s6+$0x7160];
	_ =	sdelay $0x4  }
0x603: {  	[tilespmem:s12+$0xD160] =	vst.add.f32.msk $0xffff, v10  }
0x604: {  	v10 =	vld [tilespmem:s6+$0x7170];
	_ =	sdelay $0x4  }
0x605: {  	[tilespmem:s12+$0xD170] =	vst.add.f32.msk $0xffff, v10  }
0x606: {  	v10 =	vld [tilespmem:s6+$0x7500];
	_ =	sdelay $0x4  }
0x607: {  	[tilespmem:s12+$0xD500] =	vst.add.f32.msk $0xffff, v10  }
0x608: {  	v10 =	vld [tilespmem:s6+$0x7510];
	_ =	sdelay $0x4  }
0x609: {  	[tilespmem:s12+$0xD510] =	vst.add.f32.msk $0xffff, v10  }
0x60a: {  	v10 =	vld [tilespmem:s6+$0x7520];
	_ =	sdelay $0x4  }
0x60b: {  	[tilespmem:s12+$0xD520] =	vst.add.f32.msk $0xffff, v10  }
0x60c: {  	v10 =	vld [tilespmem:s6+$0x7530];
	_ =	sdelay $0x4  }
0x60d: {  	[tilespmem:s12+$0xD530] =	vst.add.f32.msk $0xffff, v10  }
0x60e: {  	v10 =	vld [tilespmem:s6+$0x7540];
	_ =	sdelay $0x4  }
0x60f: {  	[tilespmem:s12+$0xD540] =	vst.add.f32.msk $0xffff, v10  }
0x610: {  	v10 =	vld [tilespmem:s6+$0x7550];
	_ =	sdelay $0x4  }
0x611: {  	[tilespmem:s12+$0xD550] =	vst.add.f32.msk $0xffff, v10  }
0x612: {  	v10 =	vld [tilespmem:s6+$0x7560];
	_ =	sdelay $0x4  }
0x613: {  	[tilespmem:s12+$0xD560] =	vst.add.f32.msk $0xffff, v10  }
0x614: {  	v10 =	vld [tilespmem:s6+$0x7570];
	_ =	sdelay $0x4  }
0x615: {  	[tilespmem:s12+$0xD570] =	vst.add.f32.msk $0xffff, v10  }
0x616: {  	v10 =	vld [tilespmem:s6+$0x7900];
	_ =	sdelay $0x4  }
0x617: {  	[tilespmem:s12+$0xD900] =	vst.add.f32.msk $0xffff, v10  }
0x618: {  	v10 =	vld [tilespmem:s6+$0x7910];
	_ =	sdelay $0x4  }
0x619: {  	[tilespmem:s12+$0xD910] =	vst.add.f32.msk $0xffff, v10  }
0x61a: {  	v10 =	vld [tilespmem:s6+$0x7920];
	_ =	sdelay $0x4  }
0x61b: {  	[tilespmem:s12+$0xD920] =	vst.add.f32.msk $0xffff, v10  }
0x61c: {  	v10 =	vld [tilespmem:s6+$0x7930];
	_ =	sdelay $0x4  }
0x61d: {  	[tilespmem:s12+$0xD930] =	vst.add.f32.msk $0xffff, v10  }
0x61e: {  	v10 =	vld [tilespmem:s6+$0x7940];
	_ =	sdelay $0x4  }
0x61f: {  	[tilespmem:s12+$0xD940] =	vst.add.f32.msk $0xffff, v10  }
0x620: {  	v10 =	vld [tilespmem:s6+$0x7950];
	_ =	sdelay $0x4  }
0x621: {  	[tilespmem:s12+$0xD950] =	vst.add.f32.msk $0xffff, v10  }
0x622: {  	v10 =	vld [tilespmem:s6+$0x7960];
	_ =	sdelay $0x4  }
0x623: {  	[tilespmem:s12+$0xD960] =	vst.add.f32.msk $0xffff, v10  }
0x624: {  	v10 =	vld [tilespmem:s6+$0x7970];
	_ =	sdelay $0x4  }
0x625: {  	s14 =	sadd.s32 $0x1, s10;
	[tilespmem:s12+$0xD970] =	vst.add.f32.msk $0xffff, v10  }
0x626: {  	s13 =	simm.s32 $0x0;
	s6 =	simm.s32 $0x2;
	s12 =	simm.s32 $0x1;
	v10 =	vld [tilespmem:s14+$0x0]  }
.LBB2_30:
0x627: {  	p0 =	sne.s32 s6, $0x1F;
	_ =	sdelay $0x3  }
0x628: {  	(v2sf) =	vpush v10, $0x0;
	_ =	sdelay $0xa  }
0x629: {  	s4 =	sshrl.u32 s12, $0x3;
	s12 =	smov.u32 s6  }
0x62a: {  	s4 =	smul.u32 $0x6000, s4  }
0x62b: {  	s13 =	sadd.s32 $0x80, s13  }
0x62c: {  	s16 =	sand.u32 $0x380, s13;
	s4 =	sshra.s32 s4, $0x2  }
0x62d: {  	s31 =	sor.u32 s16, s4;
	s4 =	spop (v2sf)  }
0x62e: {  	v10 =	vld [tilespmem:s31+$0x6500];
	s16 =	sshrl.u32 s4, $0x3  }
0x62f: {  	s16 =	smul.u32 $0x6000, s16  }
0x630: {  	s4 =	sshll.u32 s4, $0x7  }
0x631: {  	s4 =	sand.u32 $0x380, s4;
	s16 =	sshra.s32 s16, $0x2  }
0x632: {  	s16 =	sor.u32 s4, s16  }
0x633: {  	[tilespmem:s16+$0xC500] =	vst.add.f32.msk $0xffff, v10  }
0x634: {  	v10 =	vld [tilespmem:s31+$0x6510];
	_ =	sdelay $0x4  }
0x635: {  	[tilespmem:s16+$0xC510] =	vst.add.f32.msk $0xffff, v10  }
0x636: {  	v10 =	vld [tilespmem:s31+$0x6520];
	_ =	sdelay $0x4  }
0x637: {  	[tilespmem:s16+$0xC520] =	vst.add.f32.msk $0xffff, v10  }
0x638: {  	v10 =	vld [tilespmem:s31+$0x6530];
	_ =	sdelay $0x4  }
0x639: {  	[tilespmem:s16+$0xC530] =	vst.add.f32.msk $0xffff, v10  }
0x63a: {  	v10 =	vld [tilespmem:s31+$0x6540];
	_ =	sdelay $0x4  }
0x63b: {  	[tilespmem:s16+$0xC540] =	vst.add.f32.msk $0xffff, v10  }
0x63c: {  	v10 =	vld [tilespmem:s31+$0x6550];
	_ =	sdelay $0x4  }
0x63d: {  	[tilespmem:s16+$0xC550] =	vst.add.f32.msk $0xffff, v10  }
0x63e: {  	v10 =	vld [tilespmem:s31+$0x6560];
	_ =	sdelay $0x4  }
0x63f: {  	[tilespmem:s16+$0xC560] =	vst.add.f32.msk $0xffff, v10  }
0x640: {  	v10 =	vld [tilespmem:s31+$0x6570];
	_ =	sdelay $0x4  }
0x641: {  	[tilespmem:s16+$0xC570] =	vst.add.f32.msk $0xffff, v10  }
0x642: {  	v10 =	vld [tilespmem:s31+$0x6900];
	_ =	sdelay $0x4  }
0x643: {  	[tilespmem:s16+$0xC900] =	vst.add.f32.msk $0xffff, v10  }
0x644: {  	v10 =	vld [tilespmem:s31+$0x6910];
	_ =	sdelay $0x4  }
0x645: {  	[tilespmem:s16+$0xC910] =	vst.add.f32.msk $0xffff, v10  }
0x646: {  	v10 =	vld [tilespmem:s31+$0x6920];
	_ =	sdelay $0x4  }
0x647: {  	[tilespmem:s16+$0xC920] =	vst.add.f32.msk $0xffff, v10  }
0x648: {  	v10 =	vld [tilespmem:s31+$0x6930];
	_ =	sdelay $0x4  }
0x649: {  	[tilespmem:s16+$0xC930] =	vst.add.f32.msk $0xffff, v10  }
0x64a: {  	v10 =	vld [tilespmem:s31+$0x6940];
	_ =	sdelay $0x4  }
0x64b: {  	[tilespmem:s16+$0xC940] =	vst.add.f32.msk $0xffff, v10  }
0x64c: {  	v10 =	vld [tilespmem:s31+$0x6950];
	_ =	sdelay $0x4  }
0x64d: {  	[tilespmem:s16+$0xC950] =	vst.add.f32.msk $0xffff, v10  }
0x64e: {  	v10 =	vld [tilespmem:s31+$0x6960];
	_ =	sdelay $0x4  }
0x64f: {  	[tilespmem:s16+$0xC960] =	vst.add.f32.msk $0xffff, v10  }
0x650: {  	v10 =	vld [tilespmem:s31+$0x6970];
	_ =	sdelay $0x4  }
0x651: {  	[tilespmem:s16+$0xC970] =	vst.add.f32.msk $0xffff, v10  }
0x652: {  	v10 =	vld [tilespmem:s31+$0x6D00];
	_ =	sdelay $0x4  }
0x653: {  	[tilespmem:s16+$0xCD00] =	vst.add.f32.msk $0xffff, v10  }
0x654: {  	v10 =	vld [tilespmem:s31+$0x6D10];
	_ =	sdelay $0x4  }
0x655: {  	[tilespmem:s16+$0xCD10] =	vst.add.f32.msk $0xffff, v10  }
0x656: {  	v10 =	vld [tilespmem:s31+$0x6D20];
	_ =	sdelay $0x4  }
0x657: {  	[tilespmem:s16+$0xCD20] =	vst.add.f32.msk $0xffff, v10  }
0x658: {  	v10 =	vld [tilespmem:s31+$0x6D30];
	_ =	sdelay $0x4  }
0x659: {  	[tilespmem:s16+$0xCD30] =	vst.add.f32.msk $0xffff, v10  }
0x65a: {  	v10 =	vld [tilespmem:s31+$0x6D40];
	_ =	sdelay $0x4  }
0x65b: {  	[tilespmem:s16+$0xCD40] =	vst.add.f32.msk $0xffff, v10  }
0x65c: {  	v10 =	vld [tilespmem:s31+$0x6D50];
	_ =	sdelay $0x4  }
0x65d: {  	[tilespmem:s16+$0xCD50] =	vst.add.f32.msk $0xffff, v10  }
0x65e: {  	v10 =	vld [tilespmem:s31+$0x6D60];
	_ =	sdelay $0x4  }
0x65f: {  	[tilespmem:s16+$0xCD60] =	vst.add.f32.msk $0xffff, v10  }
0x660: {  	v10 =	vld [tilespmem:s31+$0x6D70];
	_ =	sdelay $0x4  }
0x661: {  	[tilespmem:s16+$0xCD70] =	vst.add.f32.msk $0xffff, v10  }
0x662: {  	v10 =	vld [tilespmem:s31+$0x7100];
	_ =	sdelay $0x4  }
0x663: {  	[tilespmem:s16+$0xD100] =	vst.add.f32.msk $0xffff, v10  }
0x664: {  	v10 =	vld [tilespmem:s31+$0x7110];
	_ =	sdelay $0x4  }
0x665: {  	[tilespmem:s16+$0xD110] =	vst.add.f32.msk $0xffff, v10  }
0x666: {  	v10 =	vld [tilespmem:s31+$0x7120];
	_ =	sdelay $0x4  }
0x667: {  	[tilespmem:s16+$0xD120] =	vst.add.f32.msk $0xffff, v10  }
0x668: {  	v10 =	vld [tilespmem:s31+$0x7130];
	_ =	sdelay $0x4  }
0x669: {  	[tilespmem:s16+$0xD130] =	vst.add.f32.msk $0xffff, v10  }
0x66a: {  	v10 =	vld [tilespmem:s31+$0x7140];
	_ =	sdelay $0x4  }
0x66b: {  	[tilespmem:s16+$0xD140] =	vst.add.f32.msk $0xffff, v10  }
0x66c: {  	v10 =	vld [tilespmem:s31+$0x7150];
	_ =	sdelay $0x4  }
0x66d: {  	[tilespmem:s16+$0xD150] =	vst.add.f32.msk $0xffff, v10  }
0x66e: {  	v10 =	vld [tilespmem:s31+$0x7160];
	_ =	sdelay $0x4  }
0x66f: {  	[tilespmem:s16+$0xD160] =	vst.add.f32.msk $0xffff, v10  }
0x670: {  	v10 =	vld [tilespmem:s31+$0x7170];
	_ =	sdelay $0x4  }
0x671: {  	[tilespmem:s16+$0xD170] =	vst.add.f32.msk $0xffff, v10  }
0x672: {  	v10 =	vld [tilespmem:s31+$0x7500];
	_ =	sdelay $0x4  }
0x673: {  	[tilespmem:s16+$0xD500] =	vst.add.f32.msk $0xffff, v10  }
0x674: {  	v10 =	vld [tilespmem:s31+$0x7510];
	_ =	sdelay $0x4  }
0x675: {  	[tilespmem:s16+$0xD510] =	vst.add.f32.msk $0xffff, v10  }
0x676: {  	v10 =	vld [tilespmem:s31+$0x7520];
	_ =	sdelay $0x4  }
0x677: {  	[tilespmem:s16+$0xD520] =	vst.add.f32.msk $0xffff, v10  }
0x678: {  	v10 =	vld [tilespmem:s31+$0x7530];
	_ =	sdelay $0x4  }
0x679: {  	[tilespmem:s16+$0xD530] =	vst.add.f32.msk $0xffff, v10  }
0x67a: {  	v10 =	vld [tilespmem:s31+$0x7540];
	_ =	sdelay $0x4  }
0x67b: {  	[tilespmem:s16+$0xD540] =	vst.add.f32.msk $0xffff, v10  }
0x67c: {  	v10 =	vld [tilespmem:s31+$0x7550];
	_ =	sdelay $0x4  }
0x67d: {  	[tilespmem:s16+$0xD550] =	vst.add.f32.msk $0xffff, v10  }
0x67e: {  	v10 =	vld [tilespmem:s31+$0x7560];
	_ =	sdelay $0x4  }
0x67f: {  	[tilespmem:s16+$0xD560] =	vst.add.f32.msk $0xffff, v10  }
0x680: {  	v10 =	vld [tilespmem:s31+$0x7570];
	_ =	sdelay $0x4  }
0x681: {  	[tilespmem:s16+$0xD570] =	vst.add.f32.msk $0xffff, v10  }
0x682: {  	v10 =	vld [tilespmem:s31+$0x7900];
	_ =	sdelay $0x4  }
0x683: {  	[tilespmem:s16+$0xD900] =	vst.add.f32.msk $0xffff, v10  }
0x684: {  	v10 =	vld [tilespmem:s31+$0x7910];
	_ =	sdelay $0x4  }
0x685: {  	[tilespmem:s16+$0xD910] =	vst.add.f32.msk $0xffff, v10  }
0x686: {  	v10 =	vld [tilespmem:s31+$0x7920];
	_ =	sdelay $0x4  }
0x687: {  	[tilespmem:s16+$0xD920] =	vst.add.f32.msk $0xffff, v10  }
0x688: {  	v10 =	vld [tilespmem:s31+$0x7930];
	_ =	sdelay $0x4  }
0x689: {  	[tilespmem:s16+$0xD930] =	vst.add.f32.msk $0xffff, v10  }
0x68a: {  	v10 =	vld [tilespmem:s31+$0x7940];
	_ =	sdelay $0x4  }
0x68b: {  	[tilespmem:s16+$0xD940] =	vst.add.f32.msk $0xffff, v10  }
0x68c: {  	v10 =	vld [tilespmem:s31+$0x7950];
	_ =	sdelay $0x4  }
0x68d: {  	[tilespmem:s16+$0xD950] =	vst.add.f32.msk $0xffff, v10  }
0x68e: {  	v10 =	vld [tilespmem:s31+$0x7960];
	_ =	sdelay $0x4  }
0x68f: {  	[tilespmem:s16+$0xD960] =	vst.add.f32.msk $0xffff, v10  }
0x690: {  	v10 =	vld [tilespmem:s31+$0x7970];
	_ =	sdelay $0x1  }
.Ltmp27:
0x691: {  	(pc) =	sbr.rel @p0 .LBB2_30-.Ltmp27, $3  }
0x692: {  	_ =	sdelay $0x1  }
0x693: {  	s14 =	sadd.s32 $0x1, s14;
	[tilespmem:s16+$0xD970] =	vst.add.f32.msk $0xffff, v10  }
0x694: {  	s6 =	sadd.s32 $0x1, s6;
	v10 =	vld [tilespmem:s14+$0x0]  }
0x695: {  	_ =	sdelay $0x3  }
0x696: {  	(v2sf) =	vpush v10, $0x0;
	_ =	sdelay $0xa  }
0x697: {  	s4 =	sshrl.u32 s12, $0x3  }
0x698: {  	s4 =	smul.u32 $0x6000, s4  }
0x699: {  	s6 =	sadd.s32 $0x80, s13  }
0x69a: {  	s6 =	sand.u32 $0x380, s6;
	s4 =	sshra.s32 s4, $0x2  }
0x69b: {  	s6 =	sor.u32 s6, s4;
	s16 =	spop (v2sf)  }
0x69c: {  	v10 =	vld [tilespmem:s6+$0x6500];
	s31 =	sshrl.u32 s16, $0x3  }
0x69d: {  	s12 =	smul.u32 $0x6000, s31  }
0x69e: {  	s4 =	sshll.u32 s16, $0x7  }
0x69f: {  	s4 =	sand.u32 $0x380, s4;
	s12 =	sshra.s32 s12, $0x2  }
0x6a0: {  	s12 =	sor.u32 s4, s12  }
0x6a1: {  	[tilespmem:s12+$0xC500] =	vst.add.f32.msk $0xffff, v10  }
0x6a2: {  	v10 =	vld [tilespmem:s6+$0x6510];
	_ =	sdelay $0x4  }
0x6a3: {  	[tilespmem:s12+$0xC510] =	vst.add.f32.msk $0xffff, v10  }
0x6a4: {  	v10 =	vld [tilespmem:s6+$0x6520];
	_ =	sdelay $0x4  }
0x6a5: {  	[tilespmem:s12+$0xC520] =	vst.add.f32.msk $0xffff, v10  }
0x6a6: {  	v10 =	vld [tilespmem:s6+$0x6530];
	_ =	sdelay $0x4  }
0x6a7: {  	[tilespmem:s12+$0xC530] =	vst.add.f32.msk $0xffff, v10  }
0x6a8: {  	v10 =	vld [tilespmem:s6+$0x6540];
	_ =	sdelay $0x4  }
0x6a9: {  	[tilespmem:s12+$0xC540] =	vst.add.f32.msk $0xffff, v10  }
0x6aa: {  	v10 =	vld [tilespmem:s6+$0x6550];
	_ =	sdelay $0x4  }
0x6ab: {  	[tilespmem:s12+$0xC550] =	vst.add.f32.msk $0xffff, v10  }
0x6ac: {  	v10 =	vld [tilespmem:s6+$0x6560];
	_ =	sdelay $0x4  }
0x6ad: {  	[tilespmem:s12+$0xC560] =	vst.add.f32.msk $0xffff, v10  }
0x6ae: {  	v10 =	vld [tilespmem:s6+$0x6570];
	_ =	sdelay $0x4  }
0x6af: {  	[tilespmem:s12+$0xC570] =	vst.add.f32.msk $0xffff, v10  }
0x6b0: {  	v10 =	vld [tilespmem:s6+$0x6900];
	_ =	sdelay $0x4  }
0x6b1: {  	[tilespmem:s12+$0xC900] =	vst.add.f32.msk $0xffff, v10  }
0x6b2: {  	v10 =	vld [tilespmem:s6+$0x6910];
	_ =	sdelay $0x4  }
0x6b3: {  	[tilespmem:s12+$0xC910] =	vst.add.f32.msk $0xffff, v10  }
0x6b4: {  	v10 =	vld [tilespmem:s6+$0x6920];
	_ =	sdelay $0x4  }
0x6b5: {  	[tilespmem:s12+$0xC920] =	vst.add.f32.msk $0xffff, v10  }
0x6b6: {  	v10 =	vld [tilespmem:s6+$0x6930];
	_ =	sdelay $0x4  }
0x6b7: {  	[tilespmem:s12+$0xC930] =	vst.add.f32.msk $0xffff, v10  }
0x6b8: {  	v10 =	vld [tilespmem:s6+$0x6940];
	_ =	sdelay $0x4  }
0x6b9: {  	[tilespmem:s12+$0xC940] =	vst.add.f32.msk $0xffff, v10  }
0x6ba: {  	v10 =	vld [tilespmem:s6+$0x6950];
	_ =	sdelay $0x4  }
0x6bb: {  	[tilespmem:s12+$0xC950] =	vst.add.f32.msk $0xffff, v10  }
0x6bc: {  	v10 =	vld [tilespmem:s6+$0x6960];
	_ =	sdelay $0x4  }
0x6bd: {  	[tilespmem:s12+$0xC960] =	vst.add.f32.msk $0xffff, v10  }
0x6be: {  	v10 =	vld [tilespmem:s6+$0x6970];
	_ =	sdelay $0x4  }
0x6bf: {  	[tilespmem:s12+$0xC970] =	vst.add.f32.msk $0xffff, v10  }
0x6c0: {  	v10 =	vld [tilespmem:s6+$0x6D00];
	_ =	sdelay $0x4  }
0x6c1: {  	[tilespmem:s12+$0xCD00] =	vst.add.f32.msk $0xffff, v10  }
0x6c2: {  	v10 =	vld [tilespmem:s6+$0x6D10];
	_ =	sdelay $0x4  }
0x6c3: {  	[tilespmem:s12+$0xCD10] =	vst.add.f32.msk $0xffff, v10  }
0x6c4: {  	v10 =	vld [tilespmem:s6+$0x6D20];
	_ =	sdelay $0x4  }
0x6c5: {  	[tilespmem:s12+$0xCD20] =	vst.add.f32.msk $0xffff, v10  }
0x6c6: {  	v10 =	vld [tilespmem:s6+$0x6D30];
	_ =	sdelay $0x4  }
0x6c7: {  	[tilespmem:s12+$0xCD30] =	vst.add.f32.msk $0xffff, v10  }
0x6c8: {  	v10 =	vld [tilespmem:s6+$0x6D40];
	_ =	sdelay $0x4  }
0x6c9: {  	[tilespmem:s12+$0xCD40] =	vst.add.f32.msk $0xffff, v10  }
0x6ca: {  	v10 =	vld [tilespmem:s6+$0x6D50];
	_ =	sdelay $0x4  }
0x6cb: {  	[tilespmem:s12+$0xCD50] =	vst.add.f32.msk $0xffff, v10  }
0x6cc: {  	v10 =	vld [tilespmem:s6+$0x6D60];
	_ =	sdelay $0x4  }
0x6cd: {  	[tilespmem:s12+$0xCD60] =	vst.add.f32.msk $0xffff, v10  }
0x6ce: {  	v10 =	vld [tilespmem:s6+$0x6D70];
	_ =	sdelay $0x4  }
0x6cf: {  	[tilespmem:s12+$0xCD70] =	vst.add.f32.msk $0xffff, v10  }
0x6d0: {  	v10 =	vld [tilespmem:s6+$0x7100];
	_ =	sdelay $0x4  }
0x6d1: {  	[tilespmem:s12+$0xD100] =	vst.add.f32.msk $0xffff, v10  }
0x6d2: {  	v10 =	vld [tilespmem:s6+$0x7110];
	_ =	sdelay $0x4  }
0x6d3: {  	[tilespmem:s12+$0xD110] =	vst.add.f32.msk $0xffff, v10  }
0x6d4: {  	v10 =	vld [tilespmem:s6+$0x7120];
	_ =	sdelay $0x4  }
0x6d5: {  	[tilespmem:s12+$0xD120] =	vst.add.f32.msk $0xffff, v10  }
0x6d6: {  	v10 =	vld [tilespmem:s6+$0x7130];
	_ =	sdelay $0x4  }
0x6d7: {  	[tilespmem:s12+$0xD130] =	vst.add.f32.msk $0xffff, v10  }
0x6d8: {  	v10 =	vld [tilespmem:s6+$0x7140];
	_ =	sdelay $0x4  }
0x6d9: {  	[tilespmem:s12+$0xD140] =	vst.add.f32.msk $0xffff, v10  }
0x6da: {  	v10 =	vld [tilespmem:s6+$0x7150];
	_ =	sdelay $0x4  }
0x6db: {  	[tilespmem:s12+$0xD150] =	vst.add.f32.msk $0xffff, v10  }
0x6dc: {  	v10 =	vld [tilespmem:s6+$0x7160];
	_ =	sdelay $0x4  }
0x6dd: {  	[tilespmem:s12+$0xD160] =	vst.add.f32.msk $0xffff, v10  }
0x6de: {  	v10 =	vld [tilespmem:s6+$0x7170];
	_ =	sdelay $0x4  }
0x6df: {  	[tilespmem:s12+$0xD170] =	vst.add.f32.msk $0xffff, v10  }
0x6e0: {  	v10 =	vld [tilespmem:s6+$0x7500];
	_ =	sdelay $0x4  }
0x6e1: {  	[tilespmem:s12+$0xD500] =	vst.add.f32.msk $0xffff, v10  }
0x6e2: {  	v10 =	vld [tilespmem:s6+$0x7510];
	_ =	sdelay $0x4  }
0x6e3: {  	[tilespmem:s12+$0xD510] =	vst.add.f32.msk $0xffff, v10  }
0x6e4: {  	v10 =	vld [tilespmem:s6+$0x7520];
	_ =	sdelay $0x4  }
0x6e5: {  	[tilespmem:s12+$0xD520] =	vst.add.f32.msk $0xffff, v10  }
0x6e6: {  	v10 =	vld [tilespmem:s6+$0x7530];
	_ =	sdelay $0x4  }
0x6e7: {  	[tilespmem:s12+$0xD530] =	vst.add.f32.msk $0xffff, v10  }
0x6e8: {  	v10 =	vld [tilespmem:s6+$0x7540];
	_ =	sdelay $0x4  }
0x6e9: {  	[tilespmem:s12+$0xD540] =	vst.add.f32.msk $0xffff, v10  }
0x6ea: {  	v10 =	vld [tilespmem:s6+$0x7550];
	_ =	sdelay $0x4  }
0x6eb: {  	[tilespmem:s12+$0xD550] =	vst.add.f32.msk $0xffff, v10  }
0x6ec: {  	v10 =	vld [tilespmem:s6+$0x7560];
	_ =	sdelay $0x4  }
0x6ed: {  	[tilespmem:s12+$0xD560] =	vst.add.f32.msk $0xffff, v10  }
0x6ee: {  	v10 =	vld [tilespmem:s6+$0x7570];
	_ =	sdelay $0x4  }
0x6ef: {  	[tilespmem:s12+$0xD570] =	vst.add.f32.msk $0xffff, v10  }
0x6f0: {  	v10 =	vld [tilespmem:s6+$0x7900];
	_ =	sdelay $0x4  }
0x6f1: {  	[tilespmem:s12+$0xD900] =	vst.add.f32.msk $0xffff, v10  }
0x6f2: {  	v10 =	vld [tilespmem:s6+$0x7910];
	_ =	sdelay $0x4  }
0x6f3: {  	[tilespmem:s12+$0xD910] =	vst.add.f32.msk $0xffff, v10  }
0x6f4: {  	v10 =	vld [tilespmem:s6+$0x7920];
	_ =	sdelay $0x4  }
0x6f5: {  	[tilespmem:s12+$0xD920] =	vst.add.f32.msk $0xffff, v10  }
0x6f6: {  	v10 =	vld [tilespmem:s6+$0x7930];
	_ =	sdelay $0x4  }
0x6f7: {  	[tilespmem:s12+$0xD930] =	vst.add.f32.msk $0xffff, v10  }
0x6f8: {  	v10 =	vld [tilespmem:s6+$0x7940];
	_ =	sdelay $0x4  }
0x6f9: {  	[tilespmem:s12+$0xD940] =	vst.add.f32.msk $0xffff, v10  }
0x6fa: {  	v10 =	vld [tilespmem:s6+$0x7950];
	_ =	sdelay $0x4  }
0x6fb: {  	[tilespmem:s12+$0xD950] =	vst.add.f32.msk $0xffff, v10  }
0x6fc: {  	v10 =	vld [tilespmem:s6+$0x7960];
	_ =	sdelay $0x4  }
0x6fd: {  	s11 =	sadd.s32 $0x1, s11;
	[tilespmem:s12+$0xD960] =	vst.add.f32.msk $0xffff, v10  }
0x6fe: {  	p0 =	sne.s32 s11, s2;
	v10 =	vld [tilespmem:s6+$0x7970]  }
.Ltmp28:
0x6ff: {  	_ = 	snop;
	(pc) =	sbr.rel @p0 .LBB2_29-.Ltmp28, $4  }
.Ltmp29:
0x700: {  	_ = 	snop;
	(pc) =	sbr.rel @!p0 .LBB2_32-.Ltmp29, $4  }
0x701: {  	_ = 	snop  }
0x702: {  	_ = 	snop  }
0x703: {  	s10 =	sadd.s32 $0x20, s10;
	[tilespmem:s12+$0xD970] =	vst.add.f32.msk $0xffff, v10  }
0x704: {  	_ = 	snop  }
.LBB2_34:
0x705: {  	_ =	sfence.sel $0x180000  }
0x706: {  	[bflag:$0x0] =	sbarrier.arrive $0xFFFF  }
0x707: {  	_ =	strace $0x9000004A  }
0x708: {  	s0 =	stileid.u32;
	[bflag:$0x2] =	sbarrier.arrive $0xFFFF  }
0x709: {  	p0 =	sne.s32 s0, $0x0;
	s0 =	rddreg [dreg:$0x1]  }
0x70a: {  	s0 =	sadd.s32 @!p0 $0x100000, s0  }
0x70b: {  	[sflag:s0] =	ssyncadd.tile.s32 @!p0 $0x1;
	_ =	shalt  }
.Lfunc_end2:
_tile_overlayer_lowered:
.L_overlay_start_2:
0x70c: {  	(tag) =	ssettag $0x2  }
0x70d: {  	s0 =	rddreg [dreg:$0x0];
	s2 =	stileid.u32  }
0x70e: {  	s1 =	rddreg [dreg:$0x1];
	p0 =	sne.s32 s2, $0x0  }
0x70f: {  	s3 =	rddreg [dreg:$0x2];
	[bflag:$0x3] =	sbarrier.arrive $0xFFFF;
	s2 =	simm.s32 @!p0 $0x1C02  }
0x710: {  	[timem:s3], [sflag:s2] =	dma.local @!p0 [hbm:s0], s1  }
0x711: {  	s0 =	simm.s32 @!p0 $0x2  }
0x712: {  	_ =	swait.ge @!p0 [sflag:s0], s1  }
0x713: {  	s1 =	ssub.s32 @!p0 $0x0, s1;
	[sflag:s0] =	ssyncset.done @!p0 $0x0  }
0x714: {  	[sflag:s0] =	ssyncadd.s32 @!p0 s1  }
0x715: {  	[bflag:$0x3] =	sbarrier.arrive $0xFFFF  }
0x716: {  	_ =	shalt  }

</sc_bundles>
